<compile_context>
chip_gen: v7x
topology: tpu7x:2x2x1
jax: 0.10.2.dev20260603
libtpu: 0.0.44.dev20260713+nightly
codegen_flags: <defaults>
</compile_context>

<pallas_src>
import functools

import jax
import jax.numpy as jnp
from jax import lax
from jax.experimental import pallas as pl
from jax.experimental.pallas import tpu as pltpu
from jax.experimental.pallas import tpu_sc as plsc

N_NODES = 10000
N_PAD = 10240
NW = 32
K = 128
ROWS_PER_TILE = N_PAD // 16
ZCH = ROWS_PER_TILE // K


def _make_sc_aggregate(n_chunks: int, d: int):
    mesh = plsc.VectorSubcoreMesh(
        core_axis_name="c", subcore_axis_name="s", num_cores=2, num_subcores=16)

    @functools.partial(
        pl.kernel,
        mesh=mesh,
        out_type=jax.ShapeDtypeStruct((2, N_PAD, d), jnp.float32),
        scratch_types=[
            pltpu.VMEM((n_chunks, K), jnp.int32),
            pltpu.VMEM((n_chunks, K), jnp.int32),
            [pltpu.VMEM((K, d), jnp.float32)] * 4,
            pltpu.VMEM((K, d), jnp.float32),
            pltpu.VMEM_SHARED((N_PAD, d), jnp.float32),
            [pltpu.SemaphoreType.DMA] * 4,
            [pltpu.SemaphoreType.DMA] * 4,
        ],
        compiler_params=pltpu.CompilerParams(use_tc_tiling_on_sc=False),
    )
    def agg_kernel(h_hbm, src_hbm, dst_hbm, out_hbm,
                   src_v, dst_v, rows, zbuf, acc, gsem, ssem):
        c = lax.axis_index("c")
        s = lax.axis_index("s")
        wid = c * 16 + s

        zv = jnp.zeros((16,), jnp.float32)

        def zrow(i, _):
            for j in range(d // 16):
                zbuf[i, pl.ds(j * 16, 16)] = zv
            return 0

        lax.fori_loop(0, K, zrow, 0)
        for z in range(ZCH):
            pltpu.sync_copy(zbuf, acc.at[pl.ds(s * ROWS_PER_TILE + z * K, K)])
        plsc.subcore_barrier()

        pltpu.sync_copy(src_hbm.at[wid], src_v)
        pltpu.sync_copy(dst_hbm.at[wid], dst_v)

        nb = 4
        for b in range(nb):
            pltpu.async_copy(h_hbm.at[src_v.at[b]], rows[b], gsem[b])

        n_groups = n_chunks // nb

        def group(g, _):
            for b in range(nb):
                j = g * nb + b
                pltpu.make_async_copy(h_hbm.at[src_v.at[j]], rows[b], gsem[b]).wait()
                pltpu.async_copy(rows[b], acc.at[dst_v.at[j]], ssem[b], add=True)
            for b in range(nb):
                j = g * nb + b
                pltpu.make_async_copy(rows[b], acc.at[dst_v.at[j]], ssem[b]).wait()
                pltpu.async_copy(h_hbm.at[src_v.at[j + nb]], rows[b], gsem[b])
            return 0

        lax.fori_loop(0, n_groups - 1, group, 0)

        t0 = (n_groups - 1) * nb
        for b in range(nb):
            j = t0 + b
            pltpu.make_async_copy(h_hbm.at[src_v.at[j]], rows[b], gsem[b]).wait()
            pltpu.async_copy(rows[b], acc.at[dst_v.at[j]], ssem[b], add=True)
        for b in range(nb):
            j = t0 + b
            pltpu.make_async_copy(rows[b], acc.at[dst_v.at[j]], ssem[b]).wait()

        plsc.subcore_barrier()
        pltpu.sync_copy(
            acc.at[pl.ds(s * ROWS_PER_TILE, ROWS_PER_TILE)],
            out_hbm.at[c, pl.ds(s * ROWS_PER_TILE, ROWS_PER_TILE)],
        )

    return agg_kernel


def _mlp_apply(h, aggs, w1, b1, w2, b2):
    n, d = h.shape
    out_c = w2.shape[1]
    bn = 512
    grid = (pl.cdiv(n, bn),)
    n_parts = len(aggs)

    def body(h_ref, *refs):
        agg_refs = refs[:n_parts]
        w1_ref, b1_ref, w2_ref, b2_ref, o_ref = refs[n_parts:]
        parts = [ar[0] + ar[1] for ar in agg_refs]
        agg = jnp.concatenate(parts, axis=-1) if n_parts > 1 else parts[0]
        z = h_ref[...] + agg
        y = jnp.maximum(
            jnp.dot(z, w1_ref[...], preferred_element_type=jnp.float32,
                    precision=lax.Precision.HIGHEST) + b1_ref[...], 0.0)
        o = jnp.dot(y, w2_ref[...], preferred_element_type=jnp.float32,
                    precision=lax.Precision.HIGHEST) + b2_ref[...]
        o_ref[...] = jnp.maximum(o, 0.0)

    return pl.pallas_call(
        body,
        grid=grid,
        in_specs=[pl.BlockSpec((bn, d), lambda i: (i, 0))]
        + [pl.BlockSpec((2, bn, a.shape[2]), lambda i: (0, i, 0)) for a in aggs]
        + [
            pl.BlockSpec((d, w1.shape[1]), lambda i: (0, 0)),
            pl.BlockSpec((1, w1.shape[1]), lambda i: (0, 0)),
            pl.BlockSpec((w1.shape[1], out_c), lambda i: (0, 0)),
            pl.BlockSpec((1, out_c), lambda i: (0, 0)),
        ],
        out_specs=pl.BlockSpec((bn, out_c), lambda i: (i, 0)),
        out_shape=jax.ShapeDtypeStruct((n, out_c), jnp.float32),
    )(h, *aggs, w1, b1, w2, b2)


def kernel(x, edge_index, params):
    n, d_in = x.shape
    e = edge_index.shape[1]
    epw = pl.cdiv(e, NW * 4 * K) * 4 * K
    n_chunks = epw // K
    e_pad = NW * epw

    src = edge_index[0]
    dst = edge_index[1]
    npad_e = e_pad - e
    pad_iota = jnp.arange(npad_e, dtype=jnp.int32)
    src_p = jnp.concatenate(
        [src, pad_iota % n]).reshape(NW, n_chunks, K)
    dst_p = jnp.concatenate(
        [dst, n + pad_iota % (N_PAD - n)]).reshape(NW, n_chunks, K)

    h = x
    for (w1, b1, w2, b2) in params:
        d = h.shape[1]
        dc = 64 if d > 64 else d
        parts = []
        for c0 in range(0, d, dc):
            hcol = h[:, c0:c0 + dc] if d > dc else h
            parts.append(_make_sc_aggregate(n_chunks, dc)(hcol, src_p, dst_p))
        h = _mlp_apply(h, parts,
                       w1, b1.reshape(1, -1), w2, b2.reshape(1, -1))
    return h

# --- scband reference (transcript-rebuilt; emitter-appended) ---
"""Pipeline reference for scband-gin-80633716015476 (READ-ONLY COPY).

The authoritative reference and input builder live on the scoring server;
editing this copy changes nothing except your own understanding.
"""

import jax, jax.numpy as jnp
import numpy as np

N = 10000
E = 320000
D_IN = 128
H = 64
D_OUT = 64
NUM_LAYERS = 5


def setup_inputs(seed: int = 0) -> dict:
    key = jax.random.key(seed)
    kx, ke, kw = jax.random.split(key, 3)
    x = jax.random.normal(kx, (N, D_IN), dtype=jnp.float32)
    edge_index = jax.random.randint(ke, (2, E), 0, N, dtype=jnp.int32)
    params = []
    in_c = D_IN
    for i in range(NUM_LAYERS):
        out_c = H if i != NUM_LAYERS - 1 else D_OUT
        k1, k2, kw = jax.random.split(kw, 3)
        W1 = jax.random.normal(k1, (in_c, H), dtype=jnp.float32) * (1.0 / np.sqrt(in_c))
        b1 = jnp.zeros((H,), dtype=jnp.float32)
        W2 = jax.random.normal(k2, (H, out_c), dtype=jnp.float32) * (1.0 / np.sqrt(H))
        b2 = jnp.zeros((out_c,), dtype=jnp.float32)
        params.append((W1, b1, W2, b2))
        in_c = H
    return {"x": x, "edge_index": edge_index, "params": params}


def reference(x, edge_index, params):
    # GIN with eps=0 (train_eps=False), aggr='add':
    #   h = MLP((1+eps)*x + sum_{j in N(i)} x_j);  then outer relu per original forward
    src = edge_index[0]
    dst = edge_index[1]
    h = x
    for (W1, b1, W2, b2) in params:
        msgs = h[src]  # gather over edges
        agg = jnp.zeros((h.shape[0], h.shape[1]), dtype=h.dtype).at[dst].add(msgs)  # scatter-add
        z = h + agg  # (1 + eps) * x + aggr, eps = 0
        z = jnp.maximum(z @ W1 + b1, 0.0) @ W2 + b2  # MLP([in, 64, out], norm=None)
        h = jnp.maximum(z, 0.0)  # x = x.relu() in the outer loop
    return h

if __name__ == "__main__":
    import jax
    _d = setup_inputs()
    print(jax.jit(kernel)(*tuple(_d.values())))

</pallas_src>

<mosaic_0001>
#map = affine_map<(d0, d1) -> (0, 0)>
#map1 = affine_map<(d0, d1) -> (0, 0, 0)>
module attributes {stable_mosaic.version = 14 : i64} {
  func.func @agg_kernel(%arg0: i32, %arg1: i32, %arg2: memref<10000x64xf32, #tpu.memory_space<hbm>>, %arg3: memref<32x80x128xi32, #tpu.memory_space<hbm>>, %arg4: memref<32x80x128xi32, #tpu.memory_space<hbm>>, %arg5: memref<2x10240x64xf32, #tpu.memory_space<hbm>>, %arg6: memref<80x128xi32, #tpu.memory_space<vmem>>, %arg7: memref<80x128xi32, #tpu.memory_space<vmem>>, %arg8: memref<128x64xf32, #tpu.memory_space<vmem>>, %arg9: memref<128x64xf32, #tpu.memory_space<vmem>>, %arg10: memref<128x64xf32, #tpu.memory_space<vmem>>, %arg11: memref<128x64xf32, #tpu.memory_space<vmem>>, %arg12: memref<128x64xf32, #tpu.memory_space<vmem>>, %arg13: memref<10240x64xf32, #tpu.memory_space<vmem_shared>>, %arg14: memref<!tpu.dma_semaphore, #tpu.memory_space<semaphore_mem>>, %arg15: memref<!tpu.dma_semaphore, #tpu.memory_space<semaphore_mem>>, %arg16: memref<!tpu.dma_semaphore, #tpu.memory_space<semaphore_mem>>, %arg17: memref<!tpu.dma_semaphore, #tpu.memory_space<semaphore_mem>>, %arg18: memref<!tpu.dma_semaphore, #tpu.memory_space<semaphore_mem>>, %arg19: memref<!tpu.dma_semaphore, #tpu.memory_space<semaphore_mem>>, %arg20: memref<!tpu.dma_semaphore, #tpu.memory_space<semaphore_mem>>, %arg21: memref<!tpu.dma_semaphore, #tpu.memory_space<semaphore_mem>>) attributes {dimension_semantics = [#tpu.dimension_semantics<core_parallel>, #tpu.dimension_semantics<subcore_parallel>], iteration_bounds = array<i64: 2, 16>, scalar_prefetch = 0 : i64, scratch_operands = 16 : i64, tpu.core_type = #tpu.core_type<sc_vector_subcore>, window_params = [{transform_indices = #map}, {transform_indices = #map1}, {transform_indices = #map1}, {transform_indices = #map1}]} {
    %mul3A = arith.constant 16 : i32
    %mul3A_0 = arith.muli %arg0, %mul3A : i32
    %add3A = arith.addi %mul3A_0, %arg1 : i32
    %broadcast_in_dim3A = arith.constant 0.000000e+00 : f32
    %broadcast_in_dim3A_1 = vector.broadcast %broadcast_in_dim3A : f32 to vector<16xf32>
    %scan3A = arith.constant 0 : i32
    %scan3A_2 = arith.constant 0 : i32
    %scan3A_3 = arith.constant 128 : i32
    %scan3A_4 = arith.addi %scan3A_2, %scan3A_3 : i32
    %scan3A_5 = arith.constant 1 : i32
    %scan3A_6 = scf.for %scan3A_150 = %scan3A_2 to %scan3A_4 step %scan3A_5 iter_args(%scan3A_151 = %scan3A) -> (i32)  : i32 {
      %swap3A = arith.index_cast %scan3A_150 : i32 to index
      %swap3A_152 = arith.constant 0 : index
      %swap3A_153 = tpu.vector_load %arg12[%swap3A, %swap3A_152] {strides = array<i32>} : memref<128x64xf32, #tpu.memory_space<vmem>>, vector<1x16xf32>,
      %swap3A_154 = vector.shape_cast %swap3A_153 : vector<1x16xf32> to vector<16xf32>
      %swap3A_155 = vector.shape_cast %broadcast_in_dim3A_1 : vector<16xf32> to vector<1x16xf32>
      tpu.vector_store %arg12[%swap3A, %swap3A_152], %swap3A_155 {strides = array<i32>} : memref<128x64xf32, #tpu.memory_space<vmem>>, vector<1x16xf32>,
      %swap3A_156 = arith.index_cast %scan3A_150 : i32 to index
      %swap3A_157 = arith.constant 16 : index
      %swap3A_158 = tpu.vector_load %arg12[%swap3A_156, %swap3A_157] {strides = array<i32>} : memref<128x64xf32, #tpu.memory_space<vmem>>, vector<1x16xf32>,
      %swap3A_159 = vector.shape_cast %swap3A_158 : vector<1x16xf32> to vector<16xf32>
      %swap3A_160 = vector.shape_cast %broadcast_in_dim3A_1 : vector<16xf32> to vector<1x16xf32>
      tpu.vector_store %arg12[%swap3A_156, %swap3A_157], %swap3A_160 {strides = array<i32>} : memref<128x64xf32, #tpu.memory_space<vmem>>, vector<1x16xf32>,
      %swap3A_161 = arith.index_cast %scan3A_150 : i32 to index
      %swap3A_162 = arith.constant 32 : index
      %swap3A_163 = tpu.vector_load %arg12[%swap3A_161, %swap3A_162] {strides = array<i32>} : memref<128x64xf32, #tpu.memory_space<vmem>>, vector<1x16xf32>,
      %swap3A_164 = vector.shape_cast %swap3A_163 : vector<1x16xf32> to vector<16xf32>
      %swap3A_165 = vector.shape_cast %broadcast_in_dim3A_1 : vector<16xf32> to vector<1x16xf32>
      tpu.vector_store %arg12[%swap3A_161, %swap3A_162], %swap3A_165 {strides = array<i32>} : memref<128x64xf32, #tpu.memory_space<vmem>>, vector<1x16xf32>,
      %swap3A_166 = arith.index_cast %scan3A_150 : i32 to index
      %swap3A_167 = arith.constant 48 : index
      %swap3A_168 = tpu.vector_load %arg12[%swap3A_166, %swap3A_167] {strides = array<i32>} : memref<128x64xf32, #tpu.memory_space<vmem>>, vector<1x16xf32>,
      %swap3A_169 = vector.shape_cast %swap3A_168 : vector<1x16xf32> to vector<16xf32>
      %swap3A_170 = vector.shape_cast %broadcast_in_dim3A_1 : vector<16xf32> to vector<1x16xf32>
      tpu.vector_store %arg12[%swap3A_166, %swap3A_167], %swap3A_170 {strides = array<i32>} : memref<128x64xf32, #tpu.memory_space<vmem>>, vector<1x16xf32>,
      %scan3A_171 = arith.constant 0 : i32
      scf.yield %scan3A_171 : i32
    }
    %scan3A_7 = arith.constant 128 : i32
    %mul3A_8 = arith.constant 640 : i32
    %mul3A_9 = arith.muli %arg1, %mul3A_8 : i32
    %add3A_10 = arith.constant 0 : i32
    %add3A_11 = arith.addi %mul3A_9, %add3A_10 : i32
    "tpu.region"() ({
      %run_scoped3A = tpu.sem_alloc : memref<!tpu.dma_semaphore, #tpu.memory_space<semaphore_mem>>
      %dma_start3A_150 = arith.constant 0 : i32
      %dma_start3A_151 = tpu.memref_slice %arg13[%add3A_11, %dma_start3A_150] : memref<10240x64xf32, #tpu.memory_space<vmem_shared>> -> memref<128x64xf32, #tpu.memory_space<vmem_shared>>
      %dma_start3A_152 = arith.constant 0 : i32
      %dma_start3A_153 = tpu.memref_slice %arg13[%add3A_11, %dma_start3A_152] : memref<10240x64xf32, #tpu.memory_space<vmem_shared>> -> memref<128x64xf32, #tpu.memory_space<vmem_shared>>
      tpu.enqueue_dma source(%arg12 : memref<128x64xf32, #tpu.memory_space<vmem>>) target(%dma_start3A_153 : memref<128x64xf32, #tpu.memory_space<vmem_shared>>) target_semaphore(%run_scoped3A : memref<!tpu.dma_semaphore, #tpu.memory_space<semaphore_mem>>)
      %dma_wait3A_154 = arith.constant 0 : i32
      %dma_wait3A_155 = tpu.memref_slice %arg13[%add3A_11, %dma_wait3A_154] : memref<10240x64xf32, #tpu.memory_space<vmem_shared>> -> memref<128x64xf32, #tpu.memory_space<vmem_shared>>
      %dma_wait3A_156 = arith.constant 0 : i32
      %dma_wait3A_157 = tpu.memref_slice %arg13[%add3A_11, %dma_wait3A_156] : memref<10240x64xf32, #tpu.memory_space<vmem_shared>> -> memref<128x64xf32, #tpu.memory_space<vmem_shared>>
      tpu.wait_dma2 semaphore(%run_scoped3A : memref<!tpu.dma_semaphore, #tpu.memory_space<semaphore_mem>>) src(%arg12 : memref<128x64xf32, #tpu.memory_space<vmem>>) dst(%dma_wait3A_157 : memref<128x64xf32, #tpu.memory_space<vmem_shared>>)
      tpu.yield
    }) : () -> ()
    %mul3A_12 = arith.constant 640 : i32
    %mul3A_13 = arith.muli %arg1, %mul3A_12 : i32
    %add3A_14 = arith.constant 128 : i32
    %add3A_15 = arith.addi %mul3A_13, %add3A_14 : i32
    "tpu.region"() ({
      %run_scoped3A = tpu.sem_alloc : memref<!tpu.dma_semaphore, #tpu.memory_space<semaphore_mem>>
      %dma_start3A_150 = arith.constant 0 : i32
      %dma_start3A_151 = tpu.memref_slice %arg13[%add3A_15, %dma_start3A_150] : memref<10240x64xf32, #tpu.memory_space<vmem_shared>> -> memref<128x64xf32, #tpu.memory_space<vmem_shared>>
      %dma_start3A_152 = arith.constant 0 : i32
      %dma_start3A_153 = tpu.memref_slice %arg13[%add3A_15, %dma_start3A_152] : memref<10240x64xf32, #tpu.memory_space<vmem_shared>> -> memref<128x64xf32, #tpu.memory_space<vmem_shared>>
      tpu.enqueue_dma source(%arg12 : memref<128x64xf32, #tpu.memory_space<vmem>>) target(%dma_start3A_153 : memref<128x64xf32, #tpu.memory_space<vmem_shared>>) target_semaphore(%run_scoped3A : memref<!tpu.dma_semaphore, #tpu.memory_space<semaphore_mem>>)
      %dma_wait3A_154 = arith.constant 0 : i32
      %dma_wait3A_155 = tpu.memref_slice %arg13[%add3A_15, %dma_wait3A_154] : memref<10240x64xf32, #tpu.memory_space<vmem_shared>> -> memref<128x64xf32, #tpu.memory_space<vmem_shared>>
      %dma_wait3A_156 = arith.constant 0 : i32
      %dma_wait3A_157 = tpu.memref_slice %arg13[%add3A_15, %dma_wait3A_156] : memref<10240x64xf32, #tpu.memory_space<vmem_shared>> -> memref<128x64xf32, #tpu.memory_space<vmem_shared>>
      tpu.wait_dma2 semaphore(%run_scoped3A : memref<!tpu.dma_semaphore, #tpu.memory_space<semaphore_mem>>) src(%arg12 : memref<128x64xf32, #tpu.memory_space<vmem>>) dst(%dma_wait3A_157 : memref<128x64xf32, #tpu.memory_space<vmem_shared>>)
      tpu.yield
    }) : () -> ()
    %mul3A_16 = arith.constant 640 : i32
    %mul3A_17 = arith.muli %arg1, %mul3A_16 : i32
    %add3A_18 = arith.constant 256 : i32
    %add3A_19 = arith.addi %mul3A_17, %add3A_18 : i32
    "tpu.region"() ({
      %run_scoped3A = tpu.sem_alloc : memref<!tpu.dma_semaphore, #tpu.memory_space<semaphore_mem>>
      %dma_start3A_150 = arith.constant 0 : i32
      %dma_start3A_151 = tpu.memref_slice %arg13[%add3A_19, %dma_start3A_150] : memref<10240x64xf32, #tpu.memory_space<vmem_shared>> -> memref<128x64xf32, #tpu.memory_space<vmem_shared>>
      %dma_start3A_152 = arith.constant 0 : i32
      %dma_start3A_153 = tpu.memref_slice %arg13[%add3A_19, %dma_start3A_152] : memref<10240x64xf32, #tpu.memory_space<vmem_shared>> -> memref<128x64xf32, #tpu.memory_space<vmem_shared>>
      tpu.enqueue_dma source(%arg12 : memref<128x64xf32, #tpu.memory_space<vmem>>) target(%dma_start3A_153 : memref<128x64xf32, #tpu.memory_space<vmem_shared>>) target_semaphore(%run_scoped3A : memref<!tpu.dma_semaphore, #tpu.memory_space<semaphore_mem>>)
      %dma_wait3A_154 = arith.constant 0 : i32
      %dma_wait3A_155 = tpu.memref_slice %arg13[%add3A_19, %dma_wait3A_154] : memref<10240x64xf32, #tpu.memory_space<vmem_shared>> -> memref<128x64xf32, #tpu.memory_space<vmem_shared>>
      %dma_wait3A_156 = arith.constant 0 : i32
      %dma_wait3A_157 = tpu.memref_slice %arg13[%add3A_19, %dma_wait3A_156] : memref<10240x64xf32, #tpu.memory_space<vmem_shared>> -> memref<128x64xf32, #tpu.memory_space<vmem_shared>>
      tpu.wait_dma2 semaphore(%run_scoped3A : memref<!tpu.dma_semaphore, #tpu.memory_space<semaphore_mem>>) src(%arg12 : memref<128x64xf32, #tpu.memory_space<vmem>>) dst(%dma_wait3A_157 : memref<128x64xf32, #tpu.memory_space<vmem_shared>>)
      tpu.yield
    }) : () -> ()
    %mul3A_20 = arith.constant 640 : i32
    %mul3A_21 = arith.muli %arg1, %mul3A_20 : i32
    %add3A_22 = arith.constant 384 : i32
    %add3A_23 = arith.addi %mul3A_21, %add3A_22 : i32
    "tpu.region"() ({
      %run_scoped3A = tpu.sem_alloc : memref<!tpu.dma_semaphore, #tpu.memory_space<semaphore_mem>>
      %dma_start3A_150 = arith.constant 0 : i32
      %dma_start3A_151 = tpu.memref_slice %arg13[%add3A_23, %dma_start3A_150] : memref<10240x64xf32, #tpu.memory_space<vmem_shared>> -> memref<128x64xf32, #tpu.memory_space<vmem_shared>>
      %dma_start3A_152 = arith.constant 0 : i32
      %dma_start3A_153 = tpu.memref_slice %arg13[%add3A_23, %dma_start3A_152] : memref<10240x64xf32, #tpu.memory_space<vmem_shared>> -> memref<128x64xf32, #tpu.memory_space<vmem_shared>>
      tpu.enqueue_dma source(%arg12 : memref<128x64xf32, #tpu.memory_space<vmem>>) target(%dma_start3A_153 : memref<128x64xf32, #tpu.memory_space<vmem_shared>>) target_semaphore(%run_scoped3A : memref<!tpu.dma_semaphore, #tpu.memory_space<semaphore_mem>>)
      %dma_wait3A_154 = arith.constant 0 : i32
      %dma_wait3A_155 = tpu.memref_slice %arg13[%add3A_23, %dma_wait3A_154] : memref<10240x64xf32, #tpu.memory_space<vmem_shared>> -> memref<128x64xf32, #tpu.memory_space<vmem_shared>>
      %dma_wait3A_156 = arith.constant 0 : i32
      %dma_wait3A_157 = tpu.memref_slice %arg13[%add3A_23, %dma_wait3A_156] : memref<10240x64xf32, #tpu.memory_space<vmem_shared>> -> memref<128x64xf32, #tpu.memory_space<vmem_shared>>
      tpu.wait_dma2 semaphore(%run_scoped3A : memref<!tpu.dma_semaphore, #tpu.memory_space<semaphore_mem>>) src(%arg12 : memref<128x64xf32, #tpu.memory_space<vmem>>) dst(%dma_wait3A_157 : memref<128x64xf32, #tpu.memory_space<vmem_shared>>)
      tpu.yield
    }) : () -> ()
    %mul3A_24 = arith.constant 640 : i32
    %mul3A_25 = arith.muli %arg1, %mul3A_24 : i32
    %add3A_26 = arith.constant 512 : i32
    %add3A_27 = arith.addi %mul3A_25, %add3A_26 : i32
    "tpu.region"() ({
      %run_scoped3A = tpu.sem_alloc : memref<!tpu.dma_semaphore, #tpu.memory_space<semaphore_mem>>
      %dma_start3A_150 = arith.constant 0 : i32
      %dma_start3A_151 = tpu.memref_slice %arg13[%add3A_27, %dma_start3A_150] : memref<10240x64xf32, #tpu.memory_space<vmem_shared>> -> memref<128x64xf32, #tpu.memory_space<vmem_shared>>
      %dma_start3A_152 = arith.constant 0 : i32
      %dma_start3A_153 = tpu.memref_slice %arg13[%add3A_27, %dma_start3A_152] : memref<10240x64xf32, #tpu.memory_space<vmem_shared>> -> memref<128x64xf32, #tpu.memory_space<vmem_shared>>
      tpu.enqueue_dma source(%arg12 : memref<128x64xf32, #tpu.memory_space<vmem>>) target(%dma_start3A_153 : memref<128x64xf32, #tpu.memory_space<vmem_shared>>) target_semaphore(%run_scoped3A : memref<!tpu.dma_semaphore, #tpu.memory_space<semaphore_mem>>)
      %dma_wait3A_154 = arith.constant 0 : i32
      %dma_wait3A_155 = tpu.memref_slice %arg13[%add3A_27, %dma_wait3A_154] : memref<10240x64xf32, #tpu.memory_space<vmem_shared>> -> memref<128x64xf32, #tpu.memory_space<vmem_shared>>
      %dma_wait3A_156 = arith.constant 0 : i32
      %dma_wait3A_157 = tpu.memref_slice %arg13[%add3A_27, %dma_wait3A_156] : memref<10240x64xf32, #tpu.memory_space<vmem_shared>> -> memref<128x64xf32, #tpu.memory_space<vmem_shared>>
      tpu.wait_dma2 semaphore(%run_scoped3A : memref<!tpu.dma_semaphore, #tpu.memory_space<semaphore_mem>>) src(%arg12 : memref<128x64xf32, #tpu.memory_space<vmem>>) dst(%dma_wait3A_157 : memref<128x64xf32, #tpu.memory_space<vmem_shared>>)
      tpu.yield
    }) : () -> ()
    %barrier3A = arith.constant 0 : index
    tpu.barrier barrier_id(%barrier3A)
    "tpu.region"() ({
      %run_scoped3A = tpu.sem_alloc : memref<!tpu.dma_semaphore, #tpu.memory_space<semaphore_mem>>
      %dma_start3A_150 = arith.constant 0 : i32
      %dma_start3A_151 = arith.constant 0 : i32
      %dma_start3A_152 = tpu.memref_slice %arg3[%add3A, %dma_start3A_150, %dma_start3A_151] : memref<32x80x128xi32, #tpu.memory_space<hbm>> -> memref<1x80x128xi32, #tpu.memory_space<hbm>>
      %dma_start3A_153 = tpu.memref_squeeze %dma_start3A_152 : memref<1x80x128xi32, #tpu.memory_space<hbm>> -> memref<80x128xi32, #tpu.memory_space<hbm>>
      %dma_start3A_154 = arith.constant 0 : i32
      %dma_start3A_155 = arith.constant 0 : i32
      %dma_start3A_156 = tpu.memref_slice %arg3[%add3A, %dma_start3A_154, %dma_start3A_155] : memref<32x80x128xi32, #tpu.memory_space<hbm>> -> memref<1x80x128xi32, #tpu.memory_space<hbm>>
      %dma_start3A_157 = tpu.memref_squeeze %dma_start3A_156 : memref<1x80x128xi32, #tpu.memory_space<hbm>> -> memref<80x128xi32, #tpu.memory_space<hbm>>
      tpu.enqueue_dma source(%dma_start3A_157 : memref<80x128xi32, #tpu.memory_space<hbm>>) target(%arg6 : memref<80x128xi32, #tpu.memory_space<vmem>>) target_semaphore(%run_scoped3A : memref<!tpu.dma_semaphore, #tpu.memory_space<semaphore_mem>>)
      %dma_wait3A_158 = arith.constant 0 : i32
      %dma_wait3A_159 = arith.constant 0 : i32
      %dma_wait3A_160 = tpu.memref_slice %arg3[%add3A, %dma_wait3A_158, %dma_wait3A_159] : memref<32x80x128xi32, #tpu.memory_space<hbm>> -> memref<1x80x128xi32, #tpu.memory_space<hbm>>
      %dma_wait3A_161 = tpu.memref_squeeze %dma_wait3A_160 : memref<1x80x128xi32, #tpu.memory_space<hbm>> -> memref<80x128xi32, #tpu.memory_space<hbm>>
      %dma_wait3A_162 = arith.constant 0 : i32
      %dma_wait3A_163 = arith.constant 0 : i32
      %dma_wait3A_164 = tpu.memref_slice %arg3[%add3A, %dma_wait3A_162, %dma_wait3A_163] : memref<32x80x128xi32, #tpu.memory_space<hbm>> -> memref<1x80x128xi32, #tpu.memory_space<hbm>>
      %dma_wait3A_165 = tpu.memref_squeeze %dma_wait3A_164 : memref<1x80x128xi32, #tpu.memory_space<hbm>> -> memref<80x128xi32, #tpu.memory_space<hbm>>
      tpu.wait_dma2 semaphore(%run_scoped3A : memref<!tpu.dma_semaphore, #tpu.memory_space<semaphore_mem>>) src(%dma_wait3A_165 : memref<80x128xi32, #tpu.memory_space<hbm>>) dst(%arg6 : memref<80x128xi32, #tpu.memory_space<vmem>>)
      tpu.yield
    }) : () -> ()
    "tpu.region"() ({
      %run_scoped3A = tpu.sem_alloc : memref<!tpu.dma_semaphore, #tpu.memory_space<semaphore_mem>>
      %dma_start3A_150 = arith.constant 0 : i32
      %dma_start3A_151 = arith.constant 0 : i32
      %dma_start3A_152 = tpu.memref_slice %arg4[%add3A, %dma_start3A_150, %dma_start3A_151] : memref<32x80x128xi32, #tpu.memory_space<hbm>> -> memref<1x80x128xi32, #tpu.memory_space<hbm>>
      %dma_start3A_153 = tpu.memref_squeeze %dma_start3A_152 : memref<1x80x128xi32, #tpu.memory_space<hbm>> -> memref<80x128xi32, #tpu.memory_space<hbm>>
      %dma_start3A_154 = arith.constant 0 : i32
      %dma_start3A_155 = arith.constant 0 : i32
      %dma_start3A_156 = tpu.memref_slice %arg4[%add3A, %dma_start3A_154, %dma_start3A_155] : memref<32x80x128xi32, #tpu.memory_space<hbm>> -> memref<1x80x128xi32, #tpu.memory_space<hbm>>
      %dma_start3A_157 = tpu.memref_squeeze %dma_start3A_156 : memref<1x80x128xi32, #tpu.memory_space<hbm>> -> memref<80x128xi32, #tpu.memory_space<hbm>>
      tpu.enqueue_dma source(%dma_start3A_157 : memref<80x128xi32, #tpu.memory_space<hbm>>) target(%arg7 : memref<80x128xi32, #tpu.memory_space<vmem>>) target_semaphore(%run_scoped3A : memref<!tpu.dma_semaphore, #tpu.memory_space<semaphore_mem>>)
      %dma_wait3A_158 = arith.constant 0 : i32
      %dma_wait3A_159 = arith.constant 0 : i32
      %dma_wait3A_160 = tpu.memref_slice %arg4[%add3A, %dma_wait3A_158, %dma_wait3A_159] : memref<32x80x128xi32, #tpu.memory_space<hbm>> -> memref<1x80x128xi32, #tpu.memory_space<hbm>>
      %dma_wait3A_161 = tpu.memref_squeeze %dma_wait3A_160 : memref<1x80x128xi32, #tpu.memory_space<hbm>> -> memref<80x128xi32, #tpu.memory_space<hbm>>
      %dma_wait3A_162 = arith.constant 0 : i32
      %dma_wait3A_163 = arith.constant 0 : i32
      %dma_wait3A_164 = tpu.memref_slice %arg4[%add3A, %dma_wait3A_162, %dma_wait3A_163] : memref<32x80x128xi32, #tpu.memory_space<hbm>> -> memref<1x80x128xi32, #tpu.memory_space<hbm>>
      %dma_wait3A_165 = tpu.memref_squeeze %dma_wait3A_164 : memref<1x80x128xi32, #tpu.memory_space<hbm>> -> memref<80x128xi32, #tpu.memory_space<hbm>>
      tpu.wait_dma2 semaphore(%run_scoped3A : memref<!tpu.dma_semaphore, #tpu.memory_space<semaphore_mem>>) src(%dma_wait3A_165 : memref<80x128xi32, #tpu.memory_space<hbm>>) dst(%arg7 : memref<80x128xi32, #tpu.memory_space<vmem>>)
      tpu.yield
    }) : () -> ()
    %dma_start3A = arith.constant 0 : i32
    %dma_start3A_28 = arith.constant 0 : i32
    %dma_start3A_29 = tpu.memref_slice %arg6[%dma_start3A, %dma_start3A_28] : memref<80x128xi32, #tpu.memory_space<vmem>> -> memref<1x128xi32, #tpu.memory_space<vmem>>
    %dma_start3A_30 = tpu.memref_squeeze %dma_start3A_29 : memref<1x128xi32, #tpu.memory_space<vmem>> -> memref<128xi32, #tpu.memory_space<vmem>>
    %dma_start3A_31 = arith.constant 0 : i32
    %dma_start3A_32 = arith.constant 0 : i32
    %dma_start3A_33 = tpu.memref_slice %arg2[%dma_start3A_31, %dma_start3A_32] : memref<10000x64xf32, #tpu.memory_space<hbm>> -> memref<10000x64xf32, #tpu.memory_space<hbm>>
    tpu.enqueue_indirect_dma source(%dma_start3A_33 : memref<10000x64xf32, #tpu.memory_space<hbm>>) target(%arg8 : memref<128x64xf32, #tpu.memory_space<vmem>>) offsets(%dma_start3A_30 : memref<128xi32, #tpu.memory_space<vmem>>) semaphore(%arg14 : memref<!tpu.dma_semaphore, #tpu.memory_space<semaphore_mem>>)
    %dma_start3A_34 = arith.constant 1 : i32
    %dma_start3A_35 = arith.constant 0 : i32
    %dma_start3A_36 = tpu.memref_slice %arg6[%dma_start3A_34, %dma_start3A_35] : memref<80x128xi32, #tpu.memory_space<vmem>> -> memref<1x128xi32, #tpu.memory_space<vmem>>
    %dma_start3A_37 = tpu.memref_squeeze %dma_start3A_36 : memref<1x128xi32, #tpu.memory_space<vmem>> -> memref<128xi32, #tpu.memory_space<vmem>>
    %dma_start3A_38 = arith.constant 0 : i32
    %dma_start3A_39 = arith.constant 0 : i32
    %dma_start3A_40 = tpu.memref_slice %arg2[%dma_start3A_38, %dma_start3A_39] : memref<10000x64xf32, #tpu.memory_space<hbm>> -> memref<10000x64xf32, #tpu.memory_space<hbm>>
    tpu.enqueue_indirect_dma source(%dma_start3A_40 : memref<10000x64xf32, #tpu.memory_space<hbm>>) target(%arg9 : memref<128x64xf32, #tpu.memory_space<vmem>>) offsets(%dma_start3A_37 : memref<128xi32, #tpu.memory_space<vmem>>) semaphore(%arg15 : memref<!tpu.dma_semaphore, #tpu.memory_space<semaphore_mem>>)
    %dma_start3A_41 = arith.constant 2 : i32
    %dma_start3A_42 = arith.constant 0 : i32
    %dma_start3A_43 = tpu.memref_slice %arg6[%dma_start3A_41, %dma_start3A_42] : memref<80x128xi32, #tpu.memory_space<vmem>> -> memref<1x128xi32, #tpu.memory_space<vmem>>
    %dma_start3A_44 = tpu.memref_squeeze %dma_start3A_43 : memref<1x128xi32, #tpu.memory_space<vmem>> -> memref<128xi32, #tpu.memory_space<vmem>>
    %dma_start3A_45 = arith.constant 0 : i32
    %dma_start3A_46 = arith.constant 0 : i32
    %dma_start3A_47 = tpu.memref_slice %arg2[%dma_start3A_45, %dma_start3A_46] : memref<10000x64xf32, #tpu.memory_space<hbm>> -> memref<10000x64xf32, #tpu.memory_space<hbm>>
    tpu.enqueue_indirect_dma source(%dma_start3A_47 : memref<10000x64xf32, #tpu.memory_space<hbm>>) target(%arg10 : memref<128x64xf32, #tpu.memory_space<vmem>>) offsets(%dma_start3A_44 : memref<128xi32, #tpu.memory_space<vmem>>) semaphore(%arg16 : memref<!tpu.dma_semaphore, #tpu.memory_space<semaphore_mem>>)
    %dma_start3A_48 = arith.constant 3 : i32
    %dma_start3A_49 = arith.constant 0 : i32
    %dma_start3A_50 = tpu.memref_slice %arg6[%dma_start3A_48, %dma_start3A_49] : memref<80x128xi32, #tpu.memory_space<vmem>> -> memref<1x128xi32, #tpu.memory_space<vmem>>
    %dma_start3A_51 = tpu.memref_squeeze %dma_start3A_50 : memref<1x128xi32, #tpu.memory_space<vmem>> -> memref<128xi32, #tpu.memory_space<vmem>>
    %dma_start3A_52 = arith.constant 0 : i32
    %dma_start3A_53 = arith.constant 0 : i32
    %dma_start3A_54 = tpu.memref_slice %arg2[%dma_start3A_52, %dma_start3A_53] : memref<10000x64xf32, #tpu.memory_space<hbm>> -> memref<10000x64xf32, #tpu.memory_space<hbm>>
    tpu.enqueue_indirect_dma source(%dma_start3A_54 : memref<10000x64xf32, #tpu.memory_space<hbm>>) target(%arg11 : memref<128x64xf32, #tpu.memory_space<vmem>>) offsets(%dma_start3A_51 : memref<128xi32, #tpu.memory_space<vmem>>) semaphore(%arg17 : memref<!tpu.dma_semaphore, #tpu.memory_space<semaphore_mem>>)
    %scan3A_55 = arith.constant 0 : i32
    %scan3A_56 = arith.constant 0 : i32
    %scan3A_57 = arith.constant 19 : i32
    %scan3A_58 = arith.addi %scan3A_56, %scan3A_57 : i32
    %scan3A_59 = arith.constant 1 : i32
    %scan3A_60 = scf.for %scan3A_150 = %scan3A_56 to %scan3A_58 step %scan3A_59 iter_args(%scan3A_151 = %scan3A_55) -> (i32)  : i32 {
      %mul3A_152 = arith.constant 4 : i32
      %mul3A_153 = arith.muli %scan3A_150, %mul3A_152 : i32
      %add3A_154 = arith.constant 0 : i32
      %add3A_155 = arith.addi %mul3A_153, %add3A_154 : i32
      %dma_wait3A_156 = arith.constant 0 : i32
      %dma_wait3A_157 = tpu.memref_slice %arg6[%add3A_155, %dma_wait3A_156] : memref<80x128xi32, #tpu.memory_space<vmem>> -> memref<1x128xi32, #tpu.memory_space<vmem>>
      %dma_wait3A_158 = tpu.memref_squeeze %dma_wait3A_157 : memref<1x128xi32, #tpu.memory_space<vmem>> -> memref<128xi32, #tpu.memory_space<vmem>>
      %dma_wait3A_159 = arith.constant 0 : i32
      %dma_wait3A_160 = arith.constant 0 : i32
      %dma_wait3A_161 = tpu.memref_slice %arg2[%dma_wait3A_159, %dma_wait3A_160] : memref<10000x64xf32, #tpu.memory_space<hbm>> -> memref<10000x64xf32, #tpu.memory_space<hbm>>
      tpu.wait_indirect_dma semaphore(%arg14 : memref<!tpu.dma_semaphore, #tpu.memory_space<semaphore_mem>>) src(%dma_wait3A_161 : memref<10000x64xf32, #tpu.memory_space<hbm>>) dst(%arg8 : memref<128x64xf32, #tpu.memory_space<vmem>>)
      %dma_start3A_162 = arith.constant 0 : i32
      %dma_start3A_163 = tpu.memref_slice %arg7[%add3A_155, %dma_start3A_162] : memref<80x128xi32, #tpu.memory_space<vmem>> -> memref<1x128xi32, #tpu.memory_space<vmem>>
      %dma_start3A_164 = tpu.memref_squeeze %dma_start3A_163 : memref<1x128xi32, #tpu.memory_space<vmem>> -> memref<128xi32, #tpu.memory_space<vmem>>
      %dma_start3A_165 = arith.constant 0 : i32
      %dma_start3A_166 = arith.constant 0 : i32
      %dma_start3A_167 = tpu.memref_slice %arg13[%dma_start3A_165, %dma_start3A_166] : memref<10240x64xf32, #tpu.memory_space<vmem_shared>> -> memref<10240x64xf32, #tpu.memory_space<vmem_shared>>
      tpu.enqueue_indirect_dma source(%arg8 : memref<128x64xf32, #tpu.memory_space<vmem>>) target(%dma_start3A_167 : memref<10240x64xf32, #tpu.memory_space<vmem_shared>>) offsets(%dma_start3A_164 : memref<128xi32, #tpu.memory_space<vmem>>) semaphore(%arg18 : memref<!tpu.dma_semaphore, #tpu.memory_space<semaphore_mem>>) {add = true}
      %mul3A_168 = arith.constant 4 : i32
      %mul3A_169 = arith.muli %scan3A_150, %mul3A_168 : i32
      %add3A_170 = arith.constant 1 : i32
      %add3A_171 = arith.addi %mul3A_169, %add3A_170 : i32
      %dma_wait3A_172 = arith.constant 0 : i32
      %dma_wait3A_173 = tpu.memref_slice %arg6[%add3A_171, %dma_wait3A_172] : memref<80x128xi32, #tpu.memory_space<vmem>> -> memref<1x128xi32, #tpu.memory_space<vmem>>
      %dma_wait3A_174 = tpu.memref_squeeze %dma_wait3A_173 : memref<1x128xi32, #tpu.memory_space<vmem>> -> memref<128xi32, #tpu.memory_space<vmem>>
      %dma_wait3A_175 = arith.constant 0 : i32
      %dma_wait3A_176 = arith.constant 0 : i32
      %dma_wait3A_177 = tpu.memref_slice %arg2[%dma_wait3A_175, %dma_wait3A_176] : memref<10000x64xf32, #tpu.memory_space<hbm>> -> memref<10000x64xf32, #tpu.memory_space<hbm>>
      tpu.wait_indirect_dma semaphore(%arg15 : memref<!tpu.dma_semaphore, #tpu.memory_space<semaphore_mem>>) src(%dma_wait3A_177 : memref<10000x64xf32, #tpu.memory_space<hbm>>) dst(%arg9 : memref<128x64xf32, #tpu.memory_space<vmem>>)
      %dma_start3A_178 = arith.constant 0 : i32
      %dma_start3A_179 = tpu.memref_slice %arg7[%add3A_171, %dma_start3A_178] : memref<80x128xi32, #tpu.memory_space<vmem>> -> memref<1x128xi32, #tpu.memory_space<vmem>>
      %dma_start3A_180 = tpu.memref_squeeze %dma_start3A_179 : memref<1x128xi32, #tpu.memory_space<vmem>> -> memref<128xi32, #tpu.memory_space<vmem>>
      %dma_start3A_181 = arith.constant 0 : i32
      %dma_start3A_182 = arith.constant 0 : i32
      %dma_start3A_183 = tpu.memref_slice %arg13[%dma_start3A_181, %dma_start3A_182] : memref<10240x64xf32, #tpu.memory_space<vmem_shared>> -> memref<10240x64xf32, #tpu.memory_space<vmem_shared>>
      tpu.enqueue_indirect_dma source(%arg9 : memref<128x64xf32, #tpu.memory_space<vmem>>) target(%dma_start3A_183 : memref<10240x64xf32, #tpu.memory_space<vmem_shared>>) offsets(%dma_start3A_180 : memref<128xi32, #tpu.memory_space<vmem>>) semaphore(%arg19 : memref<!tpu.dma_semaphore, #tpu.memory_space<semaphore_mem>>) {add = true}
      %mul3A_184 = arith.constant 4 : i32
      %mul3A_185 = arith.muli %scan3A_150, %mul3A_184 : i32
      %add3A_186 = arith.constant 2 : i32
      %add3A_187 = arith.addi %mul3A_185, %add3A_186 : i32
      %dma_wait3A_188 = arith.constant 0 : i32
      %dma_wait3A_189 = tpu.memref_slice %arg6[%add3A_187, %dma_wait3A_188] : memref<80x128xi32, #tpu.memory_space<vmem>> -> memref<1x128xi32, #tpu.memory_space<vmem>>
      %dma_wait3A_190 = tpu.memref_squeeze %dma_wait3A_189 : memref<1x128xi32, #tpu.memory_space<vmem>> -> memref<128xi32, #tpu.memory_space<vmem>>
      %dma_wait3A_191 = arith.constant 0 : i32
      %dma_wait3A_192 = arith.constant 0 : i32
      %dma_wait3A_193 = tpu.memref_slice %arg2[%dma_wait3A_191, %dma_wait3A_192] : memref<10000x64xf32, #tpu.memory_space<hbm>> -> memref<10000x64xf32, #tpu.memory_space<hbm>>
      tpu.wait_indirect_dma semaphore(%arg16 : memref<!tpu.dma_semaphore, #tpu.memory_space<semaphore_mem>>) src(%dma_wait3A_193 : memref<10000x64xf32, #tpu.memory_space<hbm>>) dst(%arg10 : memref<128x64xf32, #tpu.memory_space<vmem>>)
      %dma_start3A_194 = arith.constant 0 : i32
      %dma_start3A_195 = tpu.memref_slice %arg7[%add3A_187, %dma_start3A_194] : memref<80x128xi32, #tpu.memory_space<vmem>> -> memref<1x128xi32, #tpu.memory_space<vmem>>
      %dma_start3A_196 = tpu.memref_squeeze %dma_start3A_195 : memref<1x128xi32, #tpu.memory_space<vmem>> -> memref<128xi32, #tpu.memory_space<vmem>>
      %dma_start3A_197 = arith.constant 0 : i32
      %dma_start3A_198 = arith.constant 0 : i32
      %dma_start3A_199 = tpu.memref_slice %arg13[%dma_start3A_197, %dma_start3A_198] : memref<10240x64xf32, #tpu.memory_space<vmem_shared>> -> memref<10240x64xf32, #tpu.memory_space<vmem_shared>>
      tpu.enqueue_indirect_dma source(%arg10 : memref<128x64xf32, #tpu.memory_space<vmem>>) target(%dma_start3A_199 : memref<10240x64xf32, #tpu.memory_space<vmem_shared>>) offsets(%dma_start3A_196 : memref<128xi32, #tpu.memory_space<vmem>>) semaphore(%arg20 : memref<!tpu.dma_semaphore, #tpu.memory_space<semaphore_mem>>) {add = true}
      %mul3A_200 = arith.constant 4 : i32
      %mul3A_201 = arith.muli %scan3A_150, %mul3A_200 : i32
      %add3A_202 = arith.constant 3 : i32
      %add3A_203 = arith.addi %mul3A_201, %add3A_202 : i32
      %dma_wait3A_204 = arith.constant 0 : i32
      %dma_wait3A_205 = tpu.memref_slice %arg6[%add3A_203, %dma_wait3A_204] : memref<80x128xi32, #tpu.memory_space<vmem>> -> memref<1x128xi32, #tpu.memory_space<vmem>>
      %dma_wait3A_206 = tpu.memref_squeeze %dma_wait3A_205 : memref<1x128xi32, #tpu.memory_space<vmem>> -> memref<128xi32, #tpu.memory_space<vmem>>
      %dma_wait3A_207 = arith.constant 0 : i32
      %dma_wait3A_208 = arith.constant 0 : i32
      %dma_wait3A_209 = tpu.memref_slice %arg2[%dma_wait3A_207, %dma_wait3A_208] : memref<10000x64xf32, #tpu.memory_space<hbm>> -> memref<10000x64xf32, #tpu.memory_space<hbm>>
      tpu.wait_indirect_dma semaphore(%arg17 : memref<!tpu.dma_semaphore, #tpu.memory_space<semaphore_mem>>) src(%dma_wait3A_209 : memref<10000x64xf32, #tpu.memory_space<hbm>>) dst(%arg11 : memref<128x64xf32, #tpu.memory_space<vmem>>)
      %dma_start3A_210 = arith.constant 0 : i32
      %dma_start3A_211 = tpu.memref_slice %arg7[%add3A_203, %dma_start3A_210] : memref<80x128xi32, #tpu.memory_space<vmem>> -> memref<1x128xi32, #tpu.memory_space<vmem>>
      %dma_start3A_212 = tpu.memref_squeeze %dma_start3A_211 : memref<1x128xi32, #tpu.memory_space<vmem>> -> memref<128xi32, #tpu.memory_space<vmem>>
      %dma_start3A_213 = arith.constant 0 : i32
      %dma_start3A_214 = arith.constant 0 : i32
      %dma_start3A_215 = tpu.memref_slice %arg13[%dma_start3A_213, %dma_start3A_214] : memref<10240x64xf32, #tpu.memory_space<vmem_shared>> -> memref<10240x64xf32, #tpu.memory_space<vmem_shared>>
      tpu.enqueue_indirect_dma source(%arg11 : memref<128x64xf32, #tpu.memory_space<vmem>>) target(%dma_start3A_215 : memref<10240x64xf32, #tpu.memory_space<vmem_shared>>) offsets(%dma_start3A_212 : memref<128xi32, #tpu.memory_space<vmem>>) semaphore(%arg21 : memref<!tpu.dma_semaphore, #tpu.memory_space<semaphore_mem>>) {add = true}
      %mul3A_216 = arith.constant 4 : i32
      %mul3A_217 = arith.muli %scan3A_150, %mul3A_216 : i32
      %add3A_218 = arith.constant 0 : i32
      %add3A_219 = arith.addi %mul3A_217, %add3A_218 : i32
      %dma_wait3A_220 = arith.constant 0 : i32
      %dma_wait3A_221 = tpu.memref_slice %arg7[%add3A_219, %dma_wait3A_220] : memref<80x128xi32, #tpu.memory_space<vmem>> -> memref<1x128xi32, #tpu.memory_space<vmem>>
      %dma_wait3A_222 = tpu.memref_squeeze %dma_wait3A_221 : memref<1x128xi32, #tpu.memory_space<vmem>> -> memref<128xi32, #tpu.memory_space<vmem>>
      %dma_wait3A_223 = arith.constant 0 : i32
      %dma_wait3A_224 = arith.constant 0 : i32
      %dma_wait3A_225 = tpu.memref_slice %arg13[%dma_wait3A_223, %dma_wait3A_224] : memref<10240x64xf32, #tpu.memory_space<vmem_shared>> -> memref<10240x64xf32, #tpu.memory_space<vmem_shared>>
      tpu.wait_indirect_dma semaphore(%arg18 : memref<!tpu.dma_semaphore, #tpu.memory_space<semaphore_mem>>) src(%arg8 : memref<128x64xf32, #tpu.memory_space<vmem>>) dst(%dma_wait3A_225 : memref<10240x64xf32, #tpu.memory_space<vmem_shared>>)
      %add3A_226 = arith.constant 4 : i32
      %add3A_227 = arith.addi %add3A_219, %add3A_226 : i32
      %dma_start3A_228 = arith.constant 0 : i32
      %dma_start3A_229 = tpu.memref_slice %arg6[%add3A_227, %dma_start3A_228] : memref<80x128xi32, #tpu.memory_space<vmem>> -> memref<1x128xi32, #tpu.memory_space<vmem>>
      %dma_start3A_230 = tpu.memref_squeeze %dma_start3A_229 : memref<1x128xi32, #tpu.memory_space<vmem>> -> memref<128xi32, #tpu.memory_space<vmem>>
      %dma_start3A_231 = arith.constant 0 : i32
      %dma_start3A_232 = arith.constant 0 : i32
      %dma_start3A_233 = tpu.memref_slice %arg2[%dma_start3A_231, %dma_start3A_232] : memref<10000x64xf32, #tpu.memory_space<hbm>> -> memref<10000x64xf32, #tpu.memory_space<hbm>>
      tpu.enqueue_indirect_dma source(%dma_start3A_233 : memref<10000x64xf32, #tpu.memory_space<hbm>>) target(%arg8 : memref<128x64xf32, #tpu.memory_space<vmem>>) offsets(%dma_start3A_230 : memref<128xi32, #tpu.memory_space<vmem>>) semaphore(%arg14 : memref<!tpu.dma_semaphore, #tpu.memory_space<semaphore_mem>>)
      %mul3A_234 = arith.constant 4 : i32
      %mul3A_235 = arith.muli %scan3A_150, %mul3A_234 : i32
      %add3A_236 = arith.constant 1 : i32
      %add3A_237 = arith.addi %mul3A_235, %add3A_236 : i32
      %dma_wait3A_238 = arith.constant 0 : i32
      %dma_wait3A_239 = tpu.memref_slice %arg7[%add3A_237, %dma_wait3A_238] : memref<80x128xi32, #tpu.memory_space<vmem>> -> memref<1x128xi32, #tpu.memory_space<vmem>>
      %dma_wait3A_240 = tpu.memref_squeeze %dma_wait3A_239 : memref<1x128xi32, #tpu.memory_space<vmem>> -> memref<128xi32, #tpu.memory_space<vmem>>
      %dma_wait3A_241 = arith.constant 0 : i32
      %dma_wait3A_242 = arith.constant 0 : i32
      %dma_wait3A_243 = tpu.memref_slice %arg13[%dma_wait3A_241, %dma_wait3A_242] : memref<10240x64xf32, #tpu.memory_space<vmem_shared>> -> memref<10240x64xf32, #tpu.memory_space<vmem_shared>>
      tpu.wait_indirect_dma semaphore(%arg19 : memref<!tpu.dma_semaphore, #tpu.memory_space<semaphore_mem>>) src(%arg9 : memref<128x64xf32, #tpu.memory_space<vmem>>) dst(%dma_wait3A_243 : memref<10240x64xf32, #tpu.memory_space<vmem_shared>>)
      %add3A_244 = arith.constant 4 : i32
      %add3A_245 = arith.addi %add3A_237, %add3A_244 : i32
      %dma_start3A_246 = arith.constant 0 : i32
      %dma_start3A_247 = tpu.memref_slice %arg6[%add3A_245, %dma_start3A_246] : memref<80x128xi32, #tpu.memory_space<vmem>> -> memref<1x128xi32, #tpu.memory_space<vmem>>
      %dma_start3A_248 = tpu.memref_squeeze %dma_start3A_247 : memref<1x128xi32, #tpu.memory_space<vmem>> -> memref<128xi32, #tpu.memory_space<vmem>>
      %dma_start3A_249 = arith.constant 0 : i32
      %dma_start3A_250 = arith.constant 0 : i32
      %dma_start3A_251 = tpu.memref_slice %arg2[%dma_start3A_249, %dma_start3A_250] : memref<10000x64xf32, #tpu.memory_space<hbm>> -> memref<10000x64xf32, #tpu.memory_space<hbm>>
      tpu.enqueue_indirect_dma source(%dma_start3A_251 : memref<10000x64xf32, #tpu.memory_space<hbm>>) target(%arg9 : memref<128x64xf32, #tpu.memory_space<vmem>>) offsets(%dma_start3A_248 : memref<128xi32, #tpu.memory_space<vmem>>) semaphore(%arg15 : memref<!tpu.dma_semaphore, #tpu.memory_space<semaphore_mem>>)
      %mul3A_252 = arith.constant 4 : i32
      %mul3A_253 = arith.muli %scan3A_150, %mul3A_252 : i32
      %add3A_254 = arith.constant 2 : i32
      %add3A_255 = arith.addi %mul3A_253, %add3A_254 : i32
      %dma_wait3A_256 = arith.constant 0 : i32
      %dma_wait3A_257 = tpu.memref_slice %arg7[%add3A_255, %dma_wait3A_256] : memref<80x128xi32, #tpu.memory_space<vmem>> -> memref<1x128xi32, #tpu.memory_space<vmem>>
      %dma_wait3A_258 = tpu.memref_squeeze %dma_wait3A_257 : memref<1x128xi32, #tpu.memory_space<vmem>> -> memref<128xi32, #tpu.memory_space<vmem>>
      %dma_wait3A_259 = arith.constant 0 : i32
      %dma_wait3A_260 = arith.constant 0 : i32
      %dma_wait3A_261 = tpu.memref_slice %arg13[%dma_wait3A_259, %dma_wait3A_260] : memref<10240x64xf32, #tpu.memory_space<vmem_shared>> -> memref<10240x64xf32, #tpu.memory_space<vmem_shared>>
      tpu.wait_indirect_dma semaphore(%arg20 : memref<!tpu.dma_semaphore, #tpu.memory_space<semaphore_mem>>) src(%arg10 : memref<128x64xf32, #tpu.memory_space<vmem>>) dst(%dma_wait3A_261 : memref<10240x64xf32, #tpu.memory_space<vmem_shared>>)
      %add3A_262 = arith.constant 4 : i32
      %add3A_263 = arith.addi %add3A_255, %add3A_262 : i32
      %dma_start3A_264 = arith.constant 0 : i32
      %dma_start3A_265 = tpu.memref_slice %arg6[%add3A_263, %dma_start3A_264] : memref<80x128xi32, #tpu.memory_space<vmem>> -> memref<1x128xi32, #tpu.memory_space<vmem>>
      %dma_start3A_266 = tpu.memref_squeeze %dma_start3A_265 : memref<1x128xi32, #tpu.memory_space<vmem>> -> memref<128xi32, #tpu.memory_space<vmem>>
      %dma_start3A_267 = arith.constant 0 : i32
      %dma_start3A_268 = arith.constant 0 : i32
      %dma_start3A_269 = tpu.memref_slice %arg2[%dma_start3A_267, %dma_start3A_268] : memref<10000x64xf32, #tpu.memory_space<hbm>> -> memref<10000x64xf32, #tpu.memory_space<hbm>>
      tpu.enqueue_indirect_dma source(%dma_start3A_269 : memref<10000x64xf32, #tpu.memory_space<hbm>>) target(%arg10 : memref<128x64xf32, #tpu.memory_space<vmem>>) offsets(%dma_start3A_266 : memref<128xi32, #tpu.memory_space<vmem>>) semaphore(%arg16 : memref<!tpu.dma_semaphore, #tpu.memory_space<semaphore_mem>>)
      %mul3A_270 = arith.constant 4 : i32
      %mul3A_271 = arith.muli %scan3A_150, %mul3A_270 : i32
      %add3A_272 = arith.constant 3 : i32
      %add3A_273 = arith.addi %mul3A_271, %add3A_272 : i32
      %dma_wait3A_274 = arith.constant 0 : i32
      %dma_wait3A_275 = tpu.memref_slice %arg7[%add3A_273, %dma_wait3A_274] : memref<80x128xi32, #tpu.memory_space<vmem>> -> memref<1x128xi32, #tpu.memory_space<vmem>>
      %dma_wait3A_276 = tpu.memref_squeeze %dma_wait3A_275 : memref<1x128xi32, #tpu.memory_space<vmem>> -> memref<128xi32, #tpu.memory_space<vmem>>
      %dma_wait3A_277 = arith.constant 0 : i32
      %dma_wait3A_278 = arith.constant 0 : i32
      %dma_wait3A_279 = tpu.memref_slice %arg13[%dma_wait3A_277, %dma_wait3A_278] : memref<10240x64xf32, #tpu.memory_space<vmem_shared>> -> memref<10240x64xf32, #tpu.memory_space<vmem_shared>>
      tpu.wait_indirect_dma semaphore(%arg21 : memref<!tpu.dma_semaphore, #tpu.memory_space<semaphore_mem>>) src(%arg11 : memref<128x64xf32, #tpu.memory_space<vmem>>) dst(%dma_wait3A_279 : memref<10240x64xf32, #tpu.memory_space<vmem_shared>>)
      %add3A_280 = arith.constant 4 : i32
      %add3A_281 = arith.addi %add3A_273, %add3A_280 : i32
      %dma_start3A_282 = arith.constant 0 : i32
      %dma_start3A_283 = tpu.memref_slice %arg6[%add3A_281, %dma_start3A_282] : memref<80x128xi32, #tpu.memory_space<vmem>> -> memref<1x128xi32, #tpu.memory_space<vmem>>
      %dma_start3A_284 = tpu.memref_squeeze %dma_start3A_283 : memref<1x128xi32, #tpu.memory_space<vmem>> -> memref<128xi32, #tpu.memory_space<vmem>>
      %dma_start3A_285 = arith.constant 0 : i32
      %dma_start3A_286 = arith.constant 0 : i32
      %dma_start3A_287 = tpu.memref_slice %arg2[%dma_start3A_285, %dma_start3A_286] : memref<10000x64xf32, #tpu.memory_space<hbm>> -> memref<10000x64xf32, #tpu.memory_space<hbm>>
      tpu.enqueue_indirect_dma source(%dma_start3A_287 : memref<10000x64xf32, #tpu.memory_space<hbm>>) target(%arg11 : memref<128x64xf32, #tpu.memory_space<vmem>>) offsets(%dma_start3A_284 : memref<128xi32, #tpu.memory_space<vmem>>) semaphore(%arg17 : memref<!tpu.dma_semaphore, #tpu.memory_space<semaphore_mem>>)
      %scan3A_288 = arith.constant 0 : i32
      scf.yield %scan3A_288 : i32
    }
    %scan3A_61 = arith.constant 19 : i32
    %dma_wait3A = arith.constant 76 : i32
    %dma_wait3A_62 = arith.constant 0 : i32
    %dma_wait3A_63 = tpu.memref_slice %arg6[%dma_wait3A, %dma_wait3A_62] : memref<80x128xi32, #tpu.memory_space<vmem>> -> memref<1x128xi32, #tpu.memory_space<vmem>>
    %dma_wait3A_64 = tpu.memref_squeeze %dma_wait3A_63 : memref<1x128xi32, #tpu.memory_space<vmem>> -> memref<128xi32, #tpu.memory_space<vmem>>
    %dma_wait3A_65 = arith.constant 0 : i32
    %dma_wait3A_66 = arith.constant 0 : i32
    %dma_wait3A_67 = tpu.memref_slice %arg2[%dma_wait3A_65, %dma_wait3A_66] : memref<10000x64xf32, #tpu.memory_space<hbm>> -> memref<10000x64xf32, #tpu.memory_space<hbm>>
    tpu.wait_indirect_dma semaphore(%arg14 : memref<!tpu.dma_semaphore, #tpu.memory_space<semaphore_mem>>) src(%dma_wait3A_67 : memref<10000x64xf32, #tpu.memory_space<hbm>>) dst(%arg8 : memref<128x64xf32, #tpu.memory_space<vmem>>)
    %dma_start3A_68 = arith.constant 76 : i32
    %dma_start3A_69 = arith.constant 0 : i32
    %dma_start3A_70 = tpu.memref_slice %arg7[%dma_start3A_68, %dma_start3A_69] : memref<80x128xi32, #tpu.memory_space<vmem>> -> memref<1x128xi32, #tpu.memory_space<vmem>>
    %dma_start3A_71 = tpu.memref_squeeze %dma_start3A_70 : memref<1x128xi32, #tpu.memory_space<vmem>> -> memref<128xi32, #tpu.memory_space<vmem>>
    %dma_start3A_72 = arith.constant 0 : i32
    %dma_start3A_73 = arith.constant 0 : i32
    %dma_start3A_74 = tpu.memref_slice %arg13[%dma_start3A_72, %dma_start3A_73] : memref<10240x64xf32, #tpu.memory_space<vmem_shared>> -> memref<10240x64xf32, #tpu.memory_space<vmem_shared>>
    tpu.enqueue_indirect_dma source(%arg8 : memref<128x64xf32, #tpu.memory_space<vmem>>) target(%dma_start3A_74 : memref<10240x64xf32, #tpu.memory_space<vmem_shared>>) offsets(%dma_start3A_71 : memref<128xi32, #tpu.memory_space<vmem>>) semaphore(%arg18 : memref<!tpu.dma_semaphore, #tpu.memory_space<semaphore_mem>>) {add = true}
    %dma_wait3A_75 = arith.constant 77 : i32
    %dma_wait3A_76 = arith.constant 0 : i32
    %dma_wait3A_77 = tpu.memref_slice %arg6[%dma_wait3A_75, %dma_wait3A_76] : memref<80x128xi32, #tpu.memory_space<vmem>> -> memref<1x128xi32, #tpu.memory_space<vmem>>
    %dma_wait3A_78 = tpu.memref_squeeze %dma_wait3A_77 : memref<1x128xi32, #tpu.memory_space<vmem>> -> memref<128xi32, #tpu.memory_space<vmem>>
    %dma_wait3A_79 = arith.constant 0 : i32
    %dma_wait3A_80 = arith.constant 0 : i32
    %dma_wait3A_81 = tpu.memref_slice %arg2[%dma_wait3A_79, %dma_wait3A_80] : memref<10000x64xf32, #tpu.memory_space<hbm>> -> memref<10000x64xf32, #tpu.memory_space<hbm>>
    tpu.wait_indirect_dma semaphore(%arg15 : memref<!tpu.dma_semaphore, #tpu.memory_space<semaphore_mem>>) src(%dma_wait3A_81 : memref<10000x64xf32, #tpu.memory_space<hbm>>) dst(%arg9 : memref<128x64xf32, #tpu.memory_space<vmem>>)
    %dma_start3A_82 = arith.constant 77 : i32
    %dma_start3A_83 = arith.constant 0 : i32
    %dma_start3A_84 = tpu.memref_slice %arg7[%dma_start3A_82, %dma_start3A_83] : memref<80x128xi32, #tpu.memory_space<vmem>> -> memref<1x128xi32, #tpu.memory_space<vmem>>
    %dma_start3A_85 = tpu.memref_squeeze %dma_start3A_84 : memref<1x128xi32, #tpu.memory_space<vmem>> -> memref<128xi32, #tpu.memory_space<vmem>>
    %dma_start3A_86 = arith.constant 0 : i32
    %dma_start3A_87 = arith.constant 0 : i32
    %dma_start3A_88 = tpu.memref_slice %arg13[%dma_start3A_86, %dma_start3A_87] : memref<10240x64xf32, #tpu.memory_space<vmem_shared>> -> memref<10240x64xf32, #tpu.memory_space<vmem_shared>>
    tpu.enqueue_indirect_dma source(%arg9 : memref<128x64xf32, #tpu.memory_space<vmem>>) target(%dma_start3A_88 : memref<10240x64xf32, #tpu.memory_space<vmem_shared>>) offsets(%dma_start3A_85 : memref<128xi32, #tpu.memory_space<vmem>>) semaphore(%arg19 : memref<!tpu.dma_semaphore, #tpu.memory_space<semaphore_mem>>) {add = true}
    %dma_wait3A_89 = arith.constant 78 : i32
    %dma_wait3A_90 = arith.constant 0 : i32
    %dma_wait3A_91 = tpu.memref_slice %arg6[%dma_wait3A_89, %dma_wait3A_90] : memref<80x128xi32, #tpu.memory_space<vmem>> -> memref<1x128xi32, #tpu.memory_space<vmem>>
    %dma_wait3A_92 = tpu.memref_squeeze %dma_wait3A_91 : memref<1x128xi32, #tpu.memory_space<vmem>> -> memref<128xi32, #tpu.memory_space<vmem>>
    %dma_wait3A_93 = arith.constant 0 : i32
    %dma_wait3A_94 = arith.constant 0 : i32
    %dma_wait3A_95 = tpu.memref_slice %arg2[%dma_wait3A_93, %dma_wait3A_94] : memref<10000x64xf32, #tpu.memory_space<hbm>> -> memref<10000x64xf32, #tpu.memory_space<hbm>>
    tpu.wait_indirect_dma semaphore(%arg16 : memref<!tpu.dma_semaphore, #tpu.memory_space<semaphore_mem>>) src(%dma_wait3A_95 : memref<10000x64xf32, #tpu.memory_space<hbm>>) dst(%arg10 : memref<128x64xf32, #tpu.memory_space<vmem>>)
    %dma_start3A_96 = arith.constant 78 : i32
    %dma_start3A_97 = arith.constant 0 : i32
    %dma_start3A_98 = tpu.memref_slice %arg7[%dma_start3A_96, %dma_start3A_97] : memref<80x128xi32, #tpu.memory_space<vmem>> -> memref<1x128xi32, #tpu.memory_space<vmem>>
    %dma_start3A_99 = tpu.memref_squeeze %dma_start3A_98 : memref<1x128xi32, #tpu.memory_space<vmem>> -> memref<128xi32, #tpu.memory_space<vmem>>
    %dma_start3A_100 = arith.constant 0 : i32
    %dma_start3A_101 = arith.constant 0 : i32
    %dma_start3A_102 = tpu.memref_slice %arg13[%dma_start3A_100, %dma_start3A_101] : memref<10240x64xf32, #tpu.memory_space<vmem_shared>> -> memref<10240x64xf32, #tpu.memory_space<vmem_shared>>
    tpu.enqueue_indirect_dma source(%arg10 : memref<128x64xf32, #tpu.memory_space<vmem>>) target(%dma_start3A_102 : memref<10240x64xf32, #tpu.memory_space<vmem_shared>>) offsets(%dma_start3A_99 : memref<128xi32, #tpu.memory_space<vmem>>) semaphore(%arg20 : memref<!tpu.dma_semaphore, #tpu.memory_space<semaphore_mem>>) {add = true}
    %dma_wait3A_103 = arith.constant 79 : i32
    %dma_wait3A_104 = arith.constant 0 : i32
    %dma_wait3A_105 = tpu.memref_slice %arg6[%dma_wait3A_103, %dma_wait3A_104] : memref<80x128xi32, #tpu.memory_space<vmem>> -> memref<1x128xi32, #tpu.memory_space<vmem>>
    %dma_wait3A_106 = tpu.memref_squeeze %dma_wait3A_105 : memref<1x128xi32, #tpu.memory_space<vmem>> -> memref<128xi32, #tpu.memory_space<vmem>>
    %dma_wait3A_107 = arith.constant 0 : i32
    %dma_wait3A_108 = arith.constant 0 : i32
    %dma_wait3A_109 = tpu.memref_slice %arg2[%dma_wait3A_107, %dma_wait3A_108] : memref<10000x64xf32, #tpu.memory_space<hbm>> -> memref<10000x64xf32, #tpu.memory_space<hbm>>
    tpu.wait_indirect_dma semaphore(%arg17 : memref<!tpu.dma_semaphore, #tpu.memory_space<semaphore_mem>>) src(%dma_wait3A_109 : memref<10000x64xf32, #tpu.memory_space<hbm>>) dst(%arg11 : memref<128x64xf32, #tpu.memory_space<vmem>>)
    %dma_start3A_110 = arith.constant 79 : i32
    %dma_start3A_111 = arith.constant 0 : i32
    %dma_start3A_112 = tpu.memref_slice %arg7[%dma_start3A_110, %dma_start3A_111] : memref<80x128xi32, #tpu.memory_space<vmem>> -> memref<1x128xi32, #tpu.memory_space<vmem>>
    %dma_start3A_113 = tpu.memref_squeeze %dma_start3A_112 : memref<1x128xi32, #tpu.memory_space<vmem>> -> memref<128xi32, #tpu.memory_space<vmem>>
    %dma_start3A_114 = arith.constant 0 : i32
    %dma_start3A_115 = arith.constant 0 : i32
    %dma_start3A_116 = tpu.memref_slice %arg13[%dma_start3A_114, %dma_start3A_115] : memref<10240x64xf32, #tpu.memory_space<vmem_shared>> -> memref<10240x64xf32, #tpu.memory_space<vmem_shared>>
    tpu.enqueue_indirect_dma source(%arg11 : memref<128x64xf32, #tpu.memory_space<vmem>>) target(%dma_start3A_116 : memref<10240x64xf32, #tpu.memory_space<vmem_shared>>) offsets(%dma_start3A_113 : memref<128xi32, #tpu.memory_space<vmem>>) semaphore(%arg21 : memref<!tpu.dma_semaphore, #tpu.memory_space<semaphore_mem>>) {add = true}
    %dma_wait3A_117 = arith.constant 76 : i32
    %dma_wait3A_118 = arith.constant 0 : i32
    %dma_wait3A_119 = tpu.memref_slice %arg7[%dma_wait3A_117, %dma_wait3A_118] : memref<80x128xi32, #tpu.memory_space<vmem>> -> memref<1x128xi32, #tpu.memory_space<vmem>>
    %dma_wait3A_120 = tpu.memref_squeeze %dma_wait3A_119 : memref<1x128xi32, #tpu.memory_space<vmem>> -> memref<128xi32, #tpu.memory_space<vmem>>
    %dma_wait3A_121 = arith.constant 0 : i32
    %dma_wait3A_122 = arith.constant 0 : i32
    %dma_wait3A_123 = tpu.memref_slice %arg13[%dma_wait3A_121, %dma_wait3A_122] : memref<10240x64xf32, #tpu.memory_space<vmem_shared>> -> memref<10240x64xf32, #tpu.memory_space<vmem_shared>>
    tpu.wait_indirect_dma semaphore(%arg18 : memref<!tpu.dma_semaphore, #tpu.memory_space<semaphore_mem>>) src(%arg8 : memref<128x64xf32, #tpu.memory_space<vmem>>) dst(%dma_wait3A_123 : memref<10240x64xf32, #tpu.memory_space<vmem_shared>>)
    %dma_wait3A_124 = arith.constant 77 : i32
    %dma_wait3A_125 = arith.constant 0 : i32
    %dma_wait3A_126 = tpu.memref_slice %arg7[%dma_wait3A_124, %dma_wait3A_125] : memref<80x128xi32, #tpu.memory_space<vmem>> -> memref<1x128xi32, #tpu.memory_space<vmem>>
    %dma_wait3A_127 = tpu.memref_squeeze %dma_wait3A_126 : memref<1x128xi32, #tpu.memory_space<vmem>> -> memref<128xi32, #tpu.memory_space<vmem>>
    %dma_wait3A_128 = arith.constant 0 : i32
    %dma_wait3A_129 = arith.constant 0 : i32
    %dma_wait3A_130 = tpu.memref_slice %arg13[%dma_wait3A_128, %dma_wait3A_129] : memref<10240x64xf32, #tpu.memory_space<vmem_shared>> -> memref<10240x64xf32, #tpu.memory_space<vmem_shared>>
    tpu.wait_indirect_dma semaphore(%arg19 : memref<!tpu.dma_semaphore, #tpu.memory_space<semaphore_mem>>) src(%arg9 : memref<128x64xf32, #tpu.memory_space<vmem>>) dst(%dma_wait3A_130 : memref<10240x64xf32, #tpu.memory_space<vmem_shared>>)
    %dma_wait3A_131 = arith.constant 78 : i32
    %dma_wait3A_132 = arith.constant 0 : i32
    %dma_wait3A_133 = tpu.memref_slice %arg7[%dma_wait3A_131, %dma_wait3A_132] : memref<80x128xi32, #tpu.memory_space<vmem>> -> memref<1x128xi32, #tpu.memory_space<vmem>>
    %dma_wait3A_134 = tpu.memref_squeeze %dma_wait3A_133 : memref<1x128xi32, #tpu.memory_space<vmem>> -> memref<128xi32, #tpu.memory_space<vmem>>
    %dma_wait3A_135 = arith.constant 0 : i32
    %dma_wait3A_136 = arith.constant 0 : i32
    %dma_wait3A_137 = tpu.memref_slice %arg13[%dma_wait3A_135, %dma_wait3A_136] : memref<10240x64xf32, #tpu.memory_space<vmem_shared>> -> memref<10240x64xf32, #tpu.memory_space<vmem_shared>>
    tpu.wait_indirect_dma semaphore(%arg20 : memref<!tpu.dma_semaphore, #tpu.memory_space<semaphore_mem>>) src(%arg10 : memref<128x64xf32, #tpu.memory_space<vmem>>) dst(%dma_wait3A_137 : memref<10240x64xf32, #tpu.memory_space<vmem_shared>>)
    %dma_wait3A_138 = arith.constant 79 : i32
    %dma_wait3A_139 = arith.constant 0 : i32
    %dma_wait3A_140 = tpu.memref_slice %arg7[%dma_wait3A_138, %dma_wait3A_139] : memref<80x128xi32, #tpu.memory_space<vmem>> -> memref<1x128xi32, #tpu.memory_space<vmem>>
    %dma_wait3A_141 = tpu.memref_squeeze %dma_wait3A_140 : memref<1x128xi32, #tpu.memory_space<vmem>> -> memref<128xi32, #tpu.memory_space<vmem>>
    %dma_wait3A_142 = arith.constant 0 : i32
    %dma_wait3A_143 = arith.constant 0 : i32
    %dma_wait3A_144 = tpu.memref_slice %arg13[%dma_wait3A_142, %dma_wait3A_143] : memref<10240x64xf32, #tpu.memory_space<vmem_shared>> -> memref<10240x64xf32, #tpu.memory_space<vmem_shared>>
    tpu.wait_indirect_dma semaphore(%arg21 : memref<!tpu.dma_semaphore, #tpu.memory_space<semaphore_mem>>) src(%arg11 : memref<128x64xf32, #tpu.memory_space<vmem>>) dst(%dma_wait3A_144 : memref<10240x64xf32, #tpu.memory_space<vmem_shared>>)
    %barrier3A_145 = arith.constant 0 : index
    tpu.barrier barrier_id(%barrier3A_145)
    %mul3A_146 = arith.constant 640 : i32
    %mul3A_147 = arith.muli %arg1, %mul3A_146 : i32
    %mul3A_148 = arith.constant 640 : i32
    %mul3A_149 = arith.muli %arg1, %mul3A_148 : i32
    "tpu.region"() ({
      %run_scoped3A = tpu.sem_alloc : memref<!tpu.dma_semaphore, #tpu.memory_space<semaphore_mem>>
      %dma_start3A_150 = arith.constant 0 : i32
      %dma_start3A_151 = tpu.memref_slice %arg5[%arg0, %mul3A_149, %dma_start3A_150] : memref<2x10240x64xf32, #tpu.memory_space<hbm>> -> memref<1x640x64xf32, #tpu.memory_space<hbm>>
      %dma_start3A_152 = tpu.memref_squeeze %dma_start3A_151 : memref<1x640x64xf32, #tpu.memory_space<hbm>> -> memref<640x64xf32, #tpu.memory_space<hbm>>
      %dma_start3A_153 = arith.constant 0 : i32
      %dma_start3A_154 = tpu.memref_slice %arg13[%mul3A_147, %dma_start3A_153] : memref<10240x64xf32, #tpu.memory_space<vmem_shared>> -> memref<640x64xf32, #tpu.memory_space<vmem_shared>>
      tpu.enqueue_dma source(%dma_start3A_154 : memref<640x64xf32, #tpu.memory_space<vmem_shared>>) target(%dma_start3A_152 : memref<640x64xf32, #tpu.memory_space<hbm>>) target_semaphore(%run_scoped3A : memref<!tpu.dma_semaphore, #tpu.memory_space<semaphore_mem>>)
      %dma_wait3A_155 = arith.constant 0 : i32
      %dma_wait3A_156 = tpu.memref_slice %arg5[%arg0, %mul3A_149, %dma_wait3A_155] : memref<2x10240x64xf32, #tpu.memory_space<hbm>> -> memref<1x640x64xf32, #tpu.memory_space<hbm>>
      %dma_wait3A_157 = tpu.memref_squeeze %dma_wait3A_156 : memref<1x640x64xf32, #tpu.memory_space<hbm>> -> memref<640x64xf32, #tpu.memory_space<hbm>>
      %dma_wait3A_158 = arith.constant 0 : i32
      %dma_wait3A_159 = tpu.memref_slice %arg13[%mul3A_147, %dma_wait3A_158] : memref<10240x64xf32, #tpu.memory_space<vmem_shared>> -> memref<640x64xf32, #tpu.memory_space<vmem_shared>>
      tpu.wait_dma2 semaphore(%run_scoped3A : memref<!tpu.dma_semaphore, #tpu.memory_space<semaphore_mem>>) src(%dma_wait3A_159 : memref<640x64xf32, #tpu.memory_space<vmem_shared>>) dst(%dma_wait3A_157 : memref<640x64xf32, #tpu.memory_space<hbm>>)
      tpu.yield
    }) : () -> ()
    return
  }
}

#map = affine_map<(d0, d1) -> (0, 0)>
#map1 = affine_map<(d0, d1) -> (0, 0, 0)>
module attributes {stable_mosaic.version = 14 : i64} {
  func.func @agg_kernel(%arg0: i32, %arg1: i32, %arg2: memref<10000x64xf32, #tpu.memory_space<hbm>>, %arg3: memref<32x80x128xi32, #tpu.memory_space<hbm>>, %arg4: memref<32x80x128xi32, #tpu.memory_space<hbm>>, %arg5: memref<2x10240x64xf32, #tpu.memory_space<hbm>>, %arg6: memref<80x128xi32, #tpu.memory_space<vmem>>, %arg7: memref<80x128xi32, #tpu.memory_space<vmem>>, %arg8: memref<128x64xf32, #tpu.memory_space<vmem>>, %arg9: memref<128x64xf32, #tpu.memory_space<vmem>>, %arg10: memref<128x64xf32, #tpu.memory_space<vmem>>, %arg11: memref<128x64xf32, #tpu.memory_space<vmem>>, %arg12: memref<128x64xf32, #tpu.memory_space<vmem>>, %arg13: memref<10240x64xf32, #tpu.memory_space<vmem_shared>>, %arg14: memref<!tpu.dma_semaphore, #tpu.memory_space<semaphore_mem>>, %arg15: memref<!tpu.dma_semaphore, #tpu.memory_space<semaphore_mem>>, %arg16: memref<!tpu.dma_semaphore, #tpu.memory_space<semaphore_mem>>, %arg17: memref<!tpu.dma_semaphore, #tpu.memory_space<semaphore_mem>>, %arg18: memref<!tpu.dma_semaphore, #tpu.memory_space<semaphore_mem>>, %arg19: memref<!tpu.dma_semaphore, #tpu.memory_space<semaphore_mem>>, %arg20: memref<!tpu.dma_semaphore, #tpu.memory_space<semaphore_mem>>, %arg21: memref<!tpu.dma_semaphore, #tpu.memory_space<semaphore_mem>>) attributes {dimension_semantics = [#tpu.dimension_semantics<core_parallel>, #tpu.dimension_semantics<subcore_parallel>], iteration_bounds = array<i64: 2, 16>, scalar_prefetch = 0 : i64, scratch_operands = 16 : i64, tpu.core_type = #tpu.core_type<sc_vector_subcore>, window_params = [{transform_indices = #map}, {transform_indices = #map1}, {transform_indices = #map1}, {transform_indices = #map1}]} {
    %mul3A = arith.constant 16 : i32
    %mul3A_0 = arith.muli %arg0, %mul3A : i32
    %add3A = arith.addi %mul3A_0, %arg1 : i32
    %broadcast_in_dim3A = arith.constant 0.000000e+00 : f32
    %broadcast_in_dim3A_1 = vector.broadcast %broadcast_in_dim3A : f32 to vector<16xf32>
    %scan3A = arith.constant 0 : i32
    %scan3A_2 = arith.constant 0 : i32
    %scan3A_3 = arith.constant 128 : i32
    %scan3A_4 = arith.addi %scan3A_2, %scan3A_3 : i32
    %scan3A_5 = arith.constant 1 : i32
    %scan3A_6 = scf.for %scan3A_150 = %scan3A_2 to %scan3A_4 step %scan3A_5 iter_args(%scan3A_151 = %scan3A) -> (i32)  : i32 {
      %swap3A = arith.index_cast %scan3A_150 : i32 to index
      %swap3A_152 = arith.constant 0 : index
      %swap3A_153 = tpu.vector_load %arg12[%swap3A, %swap3A_152] {strides = array<i32>} : memref<128x64xf32, #tpu.memory_space<vmem>>, vector<1x16xf32>,
      %swap3A_154 = vector.shape_cast %swap3A_153 : vector<1x16xf32> to vector<16xf32>
      %swap3A_155 = vector.shape_cast %broadcast_in_dim3A_1 : vector<16xf32> to vector<1x16xf32>
      tpu.vector_store %arg12[%swap3A, %swap3A_152], %swap3A_155 {strides = array<i32>} : memref<128x64xf32, #tpu.memory_space<vmem>>, vector<1x16xf32>,
      %swap3A_156 = arith.index_cast %scan3A_150 : i32 to index
      %swap3A_157 = arith.constant 16 : index
      %swap3A_158 = tpu.vector_load %arg12[%swap3A_156, %swap3A_157] {strides = array<i32>} : memref<128x64xf32, #tpu.memory_space<vmem>>, vector<1x16xf32>,
      %swap3A_159 = vector.shape_cast %swap3A_158 : vector<1x16xf32> to vector<16xf32>
      %swap3A_160 = vector.shape_cast %broadcast_in_dim3A_1 : vector<16xf32> to vector<1x16xf32>
      tpu.vector_store %arg12[%swap3A_156, %swap3A_157], %swap3A_160 {strides = array<i32>} : memref<128x64xf32, #tpu.memory_space<vmem>>, vector<1x16xf32>,
      %swap3A_161 = arith.index_cast %scan3A_150 : i32 to index
      %swap3A_162 = arith.constant 32 : index
      %swap3A_163 = tpu.vector_load %arg12[%swap3A_161, %swap3A_162] {strides = array<i32>} : memref<128x64xf32, #tpu.memory_space<vmem>>, vector<1x16xf32>,
      %swap3A_164 = vector.shape_cast %swap3A_163 : vector<1x16xf32> to vector<16xf32>
      %swap3A_165 = vector.shape_cast %broadcast_in_dim3A_1 : vector<16xf32> to vector<1x16xf32>
      tpu.vector_store %arg12[%swap3A_161, %swap3A_162], %swap3A_165 {strides = array<i32>} : memref<128x64xf32, #tpu.memory_space<vmem>>, vector<1x16xf32>,
      %swap3A_166 = arith.index_cast %scan3A_150 : i32 to index
      %swap3A_167 = arith.constant 48 : index
      %swap3A_168 = tpu.vector_load %arg12[%swap3A_166, %swap3A_167] {strides = array<i32>} : memref<128x64xf32, #tpu.memory_space<vmem>>, vector<1x16xf32>,
      %swap3A_169 = vector.shape_cast %swap3A_168 : vector<1x16xf32> to vector<16xf32>
      %swap3A_170 = vector.shape_cast %broadcast_in_dim3A_1 : vector<16xf32> to vector<1x16xf32>
      tpu.vector_store %arg12[%swap3A_166, %swap3A_167], %swap3A_170 {strides = array<i32>} : memref<128x64xf32, #tpu.memory_space<vmem>>, vector<1x16xf32>,
      %scan3A_171 = arith.constant 0 : i32
      scf.yield %scan3A_171 : i32
    }
    %scan3A_7 = arith.constant 128 : i32
    %mul3A_8 = arith.constant 640 : i32
    %mul3A_9 = arith.muli %arg1, %mul3A_8 : i32
    %add3A_10 = arith.constant 0 : i32
    %add3A_11 = arith.addi %mul3A_9, %add3A_10 : i32
    "tpu.region"() ({
      %run_scoped3A = tpu.sem_alloc : memref<!tpu.dma_semaphore, #tpu.memory_space<semaphore_mem>>
      %dma_start3A_150 = arith.constant 0 : i32
      %dma_start3A_151 = tpu.memref_slice %arg13[%add3A_11, %dma_start3A_150] : memref<10240x64xf32, #tpu.memory_space<vmem_shared>> -> memref<128x64xf32, #tpu.memory_space<vmem_shared>>
      %dma_start3A_152 = arith.constant 0 : i32
      %dma_start3A_153 = tpu.memref_slice %arg13[%add3A_11, %dma_start3A_152] : memref<10240x64xf32, #tpu.memory_space<vmem_shared>> -> memref<128x64xf32, #tpu.memory_space<vmem_shared>>
      tpu.enqueue_dma source(%arg12 : memref<128x64xf32, #tpu.memory_space<vmem>>) target(%dma_start3A_153 : memref<128x64xf32, #tpu.memory_space<vmem_shared>>) target_semaphore(%run_scoped3A : memref<!tpu.dma_semaphore, #tpu.memory_space<semaphore_mem>>)
      %dma_wait3A_154 = arith.constant 0 : i32
      %dma_wait3A_155 = tpu.memref_slice %arg13[%add3A_11, %dma_wait3A_154] : memref<10240x64xf32, #tpu.memory_space<vmem_shared>> -> memref<128x64xf32, #tpu.memory_space<vmem_shared>>
      %dma_wait3A_156 = arith.constant 0 : i32
      %dma_wait3A_157 = tpu.memref_slice %arg13[%add3A_11, %dma_wait3A_156] : memref<10240x64xf32, #tpu.memory_space<vmem_shared>> -> memref<128x64xf32, #tpu.memory_space<vmem_shared>>
      tpu.wait_dma2 semaphore(%run_scoped3A : memref<!tpu.dma_semaphore, #tpu.memory_space<semaphore_mem>>) src(%arg12 : memref<128x64xf32, #tpu.memory_space<vmem>>) dst(%dma_wait3A_157 : memref<128x64xf32, #tpu.memory_space<vmem_shared>>)
      tpu.yield
    }) : () -> ()
    %mul3A_12 = arith.constant 640 : i32
    %mul3A_13 = arith.muli %arg1, %mul3A_12 : i32
    %add3A_14 = arith.constant 128 : i32
    %add3A_15 = arith.addi %mul3A_13, %add3A_14 : i32
    "tpu.region"() ({
      %run_scoped3A = tpu.sem_alloc : memref<!tpu.dma_semaphore, #tpu.memory_space<semaphore_mem>>
      %dma_start3A_150 = arith.constant 0 : i32
      %dma_start3A_151 = tpu.memref_slice %arg13[%add3A_15, %dma_start3A_150] : memref<10240x64xf32, #tpu.memory_space<vmem_shared>> -> memref<128x64xf32, #tpu.memory_space<vmem_shared>>
      %dma_start3A_152 = arith.constant 0 : i32
      %dma_start3A_153 = tpu.memref_slice %arg13[%add3A_15, %dma_start3A_152] : memref<10240x64xf32, #tpu.memory_space<vmem_shared>> -> memref<128x64xf32, #tpu.memory_space<vmem_shared>>
      tpu.enqueue_dma source(%arg12 : memref<128x64xf32, #tpu.memory_space<vmem>>) target(%dma_start3A_153 : memref<128x64xf32, #tpu.memory_space<vmem_shared>>) target_semaphore(%run_scoped3A : memref<!tpu.dma_semaphore, #tpu.memory_space<semaphore_mem>>)
      %dma_wait3A_154 = arith.constant 0 : i32
      %dma_wait3A_155 = tpu.memref_slice %arg13[%add3A_15, %dma_wait3A_154] : memref<10240x64xf32, #tpu.memory_space<vmem_shared>> -> memref<128x64xf32, #tpu.memory_space<vmem_shared>>
      %dma_wait3A_156 = arith.constant 0 : i32
      %dma_wait3A_157 = tpu.memref_slice %arg13[%add3A_15, %dma_wait3A_156] : memref<10240x64xf32, #tpu.memory_space<vmem_shared>> -> memref<128x64xf32, #tpu.memory_space<vmem_shared>>
      tpu.wait_dma2 semaphore(%run_scoped3A : memref<!tpu.dma_semaphore, #tpu.memory_space<semaphore_mem>>) src(%arg12 : memref<128x64xf32, #tpu.memory_space<vmem>>) dst(%dma_wait3A_157 : memref<128x64xf32, #tpu.memory_space<vmem_shared>>)
      tpu.yield
    }) : () -> ()
    %mul3A_16 = arith.constant 640 : i32
    %mul3A_17 = arith.muli %arg1, %mul3A_16 : i32
    %add3A_18 = arith.constant 256 : i32
    %add3A_19 = arith.addi %mul3A_17, %add3A_18 : i32
    "tpu.region"() ({
      %run_scoped3A = tpu.sem_alloc : memref<!tpu.dma_semaphore, #tpu.memory_space<semaphore_mem>>
      %dma_start3A_150 = arith.constant 0 : i32
      %dma_start3A_151 = tpu.memref_slice %arg13[%add3A_19, %dma_start3A_150] : memref<10240x64xf32, #tpu.memory_space<vmem_shared>> -> memref<128x64xf32, #tpu.memory_space<vmem_shared>>
      %dma_start3A_152 = arith.constant 0 : i32
      %dma_start3A_153 = tpu.memref_slice %arg13[%add3A_19, %dma_start3A_152] : memref<10240x64xf32, #tpu.memory_space<vmem_shared>> -> memref<128x64xf32, #tpu.memory_space<vmem_shared>>
      tpu.enqueue_dma source(%arg12 : memref<128x64xf32, #tpu.memory_space<vmem>>) target(%dma_start3A_153 : memref<128x64xf32, #tpu.memory_space<vmem_shared>>) target_semaphore(%run_scoped3A : memref<!tpu.dma_semaphore, #tpu.memory_space<semaphore_mem>>)
      %dma_wait3A_154 = arith.constant 0 : i32
      %dma_wait3A_155 = tpu.memref_slice %arg13[%add3A_19, %dma_wait3A_154] : memref<10240x64xf32, #tpu.memory_space<vmem_shared>> -> memref<128x64xf32, #tpu.memory_space<vmem_shared>>
      %dma_wait3A_156 = arith.constant 0 : i32
      %dma_wait3A_157 = tpu.memref_slice %arg13[%add3A_19, %dma_wait3A_156] : memref<10240x64xf32, #tpu.memory_space<vmem_shared>> -> memref<128x64xf32, #tpu.memory_space<vmem_shared>>
      tpu.wait_dma2 semaphore(%run_scoped3A : memref<!tpu.dma_semaphore, #tpu.memory_space<semaphore_mem>>) src(%arg12 : memref<128x64xf32, #tpu.memory_space<vmem>>) dst(%dma_wait3A_157 : memref<128x64xf32, #tpu.memory_space<vmem_shared>>)
      tpu.yield
    }) : () -> ()
    %mul3A_20 = arith.constant 640 : i32
    %mul3A_21 = arith.muli %arg1, %mul3A_20 : i32
    %add3A_22 = arith.constant 384 : i32
    %add3A_23 = arith.addi %mul3A_21, %add3A_22 : i32
    "tpu.region"() ({
      %run_scoped3A = tpu.sem_alloc : memref<!tpu.dma_semaphore, #tpu.memory_space<semaphore_mem>>
      %dma_start3A_150 = arith.constant 0 : i32
      %dma_start3A_151 = tpu.memref_slice %arg13[%add3A_23, %dma_start3A_150] : memref<10240x64xf32, #tpu.memory_space<vmem_shared>> -> memref<128x64xf32, #tpu.memory_space<vmem_shared>>
      %dma_start3A_152 = arith.constant 0 : i32
      %dma_start3A_153 = tpu.memref_slice %arg13[%add3A_23, %dma_start3A_152] : memref<10240x64xf32, #tpu.memory_space<vmem_shared>> -> memref<128x64xf32, #tpu.memory_space<vmem_shared>>
      tpu.enqueue_dma source(%arg12 : memref<128x64xf32, #tpu.memory_space<vmem>>) target(%dma_start3A_153 : memref<128x64xf32, #tpu.memory_space<vmem_shared>>) target_semaphore(%run_scoped3A : memref<!tpu.dma_semaphore, #tpu.memory_space<semaphore_mem>>)
      %dma_wait3A_154 = arith.constant 0 : i32
      %dma_wait3A_155 = tpu.memref_slice %arg13[%add3A_23, %dma_wait3A_154] : memref<10240x64xf32, #tpu.memory_space<vmem_shared>> -> memref<128x64xf32, #tpu.memory_space<vmem_shared>>
      %dma_wait3A_156 = arith.constant 0 : i32
      %dma_wait3A_157 = tpu.memref_slice %arg13[%add3A_23, %dma_wait3A_156] : memref<10240x64xf32, #tpu.memory_space<vmem_shared>> -> memref<128x64xf32, #tpu.memory_space<vmem_shared>>
      tpu.wait_dma2 semaphore(%run_scoped3A : memref<!tpu.dma_semaphore, #tpu.memory_space<semaphore_mem>>) src(%arg12 : memref<128x64xf32, #tpu.memory_space<vmem>>) dst(%dma_wait3A_157 : memref<128x64xf32, #tpu.memory_space<vmem_shared>>)
      tpu.yield
    }) : () -> ()
    %mul3A_24 = arith.constant 640 : i32
    %mul3A_25 = arith.muli %arg1, %mul3A_24 : i32
    %add3A_26 = arith.constant 512 : i32
    %add3A_27 = arith.addi %mul3A_25, %add3A_26 : i32
    "tpu.region"() ({
      %run_scoped3A = tpu.sem_alloc : memref<!tpu.dma_semaphore, #tpu.memory_space<semaphore_mem>>
      %dma_start3A_150 = arith.constant 0 : i32
      %dma_start3A_151 = tpu.memref_slice %arg13[%add3A_27, %dma_start3A_150] : memref<10240x64xf32, #tpu.memory_space<vmem_shared>> -> memref<128x64xf32, #tpu.memory_space<vmem_shared>>
      %dma_start3A_152 = arith.constant 0 : i32
      %dma_start3A_153 = tpu.memref_slice %arg13[%add3A_27, %dma_start3A_152] : memref<10240x64xf32, #tpu.memory_space<vmem_shared>> -> memref<128x64xf32, #tpu.memory_space<vmem_shared>>
      tpu.enqueue_dma source(%arg12 : memref<128x64xf32, #tpu.memory_space<vmem>>) target(%dma_start3A_153 : memref<128x64xf32, #tpu.memory_space<vmem_shared>>) target_semaphore(%run_scoped3A : memref<!tpu.dma_semaphore, #tpu.memory_space<semaphore_mem>>)
      %dma_wait3A_154 = arith.constant 0 : i32
      %dma_wait3A_155 = tpu.memref_slice %arg13[%add3A_27, %dma_wait3A_154] : memref<10240x64xf32, #tpu.memory_space<vmem_shared>> -> memref<128x64xf32, #tpu.memory_space<vmem_shared>>
      %dma_wait3A_156 = arith.constant 0 : i32
      %dma_wait3A_157 = tpu.memref_slice %arg13[%add3A_27, %dma_wait3A_156] : memref<10240x64xf32, #tpu.memory_space<vmem_shared>> -> memref<128x64xf32, #tpu.memory_space<vmem_shared>>
      tpu.wait_dma2 semaphore(%run_scoped3A : memref<!tpu.dma_semaphore, #tpu.memory_space<semaphore_mem>>) src(%arg12 : memref<128x64xf32, #tpu.memory_space<vmem>>) dst(%dma_wait3A_157 : memref<128x64xf32, #tpu.memory_space<vmem_shared>>)
      tpu.yield
    }) : () -> ()
    %barrier3A = arith.constant 0 : index
    tpu.barrier barrier_id(%barrier3A)
    "tpu.region"() ({
      %run_scoped3A = tpu.sem_alloc : memref<!tpu.dma_semaphore, #tpu.memory_space<semaphore_mem>>
      %dma_start3A_150 = arith.constant 0 : i32
      %dma_start3A_151 = arith.constant 0 : i32
      %dma_start3A_152 = tpu.memref_slice %arg3[%add3A, %dma_start3A_150, %dma_start3A_151] : memref<32x80x128xi32, #tpu.memory_space<hbm>> -> memref<1x80x128xi32, #tpu.memory_space<hbm>>
      %dma_start3A_153 = tpu.memref_squeeze %dma_start3A_152 : memref<1x80x128xi32, #tpu.memory_space<hbm>> -> memref<80x128xi32, #tpu.memory_space<hbm>>
      %dma_start3A_154 = arith.constant 0 : i32
      %dma_start3A_155 = arith.constant 0 : i32
      %dma_start3A_156 = tpu.memref_slice %arg3[%add3A, %dma_start3A_154, %dma_start3A_155] : memref<32x80x128xi32, #tpu.memory_space<hbm>> -> memref<1x80x128xi32, #tpu.memory_space<hbm>>
      %dma_start3A_157 = tpu.memref_squeeze %dma_start3A_156 : memref<1x80x128xi32, #tpu.memory_space<hbm>> -> memref<80x128xi32, #tpu.memory_space<hbm>>
      tpu.enqueue_dma source(%dma_start3A_157 : memref<80x128xi32, #tpu.memory_space<hbm>>) target(%arg6 : memref<80x128xi32, #tpu.memory_space<vmem>>) target_semaphore(%run_scoped3A : memref<!tpu.dma_semaphore, #tpu.memory_space<semaphore_mem>>)
      %dma_wait3A_158 = arith.constant 0 : i32
      %dma_wait3A_159 = arith.constant 0 : i32
      %dma_wait3A_160 = tpu.memref_slice %arg3[%add3A, %dma_wait3A_158, %dma_wait3A_159] : memref<32x80x128xi32, #tpu.memory_space<hbm>> -> memref<1x80x128xi32, #tpu.memory_space<hbm>>
      %dma_wait3A_161 = tpu.memref_squeeze %dma_wait3A_160 : memref<1x80x128xi32, #tpu.memory_space<hbm>> -> memref<80x128xi32, #tpu.memory_space<hbm>>
      %dma_wait3A_162 = arith.constant 0 : i32
      %dma_wait3A_163 = arith.constant 0 : i32
      %dma_wait3A_164 = tpu.memref_slice %arg3[%add3A, %dma_wait3A_162, %dma_wait3A_163] : memref<32x80x128xi32, #tpu.memory_space<hbm>> -> memref<1x80x128xi32, #tpu.memory_space<hbm>>
      %dma_wait3A_165 = tpu.memref_squeeze %dma_wait3A_164 : memref<1x80x128xi32, #tpu.memory_space<hbm>> -> memref<80x128xi32, #tpu.memory_space<hbm>>
      tpu.wait_dma2 semaphore(%run_scoped3A : memref<!tpu.dma_semaphore, #tpu.memory_space<semaphore_mem>>) src(%dma_wait3A_165 : memref<80x128xi32, #tpu.memory_space<hbm>>) dst(%arg6 : memref<80x128xi32, #tpu.memory_space<vmem>>)
      tpu.yield
    }) : () -> ()
    "tpu.region"() ({
      %run_scoped3A = tpu.sem_alloc : memref<!tpu.dma_semaphore, #tpu.memory_space<semaphore_mem>>
      %dma_start3A_150 = arith.constant 0 : i32
      %dma_start3A_151 = arith.constant 0 : i32
      %dma_start3A_152 = tpu.memref_slice %arg4[%add3A, %dma_start3A_150, %dma_start3A_151] : memref<32x80x128xi32, #tpu.memory_space<hbm>> -> memref<1x80x128xi32, #tpu.memory_space<hbm>>
      %dma_start3A_153 = tpu.memref_squeeze %dma_start3A_152 : memref<1x80x128xi32, #tpu.memory_space<hbm>> -> memref<80x128xi32, #tpu.memory_space<hbm>>
      %dma_start3A_154 = arith.constant 0 : i32
      %dma_start3A_155 = arith.constant 0 : i32
      %dma_start3A_156 = tpu.memref_slice %arg4[%add3A, %dma_start3A_154, %dma_start3A_155] : memref<32x80x128xi32, #tpu.memory_space<hbm>> -> memref<1x80x128xi32, #tpu.memory_space<hbm>>
      %dma_start3A_157 = tpu.memref_squeeze %dma_start3A_156 : memref<1x80x128xi32, #tpu.memory_space<hbm>> -> memref<80x128xi32, #tpu.memory_space<hbm>>
      tpu.enqueue_dma source(%dma_start3A_157 : memref<80x128xi32, #tpu.memory_space<hbm>>) target(%arg7 : memref<80x128xi32, #tpu.memory_space<vmem>>) target_semaphore(%run_scoped3A : memref<!tpu.dma_semaphore, #tpu.memory_space<semaphore_mem>>)
      %dma_wait3A_158 = arith.constant 0 : i32
      %dma_wait3A_159 = arith.constant 0 : i32
      %dma_wait3A_160 = tpu.memref_slice %arg4[%add3A, %dma_wait3A_158, %dma_wait3A_159] : memref<32x80x128xi32, #tpu.memory_space<hbm>> -> memref<1x80x128xi32, #tpu.memory_space<hbm>>
      %dma_wait3A_161 = tpu.memref_squeeze %dma_wait3A_160 : memref<1x80x128xi32, #tpu.memory_space<hbm>> -> memref<80x128xi32, #tpu.memory_space<hbm>>
      %dma_wait3A_162 = arith.constant 0 : i32
      %dma_wait3A_163 = arith.constant 0 : i32
      %dma_wait3A_164 = tpu.memref_slice %arg4[%add3A, %dma_wait3A_162, %dma_wait3A_163] : memref<32x80x128xi32, #tpu.memory_space<hbm>> -> memref<1x80x128xi32, #tpu.memory_space<hbm>>
      %dma_wait3A_165 = tpu.memref_squeeze %dma_wait3A_164 : memref<1x80x128xi32, #tpu.memory_space<hbm>> -> memref<80x128xi32, #tpu.memory_space<hbm>>
      tpu.wait_dma2 semaphore(%run_scoped3A : memref<!tpu.dma_semaphore, #tpu.memory_space<semaphore_mem>>) src(%dma_wait3A_165 : memref<80x128xi32, #tpu.memory_space<hbm>>) dst(%arg7 : memref<80x128xi32, #tpu.memory_space<vmem>>)
      tpu.yield
    }) : () -> ()
    %dma_start3A = arith.constant 0 : i32
    %dma_start3A_28 = arith.constant 0 : i32
    %dma_start3A_29 = tpu.memref_slice %arg6[%dma_start3A, %dma_start3A_28] : memref<80x128xi32, #tpu.memory_space<vmem>> -> memref<1x128xi32, #tpu.memory_space<vmem>>
    %dma_start3A_30 = tpu.memref_squeeze %dma_start3A_29 : memref<1x128xi32, #tpu.memory_space<vmem>> -> memref<128xi32, #tpu.memory_space<vmem>>
    %dma_start3A_31 = arith.constant 0 : i32
    %dma_start3A_32 = arith.constant 0 : i32
    %dma_start3A_33 = tpu.memref_slice %arg2[%dma_start3A_31, %dma_start3A_32] : memref<10000x64xf32, #tpu.memory_space<hbm>> -> memref<10000x64xf32, #tpu.memory_space<hbm>>
    tpu.enqueue_indirect_dma source(%dma_start3A_33 : memref<10000x64xf32, #tpu.memory_space<hbm>>) target(%arg8 : memref<128x64xf32, #tpu.memory_space<vmem>>) offsets(%dma_start3A_30 : memref<128xi32, #tpu.memory_space<vmem>>) semaphore(%arg14 : memref<!tpu.dma_semaphore, #tpu.memory_space<semaphore_mem>>)
    %dma_start3A_34 = arith.constant 1 : i32
    %dma_start3A_35 = arith.constant 0 : i32
    %dma_start3A_36 = tpu.memref_slice %arg6[%dma_start3A_34, %dma_start3A_35] : memref<80x128xi32, #tpu.memory_space<vmem>> -> memref<1x128xi32, #tpu.memory_space<vmem>>
    %dma_start3A_37 = tpu.memref_squeeze %dma_start3A_36 : memref<1x128xi32, #tpu.memory_space<vmem>> -> memref<128xi32, #tpu.memory_space<vmem>>
    %dma_start3A_38 = arith.constant 0 : i32
    %dma_start3A_39 = arith.constant 0 : i32
    %dma_start3A_40 = tpu.memref_slice %arg2[%dma_start3A_38, %dma_start3A_39] : memref<10000x64xf32, #tpu.memory_space<hbm>> -> memref<10000x64xf32, #tpu.memory_space<hbm>>
    tpu.enqueue_indirect_dma source(%dma_start3A_40 : memref<10000x64xf32, #tpu.memory_space<hbm>>) target(%arg9 : memref<128x64xf32, #tpu.memory_space<vmem>>) offsets(%dma_start3A_37 : memref<128xi32, #tpu.memory_space<vmem>>) semaphore(%arg15 : memref<!tpu.dma_semaphore, #tpu.memory_space<semaphore_mem>>)
    %dma_start3A_41 = arith.constant 2 : i32
    %dma_start3A_42 = arith.constant 0 : i32
    %dma_start3A_43 = tpu.memref_slice %arg6[%dma_start3A_41, %dma_start3A_42] : memref<80x128xi32, #tpu.memory_space<vmem>> -> memref<1x128xi32, #tpu.memory_space<vmem>>
    %dma_start3A_44 = tpu.memref_squeeze %dma_start3A_43 : memref<1x128xi32, #tpu.memory_space<vmem>> -> memref<128xi32, #tpu.memory_space<vmem>>
    %dma_start3A_45 = arith.constant 0 : i32
    %dma_start3A_46 = arith.constant 0 : i32
    %dma_start3A_47 = tpu.memref_slice %arg2[%dma_start3A_45, %dma_start3A_46] : memref<10000x64xf32, #tpu.memory_space<hbm>> -> memref<10000x64xf32, #tpu.memory_space<hbm>>
    tpu.enqueue_indirect_dma source(%dma_start3A_47 : memref<10000x64xf32, #tpu.memory_space<hbm>>) target(%arg10 : memref<128x64xf32, #tpu.memory_space<vmem>>) offsets(%dma_start3A_44 : memref<128xi32, #tpu.memory_space<vmem>>) semaphore(%arg16 : memref<!tpu.dma_semaphore, #tpu.memory_space<semaphore_mem>>)
    %dma_start3A_48 = arith.constant 3 : i32
    %dma_start3A_49 = arith.constant 0 : i32
    %dma_start3A_50 = tpu.memref_slice %arg6[%dma_start3A_48, %dma_start3A_49] : memref<80x128xi32, #tpu.memory_space<vmem>> -> memref<1x128xi32, #tpu.memory_space<vmem>>
    %dma_start3A_51 = tpu.memref_squeeze %dma_start3A_50 : memref<1x128xi32, #tpu.memory_space<vmem>> -> memref<128xi32, #tpu.memory_space<vmem>>
    %dma_start3A_52 = arith.constant 0 : i32
    %dma_start3A_53 = arith.constant 0 : i32
    %dma_start3A_54 = tpu.memref_slice %arg2[%dma_start3A_52, %dma_start3A_53] : memref<10000x64xf32, #tpu.memory_space<hbm>> -> memref<10000x64xf32, #tpu.memory_space<hbm>>
    tpu.enqueue_indirect_dma source(%dma_start3A_54 : memref<10000x64xf32, #tpu.memory_space<hbm>>) target(%arg11 : memref<128x64xf32, #tpu.memory_space<vmem>>) offsets(%dma_start3A_51 : memref<128xi32, #tpu.memory_space<vmem>>) semaphore(%arg17 : memref<!tpu.dma_semaphore, #tpu.memory_space<semaphore_mem>>)
    %scan3A_55 = arith.constant 0 : i32
    %scan3A_56 = arith.constant 0 : i32
    %scan3A_57 = arith.constant 19 : i32
    %scan3A_58 = arith.addi %scan3A_56, %scan3A_57 : i32
    %scan3A_59 = arith.constant 1 : i32
    %scan3A_60 = scf.for %scan3A_150 = %scan3A_56 to %scan3A_58 step %scan3A_59 iter_args(%scan3A_151 = %scan3A_55) -> (i32)  : i32 {
      %mul3A_152 = arith.constant 4 : i32
      %mul3A_153 = arith.muli %scan3A_150, %mul3A_152 : i32
      %add3A_154 = arith.constant 0 : i32
      %add3A_155 = arith.addi %mul3A_153, %add3A_154 : i32
      %dma_wait3A_156 = arith.constant 0 : i32
      %dma_wait3A_157 = tpu.memref_slice %arg6[%add3A_155, %dma_wait3A_156] : memref<80x128xi32, #tpu.memory_space<vmem>> -> memref<1x128xi32, #tpu.memory_space<vmem>>
      %dma_wait3A_158 = tpu.memref_squeeze %dma_wait3A_157 : memref<1x128xi32, #tpu.memory_space<vmem>> -> memref<128xi32, #tpu.memory_space<vmem>>
      %dma_wait3A_159 = arith.constant 0 : i32
      %dma_wait3A_160 = arith.constant 0 : i32
      %dma_wait3A_161 = tpu.memref_slice %arg2[%dma_wait3A_159, %dma_wait3A_160] : memref<10000x64xf32, #tpu.memory_space<hbm>> -> memref<10000x64xf32, #tpu.memory_space<hbm>>
      tpu.wait_indirect_dma semaphore(%arg14 : memref<!tpu.dma_semaphore, #tpu.memory_space<semaphore_mem>>) src(%dma_wait3A_161 : memref<10000x64xf32, #tpu.memory_space<hbm>>) dst(%arg8 : memref<128x64xf32, #tpu.memory_space<vmem>>)
      %dma_start3A_162 = arith.constant 0 : i32
      %dma_start3A_163 = tpu.memref_slice %arg7[%add3A_155, %dma_start3A_162] : memref<80x128xi32, #tpu.memory_space<vmem>> -> memref<1x128xi32, #tpu.memory_space<vmem>>
      %dma_start3A_164 = tpu.memref_squeeze %dma_start3A_163 : memref<1x128xi32, #tpu.memory_space<vmem>> -> memref<128xi32, #tpu.memory_space<vmem>>
      %dma_start3A_165 = arith.constant 0 : i32
      %dma_start3A_166 = arith.constant 0 : i32
      %dma_start3A_167 = tpu.memref_slice %arg13[%dma_start3A_165, %dma_start3A_166] : memref<10240x64xf32, #tpu.memory_space<vmem_shared>> -> memref<10240x64xf32, #tpu.memory_space<vmem_shared>>
      tpu.enqueue_indirect_dma source(%arg8 : memref<128x64xf32, #tpu.memory_space<vmem>>) target(%dma_start3A_167 : memref<10240x64xf32, #tpu.memory_space<vmem_shared>>) offsets(%dma_start3A_164 : memref<128xi32, #tpu.memory_space<vmem>>) semaphore(%arg18 : memref<!tpu.dma_semaphore, #tpu.memory_space<semaphore_mem>>) {add = true}
      %mul3A_168 = arith.constant 4 : i32
      %mul3A_169 = arith.muli %scan3A_150, %mul3A_168 : i32
      %add3A_170 = arith.constant 1 : i32
      %add3A_171 = arith.addi %mul3A_169, %add3A_170 : i32
      %dma_wait3A_172 = arith.constant 0 : i32
      %dma_wait3A_173 = tpu.memref_slice %arg6[%add3A_171, %dma_wait3A_172] : memref<80x128xi32, #tpu.memory_space<vmem>> -> memref<1x128xi32, #tpu.memory_space<vmem>>
      %dma_wait3A_174 = tpu.memref_squeeze %dma_wait3A_173 : memref<1x128xi32, #tpu.memory_space<vmem>> -> memref<128xi32, #tpu.memory_space<vmem>>
      %dma_wait3A_175 = arith.constant 0 : i32
      %dma_wait3A_176 = arith.constant 0 : i32
      %dma_wait3A_177 = tpu.memref_slice %arg2[%dma_wait3A_175, %dma_wait3A_176] : memref<10000x64xf32, #tpu.memory_space<hbm>> -> memref<10000x64xf32, #tpu.memory_space<hbm>>
      tpu.wait_indirect_dma semaphore(%arg15 : memref<!tpu.dma_semaphore, #tpu.memory_space<semaphore_mem>>) src(%dma_wait3A_177 : memref<10000x64xf32, #tpu.memory_space<hbm>>) dst(%arg9 : memref<128x64xf32, #tpu.memory_space<vmem>>)
      %dma_start3A_178 = arith.constant 0 : i32
      %dma_start3A_179 = tpu.memref_slice %arg7[%add3A_171, %dma_start3A_178] : memref<80x128xi32, #tpu.memory_space<vmem>> -> memref<1x128xi32, #tpu.memory_space<vmem>>
      %dma_start3A_180 = tpu.memref_squeeze %dma_start3A_179 : memref<1x128xi32, #tpu.memory_space<vmem>> -> memref<128xi32, #tpu.memory_space<vmem>>
      %dma_start3A_181 = arith.constant 0 : i32
      %dma_start3A_182 = arith.constant 0 : i32
      %dma_start3A_183 = tpu.memref_slice %arg13[%dma_start3A_181, %dma_start3A_182] : memref<10240x64xf32, #tpu.memory_space<vmem_shared>> -> memref<10240x64xf32, #tpu.memory_space<vmem_shared>>
      tpu.enqueue_indirect_dma source(%arg9 : memref<128x64xf32, #tpu.memory_space<vmem>>) target(%dma_start3A_183 : memref<10240x64xf32, #tpu.memory_space<vmem_shared>>) offsets(%dma_start3A_180 : memref<128xi32, #tpu.memory_space<vmem>>) semaphore(%arg19 : memref<!tpu.dma_semaphore, #tpu.memory_space<semaphore_mem>>) {add = true}
      %mul3A_184 = arith.constant 4 : i32
      %mul3A_185 = arith.muli %scan3A_150, %mul3A_184 : i32
      %add3A_186 = arith.constant 2 : i32
      %add3A_187 = arith.addi %mul3A_185, %add3A_186 : i32
      %dma_wait3A_188 = arith.constant 0 : i32
      %dma_wait3A_189 = tpu.memref_slice %arg6[%add3A_187, %dma_wait3A_188] : memref<80x128xi32, #tpu.memory_space<vmem>> -> memref<1x128xi32, #tpu.memory_space<vmem>>
      %dma_wait3A_190 = tpu.memref_squeeze %dma_wait3A_189 : memref<1x128xi32, #tpu.memory_space<vmem>> -> memref<128xi32, #tpu.memory_space<vmem>>
      %dma_wait3A_191 = arith.constant 0 : i32
      %dma_wait3A_192 = arith.constant 0 : i32
      %dma_wait3A_193 = tpu.memref_slice %arg2[%dma_wait3A_191, %dma_wait3A_192] : memref<10000x64xf32, #tpu.memory_space<hbm>> -> memref<10000x64xf32, #tpu.memory_space<hbm>>
      tpu.wait_indirect_dma semaphore(%arg16 : memref<!tpu.dma_semaphore, #tpu.memory_space<semaphore_mem>>) src(%dma_wait3A_193 : memref<10000x64xf32, #tpu.memory_space<hbm>>) dst(%arg10 : memref<128x64xf32, #tpu.memory_space<vmem>>)
      %dma_start3A_194 = arith.constant 0 : i32
      %dma_start3A_195 = tpu.memref_slice %arg7[%add3A_187, %dma_start3A_194] : memref<80x128xi32, #tpu.memory_space<vmem>> -> memref<1x128xi32, #tpu.memory_space<vmem>>
      %dma_start3A_196 = tpu.memref_squeeze %dma_start3A_195 : memref<1x128xi32, #tpu.memory_space<vmem>> -> memref<128xi32, #tpu.memory_space<vmem>>
      %dma_start3A_197 = arith.constant 0 : i32
      %dma_start3A_198 = arith.constant 0 : i32
      %dma_start3A_199 = tpu.memref_slice %arg13[%dma_start3A_197, %dma_start3A_198] : memref<10240x64xf32, #tpu.memory_space<vmem_shared>> -> memref<10240x64xf32, #tpu.memory_space<vmem_shared>>
      tpu.enqueue_indirect_dma source(%arg10 : memref<128x64xf32, #tpu.memory_space<vmem>>) target(%dma_start3A_199 : memref<10240x64xf32, #tpu.memory_space<vmem_shared>>) offsets(%dma_start3A_196 : memref<128xi32, #tpu.memory_space<vmem>>) semaphore(%arg20 : memref<!tpu.dma_semaphore, #tpu.memory_space<semaphore_mem>>) {add = true}
      %mul3A_200 = arith.constant 4 : i32
      %mul3A_201 = arith.muli %scan3A_150, %mul3A_200 : i32
      %add3A_202 = arith.constant 3 : i32
      %add3A_203 = arith.addi %mul3A_201, %add3A_202 : i32
      %dma_wait3A_204 = arith.constant 0 : i32
      %dma_wait3A_205 = tpu.memref_slice %arg6[%add3A_203, %dma_wait3A_204] : memref<80x128xi32, #tpu.memory_space<vmem>> -> memref<1x128xi32, #tpu.memory_space<vmem>>
      %dma_wait3A_206 = tpu.memref_squeeze %dma_wait3A_205 : memref<1x128xi32, #tpu.memory_space<vmem>> -> memref<128xi32, #tpu.memory_space<vmem>>
      %dma_wait3A_207 = arith.constant 0 : i32
      %dma_wait3A_208 = arith.constant 0 : i32
      %dma_wait3A_209 = tpu.memref_slice %arg2[%dma_wait3A_207, %dma_wait3A_208] : memref<10000x64xf32, #tpu.memory_space<hbm>> -> memref<10000x64xf32, #tpu.memory_space<hbm>>
      tpu.wait_indirect_dma semaphore(%arg17 : memref<!tpu.dma_semaphore, #tpu.memory_space<semaphore_mem>>) src(%dma_wait3A_209 : memref<10000x64xf32, #tpu.memory_space<hbm>>) dst(%arg11 : memref<128x64xf32, #tpu.memory_space<vmem>>)
      %dma_start3A_210 = arith.constant 0 : i32
      %dma_start3A_211 = tpu.memref_slice %arg7[%add3A_203, %dma_start3A_210] : memref<80x128xi32, #tpu.memory_space<vmem>> -> memref<1x128xi32, #tpu.memory_space<vmem>>
      %dma_start3A_212 = tpu.memref_squeeze %dma_start3A_211 : memref<1x128xi32, #tpu.memory_space<vmem>> -> memref<128xi32, #tpu.memory_space<vmem>>
      %dma_start3A_213 = arith.constant 0 : i32
      %dma_start3A_214 = arith.constant 0 : i32
      %dma_start3A_215 = tpu.memref_slice %arg13[%dma_start3A_213, %dma_start3A_214] : memref<10240x64xf32, #tpu.memory_space<vmem_shared>> -> memref<10240x64xf32, #tpu.memory_space<vmem_shared>>
      tpu.enqueue_indirect_dma source(%arg11 : memref<128x64xf32, #tpu.memory_space<vmem>>) target(%dma_start3A_215 : memref<10240x64xf32, #tpu.memory_space<vmem_shared>>) offsets(%dma_start3A_212 : memref<128xi32, #tpu.memory_space<vmem>>) semaphore(%arg21 : memref<!tpu.dma_semaphore, #tpu.memory_space<semaphore_mem>>) {add = true}
      %mul3A_216 = arith.constant 4 : i32
      %mul3A_217 = arith.muli %scan3A_150, %mul3A_216 : i32
      %add3A_218 = arith.constant 0 : i32
      %add3A_219 = arith.addi %mul3A_217, %add3A_218 : i32
      %dma_wait3A_220 = arith.constant 0 : i32
      %dma_wait3A_221 = tpu.memref_slice %arg7[%add3A_219, %dma_wait3A_220] : memref<80x128xi32, #tpu.memory_space<vmem>> -> memref<1x128xi32, #tpu.memory_space<vmem>>
      %dma_wait3A_222 = tpu.memref_squeeze %dma_wait3A_221 : memref<1x128xi32, #tpu.memory_space<vmem>> -> memref<128xi32, #tpu.memory_space<vmem>>
      %dma_wait3A_223 = arith.constant 0 : i32
      %dma_wait3A_224 = arith.constant 0 : i32
      %dma_wait3A_225 = tpu.memref_slice %arg13[%dma_wait3A_223, %dma_wait3A_224] : memref<10240x64xf32, #tpu.memory_space<vmem_shared>> -> memref<10240x64xf32, #tpu.memory_space<vmem_shared>>
      tpu.wait_indirect_dma semaphore(%arg18 : memref<!tpu.dma_semaphore, #tpu.memory_space<semaphore_mem>>) src(%arg8 : memref<128x64xf32, #tpu.memory_space<vmem>>) dst(%dma_wait3A_225 : memref<10240x64xf32, #tpu.memory_space<vmem_shared>>)
      %add3A_226 = arith.constant 4 : i32
      %add3A_227 = arith.addi %add3A_219, %add3A_226 : i32
      %dma_start3A_228 = arith.constant 0 : i32
      %dma_start3A_229 = tpu.memref_slice %arg6[%add3A_227, %dma_start3A_228] : memref<80x128xi32, #tpu.memory_space<vmem>> -> memref<1x128xi32, #tpu.memory_space<vmem>>
      %dma_start3A_230 = tpu.memref_squeeze %dma_start3A_229 : memref<1x128xi32, #tpu.memory_space<vmem>> -> memref<128xi32, #tpu.memory_space<vmem>>
      %dma_start3A_231 = arith.constant 0 : i32
      %dma_start3A_232 = arith.constant 0 : i32
      %dma_start3A_233 = tpu.memref_slice %arg2[%dma_start3A_231, %dma_start3A_232] : memref<10000x64xf32, #tpu.memory_space<hbm>> -> memref<10000x64xf32, #tpu.memory_space<hbm>>
      tpu.enqueue_indirect_dma source(%dma_start3A_233 : memref<10000x64xf32, #tpu.memory_space<hbm>>) target(%arg8 : memref<128x64xf32, #tpu.memory_space<vmem>>) offsets(%dma_start3A_230 : memref<128xi32, #tpu.memory_space<vmem>>) semaphore(%arg14 : memref<!tpu.dma_semaphore, #tpu.memory_space<semaphore_mem>>)
      %mul3A_234 = arith.constant 4 : i32
      %mul3A_235 = arith.muli %scan3A_150, %mul3A_234 : i32
      %add3A_236 = arith.constant 1 : i32
      %add3A_237 = arith.addi %mul3A_235, %add3A_236 : i32
      %dma_wait3A_238 = arith.constant 0 : i32
      %dma_wait3A_239 = tpu.memref_slice %arg7[%add3A_237, %dma_wait3A_238] : memref<80x128xi32, #tpu.memory_space<vmem>> -> memref<1x128xi32, #tpu.memory_space<vmem>>
      %dma_wait3A_240 = tpu.memref_squeeze %dma_wait3A_239 : memref<1x128xi32, #tpu.memory_space<vmem>> -> memref<128xi32, #tpu.memory_space<vmem>>
      %dma_wait3A_241 = arith.constant 0 : i32
      %dma_wait3A_242 = arith.constant 0 : i32
      %dma_wait3A_243 = tpu.memref_slice %arg13[%dma_wait3A_241, %dma_wait3A_242] : memref<10240x64xf32, #tpu.memory_space<vmem_shared>> -> memref<10240x64xf32, #tpu.memory_space<vmem_shared>>
      tpu.wait_indirect_dma semaphore(%arg19 : memref<!tpu.dma_semaphore, #tpu.memory_space<semaphore_mem>>) src(%arg9 : memref<128x64xf32, #tpu.memory_space<vmem>>) dst(%dma_wait3A_243 : memref<10240x64xf32, #tpu.memory_space<vmem_shared>>)
      %add3A_244 = arith.constant 4 : i32
      %add3A_245 = arith.addi %add3A_237, %add3A_244 : i32
      %dma_start3A_246 = arith.constant 0 : i32
      %dma_start3A_247 = tpu.memref_slice %arg6[%add3A_245, %dma_start3A_246] : memref<80x128xi32, #tpu.memory_space<vmem>> -> memref<1x128xi32, #tpu.memory_space<vmem>>
      %dma_start3A_248 = tpu.memref_squeeze %dma_start3A_247 : memref<1x128xi32, #tpu.memory_space<vmem>> -> memref<128xi32, #tpu.memory_space<vmem>>
      %dma_start3A_249 = arith.constant 0 : i32
      %dma_start3A_250 = arith.constant 0 : i32
      %dma_start3A_251 = tpu.memref_slice %arg2[%dma_start3A_249, %dma_start3A_250] : memref<10000x64xf32, #tpu.memory_space<hbm>> -> memref<10000x64xf32, #tpu.memory_space<hbm>>
      tpu.enqueue_indirect_dma source(%dma_start3A_251 : memref<10000x64xf32, #tpu.memory_space<hbm>>) target(%arg9 : memref<128x64xf32, #tpu.memory_space<vmem>>) offsets(%dma_start3A_248 : memref<128xi32, #tpu.memory_space<vmem>>) semaphore(%arg15 : memref<!tpu.dma_semaphore, #tpu.memory_space<semaphore_mem>>)
      %mul3A_252 = arith.constant 4 : i32
      %mul3A_253 = arith.muli %scan3A_150, %mul3A_252 : i32
      %add3A_254 = arith.constant 2 : i32
      %add3A_255 = arith.addi %mul3A_253, %add3A_254 : i32
      %dma_wait3A_256 = arith.constant 0 : i32
      %dma_wait3A_257 = tpu.memref_slice %arg7[%add3A_255, %dma_wait3A_256] : memref<80x128xi32, #tpu.memory_space<vmem>> -> memref<1x128xi32, #tpu.memory_space<vmem>>
      %dma_wait3A_258 = tpu.memref_squeeze %dma_wait3A_257 : memref<1x128xi32, #tpu.memory_space<vmem>> -> memref<128xi32, #tpu.memory_space<vmem>>
      %dma_wait3A_259 = arith.constant 0 : i32
      %dma_wait3A_260 = arith.constant 0 : i32
      %dma_wait3A_261 = tpu.memref_slice %arg13[%dma_wait3A_259, %dma_wait3A_260] : memref<10240x64xf32, #tpu.memory_space<vmem_shared>> -> memref<10240x64xf32, #tpu.memory_space<vmem_shared>>
      tpu.wait_indirect_dma semaphore(%arg20 : memref<!tpu.dma_semaphore, #tpu.memory_space<semaphore_mem>>) src(%arg10 : memref<128x64xf32, #tpu.memory_space<vmem>>) dst(%dma_wait3A_261 : memref<10240x64xf32, #tpu.memory_space<vmem_shared>>)
      %add3A_262 = arith.constant 4 : i32
      %add3A_263 = arith.addi %add3A_255, %add3A_262 : i32
      %dma_start3A_264 = arith.constant 0 : i32
      %dma_start3A_265 = tpu.memref_slice %arg6[%add3A_263, %dma_start3A_264] : memref<80x128xi32, #tpu.memory_space<vmem>> -> memref<1x128xi32, #tpu.memory_space<vmem>>
      %dma_start3A_266 = tpu.memref_squeeze %dma_start3A_265 : memref<1x128xi32, #tpu.memory_space<vmem>> -> memref<128xi32, #tpu.memory_space<vmem>>
      %dma_start3A_267 = arith.constant 0 : i32
      %dma_start3A_268 = arith.constant 0 : i32
      %dma_start3A_269 = tpu.memref_slice %arg2[%dma_start3A_267, %dma_start3A_268] : memref<10000x64xf32, #tpu.memory_space<hbm>> -> memref<10000x64xf32, #tpu.memory_space<hbm>>
      tpu.enqueue_indirect_dma source(%dma_start3A_269 : memref<10000x64xf32, #tpu.memory_space<hbm>>) target(%arg10 : memref<128x64xf32, #tpu.memory_space<vmem>>) offsets(%dma_start3A_266 : memref<128xi32, #tpu.memory_space<vmem>>) semaphore(%arg16 : memref<!tpu.dma_semaphore, #tpu.memory_space<semaphore_mem>>)
      %mul3A_270 = arith.constant 4 : i32
      %mul3A_271 = arith.muli %scan3A_150, %mul3A_270 : i32
      %add3A_272 = arith.constant 3 : i32
      %add3A_273 = arith.addi %mul3A_271, %add3A_272 : i32
      %dma_wait3A_274 = arith.constant 0 : i32
      %dma_wait3A_275 = tpu.memref_slice %arg7[%add3A_273, %dma_wait3A_274] : memref<80x128xi32, #tpu.memory_space<vmem>> -> memref<1x128xi32, #tpu.memory_space<vmem>>
      %dma_wait3A_276 = tpu.memref_squeeze %dma_wait3A_275 : memref<1x128xi32, #tpu.memory_space<vmem>> -> memref<128xi32, #tpu.memory_space<vmem>>
      %dma_wait3A_277 = arith.constant 0 : i32
      %dma_wait3A_278 = arith.constant 0 : i32
      %dma_wait3A_279 = tpu.memref_slice %arg13[%dma_wait3A_277, %dma_wait3A_278] : memref<10240x64xf32, #tpu.memory_space<vmem_shared>> -> memref<10240x64xf32, #tpu.memory_space<vmem_shared>>
      tpu.wait_indirect_dma semaphore(%arg21 : memref<!tpu.dma_semaphore, #tpu.memory_space<semaphore_mem>>) src(%arg11 : memref<128x64xf32, #tpu.memory_space<vmem>>) dst(%dma_wait3A_279 : memref<10240x64xf32, #tpu.memory_space<vmem_shared>>)
      %add3A_280 = arith.constant 4 : i32
      %add3A_281 = arith.addi %add3A_273, %add3A_280 : i32
      %dma_start3A_282 = arith.constant 0 : i32
      %dma_start3A_283 = tpu.memref_slice %arg6[%add3A_281, %dma_start3A_282] : memref<80x128xi32, #tpu.memory_space<vmem>> -> memref<1x128xi32, #tpu.memory_space<vmem>>
      %dma_start3A_284 = tpu.memref_squeeze %dma_start3A_283 : memref<1x128xi32, #tpu.memory_space<vmem>> -> memref<128xi32, #tpu.memory_space<vmem>>
      %dma_start3A_285 = arith.constant 0 : i32
      %dma_start3A_286 = arith.constant 0 : i32
      %dma_start3A_287 = tpu.memref_slice %arg2[%dma_start3A_285, %dma_start3A_286] : memref<10000x64xf32, #tpu.memory_space<hbm>> -> memref<10000x64xf32, #tpu.memory_space<hbm>>
      tpu.enqueue_indirect_dma source(%dma_start3A_287 : memref<10000x64xf32, #tpu.memory_space<hbm>>) target(%arg11 : memref<128x64xf32, #tpu.memory_space<vmem>>) offsets(%dma_start3A_284 : memref<128xi32, #tpu.memory_space<vmem>>) semaphore(%arg17 : memref<!tpu.dma_semaphore, #tpu.memory_space<semaphore_mem>>)
      %scan3A_288 = arith.constant 0 : i32
      scf.yield %scan3A_288 : i32
    }
    %scan3A_61 = arith.constant 19 : i32
    %dma_wait3A = arith.constant 76 : i32
    %dma_wait3A_62 = arith.constant 0 : i32
    %dma_wait3A_63 = tpu.memref_slice %arg6[%dma_wait3A, %dma_wait3A_62] : memref<80x128xi32, #tpu.memory_space<vmem>> -> memref<1x128xi32, #tpu.memory_space<vmem>>
    %dma_wait3A_64 = tpu.memref_squeeze %dma_wait3A_63 : memref<1x128xi32, #tpu.memory_space<vmem>> -> memref<128xi32, #tpu.memory_space<vmem>>
    %dma_wait3A_65 = arith.constant 0 : i32
    %dma_wait3A_66 = arith.constant 0 : i32
    %dma_wait3A_67 = tpu.memref_slice %arg2[%dma_wait3A_65, %dma_wait3A_66] : memref<10000x64xf32, #tpu.memory_space<hbm>> -> memref<10000x64xf32, #tpu.memory_space<hbm>>
    tpu.wait_indirect_dma semaphore(%arg14 : memref<!tpu.dma_semaphore, #tpu.memory_space<semaphore_mem>>) src(%dma_wait3A_67 : memref<10000x64xf32, #tpu.memory_space<hbm>>) dst(%arg8 : memref<128x64xf32, #tpu.memory_space<vmem>>)
    %dma_start3A_68 = arith.constant 76 : i32
    %dma_start3A_69 = arith.constant 0 : i32
    %dma_start3A_70 = tpu.memref_slice %arg7[%dma_start3A_68, %dma_start3A_69] : memref<80x128xi32, #tpu.memory_space<vmem>> -> memref<1x128xi32, #tpu.memory_space<vmem>>
    %dma_start3A_71 = tpu.memref_squeeze %dma_start3A_70 : memref<1x128xi32, #tpu.memory_space<vmem>> -> memref<128xi32, #tpu.memory_space<vmem>>
    %dma_start3A_72 = arith.constant 0 : i32
    %dma_start3A_73 = arith.constant 0 : i32
    %dma_start3A_74 = tpu.memref_slice %arg13[%dma_start3A_72, %dma_start3A_73] : memref<10240x64xf32, #tpu.memory_space<vmem_shared>> -> memref<10240x64xf32, #tpu.memory_space<vmem_shared>>
    tpu.enqueue_indirect_dma source(%arg8 : memref<128x64xf32, #tpu.memory_space<vmem>>) target(%dma_start3A_74 : memref<10240x64xf32, #tpu.memory_space<vmem_shared>>) offsets(%dma_start3A_71 : memref<128xi32, #tpu.memory_space<vmem>>) semaphore(%arg18 : memref<!tpu.dma_semaphore, #tpu.memory_space<semaphore_mem>>) {add = true}
    %dma_wait3A_75 = arith.constant 77 : i32
    %dma_wait3A_76 = arith.constant 0 : i32
    %dma_wait3A_77 = tpu.memref_slice %arg6[%dma_wait3A_75, %dma_wait3A_76] : memref<80x128xi32, #tpu.memory_space<vmem>> -> memref<1x128xi32, #tpu.memory_space<vmem>>
    %dma_wait3A_78 = tpu.memref_squeeze %dma_wait3A_77 : memref<1x128xi32, #tpu.memory_space<vmem>> -> memref<128xi32, #tpu.memory_space<vmem>>
    %dma_wait3A_79 = arith.constant 0 : i32
    %dma_wait3A_80 = arith.constant 0 : i32
    %dma_wait3A_81 = tpu.memref_slice %arg2[%dma_wait3A_79, %dma_wait3A_80] : memref<10000x64xf32, #tpu.memory_space<hbm>> -> memref<10000x64xf32, #tpu.memory_space<hbm>>
    tpu.wait_indirect_dma semaphore(%arg15 : memref<!tpu.dma_semaphore, #tpu.memory_space<semaphore_mem>>) src(%dma_wait3A_81 : memref<10000x64xf32, #tpu.memory_space<hbm>>) dst(%arg9 : memref<128x64xf32, #tpu.memory_space<vmem>>)
    %dma_start3A_82 = arith.constant 77 : i32
    %dma_start3A_83 = arith.constant 0 : i32
    %dma_start3A_84 = tpu.memref_slice %arg7[%dma_start3A_82, %dma_start3A_83] : memref<80x128xi32, #tpu.memory_space<vmem>> -> memref<1x128xi32, #tpu.memory_space<vmem>>
    %dma_start3A_85 = tpu.memref_squeeze %dma_start3A_84 : memref<1x128xi32, #tpu.memory_space<vmem>> -> memref<128xi32, #tpu.memory_space<vmem>>
    %dma_start3A_86 = arith.constant 0 : i32
    %dma_start3A_87 = arith.constant 0 : i32
    %dma_start3A_88 = tpu.memref_slice %arg13[%dma_start3A_86, %dma_start3A_87] : memref<10240x64xf32, #tpu.memory_space<vmem_shared>> -> memref<10240x64xf32, #tpu.memory_space<vmem_shared>>
    tpu.enqueue_indirect_dma source(%arg9 : memref<128x64xf32, #tpu.memory_space<vmem>>) target(%dma_start3A_88 : memref<10240x64xf32, #tpu.memory_space<vmem_shared>>) offsets(%dma_start3A_85 : memref<128xi32, #tpu.memory_space<vmem>>) semaphore(%arg19 : memref<!tpu.dma_semaphore, #tpu.memory_space<semaphore_mem>>) {add = true}
    %dma_wait3A_89 = arith.constant 78 : i32
    %dma_wait3A_90 = arith.constant 0 : i32
    %dma_wait3A_91 = tpu.memref_slice %arg6[%dma_wait3A_89, %dma_wait3A_90] : memref<80x128xi32, #tpu.memory_space<vmem>> -> memref<1x128xi32, #tpu.memory_space<vmem>>
    %dma_wait3A_92 = tpu.memref_squeeze %dma_wait3A_91 : memref<1x128xi32, #tpu.memory_space<vmem>> -> memref<128xi32, #tpu.memory_space<vmem>>
    %dma_wait3A_93 = arith.constant 0 : i32
    %dma_wait3A_94 = arith.constant 0 : i32
    %dma_wait3A_95 = tpu.memref_slice %arg2[%dma_wait3A_93, %dma_wait3A_94] : memref<10000x64xf32, #tpu.memory_space<hbm>> -> memref<10000x64xf32, #tpu.memory_space<hbm>>
    tpu.wait_indirect_dma semaphore(%arg16 : memref<!tpu.dma_semaphore, #tpu.memory_space<semaphore_mem>>) src(%dma_wait3A_95 : memref<10000x64xf32, #tpu.memory_space<hbm>>) dst(%arg10 : memref<128x64xf32, #tpu.memory_space<vmem>>)
    %dma_start3A_96 = arith.constant 78 : i32
    %dma_start3A_97 = arith.constant 0 : i32
    %dma_start3A_98 = tpu.memref_slice %arg7[%dma_start3A_96, %dma_start3A_97] : memref<80x128xi32, #tpu.memory_space<vmem>> -> memref<1x128xi32, #tpu.memory_space<vmem>>
    %dma_start3A_99 = tpu.memref_squeeze %dma_start3A_98 : memref<1x128xi32, #tpu.memory_space<vmem>> -> memref<128xi32, #tpu.memory_space<vmem>>
    %dma_start3A_100 = arith.constant 0 : i32
    %dma_start3A_101 = arith.constant 0 : i32
    %dma_start3A_102 = tpu.memref_slice %arg13[%dma_start3A_100, %dma_start3A_101] : memref<10240x64xf32, #tpu.memory_space<vmem_shared>> -> memref<10240x64xf32, #tpu.memory_space<vmem_shared>>
    tpu.enqueue_indirect_dma source(%arg10 : memref<128x64xf32, #tpu.memory_space<vmem>>) target(%dma_start3A_102 : memref<10240x64xf32, #tpu.memory_space<vmem_shared>>) offsets(%dma_start3A_99 : memref<128xi32, #tpu.memory_space<vmem>>) semaphore(%arg20 : memref<!tpu.dma_semaphore, #tpu.memory_space<semaphore_mem>>) {add = true}
    %dma_wait3A_103 = arith.constant 79 : i32
    %dma_wait3A_104 = arith.constant 0 : i32
    %dma_wait3A_105 = tpu.memref_slice %arg6[%dma_wait3A_103, %dma_wait3A_104] : memref<80x128xi32, #tpu.memory_space<vmem>> -> memref<1x128xi32, #tpu.memory_space<vmem>>
    %dma_wait3A_106 = tpu.memref_squeeze %dma_wait3A_105 : memref<1x128xi32, #tpu.memory_space<vmem>> -> memref<128xi32, #tpu.memory_space<vmem>>
    %dma_wait3A_107 = arith.constant 0 : i32
    %dma_wait3A_108 = arith.constant 0 : i32
    %dma_wait3A_109 = tpu.memref_slice %arg2[%dma_wait3A_107, %dma_wait3A_108] : memref<10000x64xf32, #tpu.memory_space<hbm>> -> memref<10000x64xf32, #tpu.memory_space<hbm>>
    tpu.wait_indirect_dma semaphore(%arg17 : memref<!tpu.dma_semaphore, #tpu.memory_space<semaphore_mem>>) src(%dma_wait3A_109 : memref<10000x64xf32, #tpu.memory_space<hbm>>) dst(%arg11 : memref<128x64xf32, #tpu.memory_space<vmem>>)
    %dma_start3A_110 = arith.constant 79 : i32
    %dma_start3A_111 = arith.constant 0 : i32
    %dma_start3A_112 = tpu.memref_slice %arg7[%dma_start3A_110, %dma_start3A_111] : memref<80x128xi32, #tpu.memory_space<vmem>> -> memref<1x128xi32, #tpu.memory_space<vmem>>
    %dma_start3A_113 = tpu.memref_squeeze %dma_start3A_112 : memref<1x128xi32, #tpu.memory_space<vmem>> -> memref<128xi32, #tpu.memory_space<vmem>>
    %dma_start3A_114 = arith.constant 0 : i32
    %dma_start3A_115 = arith.constant 0 : i32
    %dma_start3A_116 = tpu.memref_slice %arg13[%dma_start3A_114, %dma_start3A_115] : memref<10240x64xf32, #tpu.memory_space<vmem_shared>> -> memref<10240x64xf32, #tpu.memory_space<vmem_shared>>
    tpu.enqueue_indirect_dma source(%arg11 : memref<128x64xf32, #tpu.memory_space<vmem>>) target(%dma_start3A_116 : memref<10240x64xf32, #tpu.memory_space<vmem_shared>>) offsets(%dma_start3A_113 : memref<128xi32, #tpu.memory_space<vmem>>) semaphore(%arg21 : memref<!tpu.dma_semaphore, #tpu.memory_space<semaphore_mem>>) {add = true}
    %dma_wait3A_117 = arith.constant 76 : i32
    %dma_wait3A_118 = arith.constant 0 : i32
    %dma_wait3A_119 = tpu.memref_slice %arg7[%dma_wait3A_117, %dma_wait3A_118] : memref<80x128xi32, #tpu.memory_space<vmem>> -> memref<1x128xi32, #tpu.memory_space<vmem>>
    %dma_wait3A_120 = tpu.memref_squeeze %dma_wait3A_119 : memref<1x128xi32, #tpu.memory_space<vmem>> -> memref<128xi32, #tpu.memory_space<vmem>>
    %dma_wait3A_121 = arith.constant 0 : i32
    %dma_wait3A_122 = arith.constant 0 : i32
    %dma_wait3A_123 = tpu.memref_slice %arg13[%dma_wait3A_121, %dma_wait3A_122] : memref<10240x64xf32, #tpu.memory_space<vmem_shared>> -> memref<10240x64xf32, #tpu.memory_space<vmem_shared>>
    tpu.wait_indirect_dma semaphore(%arg18 : memref<!tpu.dma_semaphore, #tpu.memory_space<semaphore_mem>>) src(%arg8 : memref<128x64xf32, #tpu.memory_space<vmem>>) dst(%dma_wait3A_123 : memref<10240x64xf32, #tpu.memory_space<vmem_shared>>)
    %dma_wait3A_124 = arith.constant 77 : i32
    %dma_wait3A_125 = arith.constant 0 : i32
    %dma_wait3A_126 = tpu.memref_slice %arg7[%dma_wait3A_124, %dma_wait3A_125] : memref<80x128xi32, #tpu.memory_space<vmem>> -> memref<1x128xi32, #tpu.memory_space<vmem>>
    %dma_wait3A_127 = tpu.memref_squeeze %dma_wait3A_126 : memref<1x128xi32, #tpu.memory_space<vmem>> -> memref<128xi32, #tpu.memory_space<vmem>>
    %dma_wait3A_128 = arith.constant 0 : i32
    %dma_wait3A_129 = arith.constant 0 : i32
    %dma_wait3A_130 = tpu.memref_slice %arg13[%dma_wait3A_128, %dma_wait3A_129] : memref<10240x64xf32, #tpu.memory_space<vmem_shared>> -> memref<10240x64xf32, #tpu.memory_space<vmem_shared>>
    tpu.wait_indirect_dma semaphore(%arg19 : memref<!tpu.dma_semaphore, #tpu.memory_space<semaphore_mem>>) src(%arg9 : memref<128x64xf32, #tpu.memory_space<vmem>>) dst(%dma_wait3A_130 : memref<10240x64xf32, #tpu.memory_space<vmem_shared>>)
    %dma_wait3A_131 = arith.constant 78 : i32
    %dma_wait3A_132 = arith.constant 0 : i32
    %dma_wait3A_133 = tpu.memref_slice %arg7[%dma_wait3A_131, %dma_wait3A_132] : memref<80x128xi32, #tpu.memory_space<vmem>> -> memref<1x128xi32, #tpu.memory_space<vmem>>
    %dma_wait3A_134 = tpu.memref_squeeze %dma_wait3A_133 : memref<1x128xi32, #tpu.memory_space<vmem>> -> memref<128xi32, #tpu.memory_space<vmem>>
    %dma_wait3A_135 = arith.constant 0 : i32
    %dma_wait3A_136 = arith.constant 0 : i32
    %dma_wait3A_137 = tpu.memref_slice %arg13[%dma_wait3A_135, %dma_wait3A_136] : memref<10240x64xf32, #tpu.memory_space<vmem_shared>> -> memref<10240x64xf32, #tpu.memory_space<vmem_shared>>
    tpu.wait_indirect_dma semaphore(%arg20 : memref<!tpu.dma_semaphore, #tpu.memory_space<semaphore_mem>>) src(%arg10 : memref<128x64xf32, #tpu.memory_space<vmem>>) dst(%dma_wait3A_137 : memref<10240x64xf32, #tpu.memory_space<vmem_shared>>)
    %dma_wait3A_138 = arith.constant 79 : i32
    %dma_wait3A_139 = arith.constant 0 : i32
    %dma_wait3A_140 = tpu.memref_slice %arg7[%dma_wait3A_138, %dma_wait3A_139] : memref<80x128xi32, #tpu.memory_space<vmem>> -> memref<1x128xi32, #tpu.memory_space<vmem>>
    %dma_wait3A_141 = tpu.memref_squeeze %dma_wait3A_140 : memref<1x128xi32, #tpu.memory_space<vmem>> -> memref<128xi32, #tpu.memory_space<vmem>>
    %dma_wait3A_142 = arith.constant 0 : i32
    %dma_wait3A_143 = arith.constant 0 : i32
    %dma_wait3A_144 = tpu.memref_slice %arg13[%dma_wait3A_142, %dma_wait3A_143] : memref<10240x64xf32, #tpu.memory_space<vmem_shared>> -> memref<10240x64xf32, #tpu.memory_space<vmem_shared>>
    tpu.wait_indirect_dma semaphore(%arg21 : memref<!tpu.dma_semaphore, #tpu.memory_space<semaphore_mem>>) src(%arg11 : memref<128x64xf32, #tpu.memory_space<vmem>>) dst(%dma_wait3A_144 : memref<10240x64xf32, #tpu.memory_space<vmem_shared>>)
    %barrier3A_145 = arith.constant 0 : index
    tpu.barrier barrier_id(%barrier3A_145)
    %mul3A_146 = arith.constant 640 : i32
    %mul3A_147 = arith.muli %arg1, %mul3A_146 : i32
    %mul3A_148 = arith.constant 640 : i32
    %mul3A_149 = arith.muli %arg1, %mul3A_148 : i32
    "tpu.region"() ({
      %run_scoped3A = tpu.sem_alloc : memref<!tpu.dma_semaphore, #tpu.memory_space<semaphore_mem>>
      %dma_start3A_150 = arith.constant 0 : i32
      %dma_start3A_151 = tpu.memref_slice %arg5[%arg0, %mul3A_149, %dma_start3A_150] : memref<2x10240x64xf32, #tpu.memory_space<hbm>> -> memref<1x640x64xf32, #tpu.memory_space<hbm>>
      %dma_start3A_152 = tpu.memref_squeeze %dma_start3A_151 : memref<1x640x64xf32, #tpu.memory_space<hbm>> -> memref<640x64xf32, #tpu.memory_space<hbm>>
      %dma_start3A_153 = arith.constant 0 : i32
      %dma_start3A_154 = tpu.memref_slice %arg13[%mul3A_147, %dma_start3A_153] : memref<10240x64xf32, #tpu.memory_space<vmem_shared>> -> memref<640x64xf32, #tpu.memory_space<vmem_shared>>
      tpu.enqueue_dma source(%dma_start3A_154 : memref<640x64xf32, #tpu.memory_space<vmem_shared>>) target(%dma_start3A_152 : memref<640x64xf32, #tpu.memory_space<hbm>>) target_semaphore(%run_scoped3A : memref<!tpu.dma_semaphore, #tpu.memory_space<semaphore_mem>>)
      %dma_wait3A_155 = arith.constant 0 : i32
      %dma_wait3A_156 = tpu.memref_slice %arg5[%arg0, %mul3A_149, %dma_wait3A_155] : memref<2x10240x64xf32, #tpu.memory_space<hbm>> -> memref<1x640x64xf32, #tpu.memory_space<hbm>>
      %dma_wait3A_157 = tpu.memref_squeeze %dma_wait3A_156 : memref<1x640x64xf32, #tpu.memory_space<hbm>> -> memref<640x64xf32, #tpu.memory_space<hbm>>
      %dma_wait3A_158 = arith.constant 0 : i32
      %dma_wait3A_159 = tpu.memref_slice %arg13[%mul3A_147, %dma_wait3A_158] : memref<10240x64xf32, #tpu.memory_space<vmem_shared>> -> memref<640x64xf32, #tpu.memory_space<vmem_shared>>
      tpu.wait_dma2 semaphore(%run_scoped3A : memref<!tpu.dma_semaphore, #tpu.memory_space<semaphore_mem>>) src(%dma_wait3A_159 : memref<640x64xf32, #tpu.memory_space<vmem_shared>>) dst(%dma_wait3A_157 : memref<640x64xf32, #tpu.memory_space<hbm>>)
      tpu.yield
    }) : () -> ()
    return
  }
}

#map = affine_map<(d0, d1) -> (0, 0)>
#map1 = affine_map<(d0, d1) -> (0, 0, 0)>
module attributes {stable_mosaic.version = 14 : i64} {
  func.func @agg_kernel(%arg0: i32, %arg1: i32, %arg2: memref<10000x64xf32, #tpu.memory_space<hbm>>, %arg3: memref<32x80x128xi32, #tpu.memory_space<hbm>>, %arg4: memref<32x80x128xi32, #tpu.memory_space<hbm>>, %arg5: memref<2x10240x64xf32, #tpu.memory_space<hbm>>, %arg6: memref<80x128xi32, #tpu.memory_space<vmem>>, %arg7: memref<80x128xi32, #tpu.memory_space<vmem>>, %arg8: memref<128x64xf32, #tpu.memory_space<vmem>>, %arg9: memref<128x64xf32, #tpu.memory_space<vmem>>, %arg10: memref<128x64xf32, #tpu.memory_space<vmem>>, %arg11: memref<128x64xf32, #tpu.memory_space<vmem>>, %arg12: memref<128x64xf32, #tpu.memory_space<vmem>>, %arg13: memref<10240x64xf32, #tpu.memory_space<vmem_shared>>, %arg14: memref<!tpu.dma_semaphore, #tpu.memory_space<semaphore_mem>>, %arg15: memref<!tpu.dma_semaphore, #tpu.memory_space<semaphore_mem>>, %arg16: memref<!tpu.dma_semaphore, #tpu.memory_space<semaphore_mem>>, %arg17: memref<!tpu.dma_semaphore, #tpu.memory_space<semaphore_mem>>, %arg18: memref<!tpu.dma_semaphore, #tpu.memory_space<semaphore_mem>>, %arg19: memref<!tpu.dma_semaphore, #tpu.memory_space<semaphore_mem>>, %arg20: memref<!tpu.dma_semaphore, #tpu.memory_space<semaphore_mem>>, %arg21: memref<!tpu.dma_semaphore, #tpu.memory_space<semaphore_mem>>) attributes {dimension_semantics = [#tpu.dimension_semantics<core_parallel>, #tpu.dimension_semantics<subcore_parallel>], iteration_bounds = array<i64: 2, 16>, scalar_prefetch = 0 : i64, scratch_operands = 16 : i64, tpu.core_type = #tpu.core_type<sc_vector_subcore>, window_params = [{transform_indices = #map}, {transform_indices = #map1}, {transform_indices = #map1}, {transform_indices = #map1}]} {
    %mul3A = arith.constant 16 : i32
    %mul3A_0 = arith.muli %arg0, %mul3A : i32
    %add3A = arith.addi %mul3A_0, %arg1 : i32
    %broadcast_in_dim3A = arith.constant 0.000000e+00 : f32
    %broadcast_in_dim3A_1 = vector.broadcast %broadcast_in_dim3A : f32 to vector<16xf32>
    %scan3A = arith.constant 0 : i32
    %scan3A_2 = arith.constant 0 : i32
    %scan3A_3 = arith.constant 128 : i32
    %scan3A_4 = arith.addi %scan3A_2, %scan3A_3 : i32
    %scan3A_5 = arith.constant 1 : i32
    %scan3A_6 = scf.for %scan3A_150 = %scan3A_2 to %scan3A_4 step %scan3A_5 iter_args(%scan3A_151 = %scan3A) -> (i32)  : i32 {
      %swap3A = arith.index_cast %scan3A_150 : i32 to index
      %swap3A_152 = arith.constant 0 : index
      %swap3A_153 = tpu.vector_load %arg12[%swap3A, %swap3A_152] {strides = array<i32>} : memref<128x64xf32, #tpu.memory_space<vmem>>, vector<1x16xf32>,
      %swap3A_154 = vector.shape_cast %swap3A_153 : vector<1x16xf32> to vector<16xf32>
      %swap3A_155 = vector.shape_cast %broadcast_in_dim3A_1 : vector<16xf32> to vector<1x16xf32>
      tpu.vector_store %arg12[%swap3A, %swap3A_152], %swap3A_155 {strides = array<i32>} : memref<128x64xf32, #tpu.memory_space<vmem>>, vector<1x16xf32>,
      %swap3A_156 = arith.index_cast %scan3A_150 : i32 to index
      %swap3A_157 = arith.constant 16 : index
      %swap3A_158 = tpu.vector_load %arg12[%swap3A_156, %swap3A_157] {strides = array<i32>} : memref<128x64xf32, #tpu.memory_space<vmem>>, vector<1x16xf32>,
      %swap3A_159 = vector.shape_cast %swap3A_158 : vector<1x16xf32> to vector<16xf32>
      %swap3A_160 = vector.shape_cast %broadcast_in_dim3A_1 : vector<16xf32> to vector<1x16xf32>
      tpu.vector_store %arg12[%swap3A_156, %swap3A_157], %swap3A_160 {strides = array<i32>} : memref<128x64xf32, #tpu.memory_space<vmem>>, vector<1x16xf32>,
      %swap3A_161 = arith.index_cast %scan3A_150 : i32 to index
      %swap3A_162 = arith.constant 32 : index
      %swap3A_163 = tpu.vector_load %arg12[%swap3A_161, %swap3A_162] {strides = array<i32>} : memref<128x64xf32, #tpu.memory_space<vmem>>, vector<1x16xf32>,
      %swap3A_164 = vector.shape_cast %swap3A_163 : vector<1x16xf32> to vector<16xf32>
      %swap3A_165 = vector.shape_cast %broadcast_in_dim3A_1 : vector<16xf32> to vector<1x16xf32>
      tpu.vector_store %arg12[%swap3A_161, %swap3A_162], %swap3A_165 {strides = array<i32>} : memref<128x64xf32, #tpu.memory_space<vmem>>, vector<1x16xf32>,
      %swap3A_166 = arith.index_cast %scan3A_150 : i32 to index
      %swap3A_167 = arith.constant 48 : index
      %swap3A_168 = tpu.vector_load %arg12[%swap3A_166, %swap3A_167] {strides = array<i32>} : memref<128x64xf32, #tpu.memory_space<vmem>>, vector<1x16xf32>,
      %swap3A_169 = vector.shape_cast %swap3A_168 : vector<1x16xf32> to vector<16xf32>
      %swap3A_170 = vector.shape_cast %broadcast_in_dim3A_1 : vector<16xf32> to vector<1x16xf32>
      tpu.vector_store %arg12[%swap3A_166, %swap3A_167], %swap3A_170 {strides = array<i32>} : memref<128x64xf32, #tpu.memory_space<vmem>>, vector<1x16xf32>,
      %scan3A_171 = arith.constant 0 : i32
      scf.yield %scan3A_171 : i32
    }
    %scan3A_7 = arith.constant 128 : i32
    %mul3A_8 = arith.constant 640 : i32
    %mul3A_9 = arith.muli %arg1, %mul3A_8 : i32
    %add3A_10 = arith.constant 0 : i32
    %add3A_11 = arith.addi %mul3A_9, %add3A_10 : i32
    "tpu.region"() ({
      %run_scoped3A = tpu.sem_alloc : memref<!tpu.dma_semaphore, #tpu.memory_space<semaphore_mem>>
      %dma_start3A_150 = arith.constant 0 : i32
      %dma_start3A_151 = tpu.memref_slice %arg13[%add3A_11, %dma_start3A_150] : memref<10240x64xf32, #tpu.memory_space<vmem_shared>> -> memref<128x64xf32, #tpu.memory_space<vmem_shared>>
      %dma_start3A_152 = arith.constant 0 : i32
      %dma_start3A_153 = tpu.memref_slice %arg13[%add3A_11, %dma_start3A_152] : memref<10240x64xf32, #tpu.memory_space<vmem_shared>> -> memref<128x64xf32, #tpu.memory_space<vmem_shared>>
      tpu.enqueue_dma source(%arg12 : memref<128x64xf32, #tpu.memory_space<vmem>>) target(%dma_start3A_153 : memref<128x64xf32, #tpu.memory_space<vmem_shared>>) target_semaphore(%run_scoped3A : memref<!tpu.dma_semaphore, #tpu.memory_space<semaphore_mem>>)
      %dma_wait3A_154 = arith.constant 0 : i32
      %dma_wait3A_155 = tpu.memref_slice %arg13[%add3A_11, %dma_wait3A_154] : memref<10240x64xf32, #tpu.memory_space<vmem_shared>> -> memref<128x64xf32, #tpu.memory_space<vmem_shared>>
      %dma_wait3A_156 = arith.constant 0 : i32
      %dma_wait3A_157 = tpu.memref_slice %arg13[%add3A_11, %dma_wait3A_156] : memref<10240x64xf32, #tpu.memory_space<vmem_shared>> -> memref<128x64xf32, #tpu.memory_space<vmem_shared>>
      tpu.wait_dma2 semaphore(%run_scoped3A : memref<!tpu.dma_semaphore, #tpu.memory_space<semaphore_mem>>) src(%arg12 : memref<128x64xf32, #tpu.memory_space<vmem>>) dst(%dma_wait3A_157 : memref<128x64xf32, #tpu.memory_space<vmem_shared>>)
      tpu.yield
    }) : () -> ()
    %mul3A_12 = arith.constant 640 : i32
    %mul3A_13 = arith.muli %arg1, %mul3A_12 : i32
    %add3A_14 = arith.constant 128 : i32
    %add3A_15 = arith.addi %mul3A_13, %add3A_14 : i32
    "tpu.region"() ({
      %run_scoped3A = tpu.sem_alloc : memref<!tpu.dma_semaphore, #tpu.memory_space<semaphore_mem>>
      %dma_start3A_150 = arith.constant 0 : i32
      %dma_start3A_151 = tpu.memref_slice %arg13[%add3A_15, %dma_start3A_150] : memref<10240x64xf32, #tpu.memory_space<vmem_shared>> -> memref<128x64xf32, #tpu.memory_space<vmem_shared>>
      %dma_start3A_152 = arith.constant 0 : i32
      %dma_start3A_153 = tpu.memref_slice %arg13[%add3A_15, %dma_start3A_152] : memref<10240x64xf32, #tpu.memory_space<vmem_shared>> -> memref<128x64xf32, #tpu.memory_space<vmem_shared>>
      tpu.enqueue_dma source(%arg12 : memref<128x64xf32, #tpu.memory_space<vmem>>) target(%dma_start3A_153 : memref<128x64xf32, #tpu.memory_space<vmem_shared>>) target_semaphore(%run_scoped3A : memref<!tpu.dma_semaphore, #tpu.memory_space<semaphore_mem>>)
      %dma_wait3A_154 = arith.constant 0 : i32
      %dma_wait3A_155 = tpu.memref_slice %arg13[%add3A_15, %dma_wait3A_154] : memref<10240x64xf32, #tpu.memory_space<vmem_shared>> -> memref<128x64xf32, #tpu.memory_space<vmem_shared>>
      %dma_wait3A_156 = arith.constant 0 : i32
      %dma_wait3A_157 = tpu.memref_slice %arg13[%add3A_15, %dma_wait3A_156] : memref<10240x64xf32, #tpu.memory_space<vmem_shared>> -> memref<128x64xf32, #tpu.memory_space<vmem_shared>>
      tpu.wait_dma2 semaphore(%run_scoped3A : memref<!tpu.dma_semaphore, #tpu.memory_space<semaphore_mem>>) src(%arg12 : memref<128x64xf32, #tpu.memory_space<vmem>>) dst(%dma_wait3A_157 : memref<128x64xf32, #tpu.memory_space<vmem_shared>>)
      tpu.yield
    }) : () -> ()
    %mul3A_16 = arith.constant 640 : i32
    %mul3A_17 = arith.muli %arg1, %mul3A_16 : i32
    %add3A_18 = arith.constant 256 : i32
    %add3A_19 = arith.addi %mul3A_17, %add3A_18 : i32
    "tpu.region"() ({
      %run_scoped3A = tpu.sem_alloc : memref<!tpu.dma_semaphore, #tpu.memory_space<semaphore_mem>>
      %dma_start3A_150 = arith.constant 0 : i32
      %dma_start3A_151 = tpu.memref_slice %arg13[%add3A_19, %dma_start3A_150] : memref<10240x64xf32, #tpu.memory_space<vmem_shared>> -> memref<128x64xf32, #tpu.memory_space<vmem_shared>>
      %dma_start3A_152 = arith.constant 0 : i32
      %dma_start3A_153 = tpu.memref_slice %arg13[%add3A_19, %dma_start3A_152] : memref<10240x64xf32, #tpu.memory_space<vmem_shared>> -> memref<128x64xf32, #tpu.memory_space<vmem_shared>>
      tpu.enqueue_dma source(%arg12 : memref<128x64xf32, #tpu.memory_space<vmem>>) target(%dma_start3A_153 : memref<128x64xf32, #tpu.memory_space<vmem_shared>>) target_semaphore(%run_scoped3A : memref<!tpu.dma_semaphore, #tpu.memory_space<semaphore_mem>>)
      %dma_wait3A_154 = arith.constant 0 : i32
      %dma_wait3A_155 = tpu.memref_slice %arg13[%add3A_19, %dma_wait3A_154] : memref<10240x64xf32, #tpu.memory_space<vmem_shared>> -> memref<128x64xf32, #tpu.memory_space<vmem_shared>>
      %dma_wait3A_156 = arith.constant 0 : i32
      %dma_wait3A_157 = tpu.memref_slice %arg13[%add3A_19, %dma_wait3A_156] : memref<10240x64xf32, #tpu.memory_space<vmem_shared>> -> memref<128x64xf32, #tpu.memory_space<vmem_shared>>
      tpu.wait_dma2 semaphore(%run_scoped3A : memref<!tpu.dma_semaphore, #tpu.memory_space<semaphore_mem>>) src(%arg12 : memref<128x64xf32, #tpu.memory_space<vmem>>) dst(%dma_wait3A_157 : memref<128x64xf32, #tpu.memory_space<vmem_shared>>)
      tpu.yield
    }) : () -> ()
    %mul3A_20 = arith.constant 640 : i32
    %mul3A_21 = arith.muli %arg1, %mul3A_20 : i32
    %add3A_22 = arith.constant 384 : i32
    %add3A_23 = arith.addi %mul3A_21, %add3A_22 : i32
    "tpu.region"() ({
      %run_scoped3A = tpu.sem_alloc : memref<!tpu.dma_semaphore, #tpu.memory_space<semaphore_mem>>
      %dma_start3A_150 = arith.constant 0 : i32
      %dma_start3A_151 = tpu.memref_slice %arg13[%add3A_23, %dma_start3A_150] : memref<10240x64xf32, #tpu.memory_space<vmem_shared>> -> memref<128x64xf32, #tpu.memory_space<vmem_shared>>
      %dma_start3A_152 = arith.constant 0 : i32
      %dma_start3A_153 = tpu.memref_slice %arg13[%add3A_23, %dma_start3A_152] : memref<10240x64xf32, #tpu.memory_space<vmem_shared>> -> memref<128x64xf32, #tpu.memory_space<vmem_shared>>
      tpu.enqueue_dma source(%arg12 : memref<128x64xf32, #tpu.memory_space<vmem>>) target(%dma_start3A_153 : memref<128x64xf32, #tpu.memory_space<vmem_shared>>) target_semaphore(%run_scoped3A : memref<!tpu.dma_semaphore, #tpu.memory_space<semaphore_mem>>)
      %dma_wait3A_154 = arith.constant 0 : i32
      %dma_wait3A_155 = tpu.memref_slice %arg13[%add3A_23, %dma_wait3A_154] : memref<10240x64xf32, #tpu.memory_space<vmem_shared>> -> memref<128x64xf32, #tpu.memory_space<vmem_shared>>
      %dma_wait3A_156 = arith.constant 0 : i32
      %dma_wait3A_157 = tpu.memref_slice %arg13[%add3A_23, %dma_wait3A_156] : memref<10240x64xf32, #tpu.memory_space<vmem_shared>> -> memref<128x64xf32, #tpu.memory_space<vmem_shared>>
      tpu.wait_dma2 semaphore(%run_scoped3A : memref<!tpu.dma_semaphore, #tpu.memory_space<semaphore_mem>>) src(%arg12 : memref<128x64xf32, #tpu.memory_space<vmem>>) dst(%dma_wait3A_157 : memref<128x64xf32, #tpu.memory_space<vmem_shared>>)
      tpu.yield
    }) : () -> ()
    %mul3A_24 = arith.constant 640 : i32
    %mul3A_25 = arith.muli %arg1, %mul3A_24 : i32
    %add3A_26 = arith.constant 512 : i32
    %add3A_27 = arith.addi %mul3A_25, %add3A_26 : i32
    "tpu.region"() ({
      %run_scoped3A = tpu.sem_alloc : memref<!tpu.dma_semaphore, #tpu.memory_space<semaphore_mem>>
      %dma_start3A_150 = arith.constant 0 : i32
      %dma_start3A_151 = tpu.memref_slice %arg13[%add3A_27, %dma_start3A_150] : memref<10240x64xf32, #tpu.memory_space<vmem_shared>> -> memref<128x64xf32, #tpu.memory_space<vmem_shared>>
      %dma_start3A_152 = arith.constant 0 : i32
      %dma_start3A_153 = tpu.memref_slice %arg13[%add3A_27, %dma_start3A_152] : memref<10240x64xf32, #tpu.memory_space<vmem_shared>> -> memref<128x64xf32, #tpu.memory_space<vmem_shared>>
      tpu.enqueue_dma source(%arg12 : memref<128x64xf32, #tpu.memory_space<vmem>>) target(%dma_start3A_153 : memref<128x64xf32, #tpu.memory_space<vmem_shared>>) target_semaphore(%run_scoped3A : memref<!tpu.dma_semaphore, #tpu.memory_space<semaphore_mem>>)
      %dma_wait3A_154 = arith.constant 0 : i32
      %dma_wait3A_155 = tpu.memref_slice %arg13[%add3A_27, %dma_wait3A_154] : memref<10240x64xf32, #tpu.memory_space<vmem_shared>> -> memref<128x64xf32, #tpu.memory_space<vmem_shared>>
      %dma_wait3A_156 = arith.constant 0 : i32
      %dma_wait3A_157 = tpu.memref_slice %arg13[%add3A_27, %dma_wait3A_156] : memref<10240x64xf32, #tpu.memory_space<vmem_shared>> -> memref<128x64xf32, #tpu.memory_space<vmem_shared>>
      tpu.wait_dma2 semaphore(%run_scoped3A : memref<!tpu.dma_semaphore, #tpu.memory_space<semaphore_mem>>) src(%arg12 : memref<128x64xf32, #tpu.memory_space<vmem>>) dst(%dma_wait3A_157 : memref<128x64xf32, #tpu.memory_space<vmem_shared>>)
      tpu.yield
    }) : () -> ()
    %barrier3A = arith.constant 0 : index
    tpu.barrier barrier_id(%barrier3A)
    "tpu.region"() ({
      %run_scoped3A = tpu.sem_alloc : memref<!tpu.dma_semaphore, #tpu.memory_space<semaphore_mem>>
      %dma_start3A_150 = arith.constant 0 : i32
      %dma_start3A_151 = arith.constant 0 : i32
      %dma_start3A_152 = tpu.memref_slice %arg3[%add3A, %dma_start3A_150, %dma_start3A_151] : memref<32x80x128xi32, #tpu.memory_space<hbm>> -> memref<1x80x128xi32, #tpu.memory_space<hbm>>
      %dma_start3A_153 = tpu.memref_squeeze %dma_start3A_152 : memref<1x80x128xi32, #tpu.memory_space<hbm>> -> memref<80x128xi32, #tpu.memory_space<hbm>>
      %dma_start3A_154 = arith.constant 0 : i32
      %dma_start3A_155 = arith.constant 0 : i32
      %dma_start3A_156 = tpu.memref_slice %arg3[%add3A, %dma_start3A_154, %dma_start3A_155] : memref<32x80x128xi32, #tpu.memory_space<hbm>> -> memref<1x80x128xi32, #tpu.memory_space<hbm>>
      %dma_start3A_157 = tpu.memref_squeeze %dma_start3A_156 : memref<1x80x128xi32, #tpu.memory_space<hbm>> -> memref<80x128xi32, #tpu.memory_space<hbm>>
      tpu.enqueue_dma source(%dma_start3A_157 : memref<80x128xi32, #tpu.memory_space<hbm>>) target(%arg6 : memref<80x128xi32, #tpu.memory_space<vmem>>) target_semaphore(%run_scoped3A : memref<!tpu.dma_semaphore, #tpu.memory_space<semaphore_mem>>)
      %dma_wait3A_158 = arith.constant 0 : i32
      %dma_wait3A_159 = arith.constant 0 : i32
      %dma_wait3A_160 = tpu.memref_slice %arg3[%add3A, %dma_wait3A_158, %dma_wait3A_159] : memref<32x80x128xi32, #tpu.memory_space<hbm>> -> memref<1x80x128xi32, #tpu.memory_space<hbm>>
      %dma_wait3A_161 = tpu.memref_squeeze %dma_wait3A_160 : memref<1x80x128xi32, #tpu.memory_space<hbm>> -> memref<80x128xi32, #tpu.memory_space<hbm>>
      %dma_wait3A_162 = arith.constant 0 : i32
      %dma_wait3A_163 = arith.constant 0 : i32
      %dma_wait3A_164 = tpu.memref_slice %arg3[%add3A, %dma_wait3A_162, %dma_wait3A_163] : memref<32x80x128xi32, #tpu.memory_space<hbm>> -> memref<1x80x128xi32, #tpu.memory_space<hbm>>
      %dma_wait3A_165 = tpu.memref_squeeze %dma_wait3A_164 : memref<1x80x128xi32, #tpu.memory_space<hbm>> -> memref<80x128xi32, #tpu.memory_space<hbm>>
      tpu.wait_dma2 semaphore(%run_scoped3A : memref<!tpu.dma_semaphore, #tpu.memory_space<semaphore_mem>>) src(%dma_wait3A_165 : memref<80x128xi32, #tpu.memory_space<hbm>>) dst(%arg6 : memref<80x128xi32, #tpu.memory_space<vmem>>)
      tpu.yield
    }) : () -> ()
    "tpu.region"() ({
      %run_scoped3A = tpu.sem_alloc : memref<!tpu.dma_semaphore, #tpu.memory_space<semaphore_mem>>
      %dma_start3A_150 = arith.constant 0 : i32
      %dma_start3A_151 = arith.constant 0 : i32
      %dma_start3A_152 = tpu.memref_slice %arg4[%add3A, %dma_start3A_150, %dma_start3A_151] : memref<32x80x128xi32, #tpu.memory_space<hbm>> -> memref<1x80x128xi32, #tpu.memory_space<hbm>>
      %dma_start3A_153 = tpu.memref_squeeze %dma_start3A_152 : memref<1x80x128xi32, #tpu.memory_space<hbm>> -> memref<80x128xi32, #tpu.memory_space<hbm>>
      %dma_start3A_154 = arith.constant 0 : i32
      %dma_start3A_155 = arith.constant 0 : i32
      %dma_start3A_156 = tpu.memref_slice %arg4[%add3A, %dma_start3A_154, %dma_start3A_155] : memref<32x80x128xi32, #tpu.memory_space<hbm>> -> memref<1x80x128xi32, #tpu.memory_space<hbm>>
      %dma_start3A_157 = tpu.memref_squeeze %dma_start3A_156 : memref<1x80x128xi32, #tpu.memory_space<hbm>> -> memref<80x128xi32, #tpu.memory_space<hbm>>
      tpu.enqueue_dma source(%dma_start3A_157 : memref<80x128xi32, #tpu.memory_space<hbm>>) target(%arg7 : memref<80x128xi32, #tpu.memory_space<vmem>>) target_semaphore(%run_scoped3A : memref<!tpu.dma_semaphore, #tpu.memory_space<semaphore_mem>>)
      %dma_wait3A_158 = arith.constant 0 : i32
      %dma_wait3A_159 = arith.constant 0 : i32
      %dma_wait3A_160 = tpu.memref_slice %arg4[%add3A, %dma_wait3A_158, %dma_wait3A_159] : memref<32x80x128xi32, #tpu.memory_space<hbm>> -> memref<1x80x128xi32, #tpu.memory_space<hbm>>
      %dma_wait3A_161 = tpu.memref_squeeze %dma_wait3A_160 : memref<1x80x128xi32, #tpu.memory_space<hbm>> -> memref<80x128xi32, #tpu.memory_space<hbm>>
      %dma_wait3A_162 = arith.constant 0 : i32
      %dma_wait3A_163 = arith.constant 0 : i32
      %dma_wait3A_164 = tpu.memref_slice %arg4[%add3A, %dma_wait3A_162, %dma_wait3A_163] : memref<32x80x128xi32, #tpu.memory_space<hbm>> -> memref<1x80x128xi32, #tpu.memory_space<hbm>>
      %dma_wait3A_165 = tpu.memref_squeeze %dma_wait3A_164 : memref<1x80x128xi32, #tpu.memory_space<hbm>> -> memref<80x128xi32, #tpu.memory_space<hbm>>
      tpu.wait_dma2 semaphore(%run_scoped3A : memref<!tpu.dma_semaphore, #tpu.memory_space<semaphore_mem>>) src(%dma_wait3A_165 : memref<80x128xi32, #tpu.memory_space<hbm>>) dst(%arg7 : memref<80x128xi32, #tpu.memory_space<vmem>>)
      tpu.yield
    }) : () -> ()
    %dma_start3A = arith.constant 0 : i32
    %dma_start3A_28 = arith.constant 0 : i32
    %dma_start3A_29 = tpu.memref_slice %arg6[%dma_start3A, %dma_start3A_28] : memref<80x128xi32, #tpu.memory_space<vmem>> -> memref<1x128xi32, #tpu.memory_space<vmem>>
    %dma_start3A_30 = tpu.memref_squeeze %dma_start3A_29 : memref<1x128xi32, #tpu.memory_space<vmem>> -> memref<128xi32, #tpu.memory_space<vmem>>
    %dma_start3A_31 = arith.constant 0 : i32
    %dma_start3A_32 = arith.constant 0 : i32
    %dma_start3A_33 = tpu.memref_slice %arg2[%dma_start3A_31, %dma_start3A_32] : memref<10000x64xf32, #tpu.memory_space<hbm>> -> memref<10000x64xf32, #tpu.memory_space<hbm>>
    tpu.enqueue_indirect_dma source(%dma_start3A_33 : memref<10000x64xf32, #tpu.memory_space<hbm>>) target(%arg8 : memref<128x64xf32, #tpu.memory_space<vmem>>) offsets(%dma_start3A_30 : memref<128xi32, #tpu.memory_space<vmem>>) semaphore(%arg14 : memref<!tpu.dma_semaphore, #tpu.memory_space<semaphore_mem>>)
    %dma_start3A_34 = arith.constant 1 : i32
    %dma_start3A_35 = arith.constant 0 : i32
    %dma_start3A_36 = tpu.memref_slice %arg6[%dma_start3A_34, %dma_start3A_35] : memref<80x128xi32, #tpu.memory_space<vmem>> -> memref<1x128xi32, #tpu.memory_space<vmem>>
    %dma_start3A_37 = tpu.memref_squeeze %dma_start3A_36 : memref<1x128xi32, #tpu.memory_space<vmem>> -> memref<128xi32, #tpu.memory_space<vmem>>
    %dma_start3A_38 = arith.constant 0 : i32
    %dma_start3A_39 = arith.constant 0 : i32
    %dma_start3A_40 = tpu.memref_slice %arg2[%dma_start3A_38, %dma_start3A_39] : memref<10000x64xf32, #tpu.memory_space<hbm>> -> memref<10000x64xf32, #tpu.memory_space<hbm>>
    tpu.enqueue_indirect_dma source(%dma_start3A_40 : memref<10000x64xf32, #tpu.memory_space<hbm>>) target(%arg9 : memref<128x64xf32, #tpu.memory_space<vmem>>) offsets(%dma_start3A_37 : memref<128xi32, #tpu.memory_space<vmem>>) semaphore(%arg15 : memref<!tpu.dma_semaphore, #tpu.memory_space<semaphore_mem>>)
    %dma_start3A_41 = arith.constant 2 : i32
    %dma_start3A_42 = arith.constant 0 : i32
    %dma_start3A_43 = tpu.memref_slice %arg6[%dma_start3A_41, %dma_start3A_42] : memref<80x128xi32, #tpu.memory_space<vmem>> -> memref<1x128xi32, #tpu.memory_space<vmem>>
    %dma_start3A_44 = tpu.memref_squeeze %dma_start3A_43 : memref<1x128xi32, #tpu.memory_space<vmem>> -> memref<128xi32, #tpu.memory_space<vmem>>
    %dma_start3A_45 = arith.constant 0 : i32
    %dma_start3A_46 = arith.constant 0 : i32
    %dma_start3A_47 = tpu.memref_slice %arg2[%dma_start3A_45, %dma_start3A_46] : memref<10000x64xf32, #tpu.memory_space<hbm>> -> memref<10000x64xf32, #tpu.memory_space<hbm>>
    tpu.enqueue_indirect_dma source(%dma_start3A_47 : memref<10000x64xf32, #tpu.memory_space<hbm>>) target(%arg10 : memref<128x64xf32, #tpu.memory_space<vmem>>) offsets(%dma_start3A_44 : memref<128xi32, #tpu.memory_space<vmem>>) semaphore(%arg16 : memref<!tpu.dma_semaphore, #tpu.memory_space<semaphore_mem>>)
    %dma_start3A_48 = arith.constant 3 : i32
    %dma_start3A_49 = arith.constant 0 : i32
    %dma_start3A_50 = tpu.memref_slice %arg6[%dma_start3A_48, %dma_start3A_49] : memref<80x128xi32, #tpu.memory_space<vmem>> -> memref<1x128xi32, #tpu.memory_space<vmem>>
    %dma_start3A_51 = tpu.memref_squeeze %dma_start3A_50 : memref<1x128xi32, #tpu.memory_space<vmem>> -> memref<128xi32, #tpu.memory_space<vmem>>
    %dma_start3A_52 = arith.constant 0 : i32
    %dma_start3A_53 = arith.constant 0 : i32
    %dma_start3A_54 = tpu.memref_slice %arg2[%dma_start3A_52, %dma_start3A_53] : memref<10000x64xf32, #tpu.memory_space<hbm>> -> memref<10000x64xf32, #tpu.memory_space<hbm>>
    tpu.enqueue_indirect_dma source(%dma_start3A_54 : memref<10000x64xf32, #tpu.memory_space<hbm>>) target(%arg11 : memref<128x64xf32, #tpu.memory_space<vmem>>) offsets(%dma_start3A_51 : memref<128xi32, #tpu.memory_space<vmem>>) semaphore(%arg17 : memref<!tpu.dma_semaphore, #tpu.memory_space<semaphore_mem>>)
    %scan3A_55 = arith.constant 0 : i32
    %scan3A_56 = arith.constant 0 : i32
    %scan3A_57 = arith.constant 19 : i32
    %scan3A_58 = arith.addi %scan3A_56, %scan3A_57 : i32
    %scan3A_59 = arith.constant 1 : i32
    %scan3A_60 = scf.for %scan3A_150 = %scan3A_56 to %scan3A_58 step %scan3A_59 iter_args(%scan3A_151 = %scan3A_55) -> (i32)  : i32 {
      %mul3A_152 = arith.constant 4 : i32
      %mul3A_153 = arith.muli %scan3A_150, %mul3A_152 : i32
      %add3A_154 = arith.constant 0 : i32
      %add3A_155 = arith.addi %mul3A_153, %add3A_154 : i32
      %dma_wait3A_156 = arith.constant 0 : i32
      %dma_wait3A_157 = tpu.memref_slice %arg6[%add3A_155, %dma_wait3A_156] : memref<80x128xi32, #tpu.memory_space<vmem>> -> memref<1x128xi32, #tpu.memory_space<vmem>>
      %dma_wait3A_158 = tpu.memref_squeeze %dma_wait3A_157 : memref<1x128xi32, #tpu.memory_space<vmem>> -> memref<128xi32, #tpu.memory_space<vmem>>
      %dma_wait3A_159 = arith.constant 0 : i32
      %dma_wait3A_160 = arith.constant 0 : i32
      %dma_wait3A_161 = tpu.memref_slice %arg2[%dma_wait3A_159, %dma_wait3A_160] : memref<10000x64xf32, #tpu.memory_space<hbm>> -> memref<10000x64xf32, #tpu.memory_space<hbm>>
      tpu.wait_indirect_dma semaphore(%arg14 : memref<!tpu.dma_semaphore, #tpu.memory_space<semaphore_mem>>) src(%dma_wait3A_161 : memref<10000x64xf32, #tpu.memory_space<hbm>>) dst(%arg8 : memref<128x64xf32, #tpu.memory_space<vmem>>)
      %dma_start3A_162 = arith.constant 0 : i32
      %dma_start3A_163 = tpu.memref_slice %arg7[%add3A_155, %dma_start3A_162] : memref<80x128xi32, #tpu.memory_space<vmem>> -> memref<1x128xi32, #tpu.memory_space<vmem>>
      %dma_start3A_164 = tpu.memref_squeeze %dma_start3A_163 : memref<1x128xi32, #tpu.memory_space<vmem>> -> memref<128xi32, #tpu.memory_space<vmem>>
      %dma_start3A_165 = arith.constant 0 : i32
      %dma_start3A_166 = arith.constant 0 : i32
      %dma_start3A_167 = tpu.memref_slice %arg13[%dma_start3A_165, %dma_start3A_166] : memref<10240x64xf32, #tpu.memory_space<vmem_shared>> -> memref<10240x64xf32, #tpu.memory_space<vmem_shared>>
      tpu.enqueue_indirect_dma source(%arg8 : memref<128x64xf32, #tpu.memory_space<vmem>>) target(%dma_start3A_167 : memref<10240x64xf32, #tpu.memory_space<vmem_shared>>) offsets(%dma_start3A_164 : memref<128xi32, #tpu.memory_space<vmem>>) semaphore(%arg18 : memref<!tpu.dma_semaphore, #tpu.memory_space<semaphore_mem>>) {add = true}
      %mul3A_168 = arith.constant 4 : i32
      %mul3A_169 = arith.muli %scan3A_150, %mul3A_168 : i32
      %add3A_170 = arith.constant 1 : i32
      %add3A_171 = arith.addi %mul3A_169, %add3A_170 : i32
      %dma_wait3A_172 = arith.constant 0 : i32
      %dma_wait3A_173 = tpu.memref_slice %arg6[%add3A_171, %dma_wait3A_172] : memref<80x128xi32, #tpu.memory_space<vmem>> -> memref<1x128xi32, #tpu.memory_space<vmem>>
      %dma_wait3A_174 = tpu.memref_squeeze %dma_wait3A_173 : memref<1x128xi32, #tpu.memory_space<vmem>> -> memref<128xi32, #tpu.memory_space<vmem>>
      %dma_wait3A_175 = arith.constant 0 : i32
      %dma_wait3A_176 = arith.constant 0 : i32
      %dma_wait3A_177 = tpu.memref_slice %arg2[%dma_wait3A_175, %dma_wait3A_176] : memref<10000x64xf32, #tpu.memory_space<hbm>> -> memref<10000x64xf32, #tpu.memory_space<hbm>>
      tpu.wait_indirect_dma semaphore(%arg15 : memref<!tpu.dma_semaphore, #tpu.memory_space<semaphore_mem>>) src(%dma_wait3A_177 : memref<10000x64xf32, #tpu.memory_space<hbm>>) dst(%arg9 : memref<128x64xf32, #tpu.memory_space<vmem>>)
      %dma_start3A_178 = arith.constant 0 : i32
      %dma_start3A_179 = tpu.memref_slice %arg7[%add3A_171, %dma_start3A_178] : memref<80x128xi32, #tpu.memory_space<vmem>> -> memref<1x128xi32, #tpu.memory_space<vmem>>
      %dma_start3A_180 = tpu.memref_squeeze %dma_start3A_179 : memref<1x128xi32, #tpu.memory_space<vmem>> -> memref<128xi32, #tpu.memory_space<vmem>>
      %dma_start3A_181 = arith.constant 0 : i32
      %dma_start3A_182 = arith.constant 0 : i32
      %dma_start3A_183 = tpu.memref_slice %arg13[%dma_start3A_181, %dma_start3A_182] : memref<10240x64xf32, #tpu.memory_space<vmem_shared>> -> memref<10240x64xf32, #tpu.memory_space<vmem_shared>>
      tpu.enqueue_indirect_dma source(%arg9 : memref<128x64xf32, #tpu.memory_space<vmem>>) target(%dma_start3A_183 : memref<10240x64xf32, #tpu.memory_space<vmem_shared>>) offsets(%dma_start3A_180 : memref<128xi32, #tpu.memory_space<vmem>>) semaphore(%arg19 : memref<!tpu.dma_semaphore, #tpu.memory_space<semaphore_mem>>) {add = true}
      %mul3A_184 = arith.constant 4 : i32
      %mul3A_185 = arith.muli %scan3A_150, %mul3A_184 : i32
      %add3A_186 = arith.constant 2 : i32
      %add3A_187 = arith.addi %mul3A_185, %add3A_186 : i32
      %dma_wait3A_188 = arith.constant 0 : i32
      %dma_wait3A_189 = tpu.memref_slice %arg6[%add3A_187, %dma_wait3A_188] : memref<80x128xi32, #tpu.memory_space<vmem>> -> memref<1x128xi32, #tpu.memory_space<vmem>>
      %dma_wait3A_190 = tpu.memref_squeeze %dma_wait3A_189 : memref<1x128xi32, #tpu.memory_space<vmem>> -> memref<128xi32, #tpu.memory_space<vmem>>
      %dma_wait3A_191 = arith.constant 0 : i32
      %dma_wait3A_192 = arith.constant 0 : i32
      %dma_wait3A_193 = tpu.memref_slice %arg2[%dma_wait3A_191, %dma_wait3A_192] : memref<10000x64xf32, #tpu.memory_space<hbm>> -> memref<10000x64xf32, #tpu.memory_space<hbm>>
      tpu.wait_indirect_dma semaphore(%arg16 : memref<!tpu.dma_semaphore, #tpu.memory_space<semaphore_mem>>) src(%dma_wait3A_193 : memref<10000x64xf32, #tpu.memory_space<hbm>>) dst(%arg10 : memref<128x64xf32, #tpu.memory_space<vmem>>)
      %dma_start3A_194 = arith.constant 0 : i32
      %dma_start3A_195 = tpu.memref_slice %arg7[%add3A_187, %dma_start3A_194] : memref<80x128xi32, #tpu.memory_space<vmem>> -> memref<1x128xi32, #tpu.memory_space<vmem>>
      %dma_start3A_196 = tpu.memref_squeeze %dma_start3A_195 : memref<1x128xi32, #tpu.memory_space<vmem>> -> memref<128xi32, #tpu.memory_space<vmem>>
      %dma_start3A_197 = arith.constant 0 : i32
      %dma_start3A_198 = arith.constant 0 : i32
      %dma_start3A_199 = tpu.memref_slice %arg13[%dma_start3A_197, %dma_start3A_198] : memref<10240x64xf32, #tpu.memory_space<vmem_shared>> -> memref<10240x64xf32, #tpu.memory_space<vmem_shared>>
      tpu.enqueue_indirect_dma source(%arg10 : memref<128x64xf32, #tpu.memory_space<vmem>>) target(%dma_start3A_199 : memref<10240x64xf32, #tpu.memory_space<vmem_shared>>) offsets(%dma_start3A_196 : memref<128xi32, #tpu.memory_space<vmem>>) semaphore(%arg20 : memref<!tpu.dma_semaphore, #tpu.memory_space<semaphore_mem>>) {add = true}
      %mul3A_200 = arith.constant 4 : i32
      %mul3A_201 = arith.muli %scan3A_150, %mul3A_200 : i32
      %add3A_202 = arith.constant 3 : i32
      %add3A_203 = arith.addi %mul3A_201, %add3A_202 : i32
      %dma_wait3A_204 = arith.constant 0 : i32
      %dma_wait3A_205 = tpu.memref_slice %arg6[%add3A_203, %dma_wait3A_204] : memref<80x128xi32, #tpu.memory_space<vmem>> -> memref<1x128xi32, #tpu.memory_space<vmem>>
      %dma_wait3A_206 = tpu.memref_squeeze %dma_wait3A_205 : memref<1x128xi32, #tpu.memory_space<vmem>> -> memref<128xi32, #tpu.memory_space<vmem>>
      %dma_wait3A_207 = arith.constant 0 : i32
      %dma_wait3A_208 = arith.constant 0 : i32
      %dma_wait3A_209 = tpu.memref_slice %arg2[%dma_wait3A_207, %dma_wait3A_208] : memref<10000x64xf32, #tpu.memory_space<hbm>> -> memref<10000x64xf32, #tpu.memory_space<hbm>>
      tpu.wait_indirect_dma semaphore(%arg17 : memref<!tpu.dma_semaphore, #tpu.memory_space<semaphore_mem>>) src(%dma_wait3A_209 : memref<10000x64xf32, #tpu.memory_space<hbm>>) dst(%arg11 : memref<128x64xf32, #tpu.memory_space<vmem>>)
      %dma_start3A_210 = arith.constant 0 : i32
      %dma_start3A_211 = tpu.memref_slice %arg7[%add3A_203, %dma_start3A_210] : memref<80x128xi32, #tpu.memory_space<vmem>> -> memref<1x128xi32, #tpu.memory_space<vmem>>
      %dma_start3A_212 = tpu.memref_squeeze %dma_start3A_211 : memref<1x128xi32, #tpu.memory_space<vmem>> -> memref<128xi32, #tpu.memory_space<vmem>>
      %dma_start3A_213 = arith.constant 0 : i32
      %dma_start3A_214 = arith.constant 0 : i32
      %dma_start3A_215 = tpu.memref_slice %arg13[%dma_start3A_213, %dma_start3A_214] : memref<10240x64xf32, #tpu.memory_space<vmem_shared>> -> memref<10240x64xf32, #tpu.memory_space<vmem_shared>>
      tpu.enqueue_indirect_dma source(%arg11 : memref<128x64xf32, #tpu.memory_space<vmem>>) target(%dma_start3A_215 : memref<10240x64xf32, #tpu.memory_space<vmem_shared>>) offsets(%dma_start3A_212 : memref<128xi32, #tpu.memory_space<vmem>>) semaphore(%arg21 : memref<!tpu.dma_semaphore, #tpu.memory_space<semaphore_mem>>) {add = true}
      %mul3A_216 = arith.constant 4 : i32
      %mul3A_217 = arith.muli %scan3A_150, %mul3A_216 : i32
      %add3A_218 = arith.constant 0 : i32
      %add3A_219 = arith.addi %mul3A_217, %add3A_218 : i32
      %dma_wait3A_220 = arith.constant 0 : i32
      %dma_wait3A_221 = tpu.memref_slice %arg7[%add3A_219, %dma_wait3A_220] : memref<80x128xi32, #tpu.memory_space<vmem>> -> memref<1x128xi32, #tpu.memory_space<vmem>>
      %dma_wait3A_222 = tpu.memref_squeeze %dma_wait3A_221 : memref<1x128xi32, #tpu.memory_space<vmem>> -> memref<128xi32, #tpu.memory_space<vmem>>
      %dma_wait3A_223 = arith.constant 0 : i32
      %dma_wait3A_224 = arith.constant 0 : i32
      %dma_wait3A_225 = tpu.memref_slice %arg13[%dma_wait3A_223, %dma_wait3A_224] : memref<10240x64xf32, #tpu.memory_space<vmem_shared>> -> memref<10240x64xf32, #tpu.memory_space<vmem_shared>>
      tpu.wait_indirect_dma semaphore(%arg18 : memref<!tpu.dma_semaphore, #tpu.memory_space<semaphore_mem>>) src(%arg8 : memref<128x64xf32, #tpu.memory_space<vmem>>) dst(%dma_wait3A_225 : memref<10240x64xf32, #tpu.memory_space<vmem_shared>>)
      %add3A_226 = arith.constant 4 : i32
      %add3A_227 = arith.addi %add3A_219, %add3A_226 : i32
      %dma_start3A_228 = arith.constant 0 : i32
      %dma_start3A_229 = tpu.memref_slice %arg6[%add3A_227, %dma_start3A_228] : memref<80x128xi32, #tpu.memory_space<vmem>> -> memref<1x128xi32, #tpu.memory_space<vmem>>
      %dma_start3A_230 = tpu.memref_squeeze %dma_start3A_229 : memref<1x128xi32, #tpu.memory_space<vmem>> -> memref<128xi32, #tpu.memory_space<vmem>>
      %dma_start3A_231 = arith.constant 0 : i32
      %dma_start3A_232 = arith.constant 0 : i32
      %dma_start3A_233 = tpu.memref_slice %arg2[%dma_start3A_231, %dma_start3A_232] : memref<10000x64xf32, #tpu.memory_space<hbm>> -> memref<10000x64xf32, #tpu.memory_space<hbm>>
      tpu.enqueue_indirect_dma source(%dma_start3A_233 : memref<10000x64xf32, #tpu.memory_space<hbm>>) target(%arg8 : memref<128x64xf32, #tpu.memory_space<vmem>>) offsets(%dma_start3A_230 : memref<128xi32, #tpu.memory_space<vmem>>) semaphore(%arg14 : memref<!tpu.dma_semaphore, #tpu.memory_space<semaphore_mem>>)
      %mul3A_234 = arith.constant 4 : i32
      %mul3A_235 = arith.muli %scan3A_150, %mul3A_234 : i32
      %add3A_236 = arith.constant 1 : i32
      %add3A_237 = arith.addi %mul3A_235, %add3A_236 : i32
      %dma_wait3A_238 = arith.constant 0 : i32
      %dma_wait3A_239 = tpu.memref_slice %arg7[%add3A_237, %dma_wait3A_238] : memref<80x128xi32, #tpu.memory_space<vmem>> -> memref<1x128xi32, #tpu.memory_space<vmem>>
      %dma_wait3A_240 = tpu.memref_squeeze %dma_wait3A_239 : memref<1x128xi32, #tpu.memory_space<vmem>> -> memref<128xi32, #tpu.memory_space<vmem>>
      %dma_wait3A_241 = arith.constant 0 : i32
      %dma_wait3A_242 = arith.constant 0 : i32
      %dma_wait3A_243 = tpu.memref_slice %arg13[%dma_wait3A_241, %dma_wait3A_242] : memref<10240x64xf32, #tpu.memory_space<vmem_shared>> -> memref<10240x64xf32, #tpu.memory_space<vmem_shared>>
      tpu.wait_indirect_dma semaphore(%arg19 : memref<!tpu.dma_semaphore, #tpu.memory_space<semaphore_mem>>) src(%arg9 : memref<128x64xf32, #tpu.memory_space<vmem>>) dst(%dma_wait3A_243 : memref<10240x64xf32, #tpu.memory_space<vmem_shared>>)
      %add3A_244 = arith.constant 4 : i32
      %add3A_245 = arith.addi %add3A_237, %add3A_244 : i32
      %dma_start3A_246 = arith.constant 0 : i32
      %dma_start3A_247 = tpu.memref_slice %arg6[%add3A_245, %dma_start3A_246] : memref<80x128xi32, #tpu.memory_space<vmem>> -> memref<1x128xi32, #tpu.memory_space<vmem>>
      %dma_start3A_248 = tpu.memref_squeeze %dma_start3A_247 : memref<1x128xi32, #tpu.memory_space<vmem>> -> memref<128xi32, #tpu.memory_space<vmem>>
      %dma_start3A_249 = arith.constant 0 : i32
      %dma_start3A_250 = arith.constant 0 : i32
      %dma_start3A_251 = tpu.memref_slice %arg2[%dma_start3A_249, %dma_start3A_250] : memref<10000x64xf32, #tpu.memory_space<hbm>> -> memref<10000x64xf32, #tpu.memory_space<hbm>>
      tpu.enqueue_indirect_dma source(%dma_start3A_251 : memref<10000x64xf32, #tpu.memory_space<hbm>>) target(%arg9 : memref<128x64xf32, #tpu.memory_space<vmem>>) offsets(%dma_start3A_248 : memref<128xi32, #tpu.memory_space<vmem>>) semaphore(%arg15 : memref<!tpu.dma_semaphore, #tpu.memory_space<semaphore_mem>>)
      %mul3A_252 = arith.constant 4 : i32
      %mul3A_253 = arith.muli %scan3A_150, %mul3A_252 : i32
      %add3A_254 = arith.constant 2 : i32
      %add3A_255 = arith.addi %mul3A_253, %add3A_254 : i32
      %dma_wait3A_256 = arith.constant 0 : i32
      %dma_wait3A_257 = tpu.memref_slice %arg7[%add3A_255, %dma_wait3A_256] : memref<80x128xi32, #tpu.memory_space<vmem>> -> memref<1x128xi32, #tpu.memory_space<vmem>>
      %dma_wait3A_258 = tpu.memref_squeeze %dma_wait3A_257 : memref<1x128xi32, #tpu.memory_space<vmem>> -> memref<128xi32, #tpu.memory_space<vmem>>
      %dma_wait3A_259 = arith.constant 0 : i32
      %dma_wait3A_260 = arith.constant 0 : i32
      %dma_wait3A_261 = tpu.memref_slice %arg13[%dma_wait3A_259, %dma_wait3A_260] : memref<10240x64xf32, #tpu.memory_space<vmem_shared>> -> memref<10240x64xf32, #tpu.memory_space<vmem_shared>>
      tpu.wait_indirect_dma semaphore(%arg20 : memref<!tpu.dma_semaphore, #tpu.memory_space<semaphore_mem>>) src(%arg10 : memref<128x64xf32, #tpu.memory_space<vmem>>) dst(%dma_wait3A_261 : memref<10240x64xf32, #tpu.memory_space<vmem_shared>>)
      %add3A_262 = arith.constant 4 : i32
      %add3A_263 = arith.addi %add3A_255, %add3A_262 : i32
      %dma_start3A_264 = arith.constant 0 : i32
      %dma_start3A_265 = tpu.memref_slice %arg6[%add3A_263, %dma_start3A_264] : memref<80x128xi32, #tpu.memory_space<vmem>> -> memref<1x128xi32, #tpu.memory_space<vmem>>
      %dma_start3A_266 = tpu.memref_squeeze %dma_start3A_265 : memref<1x128xi32, #tpu.memory_space<vmem>> -> memref<128xi32, #tpu.memory_space<vmem>>
      %dma_start3A_267 = arith.constant 0 : i32
      %dma_start3A_268 = arith.constant 0 : i32
      %dma_start3A_269 = tpu.memref_slice %arg2[%dma_start3A_267, %dma_start3A_268] : memref<10000x64xf32, #tpu.memory_space<hbm>> -> memref<10000x64xf32, #tpu.memory_space<hbm>>
      tpu.enqueue_indirect_dma source(%dma_start3A_269 : memref<10000x64xf32, #tpu.memory_space<hbm>>) target(%arg10 : memref<128x64xf32, #tpu.memory_space<vmem>>) offsets(%dma_start3A_266 : memref<128xi32, #tpu.memory_space<vmem>>) semaphore(%arg16 : memref<!tpu.dma_semaphore, #tpu.memory_space<semaphore_mem>>)
      %mul3A_270 = arith.constant 4 : i32
      %mul3A_271 = arith.muli %scan3A_150, %mul3A_270 : i32
      %add3A_272 = arith.constant 3 : i32
      %add3A_273 = arith.addi %mul3A_271, %add3A_272 : i32
      %dma_wait3A_274 = arith.constant 0 : i32
      %dma_wait3A_275 = tpu.memref_slice %arg7[%add3A_273, %dma_wait3A_274] : memref<80x128xi32, #tpu.memory_space<vmem>> -> memref<1x128xi32, #tpu.memory_space<vmem>>
      %dma_wait3A_276 = tpu.memref_squeeze %dma_wait3A_275 : memref<1x128xi32, #tpu.memory_space<vmem>> -> memref<128xi32, #tpu.memory_space<vmem>>
      %dma_wait3A_277 = arith.constant 0 : i32
      %dma_wait3A_278 = arith.constant 0 : i32
      %dma_wait3A_279 = tpu.memref_slice %arg13[%dma_wait3A_277, %dma_wait3A_278] : memref<10240x64xf32, #tpu.memory_space<vmem_shared>> -> memref<10240x64xf32, #tpu.memory_space<vmem_shared>>
      tpu.wait_indirect_dma semaphore(%arg21 : memref<!tpu.dma_semaphore, #tpu.memory_space<semaphore_mem>>) src(%arg11 : memref<128x64xf32, #tpu.memory_space<vmem>>) dst(%dma_wait3A_279 : memref<10240x64xf32, #tpu.memory_space<vmem_shared>>)
      %add3A_280 = arith.constant 4 : i32
      %add3A_281 = arith.addi %add3A_273, %add3A_280 : i32
      %dma_start3A_282 = arith.constant 0 : i32
      %dma_start3A_283 = tpu.memref_slice %arg6[%add3A_281, %dma_start3A_282] : memref<80x128xi32, #tpu.memory_space<vmem>> -> memref<1x128xi32, #tpu.memory_space<vmem>>
      %dma_start3A_284 = tpu.memref_squeeze %dma_start3A_283 : memref<1x128xi32, #tpu.memory_space<vmem>> -> memref<128xi32, #tpu.memory_space<vmem>>
      %dma_start3A_285 = arith.constant 0 : i32
      %dma_start3A_286 = arith.constant 0 : i32
      %dma_start3A_287 = tpu.memref_slice %arg2[%dma_start3A_285, %dma_start3A_286] : memref<10000x64xf32, #tpu.memory_space<hbm>> -> memref<10000x64xf32, #tpu.memory_space<hbm>>
      tpu.enqueue_indirect_dma source(%dma_start3A_287 : memref<10000x64xf32, #tpu.memory_space<hbm>>) target(%arg11 : memref<128x64xf32, #tpu.memory_space<vmem>>) offsets(%dma_start3A_284 : memref<128xi32, #tpu.memory_space<vmem>>) semaphore(%arg17 : memref<!tpu.dma_semaphore, #tpu.memory_space<semaphore_mem>>)
      %scan3A_288 = arith.constant 0 : i32
      scf.yield %scan3A_288 : i32
    }
    %scan3A_61 = arith.constant 19 : i32
    %dma_wait3A = arith.constant 76 : i32
    %dma_wait3A_62 = arith.constant 0 : i32
    %dma_wait3A_63 = tpu.memref_slice %arg6[%dma_wait3A, %dma_wait3A_62] : memref<80x128xi32, #tpu.memory_space<vmem>> -> memref<1x128xi32, #tpu.memory_space<vmem>>
    %dma_wait3A_64 = tpu.memref_squeeze %dma_wait3A_63 : memref<1x128xi32, #tpu.memory_space<vmem>> -> memref<128xi32, #tpu.memory_space<vmem>>
    %dma_wait3A_65 = arith.constant 0 : i32
    %dma_wait3A_66 = arith.constant 0 : i32
    %dma_wait3A_67 = tpu.memref_slice %arg2[%dma_wait3A_65, %dma_wait3A_66] : memref<10000x64xf32, #tpu.memory_space<hbm>> -> memref<10000x64xf32, #tpu.memory_space<hbm>>
    tpu.wait_indirect_dma semaphore(%arg14 : memref<!tpu.dma_semaphore, #tpu.memory_space<semaphore_mem>>) src(%dma_wait3A_67 : memref<10000x64xf32, #tpu.memory_space<hbm>>) dst(%arg8 : memref<128x64xf32, #tpu.memory_space<vmem>>)
    %dma_start3A_68 = arith.constant 76 : i32
    %dma_start3A_69 = arith.constant 0 : i32
    %dma_start3A_70 = tpu.memref_slice %arg7[%dma_start3A_68, %dma_start3A_69] : memref<80x128xi32, #tpu.memory_space<vmem>> -> memref<1x128xi32, #tpu.memory_space<vmem>>
    %dma_start3A_71 = tpu.memref_squeeze %dma_start3A_70 : memref<1x128xi32, #tpu.memory_space<vmem>> -> memref<128xi32, #tpu.memory_space<vmem>>
    %dma_start3A_72 = arith.constant 0 : i32
    %dma_start3A_73 = arith.constant 0 : i32
    %dma_start3A_74 = tpu.memref_slice %arg13[%dma_start3A_72, %dma_start3A_73] : memref<10240x64xf32, #tpu.memory_space<vmem_shared>> -> memref<10240x64xf32, #tpu.memory_space<vmem_shared>>
    tpu.enqueue_indirect_dma source(%arg8 : memref<128x64xf32, #tpu.memory_space<vmem>>) target(%dma_start3A_74 : memref<10240x64xf32, #tpu.memory_space<vmem_shared>>) offsets(%dma_start3A_71 : memref<128xi32, #tpu.memory_space<vmem>>) semaphore(%arg18 : memref<!tpu.dma_semaphore, #tpu.memory_space<semaphore_mem>>) {add = true}
    %dma_wait3A_75 = arith.constant 77 : i32
    %dma_wait3A_76 = arith.constant 0 : i32
    %dma_wait3A_77 = tpu.memref_slice %arg6[%dma_wait3A_75, %dma_wait3A_76] : memref<80x128xi32, #tpu.memory_space<vmem>> -> memref<1x128xi32, #tpu.memory_space<vmem>>
    %dma_wait3A_78 = tpu.memref_squeeze %dma_wait3A_77 : memref<1x128xi32, #tpu.memory_space<vmem>> -> memref<128xi32, #tpu.memory_space<vmem>>
    %dma_wait3A_79 = arith.constant 0 : i32
    %dma_wait3A_80 = arith.constant 0 : i32
    %dma_wait3A_81 = tpu.memref_slice %arg2[%dma_wait3A_79, %dma_wait3A_80] : memref<10000x64xf32, #tpu.memory_space<hbm>> -> memref<10000x64xf32, #tpu.memory_space<hbm>>
    tpu.wait_indirect_dma semaphore(%arg15 : memref<!tpu.dma_semaphore, #tpu.memory_space<semaphore_mem>>) src(%dma_wait3A_81 : memref<10000x64xf32, #tpu.memory_space<hbm>>) dst(%arg9 : memref<128x64xf32, #tpu.memory_space<vmem>>)
    %dma_start3A_82 = arith.constant 77 : i32
    %dma_start3A_83 = arith.constant 0 : i32
    %dma_start3A_84 = tpu.memref_slice %arg7[%dma_start3A_82, %dma_start3A_83] : memref<80x128xi32, #tpu.memory_space<vmem>> -> memref<1x128xi32, #tpu.memory_space<vmem>>
    %dma_start3A_85 = tpu.memref_squeeze %dma_start3A_84 : memref<1x128xi32, #tpu.memory_space<vmem>> -> memref<128xi32, #tpu.memory_space<vmem>>
    %dma_start3A_86 = arith.constant 0 : i32
    %dma_start3A_87 = arith.constant 0 : i32
    %dma_start3A_88 = tpu.memref_slice %arg13[%dma_start3A_86, %dma_start3A_87] : memref<10240x64xf32, #tpu.memory_space<vmem_shared>> -> memref<10240x64xf32, #tpu.memory_space<vmem_shared>>
    tpu.enqueue_indirect_dma source(%arg9 : memref<128x64xf32, #tpu.memory_space<vmem>>) target(%dma_start3A_88 : memref<10240x64xf32, #tpu.memory_space<vmem_shared>>) offsets(%dma_start3A_85 : memref<128xi32, #tpu.memory_space<vmem>>) semaphore(%arg19 : memref<!tpu.dma_semaphore, #tpu.memory_space<semaphore_mem>>) {add = true}
    %dma_wait3A_89 = arith.constant 78 : i32
    %dma_wait3A_90 = arith.constant 0 : i32
    %dma_wait3A_91 = tpu.memref_slice %arg6[%dma_wait3A_89, %dma_wait3A_90] : memref<80x128xi32, #tpu.memory_space<vmem>> -> memref<1x128xi32, #tpu.memory_space<vmem>>
    %dma_wait3A_92 = tpu.memref_squeeze %dma_wait3A_91 : memref<1x128xi32, #tpu.memory_space<vmem>> -> memref<128xi32, #tpu.memory_space<vmem>>
    %dma_wait3A_93 = arith.constant 0 : i32
    %dma_wait3A_94 = arith.constant 0 : i32
    %dma_wait3A_95 = tpu.memref_slice %arg2[%dma_wait3A_93, %dma_wait3A_94] : memref<10000x64xf32, #tpu.memory_space<hbm>> -> memref<10000x64xf32, #tpu.memory_space<hbm>>
    tpu.wait_indirect_dma semaphore(%arg16 : memref<!tpu.dma_semaphore, #tpu.memory_space<semaphore_mem>>) src(%dma_wait3A_95 : memref<10000x64xf32, #tpu.memory_space<hbm>>) dst(%arg10 : memref<128x64xf32, #tpu.memory_space<vmem>>)
    %dma_start3A_96 = arith.constant 78 : i32
    %dma_start3A_97 = arith.constant 0 : i32
    %dma_start3A_98 = tpu.memref_slice %arg7[%dma_start3A_96, %dma_start3A_97] : memref<80x128xi32, #tpu.memory_space<vmem>> -> memref<1x128xi32, #tpu.memory_space<vmem>>
    %dma_start3A_99 = tpu.memref_squeeze %dma_start3A_98 : memref<1x128xi32, #tpu.memory_space<vmem>> -> memref<128xi32, #tpu.memory_space<vmem>>
    %dma_start3A_100 = arith.constant 0 : i32
    %dma_start3A_101 = arith.constant 0 : i32
    %dma_start3A_102 = tpu.memref_slice %arg13[%dma_start3A_100, %dma_start3A_101] : memref<10240x64xf32, #tpu.memory_space<vmem_shared>> -> memref<10240x64xf32, #tpu.memory_space<vmem_shared>>
    tpu.enqueue_indirect_dma source(%arg10 : memref<128x64xf32, #tpu.memory_space<vmem>>) target(%dma_start3A_102 : memref<10240x64xf32, #tpu.memory_space<vmem_shared>>) offsets(%dma_start3A_99 : memref<128xi32, #tpu.memory_space<vmem>>) semaphore(%arg20 : memref<!tpu.dma_semaphore, #tpu.memory_space<semaphore_mem>>) {add = true}
    %dma_wait3A_103 = arith.constant 79 : i32
    %dma_wait3A_104 = arith.constant 0 : i32
    %dma_wait3A_105 = tpu.memref_slice %arg6[%dma_wait3A_103, %dma_wait3A_104] : memref<80x128xi32, #tpu.memory_space<vmem>> -> memref<1x128xi32, #tpu.memory_space<vmem>>
    %dma_wait3A_106 = tpu.memref_squeeze %dma_wait3A_105 : memref<1x128xi32, #tpu.memory_space<vmem>> -> memref<128xi32, #tpu.memory_space<vmem>>
    %dma_wait3A_107 = arith.constant 0 : i32
    %dma_wait3A_108 = arith.constant 0 : i32
    %dma_wait3A_109 = tpu.memref_slice %arg2[%dma_wait3A_107, %dma_wait3A_108] : memref<10000x64xf32, #tpu.memory_space<hbm>> -> memref<10000x64xf32, #tpu.memory_space<hbm>>
    tpu.wait_indirect_dma semaphore(%arg17 : memref<!tpu.dma_semaphore, #tpu.memory_space<semaphore_mem>>) src(%dma_wait3A_109 : memref<10000x64xf32, #tpu.memory_space<hbm>>) dst(%arg11 : memref<128x64xf32, #tpu.memory_space<vmem>>)
    %dma_start3A_110 = arith.constant 79 : i32
    %dma_start3A_111 = arith.constant 0 : i32
    %dma_start3A_112 = tpu.memref_slice %arg7[%dma_start3A_110, %dma_start3A_111] : memref<80x128xi32, #tpu.memory_space<vmem>> -> memref<1x128xi32, #tpu.memory_space<vmem>>
    %dma_start3A_113 = tpu.memref_squeeze %dma_start3A_112 : memref<1x128xi32, #tpu.memory_space<vmem>> -> memref<128xi32, #tpu.memory_space<vmem>>
    %dma_start3A_114 = arith.constant 0 : i32
    %dma_start3A_115 = arith.constant 0 : i32
    %dma_start3A_116 = tpu.memref_slice %arg13[%dma_start3A_114, %dma_start3A_115] : memref<10240x64xf32, #tpu.memory_space<vmem_shared>> -> memref<10240x64xf32, #tpu.memory_space<vmem_shared>>
    tpu.enqueue_indirect_dma source(%arg11 : memref<128x64xf32, #tpu.memory_space<vmem>>) target(%dma_start3A_116 : memref<10240x64xf32, #tpu.memory_space<vmem_shared>>) offsets(%dma_start3A_113 : memref<128xi32, #tpu.memory_space<vmem>>) semaphore(%arg21 : memref<!tpu.dma_semaphore, #tpu.memory_space<semaphore_mem>>) {add = true}
    %dma_wait3A_117 = arith.constant 76 : i32
    %dma_wait3A_118 = arith.constant 0 : i32
    %dma_wait3A_119 = tpu.memref_slice %arg7[%dma_wait3A_117, %dma_wait3A_118] : memref<80x128xi32, #tpu.memory_space<vmem>> -> memref<1x128xi32, #tpu.memory_space<vmem>>
    %dma_wait3A_120 = tpu.memref_squeeze %dma_wait3A_119 : memref<1x128xi32, #tpu.memory_space<vmem>> -> memref<128xi32, #tpu.memory_space<vmem>>
    %dma_wait3A_121 = arith.constant 0 : i32
    %dma_wait3A_122 = arith.constant 0 : i32
    %dma_wait3A_123 = tpu.memref_slice %arg13[%dma_wait3A_121, %dma_wait3A_122] : memref<10240x64xf32, #tpu.memory_space<vmem_shared>> -> memref<10240x64xf32, #tpu.memory_space<vmem_shared>>
    tpu.wait_indirect_dma semaphore(%arg18 : memref<!tpu.dma_semaphore, #tpu.memory_space<semaphore_mem>>) src(%arg8 : memref<128x64xf32, #tpu.memory_space<vmem>>) dst(%dma_wait3A_123 : memref<10240x64xf32, #tpu.memory_space<vmem_shared>>)
    %dma_wait3A_124 = arith.constant 77 : i32
    %dma_wait3A_125 = arith.constant 0 : i32
    %dma_wait3A_126 = tpu.memref_slice %arg7[%dma_wait3A_124, %dma_wait3A_125] : memref<80x128xi32, #tpu.memory_space<vmem>> -> memref<1x128xi32, #tpu.memory_space<vmem>>
    %dma_wait3A_127 = tpu.memref_squeeze %dma_wait3A_126 : memref<1x128xi32, #tpu.memory_space<vmem>> -> memref<128xi32, #tpu.memory_space<vmem>>
    %dma_wait3A_128 = arith.constant 0 : i32
    %dma_wait3A_129 = arith.constant 0 : i32
    %dma_wait3A_130 = tpu.memref_slice %arg13[%dma_wait3A_128, %dma_wait3A_129] : memref<10240x64xf32, #tpu.memory_space<vmem_shared>> -> memref<10240x64xf32, #tpu.memory_space<vmem_shared>>
    tpu.wait_indirect_dma semaphore(%arg19 : memref<!tpu.dma_semaphore, #tpu.memory_space<semaphore_mem>>) src(%arg9 : memref<128x64xf32, #tpu.memory_space<vmem>>) dst(%dma_wait3A_130 : memref<10240x64xf32, #tpu.memory_space<vmem_shared>>)
    %dma_wait3A_131 = arith.constant 78 : i32
    %dma_wait3A_132 = arith.constant 0 : i32
    %dma_wait3A_133 = tpu.memref_slice %arg7[%dma_wait3A_131, %dma_wait3A_132] : memref<80x128xi32, #tpu.memory_space<vmem>> -> memref<1x128xi32, #tpu.memory_space<vmem>>
    %dma_wait3A_134 = tpu.memref_squeeze %dma_wait3A_133 : memref<1x128xi32, #tpu.memory_space<vmem>> -> memref<128xi32, #tpu.memory_space<vmem>>
    %dma_wait3A_135 = arith.constant 0 : i32
    %dma_wait3A_136 = arith.constant 0 : i32
    %dma_wait3A_137 = tpu.memref_slice %arg13[%dma_wait3A_135, %dma_wait3A_136] : memref<10240x64xf32, #tpu.memory_space<vmem_shared>> -> memref<10240x64xf32, #tpu.memory_space<vmem_shared>>
    tpu.wait_indirect_dma semaphore(%arg20 : memref<!tpu.dma_semaphore, #tpu.memory_space<semaphore_mem>>) src(%arg10 : memref<128x64xf32, #tpu.memory_space<vmem>>) dst(%dma_wait3A_137 : memref<10240x64xf32, #tpu.memory_space<vmem_shared>>)
    %dma_wait3A_138 = arith.constant 79 : i32
    %dma_wait3A_139 = arith.constant 0 : i32
    %dma_wait3A_140 = tpu.memref_slice %arg7[%dma_wait3A_138, %dma_wait3A_139] : memref<80x128xi32, #tpu.memory_space<vmem>> -> memref<1x128xi32, #tpu.memory_space<vmem>>
    %dma_wait3A_141 = tpu.memref_squeeze %dma_wait3A_140 : memref<1x128xi32, #tpu.memory_space<vmem>> -> memref<128xi32, #tpu.memory_space<vmem>>
    %dma_wait3A_142 = arith.constant 0 : i32
    %dma_wait3A_143 = arith.constant 0 : i32
    %dma_wait3A_144 = tpu.memref_slice %arg13[%dma_wait3A_142, %dma_wait3A_143] : memref<10240x64xf32, #tpu.memory_space<vmem_shared>> -> memref<10240x64xf32, #tpu.memory_space<vmem_shared>>
    tpu.wait_indirect_dma semaphore(%arg21 : memref<!tpu.dma_semaphore, #tpu.memory_space<semaphore_mem>>) src(%arg11 : memref<128x64xf32, #tpu.memory_space<vmem>>) dst(%dma_wait3A_144 : memref<10240x64xf32, #tpu.memory_space<vmem_shared>>)
    %barrier3A_145 = arith.constant 0 : index
    tpu.barrier barrier_id(%barrier3A_145)
    %mul3A_146 = arith.constant 640 : i32
    %mul3A_147 = arith.muli %arg1, %mul3A_146 : i32
    %mul3A_148 = arith.constant 640 : i32
    %mul3A_149 = arith.muli %arg1, %mul3A_148 : i32
    "tpu.region"() ({
      %run_scoped3A = tpu.sem_alloc : memref<!tpu.dma_semaphore, #tpu.memory_space<semaphore_mem>>
      %dma_start3A_150 = arith.constant 0 : i32
      %dma_start3A_151 = tpu.memref_slice %arg5[%arg0, %mul3A_149, %dma_start3A_150] : memref<2x10240x64xf32, #tpu.memory_space<hbm>> -> memref<1x640x64xf32, #tpu.memory_space<hbm>>
      %dma_start3A_152 = tpu.memref_squeeze %dma_start3A_151 : memref<1x640x64xf32, #tpu.memory_space<hbm>> -> memref<640x64xf32, #tpu.memory_space<hbm>>
      %dma_start3A_153 = arith.constant 0 : i32
      %dma_start3A_154 = tpu.memref_slice %arg13[%mul3A_147, %dma_start3A_153] : memref<10240x64xf32, #tpu.memory_space<vmem_shared>> -> memref<640x64xf32, #tpu.memory_space<vmem_shared>>
      tpu.enqueue_dma source(%dma_start3A_154 : memref<640x64xf32, #tpu.memory_space<vmem_shared>>) target(%dma_start3A_152 : memref<640x64xf32, #tpu.memory_space<hbm>>) target_semaphore(%run_scoped3A : memref<!tpu.dma_semaphore, #tpu.memory_space<semaphore_mem>>)
      %dma_wait3A_155 = arith.constant 0 : i32
      %dma_wait3A_156 = tpu.memref_slice %arg5[%arg0, %mul3A_149, %dma_wait3A_155] : memref<2x10240x64xf32, #tpu.memory_space<hbm>> -> memref<1x640x64xf32, #tpu.memory_space<hbm>>
      %dma_wait3A_157 = tpu.memref_squeeze %dma_wait3A_156 : memref<1x640x64xf32, #tpu.memory_space<hbm>> -> memref<640x64xf32, #tpu.memory_space<hbm>>
      %dma_wait3A_158 = arith.constant 0 : i32
      %dma_wait3A_159 = tpu.memref_slice %arg13[%mul3A_147, %dma_wait3A_158] : memref<10240x64xf32, #tpu.memory_space<vmem_shared>> -> memref<640x64xf32, #tpu.memory_space<vmem_shared>>
      tpu.wait_dma2 semaphore(%run_scoped3A : memref<!tpu.dma_semaphore, #tpu.memory_space<semaphore_mem>>) src(%dma_wait3A_159 : memref<640x64xf32, #tpu.memory_space<vmem_shared>>) dst(%dma_wait3A_157 : memref<640x64xf32, #tpu.memory_space<hbm>>)
      tpu.yield
    }) : () -> ()
    return
  }
}

#map = affine_map<(d0, d1) -> (0, 0)>
#map1 = affine_map<(d0, d1) -> (0, 0, 0)>
module attributes {stable_mosaic.version = 14 : i64} {
  func.func @agg_kernel(%arg0: i32, %arg1: i32, %arg2: memref<10000x64xf32, #tpu.memory_space<hbm>>, %arg3: memref<32x80x128xi32, #tpu.memory_space<hbm>>, %arg4: memref<32x80x128xi32, #tpu.memory_space<hbm>>, %arg5: memref<2x10240x64xf32, #tpu.memory_space<hbm>>, %arg6: memref<80x128xi32, #tpu.memory_space<vmem>>, %arg7: memref<80x128xi32, #tpu.memory_space<vmem>>, %arg8: memref<128x64xf32, #tpu.memory_space<vmem>>, %arg9: memref<128x64xf32, #tpu.memory_space<vmem>>, %arg10: memref<128x64xf32, #tpu.memory_space<vmem>>, %arg11: memref<128x64xf32, #tpu.memory_space<vmem>>, %arg12: memref<128x64xf32, #tpu.memory_space<vmem>>, %arg13: memref<10240x64xf32, #tpu.memory_space<vmem_shared>>, %arg14: memref<!tpu.dma_semaphore, #tpu.memory_space<semaphore_mem>>, %arg15: memref<!tpu.dma_semaphore, #tpu.memory_space<semaphore_mem>>, %arg16: memref<!tpu.dma_semaphore, #tpu.memory_space<semaphore_mem>>, %arg17: memref<!tpu.dma_semaphore, #tpu.memory_space<semaphore_mem>>, %arg18: memref<!tpu.dma_semaphore, #tpu.memory_space<semaphore_mem>>, %arg19: memref<!tpu.dma_semaphore, #tpu.memory_space<semaphore_mem>>, %arg20: memref<!tpu.dma_semaphore, #tpu.memory_space<semaphore_mem>>, %arg21: memref<!tpu.dma_semaphore, #tpu.memory_space<semaphore_mem>>) attributes {dimension_semantics = [#tpu.dimension_semantics<core_parallel>, #tpu.dimension_semantics<subcore_parallel>], iteration_bounds = array<i64: 2, 16>, scalar_prefetch = 0 : i64, scratch_operands = 16 : i64, tpu.core_type = #tpu.core_type<sc_vector_subcore>, window_params = [{transform_indices = #map}, {transform_indices = #map1}, {transform_indices = #map1}, {transform_indices = #map1}]} {
    %mul3A = arith.constant 16 : i32
    %mul3A_0 = arith.muli %arg0, %mul3A : i32
    %add3A = arith.addi %mul3A_0, %arg1 : i32
    %broadcast_in_dim3A = arith.constant 0.000000e+00 : f32
    %broadcast_in_dim3A_1 = vector.broadcast %broadcast_in_dim3A : f32 to vector<16xf32>
    %scan3A = arith.constant 0 : i32
    %scan3A_2 = arith.constant 0 : i32
    %scan3A_3 = arith.constant 128 : i32
    %scan3A_4 = arith.addi %scan3A_2, %scan3A_3 : i32
    %scan3A_5 = arith.constant 1 : i32
    %scan3A_6 = scf.for %scan3A_150 = %scan3A_2 to %scan3A_4 step %scan3A_5 iter_args(%scan3A_151 = %scan3A) -> (i32)  : i32 {
      %swap3A = arith.index_cast %scan3A_150 : i32 to index
      %swap3A_152 = arith.constant 0 : index
      %swap3A_153 = tpu.vector_load %arg12[%swap3A, %swap3A_152] {strides = array<i32>} : memref<128x64xf32, #tpu.memory_space<vmem>>, vector<1x16xf32>,
      %swap3A_154 = vector.shape_cast %swap3A_153 : vector<1x16xf32> to vector<16xf32>
      %swap3A_155 = vector.shape_cast %broadcast_in_dim3A_1 : vector<16xf32> to vector<1x16xf32>
      tpu.vector_store %arg12[%swap3A, %swap3A_152], %swap3A_155 {strides = array<i32>} : memref<128x64xf32, #tpu.memory_space<vmem>>, vector<1x16xf32>,
      %swap3A_156 = arith.index_cast %scan3A_150 : i32 to index
      %swap3A_157 = arith.constant 16 : index
      %swap3A_158 = tpu.vector_load %arg12[%swap3A_156, %swap3A_157] {strides = array<i32>} : memref<128x64xf32, #tpu.memory_space<vmem>>, vector<1x16xf32>,
      %swap3A_159 = vector.shape_cast %swap3A_158 : vector<1x16xf32> to vector<16xf32>
      %swap3A_160 = vector.shape_cast %broadcast_in_dim3A_1 : vector<16xf32> to vector<1x16xf32>
      tpu.vector_store %arg12[%swap3A_156, %swap3A_157], %swap3A_160 {strides = array<i32>} : memref<128x64xf32, #tpu.memory_space<vmem>>, vector<1x16xf32>,
      %swap3A_161 = arith.index_cast %scan3A_150 : i32 to index
      %swap3A_162 = arith.constant 32 : index
      %swap3A_163 = tpu.vector_load %arg12[%swap3A_161, %swap3A_162] {strides = array<i32>} : memref<128x64xf32, #tpu.memory_space<vmem>>, vector<1x16xf32>,
      %swap3A_164 = vector.shape_cast %swap3A_163 : vector<1x16xf32> to vector<16xf32>
      %swap3A_165 = vector.shape_cast %broadcast_in_dim3A_1 : vector<16xf32> to vector<1x16xf32>
      tpu.vector_store %arg12[%swap3A_161, %swap3A_162], %swap3A_165 {strides = array<i32>} : memref<128x64xf32, #tpu.memory_space<vmem>>, vector<1x16xf32>,
      %swap3A_166 = arith.index_cast %scan3A_150 : i32 to index
      %swap3A_167 = arith.constant 48 : index
      %swap3A_168 = tpu.vector_load %arg12[%swap3A_166, %swap3A_167] {strides = array<i32>} : memref<128x64xf32, #tpu.memory_space<vmem>>, vector<1x16xf32>,
      %swap3A_169 = vector.shape_cast %swap3A_168 : vector<1x16xf32> to vector<16xf32>
      %swap3A_170 = vector.shape_cast %broadcast_in_dim3A_1 : vector<16xf32> to vector<1x16xf32>
      tpu.vector_store %arg12[%swap3A_166, %swap3A_167], %swap3A_170 {strides = array<i32>} : memref<128x64xf32, #tpu.memory_space<vmem>>, vector<1x16xf32>,
      %scan3A_171 = arith.constant 0 : i32
      scf.yield %scan3A_171 : i32
    }
    %scan3A_7 = arith.constant 128 : i32
    %mul3A_8 = arith.constant 640 : i32
    %mul3A_9 = arith.muli %arg1, %mul3A_8 : i32
    %add3A_10 = arith.constant 0 : i32
    %add3A_11 = arith.addi %mul3A_9, %add3A_10 : i32
    "tpu.region"() ({
      %run_scoped3A = tpu.sem_alloc : memref<!tpu.dma_semaphore, #tpu.memory_space<semaphore_mem>>
      %dma_start3A_150 = arith.constant 0 : i32
      %dma_start3A_151 = tpu.memref_slice %arg13[%add3A_11, %dma_start3A_150] : memref<10240x64xf32, #tpu.memory_space<vmem_shared>> -> memref<128x64xf32, #tpu.memory_space<vmem_shared>>
      %dma_start3A_152 = arith.constant 0 : i32
      %dma_start3A_153 = tpu.memref_slice %arg13[%add3A_11, %dma_start3A_152] : memref<10240x64xf32, #tpu.memory_space<vmem_shared>> -> memref<128x64xf32, #tpu.memory_space<vmem_shared>>
      tpu.enqueue_dma source(%arg12 : memref<128x64xf32, #tpu.memory_space<vmem>>) target(%dma_start3A_153 : memref<128x64xf32, #tpu.memory_space<vmem_shared>>) target_semaphore(%run_scoped3A : memref<!tpu.dma_semaphore, #tpu.memory_space<semaphore_mem>>)
      %dma_wait3A_154 = arith.constant 0 : i32
      %dma_wait3A_155 = tpu.memref_slice %arg13[%add3A_11, %dma_wait3A_154] : memref<10240x64xf32, #tpu.memory_space<vmem_shared>> -> memref<128x64xf32, #tpu.memory_space<vmem_shared>>
      %dma_wait3A_156 = arith.constant 0 : i32
      %dma_wait3A_157 = tpu.memref_slice %arg13[%add3A_11, %dma_wait3A_156] : memref<10240x64xf32, #tpu.memory_space<vmem_shared>> -> memref<128x64xf32, #tpu.memory_space<vmem_shared>>
      tpu.wait_dma2 semaphore(%run_scoped3A : memref<!tpu.dma_semaphore, #tpu.memory_space<semaphore_mem>>) src(%arg12 : memref<128x64xf32, #tpu.memory_space<vmem>>) dst(%dma_wait3A_157 : memref<128x64xf32, #tpu.memory_space<vmem_shared>>)
      tpu.yield
    }) : () -> ()
    %mul3A_12 = arith.constant 640 : i32
    %mul3A_13 = arith.muli %arg1, %mul3A_12 : i32
    %add3A_14 = arith.constant 128 : i32
    %add3A_15 = arith.addi %mul3A_13, %add3A_14 : i32
    "tpu.region"() ({
      %run_scoped3A = tpu.sem_alloc : memref<!tpu.dma_semaphore, #tpu.memory_space<semaphore_mem>>
      %dma_start3A_150 = arith.constant 0 : i32
      %dma_start3A_151 = tpu.memref_slice %arg13[%add3A_15, %dma_start3A_150] : memref<10240x64xf32, #tpu.memory_space<vmem_shared>> -> memref<128x64xf32, #tpu.memory_space<vmem_shared>>
      %dma_start3A_152 = arith.constant 0 : i32
      %dma_start3A_153 = tpu.memref_slice %arg13[%add3A_15, %dma_start3A_152] : memref<10240x64xf32, #tpu.memory_space<vmem_shared>> -> memref<128x64xf32, #tpu.memory_space<vmem_shared>>
      tpu.enqueue_dma source(%arg12 : memref<128x64xf32, #tpu.memory_space<vmem>>) target(%dma_start3A_153 : memref<128x64xf32, #tpu.memory_space<vmem_shared>>) target_semaphore(%run_scoped3A : memref<!tpu.dma_semaphore, #tpu.memory_space<semaphore_mem>>)
      %dma_wait3A_154 = arith.constant 0 : i32
      %dma_wait3A_155 = tpu.memref_slice %arg13[%add3A_15, %dma_wait3A_154] : memref<10240x64xf32, #tpu.memory_space<vmem_shared>> -> memref<128x64xf32, #tpu.memory_space<vmem_shared>>
      %dma_wait3A_156 = arith.constant 0 : i32
      %dma_wait3A_157 = tpu.memref_slice %arg13[%add3A_15, %dma_wait3A_156] : memref<10240x64xf32, #tpu.memory_space<vmem_shared>> -> memref<128x64xf32, #tpu.memory_space<vmem_shared>>
      tpu.wait_dma2 semaphore(%run_scoped3A : memref<!tpu.dma_semaphore, #tpu.memory_space<semaphore_mem>>) src(%arg12 : memref<128x64xf32, #tpu.memory_space<vmem>>) dst(%dma_wait3A_157 : memref<128x64xf32, #tpu.memory_space<vmem_shared>>)
      tpu.yield
    }) : () -> ()
    %mul3A_16 = arith.constant 640 : i32
    %mul3A_17 = arith.muli %arg1, %mul3A_16 : i32
    %add3A_18 = arith.constant 256 : i32
    %add3A_19 = arith.addi %mul3A_17, %add3A_18 : i32
    "tpu.region"() ({
      %run_scoped3A = tpu.sem_alloc : memref<!tpu.dma_semaphore, #tpu.memory_space<semaphore_mem>>
      %dma_start3A_150 = arith.constant 0 : i32
      %dma_start3A_151 = tpu.memref_slice %arg13[%add3A_19, %dma_start3A_150] : memref<10240x64xf32, #tpu.memory_space<vmem_shared>> -> memref<128x64xf32, #tpu.memory_space<vmem_shared>>
      %dma_start3A_152 = arith.constant 0 : i32
      %dma_start3A_153 = tpu.memref_slice %arg13[%add3A_19, %dma_start3A_152] : memref<10240x64xf32, #tpu.memory_space<vmem_shared>> -> memref<128x64xf32, #tpu.memory_space<vmem_shared>>
      tpu.enqueue_dma source(%arg12 : memref<128x64xf32, #tpu.memory_space<vmem>>) target(%dma_start3A_153 : memref<128x64xf32, #tpu.memory_space<vmem_shared>>) target_semaphore(%run_scoped3A : memref<!tpu.dma_semaphore, #tpu.memory_space<semaphore_mem>>)
      %dma_wait3A_154 = arith.constant 0 : i32
      %dma_wait3A_155 = tpu.memref_slice %arg13[%add3A_19, %dma_wait3A_154] : memref<10240x64xf32, #tpu.memory_space<vmem_shared>> -> memref<128x64xf32, #tpu.memory_space<vmem_shared>>
      %dma_wait3A_156 = arith.constant 0 : i32
      %dma_wait3A_157 = tpu.memref_slice %arg13[%add3A_19, %dma_wait3A_156] : memref<10240x64xf32, #tpu.memory_space<vmem_shared>> -> memref<128x64xf32, #tpu.memory_space<vmem_shared>>
      tpu.wait_dma2 semaphore(%run_scoped3A : memref<!tpu.dma_semaphore, #tpu.memory_space<semaphore_mem>>) src(%arg12 : memref<128x64xf32, #tpu.memory_space<vmem>>) dst(%dma_wait3A_157 : memref<128x64xf32, #tpu.memory_space<vmem_shared>>)
      tpu.yield
    }) : () -> ()
    %mul3A_20 = arith.constant 640 : i32
    %mul3A_21 = arith.muli %arg1, %mul3A_20 : i32
    %add3A_22 = arith.constant 384 : i32
    %add3A_23 = arith.addi %mul3A_21, %add3A_22 : i32
    "tpu.region"() ({
      %run_scoped3A = tpu.sem_alloc : memref<!tpu.dma_semaphore, #tpu.memory_space<semaphore_mem>>
      %dma_start3A_150 = arith.constant 0 : i32
      %dma_start3A_151 = tpu.memref_slice %arg13[%add3A_23, %dma_start3A_150] : memref<10240x64xf32, #tpu.memory_space<vmem_shared>> -> memref<128x64xf32, #tpu.memory_space<vmem_shared>>
      %dma_start3A_152 = arith.constant 0 : i32
      %dma_start3A_153 = tpu.memref_slice %arg13[%add3A_23, %dma_start3A_152] : memref<10240x64xf32, #tpu.memory_space<vmem_shared>> -> memref<128x64xf32, #tpu.memory_space<vmem_shared>>
      tpu.enqueue_dma source(%arg12 : memref<128x64xf32, #tpu.memory_space<vmem>>) target(%dma_start3A_153 : memref<128x64xf32, #tpu.memory_space<vmem_shared>>) target_semaphore(%run_scoped3A : memref<!tpu.dma_semaphore, #tpu.memory_space<semaphore_mem>>)
      %dma_wait3A_154 = arith.constant 0 : i32
      %dma_wait3A_155 = tpu.memref_slice %arg13[%add3A_23, %dma_wait3A_154] : memref<10240x64xf32, #tpu.memory_space<vmem_shared>> -> memref<128x64xf32, #tpu.memory_space<vmem_shared>>
      %dma_wait3A_156 = arith.constant 0 : i32
      %dma_wait3A_157 = tpu.memref_slice %arg13[%add3A_23, %dma_wait3A_156] : memref<10240x64xf32, #tpu.memory_space<vmem_shared>> -> memref<128x64xf32, #tpu.memory_space<vmem_shared>>
      tpu.wait_dma2 semaphore(%run_scoped3A : memref<!tpu.dma_semaphore, #tpu.memory_space<semaphore_mem>>) src(%arg12 : memref<128x64xf32, #tpu.memory_space<vmem>>) dst(%dma_wait3A_157 : memref<128x64xf32, #tpu.memory_space<vmem_shared>>)
      tpu.yield
    }) : () -> ()
    %mul3A_24 = arith.constant 640 : i32
    %mul3A_25 = arith.muli %arg1, %mul3A_24 : i32
    %add3A_26 = arith.constant 512 : i32
    %add3A_27 = arith.addi %mul3A_25, %add3A_26 : i32
    "tpu.region"() ({
      %run_scoped3A = tpu.sem_alloc : memref<!tpu.dma_semaphore, #tpu.memory_space<semaphore_mem>>
      %dma_start3A_150 = arith.constant 0 : i32
      %dma_start3A_151 = tpu.memref_slice %arg13[%add3A_27, %dma_start3A_150] : memref<10240x64xf32, #tpu.memory_space<vmem_shared>> -> memref<128x64xf32, #tpu.memory_space<vmem_shared>>
      %dma_start3A_152 = arith.constant 0 : i32
      %dma_start3A_153 = tpu.memref_slice %arg13[%add3A_27, %dma_start3A_152] : memref<10240x64xf32, #tpu.memory_space<vmem_shared>> -> memref<128x64xf32, #tpu.memory_space<vmem_shared>>
      tpu.enqueue_dma source(%arg12 : memref<128x64xf32, #tpu.memory_space<vmem>>) target(%dma_start3A_153 : memref<128x64xf32, #tpu.memory_space<vmem_shared>>) target_semaphore(%run_scoped3A : memref<!tpu.dma_semaphore, #tpu.memory_space<semaphore_mem>>)
      %dma_wait3A_154 = arith.constant 0 : i32
      %dma_wait3A_155 = tpu.memref_slice %arg13[%add3A_27, %dma_wait3A_154] : memref<10240x64xf32, #tpu.memory_space<vmem_shared>> -> memref<128x64xf32, #tpu.memory_space<vmem_shared>>
      %dma_wait3A_156 = arith.constant 0 : i32
      %dma_wait3A_157 = tpu.memref_slice %arg13[%add3A_27, %dma_wait3A_156] : memref<10240x64xf32, #tpu.memory_space<vmem_shared>> -> memref<128x64xf32, #tpu.memory_space<vmem_shared>>
      tpu.wait_dma2 semaphore(%run_scoped3A : memref<!tpu.dma_semaphore, #tpu.memory_space<semaphore_mem>>) src(%arg12 : memref<128x64xf32, #tpu.memory_space<vmem>>) dst(%dma_wait3A_157 : memref<128x64xf32, #tpu.memory_space<vmem_shared>>)
      tpu.yield
    }) : () -> ()
    %barrier3A = arith.constant 0 : index
    tpu.barrier barrier_id(%barrier3A)
    "tpu.region"() ({
      %run_scoped3A = tpu.sem_alloc : memref<!tpu.dma_semaphore, #tpu.memory_space<semaphore_mem>>
      %dma_start3A_150 = arith.constant 0 : i32
      %dma_start3A_151 = arith.constant 0 : i32
      %dma_start3A_152 = tpu.memref_slice %arg3[%add3A, %dma_start3A_150, %dma_start3A_151] : memref<32x80x128xi32, #tpu.memory_space<hbm>> -> memref<1x80x128xi32, #tpu.memory_space<hbm>>
      %dma_start3A_153 = tpu.memref_squeeze %dma_start3A_152 : memref<1x80x128xi32, #tpu.memory_space<hbm>> -> memref<80x128xi32, #tpu.memory_space<hbm>>
      %dma_start3A_154 = arith.constant 0 : i32
      %dma_start3A_155 = arith.constant 0 : i32
      %dma_start3A_156 = tpu.memref_slice %arg3[%add3A, %dma_start3A_154, %dma_start3A_155] : memref<32x80x128xi32, #tpu.memory_space<hbm>> -> memref<1x80x128xi32, #tpu.memory_space<hbm>>
      %dma_start3A_157 = tpu.memref_squeeze %dma_start3A_156 : memref<1x80x128xi32, #tpu.memory_space<hbm>> -> memref<80x128xi32, #tpu.memory_space<hbm>>
      tpu.enqueue_dma source(%dma_start3A_157 : memref<80x128xi32, #tpu.memory_space<hbm>>) target(%arg6 : memref<80x128xi32, #tpu.memory_space<vmem>>) target_semaphore(%run_scoped3A : memref<!tpu.dma_semaphore, #tpu.memory_space<semaphore_mem>>)
      %dma_wait3A_158 = arith.constant 0 : i32
      %dma_wait3A_159 = arith.constant 0 : i32
      %dma_wait3A_160 = tpu.memref_slice %arg3[%add3A, %dma_wait3A_158, %dma_wait3A_159] : memref<32x80x128xi32, #tpu.memory_space<hbm>> -> memref<1x80x128xi32, #tpu.memory_space<hbm>>
      %dma_wait3A_161 = tpu.memref_squeeze %dma_wait3A_160 : memref<1x80x128xi32, #tpu.memory_space<hbm>> -> memref<80x128xi32, #tpu.memory_space<hbm>>
      %dma_wait3A_162 = arith.constant 0 : i32
      %dma_wait3A_163 = arith.constant 0 : i32
      %dma_wait3A_164 = tpu.memref_slice %arg3[%add3A, %dma_wait3A_162, %dma_wait3A_163] : memref<32x80x128xi32, #tpu.memory_space<hbm>> -> memref<1x80x128xi32, #tpu.memory_space<hbm>>
      %dma_wait3A_165 = tpu.memref_squeeze %dma_wait3A_164 : memref<1x80x128xi32, #tpu.memory_space<hbm>> -> memref<80x128xi32, #tpu.memory_space<hbm>>
      tpu.wait_dma2 semaphore(%run_scoped3A : memref<!tpu.dma_semaphore, #tpu.memory_space<semaphore_mem>>) src(%dma_wait3A_165 : memref<80x128xi32, #tpu.memory_space<hbm>>) dst(%arg6 : memref<80x128xi32, #tpu.memory_space<vmem>>)
      tpu.yield
    }) : () -> ()
    "tpu.region"() ({
      %run_scoped3A = tpu.sem_alloc : memref<!tpu.dma_semaphore, #tpu.memory_space<semaphore_mem>>
      %dma_start3A_150 = arith.constant 0 : i32
      %dma_start3A_151 = arith.constant 0 : i32
      %dma_start3A_152 = tpu.memref_slice %arg4[%add3A, %dma_start3A_150, %dma_start3A_151] : memref<32x80x128xi32, #tpu.memory_space<hbm>> -> memref<1x80x128xi32, #tpu.memory_space<hbm>>
      %dma_start3A_153 = tpu.memref_squeeze %dma_start3A_152 : memref<1x80x128xi32, #tpu.memory_space<hbm>> -> memref<80x128xi32, #tpu.memory_space<hbm>>
      %dma_start3A_154 = arith.constant 0 : i32
      %dma_start3A_155 = arith.constant 0 : i32
      %dma_start3A_156 = tpu.memref_slice %arg4[%add3A, %dma_start3A_154, %dma_start3A_155] : memref<32x80x128xi32, #tpu.memory_space<hbm>> -> memref<1x80x128xi32, #tpu.memory_space<hbm>>
      %dma_start3A_157 = tpu.memref_squeeze %dma_start3A_156 : memref<1x80x128xi32, #tpu.memory_space<hbm>> -> memref<80x128xi32, #tpu.memory_space<hbm>>
      tpu.enqueue_dma source(%dma_start3A_157 : memref<80x128xi32, #tpu.memory_space<hbm>>) target(%arg7 : memref<80x128xi32, #tpu.memory_space<vmem>>) target_semaphore(%run_scoped3A : memref<!tpu.dma_semaphore, #tpu.memory_space<semaphore_mem>>)
      %dma_wait3A_158 = arith.constant 0 : i32
      %dma_wait3A_159 = arith.constant 0 : i32
      %dma_wait3A_160 = tpu.memref_slice %arg4[%add3A, %dma_wait3A_158, %dma_wait3A_159] : memref<32x80x128xi32, #tpu.memory_space<hbm>> -> memref<1x80x128xi32, #tpu.memory_space<hbm>>
      %dma_wait3A_161 = tpu.memref_squeeze %dma_wait3A_160 : memref<1x80x128xi32, #tpu.memory_space<hbm>> -> memref<80x128xi32, #tpu.memory_space<hbm>>
      %dma_wait3A_162 = arith.constant 0 : i32
      %dma_wait3A_163 = arith.constant 0 : i32
      %dma_wait3A_164 = tpu.memref_slice %arg4[%add3A, %dma_wait3A_162, %dma_wait3A_163] : memref<32x80x128xi32, #tpu.memory_space<hbm>> -> memref<1x80x128xi32, #tpu.memory_space<hbm>>
      %dma_wait3A_165 = tpu.memref_squeeze %dma_wait3A_164 : memref<1x80x128xi32, #tpu.memory_space<hbm>> -> memref<80x128xi32, #tpu.memory_space<hbm>>
      tpu.wait_dma2 semaphore(%run_scoped3A : memref<!tpu.dma_semaphore, #tpu.memory_space<semaphore_mem>>) src(%dma_wait3A_165 : memref<80x128xi32, #tpu.memory_space<hbm>>) dst(%arg7 : memref<80x128xi32, #tpu.memory_space<vmem>>)
      tpu.yield
    }) : () -> ()
    %dma_start3A = arith.constant 0 : i32
    %dma_start3A_28 = arith.constant 0 : i32
    %dma_start3A_29 = tpu.memref_slice %arg6[%dma_start3A, %dma_start3A_28] : memref<80x128xi32, #tpu.memory_space<vmem>> -> memref<1x128xi32, #tpu.memory_space<vmem>>
    %dma_start3A_30 = tpu.memref_squeeze %dma_start3A_29 : memref<1x128xi32, #tpu.memory_space<vmem>> -> memref<128xi32, #tpu.memory_space<vmem>>
    %dma_start3A_31 = arith.constant 0 : i32
    %dma_start3A_32 = arith.constant 0 : i32
    %dma_start3A_33 = tpu.memref_slice %arg2[%dma_start3A_31, %dma_start3A_32] : memref<10000x64xf32, #tpu.memory_space<hbm>> -> memref<10000x64xf32, #tpu.memory_space<hbm>>
    tpu.enqueue_indirect_dma source(%dma_start3A_33 : memref<10000x64xf32, #tpu.memory_space<hbm>>) target(%arg8 : memref<128x64xf32, #tpu.memory_space<vmem>>) offsets(%dma_start3A_30 : memref<128xi32, #tpu.memory_space<vmem>>) semaphore(%arg14 : memref<!tpu.dma_semaphore, #tpu.memory_space<semaphore_mem>>)
    %dma_start3A_34 = arith.constant 1 : i32
    %dma_start3A_35 = arith.constant 0 : i32
    %dma_start3A_36 = tpu.memref_slice %arg6[%dma_start3A_34, %dma_start3A_35] : memref<80x128xi32, #tpu.memory_space<vmem>> -> memref<1x128xi32, #tpu.memory_space<vmem>>
    %dma_start3A_37 = tpu.memref_squeeze %dma_start3A_36 : memref<1x128xi32, #tpu.memory_space<vmem>> -> memref<128xi32, #tpu.memory_space<vmem>>
    %dma_start3A_38 = arith.constant 0 : i32
    %dma_start3A_39 = arith.constant 0 : i32
    %dma_start3A_40 = tpu.memref_slice %arg2[%dma_start3A_38, %dma_start3A_39] : memref<10000x64xf32, #tpu.memory_space<hbm>> -> memref<10000x64xf32, #tpu.memory_space<hbm>>
    tpu.enqueue_indirect_dma source(%dma_start3A_40 : memref<10000x64xf32, #tpu.memory_space<hbm>>) target(%arg9 : memref<128x64xf32, #tpu.memory_space<vmem>>) offsets(%dma_start3A_37 : memref<128xi32, #tpu.memory_space<vmem>>) semaphore(%arg15 : memref<!tpu.dma_semaphore, #tpu.memory_space<semaphore_mem>>)
    %dma_start3A_41 = arith.constant 2 : i32
    %dma_start3A_42 = arith.constant 0 : i32
    %dma_start3A_43 = tpu.memref_slice %arg6[%dma_start3A_41, %dma_start3A_42] : memref<80x128xi32, #tpu.memory_space<vmem>> -> memref<1x128xi32, #tpu.memory_space<vmem>>
    %dma_start3A_44 = tpu.memref_squeeze %dma_start3A_43 : memref<1x128xi32, #tpu.memory_space<vmem>> -> memref<128xi32, #tpu.memory_space<vmem>>
    %dma_start3A_45 = arith.constant 0 : i32
    %dma_start3A_46 = arith.constant 0 : i32
    %dma_start3A_47 = tpu.memref_slice %arg2[%dma_start3A_45, %dma_start3A_46] : memref<10000x64xf32, #tpu.memory_space<hbm>> -> memref<10000x64xf32, #tpu.memory_space<hbm>>
    tpu.enqueue_indirect_dma source(%dma_start3A_47 : memref<10000x64xf32, #tpu.memory_space<hbm>>) target(%arg10 : memref<128x64xf32, #tpu.memory_space<vmem>>) offsets(%dma_start3A_44 : memref<128xi32, #tpu.memory_space<vmem>>) semaphore(%arg16 : memref<!tpu.dma_semaphore, #tpu.memory_space<semaphore_mem>>)
    %dma_start3A_48 = arith.constant 3 : i32
    %dma_start3A_49 = arith.constant 0 : i32
    %dma_start3A_50 = tpu.memref_slice %arg6[%dma_start3A_48, %dma_start3A_49] : memref<80x128xi32, #tpu.memory_space<vmem>> -> memref<1x128xi32, #tpu.memory_space<vmem>>
    %dma_start3A_51 = tpu.memref_squeeze %dma_start3A_50 : memref<1x128xi32, #tpu.memory_space<vmem>> -> memref<128xi32, #tpu.memory_space<vmem>>
    %dma_start3A_52 = arith.constant 0 : i32
    %dma_start3A_53 = arith.constant 0 : i32
    %dma_start3A_54 = tpu.memref_slice %arg2[%dma_start3A_52, %dma_start3A_53] : memref<10000x64xf32, #tpu.memory_space<hbm>> -> memref<10000x64xf32, #tpu.memory_space<hbm>>
    tpu.enqueue_indirect_dma source(%dma_start3A_54 : memref<10000x64xf32, #tpu.memory_space<hbm>>) target(%arg11 : memref<128x64xf32, #tpu.memory_space<vmem>>) offsets(%dma_start3A_51 : memref<128xi32, #tpu.memory_space<vmem>>) semaphore(%arg17 : memref<!tpu.dma_semaphore, #tpu.memory_space<semaphore_mem>>)
    %scan3A_55 = arith.constant 0 : i32
    %scan3A_56 = arith.constant 0 : i32
    %scan3A_57 = arith.constant 19 : i32
    %scan3A_58 = arith.addi %scan3A_56, %scan3A_57 : i32
    %scan3A_59 = arith.constant 1 : i32
    %scan3A_60 = scf.for %scan3A_150 = %scan3A_56 to %scan3A_58 step %scan3A_59 iter_args(%scan3A_151 = %scan3A_55) -> (i32)  : i32 {
      %mul3A_152 = arith.constant 4 : i32
      %mul3A_153 = arith.muli %scan3A_150, %mul3A_152 : i32
      %add3A_154 = arith.constant 0 : i32
      %add3A_155 = arith.addi %mul3A_153, %add3A_154 : i32
      %dma_wait3A_156 = arith.constant 0 : i32
      %dma_wait3A_157 = tpu.memref_slice %arg6[%add3A_155, %dma_wait3A_156] : memref<80x128xi32, #tpu.memory_space<vmem>> -> memref<1x128xi32, #tpu.memory_space<vmem>>
      %dma_wait3A_158 = tpu.memref_squeeze %dma_wait3A_157 : memref<1x128xi32, #tpu.memory_space<vmem>> -> memref<128xi32, #tpu.memory_space<vmem>>
      %dma_wait3A_159 = arith.constant 0 : i32
      %dma_wait3A_160 = arith.constant 0 : i32
      %dma_wait3A_161 = tpu.memref_slice %arg2[%dma_wait3A_159, %dma_wait3A_160] : memref<10000x64xf32, #tpu.memory_space<hbm>> -> memref<10000x64xf32, #tpu.memory_space<hbm>>
      tpu.wait_indirect_dma semaphore(%arg14 : memref<!tpu.dma_semaphore, #tpu.memory_space<semaphore_mem>>) src(%dma_wait3A_161 : memref<10000x64xf32, #tpu.memory_space<hbm>>) dst(%arg8 : memref<128x64xf32, #tpu.memory_space<vmem>>)
      %dma_start3A_162 = arith.constant 0 : i32
      %dma_start3A_163 = tpu.memref_slice %arg7[%add3A_155, %dma_start3A_162] : memref<80x128xi32, #tpu.memory_space<vmem>> -> memref<1x128xi32, #tpu.memory_space<vmem>>
      %dma_start3A_164 = tpu.memref_squeeze %dma_start3A_163 : memref<1x128xi32, #tpu.memory_space<vmem>> -> memref<128xi32, #tpu.memory_space<vmem>>
      %dma_start3A_165 = arith.constant 0 : i32
      %dma_start3A_166 = arith.constant 0 : i32
      %dma_start3A_167 = tpu.memref_slice %arg13[%dma_start3A_165, %dma_start3A_166] : memref<10240x64xf32, #tpu.memory_space<vmem_shared>> -> memref<10240x64xf32, #tpu.memory_space<vmem_shared>>
      tpu.enqueue_indirect_dma source(%arg8 : memref<128x64xf32, #tpu.memory_space<vmem>>) target(%dma_start3A_167 : memref<10240x64xf32, #tpu.memory_space<vmem_shared>>) offsets(%dma_start3A_164 : memref<128xi32, #tpu.memory_space<vmem>>) semaphore(%arg18 : memref<!tpu.dma_semaphore, #tpu.memory_space<semaphore_mem>>) {add = true}
      %mul3A_168 = arith.constant 4 : i32
      %mul3A_169 = arith.muli %scan3A_150, %mul3A_168 : i32
      %add3A_170 = arith.constant 1 : i32
      %add3A_171 = arith.addi %mul3A_169, %add3A_170 : i32
      %dma_wait3A_172 = arith.constant 0 : i32
      %dma_wait3A_173 = tpu.memref_slice %arg6[%add3A_171, %dma_wait3A_172] : memref<80x128xi32, #tpu.memory_space<vmem>> -> memref<1x128xi32, #tpu.memory_space<vmem>>
      %dma_wait3A_174 = tpu.memref_squeeze %dma_wait3A_173 : memref<1x128xi32, #tpu.memory_space<vmem>> -> memref<128xi32, #tpu.memory_space<vmem>>
      %dma_wait3A_175 = arith.constant 0 : i32
      %dma_wait3A_176 = arith.constant 0 : i32
      %dma_wait3A_177 = tpu.memref_slice %arg2[%dma_wait3A_175, %dma_wait3A_176] : memref<10000x64xf32, #tpu.memory_space<hbm>> -> memref<10000x64xf32, #tpu.memory_space<hbm>>
      tpu.wait_indirect_dma semaphore(%arg15 : memref<!tpu.dma_semaphore, #tpu.memory_space<semaphore_mem>>) src(%dma_wait3A_177 : memref<10000x64xf32, #tpu.memory_space<hbm>>) dst(%arg9 : memref<128x64xf32, #tpu.memory_space<vmem>>)
      %dma_start3A_178 = arith.constant 0 : i32
      %dma_start3A_179 = tpu.memref_slice %arg7[%add3A_171, %dma_start3A_178] : memref<80x128xi32, #tpu.memory_space<vmem>> -> memref<1x128xi32, #tpu.memory_space<vmem>>
      %dma_start3A_180 = tpu.memref_squeeze %dma_start3A_179 : memref<1x128xi32, #tpu.memory_space<vmem>> -> memref<128xi32, #tpu.memory_space<vmem>>
      %dma_start3A_181 = arith.constant 0 : i32
      %dma_start3A_182 = arith.constant 0 : i32
      %dma_start3A_183 = tpu.memref_slice %arg13[%dma_start3A_181, %dma_start3A_182] : memref<10240x64xf32, #tpu.memory_space<vmem_shared>> -> memref<10240x64xf32, #tpu.memory_space<vmem_shared>>
      tpu.enqueue_indirect_dma source(%arg9 : memref<128x64xf32, #tpu.memory_space<vmem>>) target(%dma_start3A_183 : memref<10240x64xf32, #tpu.memory_space<vmem_shared>>) offsets(%dma_start3A_180 : memref<128xi32, #tpu.memory_space<vmem>>) semaphore(%arg19 : memref<!tpu.dma_semaphore, #tpu.memory_space<semaphore_mem>>) {add = true}
      %mul3A_184 = arith.constant 4 : i32
      %mul3A_185 = arith.muli %scan3A_150, %mul3A_184 : i32
      %add3A_186 = arith.constant 2 : i32
      %add3A_187 = arith.addi %mul3A_185, %add3A_186 : i32
      %dma_wait3A_188 = arith.constant 0 : i32
      %dma_wait3A_189 = tpu.memref_slice %arg6[%add3A_187, %dma_wait3A_188] : memref<80x128xi32, #tpu.memory_space<vmem>> -> memref<1x128xi32, #tpu.memory_space<vmem>>
      %dma_wait3A_190 = tpu.memref_squeeze %dma_wait3A_189 : memref<1x128xi32, #tpu.memory_space<vmem>> -> memref<128xi32, #tpu.memory_space<vmem>>
      %dma_wait3A_191 = arith.constant 0 : i32
      %dma_wait3A_192 = arith.constant 0 : i32
      %dma_wait3A_193 = tpu.memref_slice %arg2[%dma_wait3A_191, %dma_wait3A_192] : memref<10000x64xf32, #tpu.memory_space<hbm>> -> memref<10000x64xf32, #tpu.memory_space<hbm>>
      tpu.wait_indirect_dma semaphore(%arg16 : memref<!tpu.dma_semaphore, #tpu.memory_space<semaphore_mem>>) src(%dma_wait3A_193 : memref<10000x64xf32, #tpu.memory_space<hbm>>) dst(%arg10 : memref<128x64xf32, #tpu.memory_space<vmem>>)
      %dma_start3A_194 = arith.constant 0 : i32
      %dma_start3A_195 = tpu.memref_slice %arg7[%add3A_187, %dma_start3A_194] : memref<80x128xi32, #tpu.memory_space<vmem>> -> memref<1x128xi32, #tpu.memory_space<vmem>>
      %dma_start3A_196 = tpu.memref_squeeze %dma_start3A_195 : memref<1x128xi32, #tpu.memory_space<vmem>> -> memref<128xi32, #tpu.memory_space<vmem>>
      %dma_start3A_197 = arith.constant 0 : i32
      %dma_start3A_198 = arith.constant 0 : i32
      %dma_start3A_199 = tpu.memref_slice %arg13[%dma_start3A_197, %dma_start3A_198] : memref<10240x64xf32, #tpu.memory_space<vmem_shared>> -> memref<10240x64xf32, #tpu.memory_space<vmem_shared>>
      tpu.enqueue_indirect_dma source(%arg10 : memref<128x64xf32, #tpu.memory_space<vmem>>) target(%dma_start3A_199 : memref<10240x64xf32, #tpu.memory_space<vmem_shared>>) offsets(%dma_start3A_196 : memref<128xi32, #tpu.memory_space<vmem>>) semaphore(%arg20 : memref<!tpu.dma_semaphore, #tpu.memory_space<semaphore_mem>>) {add = true}
      %mul3A_200 = arith.constant 4 : i32
      %mul3A_201 = arith.muli %scan3A_150, %mul3A_200 : i32
      %add3A_202 = arith.constant 3 : i32
      %add3A_203 = arith.addi %mul3A_201, %add3A_202 : i32
      %dma_wait3A_204 = arith.constant 0 : i32
      %dma_wait3A_205 = tpu.memref_slice %arg6[%add3A_203, %dma_wait3A_204] : memref<80x128xi32, #tpu.memory_space<vmem>> -> memref<1x128xi32, #tpu.memory_space<vmem>>
      %dma_wait3A_206 = tpu.memref_squeeze %dma_wait3A_205 : memref<1x128xi32, #tpu.memory_space<vmem>> -> memref<128xi32, #tpu.memory_space<vmem>>
      %dma_wait3A_207 = arith.constant 0 : i32
      %dma_wait3A_208 = arith.constant 0 : i32
      %dma_wait3A_209 = tpu.memref_slice %arg2[%dma_wait3A_207, %dma_wait3A_208] : memref<10000x64xf32, #tpu.memory_space<hbm>> -> memref<10000x64xf32, #tpu.memory_space<hbm>>
      tpu.wait_indirect_dma semaphore(%arg17 : memref<!tpu.dma_semaphore, #tpu.memory_space<semaphore_mem>>) src(%dma_wait3A_209 : memref<10000x64xf32, #tpu.memory_space<hbm>>) dst(%arg11 : memref<128x64xf32, #tpu.memory_space<vmem>>)
      %dma_start3A_210 = arith.constant 0 : i32
      %dma_start3A_211 = tpu.memref_slice %arg7[%add3A_203, %dma_start3A_210] : memref<80x128xi32, #tpu.memory_space<vmem>> -> memref<1x128xi32, #tpu.memory_space<vmem>>
      %dma_start3A_212 = tpu.memref_squeeze %dma_start3A_211 : memref<1x128xi32, #tpu.memory_space<vmem>> -> memref<128xi32, #tpu.memory_space<vmem>>
      %dma_start3A_213 = arith.constant 0 : i32
      %dma_start3A_214 = arith.constant 0 : i32
      %dma_start3A_215 = tpu.memref_slice %arg13[%dma_start3A_213, %dma_start3A_214] : memref<10240x64xf32, #tpu.memory_space<vmem_shared>> -> memref<10240x64xf32, #tpu.memory_space<vmem_shared>>
      tpu.enqueue_indirect_dma source(%arg11 : memref<128x64xf32, #tpu.memory_space<vmem>>) target(%dma_start3A_215 : memref<10240x64xf32, #tpu.memory_space<vmem_shared>>) offsets(%dma_start3A_212 : memref<128xi32, #tpu.memory_space<vmem>>) semaphore(%arg21 : memref<!tpu.dma_semaphore, #tpu.memory_space<semaphore_mem>>) {add = true}
      %mul3A_216 = arith.constant 4 : i32
      %mul3A_217 = arith.muli %scan3A_150, %mul3A_216 : i32
      %add3A_218 = arith.constant 0 : i32
      %add3A_219 = arith.addi %mul3A_217, %add3A_218 : i32
      %dma_wait3A_220 = arith.constant 0 : i32
      %dma_wait3A_221 = tpu.memref_slice %arg7[%add3A_219, %dma_wait3A_220] : memref<80x128xi32, #tpu.memory_space<vmem>> -> memref<1x128xi32, #tpu.memory_space<vmem>>
      %dma_wait3A_222 = tpu.memref_squeeze %dma_wait3A_221 : memref<1x128xi32, #tpu.memory_space<vmem>> -> memref<128xi32, #tpu.memory_space<vmem>>
      %dma_wait3A_223 = arith.constant 0 : i32
      %dma_wait3A_224 = arith.constant 0 : i32
      %dma_wait3A_225 = tpu.memref_slice %arg13[%dma_wait3A_223, %dma_wait3A_224] : memref<10240x64xf32, #tpu.memory_space<vmem_shared>> -> memref<10240x64xf32, #tpu.memory_space<vmem_shared>>
      tpu.wait_indirect_dma semaphore(%arg18 : memref<!tpu.dma_semaphore, #tpu.memory_space<semaphore_mem>>) src(%arg8 : memref<128x64xf32, #tpu.memory_space<vmem>>) dst(%dma_wait3A_225 : memref<10240x64xf32, #tpu.memory_space<vmem_shared>>)
      %add3A_226 = arith.constant 4 : i32
      %add3A_227 = arith.addi %add3A_219, %add3A_226 : i32
      %dma_start3A_228 = arith.constant 0 : i32
      %dma_start3A_229 = tpu.memref_slice %arg6[%add3A_227, %dma_start3A_228] : memref<80x128xi32, #tpu.memory_space<vmem>> -> memref<1x128xi32, #tpu.memory_space<vmem>>
      %dma_start3A_230 = tpu.memref_squeeze %dma_start3A_229 : memref<1x128xi32, #tpu.memory_space<vmem>> -> memref<128xi32, #tpu.memory_space<vmem>>
      %dma_start3A_231 = arith.constant 0 : i32
      %dma_start3A_232 = arith.constant 0 : i32
      %dma_start3A_233 = tpu.memref_slice %arg2[%dma_start3A_231, %dma_start3A_232] : memref<10000x64xf32, #tpu.memory_space<hbm>> -> memref<10000x64xf32, #tpu.memory_space<hbm>>
      tpu.enqueue_indirect_dma source(%dma_start3A_233 : memref<10000x64xf32, #tpu.memory_space<hbm>>) target(%arg8 : memref<128x64xf32, #tpu.memory_space<vmem>>) offsets(%dma_start3A_230 : memref<128xi32, #tpu.memory_space<vmem>>) semaphore(%arg14 : memref<!tpu.dma_semaphore, #tpu.memory_space<semaphore_mem>>)
      %mul3A_234 = arith.constant 4 : i32
      %mul3A_235 = arith.muli %scan3A_150, %mul3A_234 : i32
      %add3A_236 = arith.constant 1 : i32
      %add3A_237 = arith.addi %mul3A_235, %add3A_236 : i32
      %dma_wait3A_238 = arith.constant 0 : i32
      %dma_wait3A_239 = tpu.memref_slice %arg7[%add3A_237, %dma_wait3A_238] : memref<80x128xi32, #tpu.memory_space<vmem>> -> memref<1x128xi32, #tpu.memory_space<vmem>>
      %dma_wait3A_240 = tpu.memref_squeeze %dma_wait3A_239 : memref<1x128xi32, #tpu.memory_space<vmem>> -> memref<128xi32, #tpu.memory_space<vmem>>
      %dma_wait3A_241 = arith.constant 0 : i32
      %dma_wait3A_242 = arith.constant 0 : i32
      %dma_wait3A_243 = tpu.memref_slice %arg13[%dma_wait3A_241, %dma_wait3A_242] : memref<10240x64xf32, #tpu.memory_space<vmem_shared>> -> memref<10240x64xf32, #tpu.memory_space<vmem_shared>>
      tpu.wait_indirect_dma semaphore(%arg19 : memref<!tpu.dma_semaphore, #tpu.memory_space<semaphore_mem>>) src(%arg9 : memref<128x64xf32, #tpu.memory_space<vmem>>) dst(%dma_wait3A_243 : memref<10240x64xf32, #tpu.memory_space<vmem_shared>>)
      %add3A_244 = arith.constant 4 : i32
      %add3A_245 = arith.addi %add3A_237, %add3A_244 : i32
      %dma_start3A_246 = arith.constant 0 : i32
      %dma_start3A_247 = tpu.memref_slice %arg6[%add3A_245, %dma_start3A_246] : memref<80x128xi32, #tpu.memory_space<vmem>> -> memref<1x128xi32, #tpu.memory_space<vmem>>
      %dma_start3A_248 = tpu.memref_squeeze %dma_start3A_247 : memref<1x128xi32, #tpu.memory_space<vmem>> -> memref<128xi32, #tpu.memory_space<vmem>>
      %dma_start3A_249 = arith.constant 0 : i32
      %dma_start3A_250 = arith.constant 0 : i32
      %dma_start3A_251 = tpu.memref_slice %arg2[%dma_start3A_249, %dma_start3A_250] : memref<10000x64xf32, #tpu.memory_space<hbm>> -> memref<10000x64xf32, #tpu.memory_space<hbm>>
      tpu.enqueue_indirect_dma source(%dma_start3A_251 : memref<10000x64xf32, #tpu.memory_space<hbm>>) target(%arg9 : memref<128x64xf32, #tpu.memory_space<vmem>>) offsets(%dma_start3A_248 : memref<128xi32, #tpu.memory_space<vmem>>) semaphore(%arg15 : memref<!tpu.dma_semaphore, #tpu.memory_space<semaphore_mem>>)
      %mul3A_252 = arith.constant 4 : i32
      %mul3A_253 = arith.muli %scan3A_150, %mul3A_252 : i32
      %add3A_254 = arith.constant 2 : i32
      %add3A_255 = arith.addi %mul3A_253, %add3A_254 : i32
      %dma_wait3A_256 = arith.constant 0 : i32
      %dma_wait3A_257 = tpu.memref_slice %arg7[%add3A_255, %dma_wait3A_256] : memref<80x128xi32, #tpu.memory_space<vmem>> -> memref<1x128xi32, #tpu.memory_space<vmem>>
      %dma_wait3A_258 = tpu.memref_squeeze %dma_wait3A_257 : memref<1x128xi32, #tpu.memory_space<vmem>> -> memref<128xi32, #tpu.memory_space<vmem>>
      %dma_wait3A_259 = arith.constant 0 : i32
      %dma_wait3A_260 = arith.constant 0 : i32
      %dma_wait3A_261 = tpu.memref_slice %arg13[%dma_wait3A_259, %dma_wait3A_260] : memref<10240x64xf32, #tpu.memory_space<vmem_shared>> -> memref<10240x64xf32, #tpu.memory_space<vmem_shared>>
      tpu.wait_indirect_dma semaphore(%arg20 : memref<!tpu.dma_semaphore, #tpu.memory_space<semaphore_mem>>) src(%arg10 : memref<128x64xf32, #tpu.memory_space<vmem>>) dst(%dma_wait3A_261 : memref<10240x64xf32, #tpu.memory_space<vmem_shared>>)
      %add3A_262 = arith.constant 4 : i32
      %add3A_263 = arith.addi %add3A_255, %add3A_262 : i32
      %dma_start3A_264 = arith.constant 0 : i32
      %dma_start3A_265 = tpu.memref_slice %arg6[%add3A_263, %dma_start3A_264] : memref<80x128xi32, #tpu.memory_space<vmem>> -> memref<1x128xi32, #tpu.memory_space<vmem>>
      %dma_start3A_266 = tpu.memref_squeeze %dma_start3A_265 : memref<1x128xi32, #tpu.memory_space<vmem>> -> memref<128xi32, #tpu.memory_space<vmem>>
      %dma_start3A_267 = arith.constant 0 : i32
      %dma_start3A_268 = arith.constant 0 : i32
      %dma_start3A_269 = tpu.memref_slice %arg2[%dma_start3A_267, %dma_start3A_268] : memref<10000x64xf32, #tpu.memory_space<hbm>> -> memref<10000x64xf32, #tpu.memory_space<hbm>>
      tpu.enqueue_indirect_dma source(%dma_start3A_269 : memref<10000x64xf32, #tpu.memory_space<hbm>>) target(%arg10 : memref<128x64xf32, #tpu.memory_space<vmem>>) offsets(%dma_start3A_266 : memref<128xi32, #tpu.memory_space<vmem>>) semaphore(%arg16 : memref<!tpu.dma_semaphore, #tpu.memory_space<semaphore_mem>>)
      %mul3A_270 = arith.constant 4 : i32
      %mul3A_271 = arith.muli %scan3A_150, %mul3A_270 : i32
      %add3A_272 = arith.constant 3 : i32
      %add3A_273 = arith.addi %mul3A_271, %add3A_272 : i32
      %dma_wait3A_274 = arith.constant 0 : i32
      %dma_wait3A_275 = tpu.memref_slice %arg7[%add3A_273, %dma_wait3A_274] : memref<80x128xi32, #tpu.memory_space<vmem>> -> memref<1x128xi32, #tpu.memory_space<vmem>>
      %dma_wait3A_276 = tpu.memref_squeeze %dma_wait3A_275 : memref<1x128xi32, #tpu.memory_space<vmem>> -> memref<128xi32, #tpu.memory_space<vmem>>
      %dma_wait3A_277 = arith.constant 0 : i32
      %dma_wait3A_278 = arith.constant 0 : i32
      %dma_wait3A_279 = tpu.memref_slice %arg13[%dma_wait3A_277, %dma_wait3A_278] : memref<10240x64xf32, #tpu.memory_space<vmem_shared>> -> memref<10240x64xf32, #tpu.memory_space<vmem_shared>>
      tpu.wait_indirect_dma semaphore(%arg21 : memref<!tpu.dma_semaphore, #tpu.memory_space<semaphore_mem>>) src(%arg11 : memref<128x64xf32, #tpu.memory_space<vmem>>) dst(%dma_wait3A_279 : memref<10240x64xf32, #tpu.memory_space<vmem_shared>>)
      %add3A_280 = arith.constant 4 : i32
      %add3A_281 = arith.addi %add3A_273, %add3A_280 : i32
      %dma_start3A_282 = arith.constant 0 : i32
      %dma_start3A_283 = tpu.memref_slice %arg6[%add3A_281, %dma_start3A_282] : memref<80x128xi32, #tpu.memory_space<vmem>> -> memref<1x128xi32, #tpu.memory_space<vmem>>
      %dma_start3A_284 = tpu.memref_squeeze %dma_start3A_283 : memref<1x128xi32, #tpu.memory_space<vmem>> -> memref<128xi32, #tpu.memory_space<vmem>>
      %dma_start3A_285 = arith.constant 0 : i32
      %dma_start3A_286 = arith.constant 0 : i32
      %dma_start3A_287 = tpu.memref_slice %arg2[%dma_start3A_285, %dma_start3A_286] : memref<10000x64xf32, #tpu.memory_space<hbm>> -> memref<10000x64xf32, #tpu.memory_space<hbm>>
      tpu.enqueue_indirect_dma source(%dma_start3A_287 : memref<10000x64xf32, #tpu.memory_space<hbm>>) target(%arg11 : memref<128x64xf32, #tpu.memory_space<vmem>>) offsets(%dma_start3A_284 : memref<128xi32, #tpu.memory_space<vmem>>) semaphore(%arg17 : memref<!tpu.dma_semaphore, #tpu.memory_space<semaphore_mem>>)
      %scan3A_288 = arith.constant 0 : i32
      scf.yield %scan3A_288 : i32
    }
    %scan3A_61 = arith.constant 19 : i32
    %dma_wait3A = arith.constant 76 : i32
    %dma_wait3A_62 = arith.constant 0 : i32
    %dma_wait3A_63 = tpu.memref_slice %arg6[%dma_wait3A, %dma_wait3A_62] : memref<80x128xi32, #tpu.memory_space<vmem>> -> memref<1x128xi32, #tpu.memory_space<vmem>>
    %dma_wait3A_64 = tpu.memref_squeeze %dma_wait3A_63 : memref<1x128xi32, #tpu.memory_space<vmem>> -> memref<128xi32, #tpu.memory_space<vmem>>
    %dma_wait3A_65 = arith.constant 0 : i32
    %dma_wait3A_66 = arith.constant 0 : i32
    %dma_wait3A_67 = tpu.memref_slice %arg2[%dma_wait3A_65, %dma_wait3A_66] : memref<10000x64xf32, #tpu.memory_space<hbm>> -> memref<10000x64xf32, #tpu.memory_space<hbm>>
    tpu.wait_indirect_dma semaphore(%arg14 : memref<!tpu.dma_semaphore, #tpu.memory_space<semaphore_mem>>) src(%dma_wait3A_67 : memref<10000x64xf32, #tpu.memory_space<hbm>>) dst(%arg8 : memref<128x64xf32, #tpu.memory_space<vmem>>)
    %dma_start3A_68 = arith.constant 76 : i32
    %dma_start3A_69 = arith.constant 0 : i32
    %dma_start3A_70 = tpu.memref_slice %arg7[%dma_start3A_68, %dma_start3A_69] : memref<80x128xi32, #tpu.memory_space<vmem>> -> memref<1x128xi32, #tpu.memory_space<vmem>>
    %dma_start3A_71 = tpu.memref_squeeze %dma_start3A_70 : memref<1x128xi32, #tpu.memory_space<vmem>> -> memref<128xi32, #tpu.memory_space<vmem>>
    %dma_start3A_72 = arith.constant 0 : i32
    %dma_start3A_73 = arith.constant 0 : i32
    %dma_start3A_74 = tpu.memref_slice %arg13[%dma_start3A_72, %dma_start3A_73] : memref<10240x64xf32, #tpu.memory_space<vmem_shared>> -> memref<10240x64xf32, #tpu.memory_space<vmem_shared>>
    tpu.enqueue_indirect_dma source(%arg8 : memref<128x64xf32, #tpu.memory_space<vmem>>) target(%dma_start3A_74 : memref<10240x64xf32, #tpu.memory_space<vmem_shared>>) offsets(%dma_start3A_71 : memref<128xi32, #tpu.memory_space<vmem>>) semaphore(%arg18 : memref<!tpu.dma_semaphore, #tpu.memory_space<semaphore_mem>>) {add = true}
    %dma_wait3A_75 = arith.constant 77 : i32
    %dma_wait3A_76 = arith.constant 0 : i32
    %dma_wait3A_77 = tpu.memref_slice %arg6[%dma_wait3A_75, %dma_wait3A_76] : memref<80x128xi32, #tpu.memory_space<vmem>> -> memref<1x128xi32, #tpu.memory_space<vmem>>
    %dma_wait3A_78 = tpu.memref_squeeze %dma_wait3A_77 : memref<1x128xi32, #tpu.memory_space<vmem>> -> memref<128xi32, #tpu.memory_space<vmem>>
    %dma_wait3A_79 = arith.constant 0 : i32
    %dma_wait3A_80 = arith.constant 0 : i32
    %dma_wait3A_81 = tpu.memref_slice %arg2[%dma_wait3A_79, %dma_wait3A_80] : memref<10000x64xf32, #tpu.memory_space<hbm>> -> memref<10000x64xf32, #tpu.memory_space<hbm>>
    tpu.wait_indirect_dma semaphore(%arg15 : memref<!tpu.dma_semaphore, #tpu.memory_space<semaphore_mem>>) src(%dma_wait3A_81 : memref<10000x64xf32, #tpu.memory_space<hbm>>) dst(%arg9 : memref<128x64xf32, #tpu.memory_space<vmem>>)
    %dma_start3A_82 = arith.constant 77 : i32
    %dma_start3A_83 = arith.constant 0 : i32
    %dma_start3A_84 = tpu.memref_slice %arg7[%dma_start3A_82, %dma_start3A_83] : memref<80x128xi32, #tpu.memory_space<vmem>> -> memref<1x128xi32, #tpu.memory_space<vmem>>
    %dma_start3A_85 = tpu.memref_squeeze %dma_start3A_84 : memref<1x128xi32, #tpu.memory_space<vmem>> -> memref<128xi32, #tpu.memory_space<vmem>>
    %dma_start3A_86 = arith.constant 0 : i32
    %dma_start3A_87 = arith.constant 0 : i32
    %dma_start3A_88 = tpu.memref_slice %arg13[%dma_start3A_86, %dma_start3A_87] : memref<10240x64xf32, #tpu.memory_space<vmem_shared>> -> memref<10240x64xf32, #tpu.memory_space<vmem_shared>>
    tpu.enqueue_indirect_dma source(%arg9 : memref<128x64xf32, #tpu.memory_space<vmem>>) target(%dma_start3A_88 : memref<10240x64xf32, #tpu.memory_space<vmem_shared>>) offsets(%dma_start3A_85 : memref<128xi32, #tpu.memory_space<vmem>>) semaphore(%arg19 : memref<!tpu.dma_semaphore, #tpu.memory_space<semaphore_mem>>) {add = true}
    %dma_wait3A_89 = arith.constant 78 : i32
    %dma_wait3A_90 = arith.constant 0 : i32
    %dma_wait3A_91 = tpu.memref_slice %arg6[%dma_wait3A_89, %dma_wait3A_90] : memref<80x128xi32, #tpu.memory_space<vmem>> -> memref<1x128xi32, #tpu.memory_space<vmem>>
    %dma_wait3A_92 = tpu.memref_squeeze %dma_wait3A_91 : memref<1x128xi32, #tpu.memory_space<vmem>> -> memref<128xi32, #tpu.memory_space<vmem>>
    %dma_wait3A_93 = arith.constant 0 : i32
    %dma_wait3A_94 = arith.constant 0 : i32
    %dma_wait3A_95 = tpu.memref_slice %arg2[%dma_wait3A_93, %dma_wait3A_94] : memref<10000x64xf32, #tpu.memory_space<hbm>> -> memref<10000x64xf32, #tpu.memory_space<hbm>>
    tpu.wait_indirect_dma semaphore(%arg16 : memref<!tpu.dma_semaphore, #tpu.memory_space<semaphore_mem>>) src(%dma_wait3A_95 : memref<10000x64xf32, #tpu.memory_space<hbm>>) dst(%arg10 : memref<128x64xf32, #tpu.memory_space<vmem>>)
    %dma_start3A_96 = arith.constant 78 : i32
    %dma_start3A_97 = arith.constant 0 : i32
    %dma_start3A_98 = tpu.memref_slice %arg7[%dma_start3A_96, %dma_start3A_97] : memref<80x128xi32, #tpu.memory_space<vmem>> -> memref<1x128xi32, #tpu.memory_space<vmem>>
    %dma_start3A_99 = tpu.memref_squeeze %dma_start3A_98 : memref<1x128xi32, #tpu.memory_space<vmem>> -> memref<128xi32, #tpu.memory_space<vmem>>
    %dma_start3A_100 = arith.constant 0 : i32
    %dma_start3A_101 = arith.constant 0 : i32
    %dma_start3A_102 = tpu.memref_slice %arg13[%dma_start3A_100, %dma_start3A_101] : memref<10240x64xf32, #tpu.memory_space<vmem_shared>> -> memref<10240x64xf32, #tpu.memory_space<vmem_shared>>
    tpu.enqueue_indirect_dma source(%arg10 : memref<128x64xf32, #tpu.memory_space<vmem>>) target(%dma_start3A_102 : memref<10240x64xf32, #tpu.memory_space<vmem_shared>>) offsets(%dma_start3A_99 : memref<128xi32, #tpu.memory_space<vmem>>) semaphore(%arg20 : memref<!tpu.dma_semaphore, #tpu.memory_space<semaphore_mem>>) {add = true}
    %dma_wait3A_103 = arith.constant 79 : i32
    %dma_wait3A_104 = arith.constant 0 : i32
    %dma_wait3A_105 = tpu.memref_slice %arg6[%dma_wait3A_103, %dma_wait3A_104] : memref<80x128xi32, #tpu.memory_space<vmem>> -> memref<1x128xi32, #tpu.memory_space<vmem>>
    %dma_wait3A_106 = tpu.memref_squeeze %dma_wait3A_105 : memref<1x128xi32, #tpu.memory_space<vmem>> -> memref<128xi32, #tpu.memory_space<vmem>>
    %dma_wait3A_107 = arith.constant 0 : i32
    %dma_wait3A_108 = arith.constant 0 : i32
    %dma_wait3A_109 = tpu.memref_slice %arg2[%dma_wait3A_107, %dma_wait3A_108] : memref<10000x64xf32, #tpu.memory_space<hbm>> -> memref<10000x64xf32, #tpu.memory_space<hbm>>
    tpu.wait_indirect_dma semaphore(%arg17 : memref<!tpu.dma_semaphore, #tpu.memory_space<semaphore_mem>>) src(%dma_wait3A_109 : memref<10000x64xf32, #tpu.memory_space<hbm>>) dst(%arg11 : memref<128x64xf32, #tpu.memory_space<vmem>>)
    %dma_start3A_110 = arith.constant 79 : i32
    %dma_start3A_111 = arith.constant 0 : i32
    %dma_start3A_112 = tpu.memref_slice %arg7[%dma_start3A_110, %dma_start3A_111] : memref<80x128xi32, #tpu.memory_space<vmem>> -> memref<1x128xi32, #tpu.memory_space<vmem>>
    %dma_start3A_113 = tpu.memref_squeeze %dma_start3A_112 : memref<1x128xi32, #tpu.memory_space<vmem>> -> memref<128xi32, #tpu.memory_space<vmem>>
    %dma_start3A_114 = arith.constant 0 : i32
    %dma_start3A_115 = arith.constant 0 : i32
    %dma_start3A_116 = tpu.memref_slice %arg13[%dma_start3A_114, %dma_start3A_115] : memref<10240x64xf32, #tpu.memory_space<vmem_shared>> -> memref<10240x64xf32, #tpu.memory_space<vmem_shared>>
    tpu.enqueue_indirect_dma source(%arg11 : memref<128x64xf32, #tpu.memory_space<vmem>>) target(%dma_start3A_116 : memref<10240x64xf32, #tpu.memory_space<vmem_shared>>) offsets(%dma_start3A_113 : memref<128xi32, #tpu.memory_space<vmem>>) semaphore(%arg21 : memref<!tpu.dma_semaphore, #tpu.memory_space<semaphore_mem>>) {add = true}
    %dma_wait3A_117 = arith.constant 76 : i32
    %dma_wait3A_118 = arith.constant 0 : i32
    %dma_wait3A_119 = tpu.memref_slice %arg7[%dma_wait3A_117, %dma_wait3A_118] : memref<80x128xi32, #tpu.memory_space<vmem>> -> memref<1x128xi32, #tpu.memory_space<vmem>>
    %dma_wait3A_120 = tpu.memref_squeeze %dma_wait3A_119 : memref<1x128xi32, #tpu.memory_space<vmem>> -> memref<128xi32, #tpu.memory_space<vmem>>
    %dma_wait3A_121 = arith.constant 0 : i32
    %dma_wait3A_122 = arith.constant 0 : i32
    %dma_wait3A_123 = tpu.memref_slice %arg13[%dma_wait3A_121, %dma_wait3A_122] : memref<10240x64xf32, #tpu.memory_space<vmem_shared>> -> memref<10240x64xf32, #tpu.memory_space<vmem_shared>>
    tpu.wait_indirect_dma semaphore(%arg18 : memref<!tpu.dma_semaphore, #tpu.memory_space<semaphore_mem>>) src(%arg8 : memref<128x64xf32, #tpu.memory_space<vmem>>) dst(%dma_wait3A_123 : memref<10240x64xf32, #tpu.memory_space<vmem_shared>>)
    %dma_wait3A_124 = arith.constant 77 : i32
    %dma_wait3A_125 = arith.constant 0 : i32
    %dma_wait3A_126 = tpu.memref_slice %arg7[%dma_wait3A_124, %dma_wait3A_125] : memref<80x128xi32, #tpu.memory_space<vmem>> -> memref<1x128xi32, #tpu.memory_space<vmem>>
    %dma_wait3A_127 = tpu.memref_squeeze %dma_wait3A_126 : memref<1x128xi32, #tpu.memory_space<vmem>> -> memref<128xi32, #tpu.memory_space<vmem>>
    %dma_wait3A_128 = arith.constant 0 : i32
    %dma_wait3A_129 = arith.constant 0 : i32
    %dma_wait3A_130 = tpu.memref_slice %arg13[%dma_wait3A_128, %dma_wait3A_129] : memref<10240x64xf32, #tpu.memory_space<vmem_shared>> -> memref<10240x64xf32, #tpu.memory_space<vmem_shared>>
    tpu.wait_indirect_dma semaphore(%arg19 : memref<!tpu.dma_semaphore, #tpu.memory_space<semaphore_mem>>) src(%arg9 : memref<128x64xf32, #tpu.memory_space<vmem>>) dst(%dma_wait3A_130 : memref<10240x64xf32, #tpu.memory_space<vmem_shared>>)
    %dma_wait3A_131 = arith.constant 78 : i32
    %dma_wait3A_132 = arith.constant 0 : i32
    %dma_wait3A_133 = tpu.memref_slice %arg7[%dma_wait3A_131, %dma_wait3A_132] : memref<80x128xi32, #tpu.memory_space<vmem>> -> memref<1x128xi32, #tpu.memory_space<vmem>>
    %dma_wait3A_134 = tpu.memref_squeeze %dma_wait3A_133 : memref<1x128xi32, #tpu.memory_space<vmem>> -> memref<128xi32, #tpu.memory_space<vmem>>
    %dma_wait3A_135 = arith.constant 0 : i32
    %dma_wait3A_136 = arith.constant 0 : i32
    %dma_wait3A_137 = tpu.memref_slice %arg13[%dma_wait3A_135, %dma_wait3A_136] : memref<10240x64xf32, #tpu.memory_space<vmem_shared>> -> memref<10240x64xf32, #tpu.memory_space<vmem_shared>>
    tpu.wait_indirect_dma semaphore(%arg20 : memref<!tpu.dma_semaphore, #tpu.memory_space<semaphore_mem>>) src(%arg10 : memref<128x64xf32, #tpu.memory_space<vmem>>) dst(%dma_wait3A_137 : memref<10240x64xf32, #tpu.memory_space<vmem_shared>>)
    %dma_wait3A_138 = arith.constant 79 : i32
    %dma_wait3A_139 = arith.constant 0 : i32
    %dma_wait3A_140 = tpu.memref_slice %arg7[%dma_wait3A_138, %dma_wait3A_139] : memref<80x128xi32, #tpu.memory_space<vmem>> -> memref<1x128xi32, #tpu.memory_space<vmem>>
    %dma_wait3A_141 = tpu.memref_squeeze %dma_wait3A_140 : memref<1x128xi32, #tpu.memory_space<vmem>> -> memref<128xi32, #tpu.memory_space<vmem>>
    %dma_wait3A_142 = arith.constant 0 : i32
    %dma_wait3A_143 = arith.constant 0 : i32
    %dma_wait3A_144 = tpu.memref_slice %arg13[%dma_wait3A_142, %dma_wait3A_143] : memref<10240x64xf32, #tpu.memory_space<vmem_shared>> -> memref<10240x64xf32, #tpu.memory_space<vmem_shared>>
    tpu.wait_indirect_dma semaphore(%arg21 : memref<!tpu.dma_semaphore, #tpu.memory_space<semaphore_mem>>) src(%arg11 : memref<128x64xf32, #tpu.memory_space<vmem>>) dst(%dma_wait3A_144 : memref<10240x64xf32, #tpu.memory_space<vmem_shared>>)
    %barrier3A_145 = arith.constant 0 : index
    tpu.barrier barrier_id(%barrier3A_145)
    %mul3A_146 = arith.constant 640 : i32
    %mul3A_147 = arith.muli %arg1, %mul3A_146 : i32
    %mul3A_148 = arith.constant 640 : i32
    %mul3A_149 = arith.muli %arg1, %mul3A_148 : i32
    "tpu.region"() ({
      %run_scoped3A = tpu.sem_alloc : memref<!tpu.dma_semaphore, #tpu.memory_space<semaphore_mem>>
      %dma_start3A_150 = arith.constant 0 : i32
      %dma_start3A_151 = tpu.memref_slice %arg5[%arg0, %mul3A_149, %dma_start3A_150] : memref<2x10240x64xf32, #tpu.memory_space<hbm>> -> memref<1x640x64xf32, #tpu.memory_space<hbm>>
      %dma_start3A_152 = tpu.memref_squeeze %dma_start3A_151 : memref<1x640x64xf32, #tpu.memory_space<hbm>> -> memref<640x64xf32, #tpu.memory_space<hbm>>
      %dma_start3A_153 = arith.constant 0 : i32
      %dma_start3A_154 = tpu.memref_slice %arg13[%mul3A_147, %dma_start3A_153] : memref<10240x64xf32, #tpu.memory_space<vmem_shared>> -> memref<640x64xf32, #tpu.memory_space<vmem_shared>>
      tpu.enqueue_dma source(%dma_start3A_154 : memref<640x64xf32, #tpu.memory_space<vmem_shared>>) target(%dma_start3A_152 : memref<640x64xf32, #tpu.memory_space<hbm>>) target_semaphore(%run_scoped3A : memref<!tpu.dma_semaphore, #tpu.memory_space<semaphore_mem>>)
      %dma_wait3A_155 = arith.constant 0 : i32
      %dma_wait3A_156 = tpu.memref_slice %arg5[%arg0, %mul3A_149, %dma_wait3A_155] : memref<2x10240x64xf32, #tpu.memory_space<hbm>> -> memref<1x640x64xf32, #tpu.memory_space<hbm>>
      %dma_wait3A_157 = tpu.memref_squeeze %dma_wait3A_156 : memref<1x640x64xf32, #tpu.memory_space<hbm>> -> memref<640x64xf32, #tpu.memory_space<hbm>>
      %dma_wait3A_158 = arith.constant 0 : i32
      %dma_wait3A_159 = tpu.memref_slice %arg13[%mul3A_147, %dma_wait3A_158] : memref<10240x64xf32, #tpu.memory_space<vmem_shared>> -> memref<640x64xf32, #tpu.memory_space<vmem_shared>>
      tpu.wait_dma2 semaphore(%run_scoped3A : memref<!tpu.dma_semaphore, #tpu.memory_space<semaphore_mem>>) src(%dma_wait3A_159 : memref<640x64xf32, #tpu.memory_space<vmem_shared>>) dst(%dma_wait3A_157 : memref<640x64xf32, #tpu.memory_space<hbm>>)
      tpu.yield
    }) : () -> ()
    return
  }
}

#map = affine_map<(d0, d1) -> (0, 0)>
#map1 = affine_map<(d0, d1) -> (0, 0, 0)>
module attributes {stable_mosaic.version = 14 : i64} {
  func.func @agg_kernel(%arg0: i32, %arg1: i32, %arg2: memref<10000x64xf32, #tpu.memory_space<hbm>>, %arg3: memref<32x80x128xi32, #tpu.memory_space<hbm>>, %arg4: memref<32x80x128xi32, #tpu.memory_space<hbm>>, %arg5: memref<2x10240x64xf32, #tpu.memory_space<hbm>>, %arg6: memref<80x128xi32, #tpu.memory_space<vmem>>, %arg7: memref<80x128xi32, #tpu.memory_space<vmem>>, %arg8: memref<128x64xf32, #tpu.memory_space<vmem>>, %arg9: memref<128x64xf32, #tpu.memory_space<vmem>>, %arg10: memref<128x64xf32, #tpu.memory_space<vmem>>, %arg11: memref<128x64xf32, #tpu.memory_space<vmem>>, %arg12: memref<128x64xf32, #tpu.memory_space<vmem>>, %arg13: memref<10240x64xf32, #tpu.memory_space<vmem_shared>>, %arg14: memref<!tpu.dma_semaphore, #tpu.memory_space<semaphore_mem>>, %arg15: memref<!tpu.dma_semaphore, #tpu.memory_space<semaphore_mem>>, %arg16: memref<!tpu.dma_semaphore, #tpu.memory_space<semaphore_mem>>, %arg17: memref<!tpu.dma_semaphore, #tpu.memory_space<semaphore_mem>>, %arg18: memref<!tpu.dma_semaphore, #tpu.memory_space<semaphore_mem>>, %arg19: memref<!tpu.dma_semaphore, #tpu.memory_space<semaphore_mem>>, %arg20: memref<!tpu.dma_semaphore, #tpu.memory_space<semaphore_mem>>, %arg21: memref<!tpu.dma_semaphore, #tpu.memory_space<semaphore_mem>>) attributes {dimension_semantics = [#tpu.dimension_semantics<core_parallel>, #tpu.dimension_semantics<subcore_parallel>], iteration_bounds = array<i64: 2, 16>, scalar_prefetch = 0 : i64, scratch_operands = 16 : i64, tpu.core_type = #tpu.core_type<sc_vector_subcore>, window_params = [{transform_indices = #map}, {transform_indices = #map1}, {transform_indices = #map1}, {transform_indices = #map1}]} {
    %mul3A = arith.constant 16 : i32
    %mul3A_0 = arith.muli %arg0, %mul3A : i32
    %add3A = arith.addi %mul3A_0, %arg1 : i32
    %broadcast_in_dim3A = arith.constant 0.000000e+00 : f32
    %broadcast_in_dim3A_1 = vector.broadcast %broadcast_in_dim3A : f32 to vector<16xf32>
    %scan3A = arith.constant 0 : i32
    %scan3A_2 = arith.constant 0 : i32
    %scan3A_3 = arith.constant 128 : i32
    %scan3A_4 = arith.addi %scan3A_2, %scan3A_3 : i32
    %scan3A_5 = arith.constant 1 : i32
    %scan3A_6 = scf.for %scan3A_150 = %scan3A_2 to %scan3A_4 step %scan3A_5 iter_args(%scan3A_151 = %scan3A) -> (i32)  : i32 {
      %swap3A = arith.index_cast %scan3A_150 : i32 to index
      %swap3A_152 = arith.constant 0 : index
      %swap3A_153 = tpu.vector_load %arg12[%swap3A, %swap3A_152] {strides = array<i32>} : memref<128x64xf32, #tpu.memory_space<vmem>>, vector<1x16xf32>,
      %swap3A_154 = vector.shape_cast %swap3A_153 : vector<1x16xf32> to vector<16xf32>
      %swap3A_155 = vector.shape_cast %broadcast_in_dim3A_1 : vector<16xf32> to vector<1x16xf32>
      tpu.vector_store %arg12[%swap3A, %swap3A_152], %swap3A_155 {strides = array<i32>} : memref<128x64xf32, #tpu.memory_space<vmem>>, vector<1x16xf32>,
      %swap3A_156 = arith.index_cast %scan3A_150 : i32 to index
      %swap3A_157 = arith.constant 16 : index
      %swap3A_158 = tpu.vector_load %arg12[%swap3A_156, %swap3A_157] {strides = array<i32>} : memref<128x64xf32, #tpu.memory_space<vmem>>, vector<1x16xf32>,
      %swap3A_159 = vector.shape_cast %swap3A_158 : vector<1x16xf32> to vector<16xf32>
      %swap3A_160 = vector.shape_cast %broadcast_in_dim3A_1 : vector<16xf32> to vector<1x16xf32>
      tpu.vector_store %arg12[%swap3A_156, %swap3A_157], %swap3A_160 {strides = array<i32>} : memref<128x64xf32, #tpu.memory_space<vmem>>, vector<1x16xf32>,
      %swap3A_161 = arith.index_cast %scan3A_150 : i32 to index
      %swap3A_162 = arith.constant 32 : index
      %swap3A_163 = tpu.vector_load %arg12[%swap3A_161, %swap3A_162] {strides = array<i32>} : memref<128x64xf32, #tpu.memory_space<vmem>>, vector<1x16xf32>,
      %swap3A_164 = vector.shape_cast %swap3A_163 : vector<1x16xf32> to vector<16xf32>
      %swap3A_165 = vector.shape_cast %broadcast_in_dim3A_1 : vector<16xf32> to vector<1x16xf32>
      tpu.vector_store %arg12[%swap3A_161, %swap3A_162], %swap3A_165 {strides = array<i32>} : memref<128x64xf32, #tpu.memory_space<vmem>>, vector<1x16xf32>,
      %swap3A_166 = arith.index_cast %scan3A_150 : i32 to index
      %swap3A_167 = arith.constant 48 : index
      %swap3A_168 = tpu.vector_load %arg12[%swap3A_166, %swap3A_167] {strides = array<i32>} : memref<128x64xf32, #tpu.memory_space<vmem>>, vector<1x16xf32>,
      %swap3A_169 = vector.shape_cast %swap3A_168 : vector<1x16xf32> to vector<16xf32>
      %swap3A_170 = vector.shape_cast %broadcast_in_dim3A_1 : vector<16xf32> to vector<1x16xf32>
      tpu.vector_store %arg12[%swap3A_166, %swap3A_167], %swap3A_170 {strides = array<i32>} : memref<128x64xf32, #tpu.memory_space<vmem>>, vector<1x16xf32>,
      %scan3A_171 = arith.constant 0 : i32
      scf.yield %scan3A_171 : i32
    }
    %scan3A_7 = arith.constant 128 : i32
    %mul3A_8 = arith.constant 640 : i32
    %mul3A_9 = arith.muli %arg1, %mul3A_8 : i32
    %add3A_10 = arith.constant 0 : i32
    %add3A_11 = arith.addi %mul3A_9, %add3A_10 : i32
    "tpu.region"() ({
      %run_scoped3A = tpu.sem_alloc : memref<!tpu.dma_semaphore, #tpu.memory_space<semaphore_mem>>
      %dma_start3A_150 = arith.constant 0 : i32
      %dma_start3A_151 = tpu.memref_slice %arg13[%add3A_11, %dma_start3A_150] : memref<10240x64xf32, #tpu.memory_space<vmem_shared>> -> memref<128x64xf32, #tpu.memory_space<vmem_shared>>
      %dma_start3A_152 = arith.constant 0 : i32
      %dma_start3A_153 = tpu.memref_slice %arg13[%add3A_11, %dma_start3A_152] : memref<10240x64xf32, #tpu.memory_space<vmem_shared>> -> memref<128x64xf32, #tpu.memory_space<vmem_shared>>
      tpu.enqueue_dma source(%arg12 : memref<128x64xf32, #tpu.memory_space<vmem>>) target(%dma_start3A_153 : memref<128x64xf32, #tpu.memory_space<vmem_shared>>) target_semaphore(%run_scoped3A : memref<!tpu.dma_semaphore, #tpu.memory_space<semaphore_mem>>)
      %dma_wait3A_154 = arith.constant 0 : i32
      %dma_wait3A_155 = tpu.memref_slice %arg13[%add3A_11, %dma_wait3A_154] : memref<10240x64xf32, #tpu.memory_space<vmem_shared>> -> memref<128x64xf32, #tpu.memory_space<vmem_shared>>
      %dma_wait3A_156 = arith.constant 0 : i32
      %dma_wait3A_157 = tpu.memref_slice %arg13[%add3A_11, %dma_wait3A_156] : memref<10240x64xf32, #tpu.memory_space<vmem_shared>> -> memref<128x64xf32, #tpu.memory_space<vmem_shared>>
      tpu.wait_dma2 semaphore(%run_scoped3A : memref<!tpu.dma_semaphore, #tpu.memory_space<semaphore_mem>>) src(%arg12 : memref<128x64xf32, #tpu.memory_space<vmem>>) dst(%dma_wait3A_157 : memref<128x64xf32, #tpu.memory_space<vmem_shared>>)
      tpu.yield
    }) : () -> ()
    %mul3A_12 = arith.constant 640 : i32
    %mul3A_13 = arith.muli %arg1, %mul3A_12 : i32
    %add3A_14 = arith.constant 128 : i32
    %add3A_15 = arith.addi %mul3A_13, %add3A_14 : i32
    "tpu.region"() ({
      %run_scoped3A = tpu.sem_alloc : memref<!tpu.dma_semaphore, #tpu.memory_space<semaphore_mem>>
      %dma_start3A_150 = arith.constant 0 : i32
      %dma_start3A_151 = tpu.memref_slice %arg13[%add3A_15, %dma_start3A_150] : memref<10240x64xf32, #tpu.memory_space<vmem_shared>> -> memref<128x64xf32, #tpu.memory_space<vmem_shared>>
      %dma_start3A_152 = arith.constant 0 : i32
      %dma_start3A_153 = tpu.memref_slice %arg13[%add3A_15, %dma_start3A_152] : memref<10240x64xf32, #tpu.memory_space<vmem_shared>> -> memref<128x64xf32, #tpu.memory_space<vmem_shared>>
      tpu.enqueue_dma source(%arg12 : memref<128x64xf32, #tpu.memory_space<vmem>>) target(%dma_start3A_153 : memref<128x64xf32, #tpu.memory_space<vmem_shared>>) target_semaphore(%run_scoped3A : memref<!tpu.dma_semaphore, #tpu.memory_space<semaphore_mem>>)
      %dma_wait3A_154 = arith.constant 0 : i32
      %dma_wait3A_155 = tpu.memref_slice %arg13[%add3A_15, %dma_wait3A_154] : memref<10240x64xf32, #tpu.memory_space<vmem_shared>> -> memref<128x64xf32, #tpu.memory_space<vmem_shared>>
      %dma_wait3A_156 = arith.constant 0 : i32
      %dma_wait3A_157 = tpu.memref_slice %arg13[%add3A_15, %dma_wait3A_156] : memref<10240x64xf32, #tpu.memory_space<vmem_shared>> -> memref<128x64xf32, #tpu.memory_space<vmem_shared>>
      tpu.wait_dma2 semaphore(%run_scoped3A : memref<!tpu.dma_semaphore, #tpu.memory_space<semaphore_mem>>) src(%arg12 : memref<128x64xf32, #tpu.memory_space<vmem>>) dst(%dma_wait3A_157 : memref<128x64xf32, #tpu.memory_space<vmem_shared>>)
      tpu.yield
    }) : () -> ()
    %mul3A_16 = arith.constant 640 : i32
    %mul3A_17 = arith.muli %arg1, %mul3A_16 : i32
    %add3A_18 = arith.constant 256 : i32
    %add3A_19 = arith.addi %mul3A_17, %add3A_18 : i32
    "tpu.region"() ({
      %run_scoped3A = tpu.sem_alloc : memref<!tpu.dma_semaphore, #tpu.memory_space<semaphore_mem>>
      %dma_start3A_150 = arith.constant 0 : i32
      %dma_start3A_151 = tpu.memref_slice %arg13[%add3A_19, %dma_start3A_150] : memref<10240x64xf32, #tpu.memory_space<vmem_shared>> -> memref<128x64xf32, #tpu.memory_space<vmem_shared>>
      %dma_start3A_152 = arith.constant 0 : i32
      %dma_start3A_153 = tpu.memref_slice %arg13[%add3A_19, %dma_start3A_152] : memref<10240x64xf32, #tpu.memory_space<vmem_shared>> -> memref<128x64xf32, #tpu.memory_space<vmem_shared>>
      tpu.enqueue_dma source(%arg12 : memref<128x64xf32, #tpu.memory_space<vmem>>) target(%dma_start3A_153 : memref<128x64xf32, #tpu.memory_space<vmem_shared>>) target_semaphore(%run_scoped3A : memref<!tpu.dma_semaphore, #tpu.memory_space<semaphore_mem>>)
      %dma_wait3A_154 = arith.constant 0 : i32
      %dma_wait3A_155 = tpu.memref_slice %arg13[%add3A_19, %dma_wait3A_154] : memref<10240x64xf32, #tpu.memory_space<vmem_shared>> -> memref<128x64xf32, #tpu.memory_space<vmem_shared>>
      %dma_wait3A_156 = arith.constant 0 : i32
      %dma_wait3A_157 = tpu.memref_slice %arg13[%add3A_19, %dma_wait3A_156] : memref<10240x64xf32, #tpu.memory_space<vmem_shared>> -> memref<128x64xf32, #tpu.memory_space<vmem_shared>>
      tpu.wait_dma2 semaphore(%run_scoped3A : memref<!tpu.dma_semaphore, #tpu.memory_space<semaphore_mem>>) src(%arg12 : memref<128x64xf32, #tpu.memory_space<vmem>>) dst(%dma_wait3A_157 : memref<128x64xf32, #tpu.memory_space<vmem_shared>>)
      tpu.yield
    }) : () -> ()
    %mul3A_20 = arith.constant 640 : i32
    %mul3A_21 = arith.muli %arg1, %mul3A_20 : i32
    %add3A_22 = arith.constant 384 : i32
    %add3A_23 = arith.addi %mul3A_21, %add3A_22 : i32
    "tpu.region"() ({
      %run_scoped3A = tpu.sem_alloc : memref<!tpu.dma_semaphore, #tpu.memory_space<semaphore_mem>>
      %dma_start3A_150 = arith.constant 0 : i32
      %dma_start3A_151 = tpu.memref_slice %arg13[%add3A_23, %dma_start3A_150] : memref<10240x64xf32, #tpu.memory_space<vmem_shared>> -> memref<128x64xf32, #tpu.memory_space<vmem_shared>>
      %dma_start3A_152 = arith.constant 0 : i32
      %dma_start3A_153 = tpu.memref_slice %arg13[%add3A_23, %dma_start3A_152] : memref<10240x64xf32, #tpu.memory_space<vmem_shared>> -> memref<128x64xf32, #tpu.memory_space<vmem_shared>>
      tpu.enqueue_dma source(%arg12 : memref<128x64xf32, #tpu.memory_space<vmem>>) target(%dma_start3A_153 : memref<128x64xf32, #tpu.memory_space<vmem_shared>>) target_semaphore(%run_scoped3A : memref<!tpu.dma_semaphore, #tpu.memory_space<semaphore_mem>>)
      %dma_wait3A_154 = arith.constant 0 : i32
      %dma_wait3A_155 = tpu.memref_slice %arg13[%add3A_23, %dma_wait3A_154] : memref<10240x64xf32, #tpu.memory_space<vmem_shared>> -> memref<128x64xf32, #tpu.memory_space<vmem_shared>>
      %dma_wait3A_156 = arith.constant 0 : i32
      %dma_wait3A_157 = tpu.memref_slice %arg13[%add3A_23, %dma_wait3A_156] : memref<10240x64xf32, #tpu.memory_space<vmem_shared>> -> memref<128x64xf32, #tpu.memory_space<vmem_shared>>
      tpu.wait_dma2 semaphore(%run_scoped3A : memref<!tpu.dma_semaphore, #tpu.memory_space<semaphore_mem>>) src(%arg12 : memref<128x64xf32, #tpu.memory_space<vmem>>) dst(%dma_wait3A_157 : memref<128x64xf32, #tpu.memory_space<vmem_shared>>)
      tpu.yield
    }) : () -> ()
    %mul3A_24 = arith.constant 640 : i32
    %mul3A_25 = arith.muli %arg1, %mul3A_24 : i32
    %add3A_26 = arith.constant 512 : i32
    %add3A_27 = arith.addi %mul3A_25, %add3A_26 : i32
    "tpu.region"() ({
      %run_scoped3A = tpu.sem_alloc : memref<!tpu.dma_semaphore, #tpu.memory_space<semaphore_mem>>
      %dma_start3A_150 = arith.constant 0 : i32
      %dma_start3A_151 = tpu.memref_slice %arg13[%add3A_27, %dma_start3A_150] : memref<10240x64xf32, #tpu.memory_space<vmem_shared>> -> memref<128x64xf32, #tpu.memory_space<vmem_shared>>
      %dma_start3A_152 = arith.constant 0 : i32
      %dma_start3A_153 = tpu.memref_slice %arg13[%add3A_27, %dma_start3A_152] : memref<10240x64xf32, #tpu.memory_space<vmem_shared>> -> memref<128x64xf32, #tpu.memory_space<vmem_shared>>
      tpu.enqueue_dma source(%arg12 : memref<128x64xf32, #tpu.memory_space<vmem>>) target(%dma_start3A_153 : memref<128x64xf32, #tpu.memory_space<vmem_shared>>) target_semaphore(%run_scoped3A : memref<!tpu.dma_semaphore, #tpu.memory_space<semaphore_mem>>)
      %dma_wait3A_154 = arith.constant 0 : i32
      %dma_wait3A_155 = tpu.memref_slice %arg13[%add3A_27, %dma_wait3A_154] : memref<10240x64xf32, #tpu.memory_space<vmem_shared>> -> memref<128x64xf32, #tpu.memory_space<vmem_shared>>
      %dma_wait3A_156 = arith.constant 0 : i32
      %dma_wait3A_157 = tpu.memref_slice %arg13[%add3A_27, %dma_wait3A_156] : memref<10240x64xf32, #tpu.memory_space<vmem_shared>> -> memref<128x64xf32, #tpu.memory_space<vmem_shared>>
      tpu.wait_dma2 semaphore(%run_scoped3A : memref<!tpu.dma_semaphore, #tpu.memory_space<semaphore_mem>>) src(%arg12 : memref<128x64xf32, #tpu.memory_space<vmem>>) dst(%dma_wait3A_157 : memref<128x64xf32, #tpu.memory_space<vmem_shared>>)
      tpu.yield
    }) : () -> ()
    %barrier3A = arith.constant 0 : index
    tpu.barrier barrier_id(%barrier3A)
    "tpu.region"() ({
      %run_scoped3A = tpu.sem_alloc : memref<!tpu.dma_semaphore, #tpu.memory_space<semaphore_mem>>
      %dma_start3A_150 = arith.constant 0 : i32
      %dma_start3A_151 = arith.constant 0 : i32
      %dma_start3A_152 = tpu.memref_slice %arg3[%add3A, %dma_start3A_150, %dma_start3A_151] : memref<32x80x128xi32, #tpu.memory_space<hbm>> -> memref<1x80x128xi32, #tpu.memory_space<hbm>>
      %dma_start3A_153 = tpu.memref_squeeze %dma_start3A_152 : memref<1x80x128xi32, #tpu.memory_space<hbm>> -> memref<80x128xi32, #tpu.memory_space<hbm>>
      %dma_start3A_154 = arith.constant 0 : i32
      %dma_start3A_155 = arith.constant 0 : i32
      %dma_start3A_156 = tpu.memref_slice %arg3[%add3A, %dma_start3A_154, %dma_start3A_155] : memref<32x80x128xi32, #tpu.memory_space<hbm>> -> memref<1x80x128xi32, #tpu.memory_space<hbm>>
      %dma_start3A_157 = tpu.memref_squeeze %dma_start3A_156 : memref<1x80x128xi32, #tpu.memory_space<hbm>> -> memref<80x128xi32, #tpu.memory_space<hbm>>
      tpu.enqueue_dma source(%dma_start3A_157 : memref<80x128xi32, #tpu.memory_space<hbm>>) target(%arg6 : memref<80x128xi32, #tpu.memory_space<vmem>>) target_semaphore(%run_scoped3A : memref<!tpu.dma_semaphore, #tpu.memory_space<semaphore_mem>>)
      %dma_wait3A_158 = arith.constant 0 : i32
      %dma_wait3A_159 = arith.constant 0 : i32
      %dma_wait3A_160 = tpu.memref_slice %arg3[%add3A, %dma_wait3A_158, %dma_wait3A_159] : memref<32x80x128xi32, #tpu.memory_space<hbm>> -> memref<1x80x128xi32, #tpu.memory_space<hbm>>
      %dma_wait3A_161 = tpu.memref_squeeze %dma_wait3A_160 : memref<1x80x128xi32, #tpu.memory_space<hbm>> -> memref<80x128xi32, #tpu.memory_space<hbm>>
      %dma_wait3A_162 = arith.constant 0 : i32
      %dma_wait3A_163 = arith.constant 0 : i32
      %dma_wait3A_164 = tpu.memref_slice %arg3[%add3A, %dma_wait3A_162, %dma_wait3A_163] : memref<32x80x128xi32, #tpu.memory_space<hbm>> -> memref<1x80x128xi32, #tpu.memory_space<hbm>>
      %dma_wait3A_165 = tpu.memref_squeeze %dma_wait3A_164 : memref<1x80x128xi32, #tpu.memory_space<hbm>> -> memref<80x128xi32, #tpu.memory_space<hbm>>
      tpu.wait_dma2 semaphore(%run_scoped3A : memref<!tpu.dma_semaphore, #tpu.memory_space<semaphore_mem>>) src(%dma_wait3A_165 : memref<80x128xi32, #tpu.memory_space<hbm>>) dst(%arg6 : memref<80x128xi32, #tpu.memory_space<vmem>>)
      tpu.yield
    }) : () -> ()
    "tpu.region"() ({
      %run_scoped3A = tpu.sem_alloc : memref<!tpu.dma_semaphore, #tpu.memory_space<semaphore_mem>>
      %dma_start3A_150 = arith.constant 0 : i32
      %dma_start3A_151 = arith.constant 0 : i32
      %dma_start3A_152 = tpu.memref_slice %arg4[%add3A, %dma_start3A_150, %dma_start3A_151] : memref<32x80x128xi32, #tpu.memory_space<hbm>> -> memref<1x80x128xi32, #tpu.memory_space<hbm>>
      %dma_start3A_153 = tpu.memref_squeeze %dma_start3A_152 : memref<1x80x128xi32, #tpu.memory_space<hbm>> -> memref<80x128xi32, #tpu.memory_space<hbm>>
      %dma_start3A_154 = arith.constant 0 : i32
      %dma_start3A_155 = arith.constant 0 : i32
      %dma_start3A_156 = tpu.memref_slice %arg4[%add3A, %dma_start3A_154, %dma_start3A_155] : memref<32x80x128xi32, #tpu.memory_space<hbm>> -> memref<1x80x128xi32, #tpu.memory_space<hbm>>
      %dma_start3A_157 = tpu.memref_squeeze %dma_start3A_156 : memref<1x80x128xi32, #tpu.memory_space<hbm>> -> memref<80x128xi32, #tpu.memory_space<hbm>>
      tpu.enqueue_dma source(%dma_start3A_157 : memref<80x128xi32, #tpu.memory_space<hbm>>) target(%arg7 : memref<80x128xi32, #tpu.memory_space<vmem>>) target_semaphore(%run_scoped3A : memref<!tpu.dma_semaphore, #tpu.memory_space<semaphore_mem>>)
      %dma_wait3A_158 = arith.constant 0 : i32
      %dma_wait3A_159 = arith.constant 0 : i32
      %dma_wait3A_160 = tpu.memref_slice %arg4[%add3A, %dma_wait3A_158, %dma_wait3A_159] : memref<32x80x128xi32, #tpu.memory_space<hbm>> -> memref<1x80x128xi32, #tpu.memory_space<hbm>>
      %dma_wait3A_161 = tpu.memref_squeeze %dma_wait3A_160 : memref<1x80x128xi32, #tpu.memory_space<hbm>> -> memref<80x128xi32, #tpu.memory_space<hbm>>
      %dma_wait3A_162 = arith.constant 0 : i32
      %dma_wait3A_163 = arith.constant 0 : i32
      %dma_wait3A_164 = tpu.memref_slice %arg4[%add3A, %dma_wait3A_162, %dma_wait3A_163] : memref<32x80x128xi32, #tpu.memory_space<hbm>> -> memref<1x80x128xi32, #tpu.memory_space<hbm>>
      %dma_wait3A_165 = tpu.memref_squeeze %dma_wait3A_164 : memref<1x80x128xi32, #tpu.memory_space<hbm>> -> memref<80x128xi32, #tpu.memory_space<hbm>>
      tpu.wait_dma2 semaphore(%run_scoped3A : memref<!tpu.dma_semaphore, #tpu.memory_space<semaphore_mem>>) src(%dma_wait3A_165 : memref<80x128xi32, #tpu.memory_space<hbm>>) dst(%arg7 : memref<80x128xi32, #tpu.memory_space<vmem>>)
      tpu.yield
    }) : () -> ()
    %dma_start3A = arith.constant 0 : i32
    %dma_start3A_28 = arith.constant 0 : i32
    %dma_start3A_29 = tpu.memref_slice %arg6[%dma_start3A, %dma_start3A_28] : memref<80x128xi32, #tpu.memory_space<vmem>> -> memref<1x128xi32, #tpu.memory_space<vmem>>
    %dma_start3A_30 = tpu.memref_squeeze %dma_start3A_29 : memref<1x128xi32, #tpu.memory_space<vmem>> -> memref<128xi32, #tpu.memory_space<vmem>>
    %dma_start3A_31 = arith.constant 0 : i32
    %dma_start3A_32 = arith.constant 0 : i32
    %dma_start3A_33 = tpu.memref_slice %arg2[%dma_start3A_31, %dma_start3A_32] : memref<10000x64xf32, #tpu.memory_space<hbm>> -> memref<10000x64xf32, #tpu.memory_space<hbm>>
    tpu.enqueue_indirect_dma source(%dma_start3A_33 : memref<10000x64xf32, #tpu.memory_space<hbm>>) target(%arg8 : memref<128x64xf32, #tpu.memory_space<vmem>>) offsets(%dma_start3A_30 : memref<128xi32, #tpu.memory_space<vmem>>) semaphore(%arg14 : memref<!tpu.dma_semaphore, #tpu.memory_space<semaphore_mem>>)
    %dma_start3A_34 = arith.constant 1 : i32
    %dma_start3A_35 = arith.constant 0 : i32
    %dma_start3A_36 = tpu.memref_slice %arg6[%dma_start3A_34, %dma_start3A_35] : memref<80x128xi32, #tpu.memory_space<vmem>> -> memref<1x128xi32, #tpu.memory_space<vmem>>
    %dma_start3A_37 = tpu.memref_squeeze %dma_start3A_36 : memref<1x128xi32, #tpu.memory_space<vmem>> -> memref<128xi32, #tpu.memory_space<vmem>>
    %dma_start3A_38 = arith.constant 0 : i32
    %dma_start3A_39 = arith.constant 0 : i32
    %dma_start3A_40 = tpu.memref_slice %arg2[%dma_start3A_38, %dma_start3A_39] : memref<10000x64xf32, #tpu.memory_space<hbm>> -> memref<10000x64xf32, #tpu.memory_space<hbm>>
    tpu.enqueue_indirect_dma source(%dma_start3A_40 : memref<10000x64xf32, #tpu.memory_space<hbm>>) target(%arg9 : memref<128x64xf32, #tpu.memory_space<vmem>>) offsets(%dma_start3A_37 : memref<128xi32, #tpu.memory_space<vmem>>) semaphore(%arg15 : memref<!tpu.dma_semaphore, #tpu.memory_space<semaphore_mem>>)
    %dma_start3A_41 = arith.constant 2 : i32
    %dma_start3A_42 = arith.constant 0 : i32
    %dma_start3A_43 = tpu.memref_slice %arg6[%dma_start3A_41, %dma_start3A_42] : memref<80x128xi32, #tpu.memory_space<vmem>> -> memref<1x128xi32, #tpu.memory_space<vmem>>
    %dma_start3A_44 = tpu.memref_squeeze %dma_start3A_43 : memref<1x128xi32, #tpu.memory_space<vmem>> -> memref<128xi32, #tpu.memory_space<vmem>>
    %dma_start3A_45 = arith.constant 0 : i32
    %dma_start3A_46 = arith.constant 0 : i32
    %dma_start3A_47 = tpu.memref_slice %arg2[%dma_start3A_45, %dma_start3A_46] : memref<10000x64xf32, #tpu.memory_space<hbm>> -> memref<10000x64xf32, #tpu.memory_space<hbm>>
    tpu.enqueue_indirect_dma source(%dma_start3A_47 : memref<10000x64xf32, #tpu.memory_space<hbm>>) target(%arg10 : memref<128x64xf32, #tpu.memory_space<vmem>>) offsets(%dma_start3A_44 : memref<128xi32, #tpu.memory_space<vmem>>) semaphore(%arg16 : memref<!tpu.dma_semaphore, #tpu.memory_space<semaphore_mem>>)
    %dma_start3A_48 = arith.constant 3 : i32
    %dma_start3A_49 = arith.constant 0 : i32
    %dma_start3A_50 = tpu.memref_slice %arg6[%dma_start3A_48, %dma_start3A_49] : memref<80x128xi32, #tpu.memory_space<vmem>> -> memref<1x128xi32, #tpu.memory_space<vmem>>
    %dma_start3A_51 = tpu.memref_squeeze %dma_start3A_50 : memref<1x128xi32, #tpu.memory_space<vmem>> -> memref<128xi32, #tpu.memory_space<vmem>>
    %dma_start3A_52 = arith.constant 0 : i32
    %dma_start3A_53 = arith.constant 0 : i32
    %dma_start3A_54 = tpu.memref_slice %arg2[%dma_start3A_52, %dma_start3A_53] : memref<10000x64xf32, #tpu.memory_space<hbm>> -> memref<10000x64xf32, #tpu.memory_space<hbm>>
    tpu.enqueue_indirect_dma source(%dma_start3A_54 : memref<10000x64xf32, #tpu.memory_space<hbm>>) target(%arg11 : memref<128x64xf32, #tpu.memory_space<vmem>>) offsets(%dma_start3A_51 : memref<128xi32, #tpu.memory_space<vmem>>) semaphore(%arg17 : memref<!tpu.dma_semaphore, #tpu.memory_space<semaphore_mem>>)
    %scan3A_55 = arith.constant 0 : i32
    %scan3A_56 = arith.constant 0 : i32
    %scan3A_57 = arith.constant 19 : i32
    %scan3A_58 = arith.addi %scan3A_56, %scan3A_57 : i32
    %scan3A_59 = arith.constant 1 : i32
    %scan3A_60 = scf.for %scan3A_150 = %scan3A_56 to %scan3A_58 step %scan3A_59 iter_args(%scan3A_151 = %scan3A_55) -> (i32)  : i32 {
      %mul3A_152 = arith.constant 4 : i32
      %mul3A_153 = arith.muli %scan3A_150, %mul3A_152 : i32
      %add3A_154 = arith.constant 0 : i32
      %add3A_155 = arith.addi %mul3A_153, %add3A_154 : i32
      %dma_wait3A_156 = arith.constant 0 : i32
      %dma_wait3A_157 = tpu.memref_slice %arg6[%add3A_155, %dma_wait3A_156] : memref<80x128xi32, #tpu.memory_space<vmem>> -> memref<1x128xi32, #tpu.memory_space<vmem>>
      %dma_wait3A_158 = tpu.memref_squeeze %dma_wait3A_157 : memref<1x128xi32, #tpu.memory_space<vmem>> -> memref<128xi32, #tpu.memory_space<vmem>>
      %dma_wait3A_159 = arith.constant 0 : i32
      %dma_wait3A_160 = arith.constant 0 : i32
      %dma_wait3A_161 = tpu.memref_slice %arg2[%dma_wait3A_159, %dma_wait3A_160] : memref<10000x64xf32, #tpu.memory_space<hbm>> -> memref<10000x64xf32, #tpu.memory_space<hbm>>
      tpu.wait_indirect_dma semaphore(%arg14 : memref<!tpu.dma_semaphore, #tpu.memory_space<semaphore_mem>>) src(%dma_wait3A_161 : memref<10000x64xf32, #tpu.memory_space<hbm>>) dst(%arg8 : memref<128x64xf32, #tpu.memory_space<vmem>>)
      %dma_start3A_162 = arith.constant 0 : i32
      %dma_start3A_163 = tpu.memref_slice %arg7[%add3A_155, %dma_start3A_162] : memref<80x128xi32, #tpu.memory_space<vmem>> -> memref<1x128xi32, #tpu.memory_space<vmem>>
      %dma_start3A_164 = tpu.memref_squeeze %dma_start3A_163 : memref<1x128xi32, #tpu.memory_space<vmem>> -> memref<128xi32, #tpu.memory_space<vmem>>
      %dma_start3A_165 = arith.constant 0 : i32
      %dma_start3A_166 = arith.constant 0 : i32
      %dma_start3A_167 = tpu.memref_slice %arg13[%dma_start3A_165, %dma_start3A_166] : memref<10240x64xf32, #tpu.memory_space<vmem_shared>> -> memref<10240x64xf32, #tpu.memory_space<vmem_shared>>
      tpu.enqueue_indirect_dma source(%arg8 : memref<128x64xf32, #tpu.memory_space<vmem>>) target(%dma_start3A_167 : memref<10240x64xf32, #tpu.memory_space<vmem_shared>>) offsets(%dma_start3A_164 : memref<128xi32, #tpu.memory_space<vmem>>) semaphore(%arg18 : memref<!tpu.dma_semaphore, #tpu.memory_space<semaphore_mem>>) {add = true}
      %mul3A_168 = arith.constant 4 : i32
      %mul3A_169 = arith.muli %scan3A_150, %mul3A_168 : i32
      %add3A_170 = arith.constant 1 : i32
      %add3A_171 = arith.addi %mul3A_169, %add3A_170 : i32
      %dma_wait3A_172 = arith.constant 0 : i32
      %dma_wait3A_173 = tpu.memref_slice %arg6[%add3A_171, %dma_wait3A_172] : memref<80x128xi32, #tpu.memory_space<vmem>> -> memref<1x128xi32, #tpu.memory_space<vmem>>
      %dma_wait3A_174 = tpu.memref_squeeze %dma_wait3A_173 : memref<1x128xi32, #tpu.memory_space<vmem>> -> memref<128xi32, #tpu.memory_space<vmem>>
      %dma_wait3A_175 = arith.constant 0 : i32
      %dma_wait3A_176 = arith.constant 0 : i32
      %dma_wait3A_177 = tpu.memref_slice %arg2[%dma_wait3A_175, %dma_wait3A_176] : memref<10000x64xf32, #tpu.memory_space<hbm>> -> memref<10000x64xf32, #tpu.memory_space<hbm>>
      tpu.wait_indirect_dma semaphore(%arg15 : memref<!tpu.dma_semaphore, #tpu.memory_space<semaphore_mem>>) src(%dma_wait3A_177 : memref<10000x64xf32, #tpu.memory_space<hbm>>) dst(%arg9 : memref<128x64xf32, #tpu.memory_space<vmem>>)
      %dma_start3A_178 = arith.constant 0 : i32
      %dma_start3A_179 = tpu.memref_slice %arg7[%add3A_171, %dma_start3A_178] : memref<80x128xi32, #tpu.memory_space<vmem>> -> memref<1x128xi32, #tpu.memory_space<vmem>>
      %dma_start3A_180 = tpu.memref_squeeze %dma_start3A_179 : memref<1x128xi32, #tpu.memory_space<vmem>> -> memref<128xi32, #tpu.memory_space<vmem>>
      %dma_start3A_181 = arith.constant 0 : i32
      %dma_start3A_182 = arith.constant 0 : i32
      %dma_start3A_183 = tpu.memref_slice %arg13[%dma_start3A_181, %dma_start3A_182] : memref<10240x64xf32, #tpu.memory_space<vmem_shared>> -> memref<10240x64xf32, #tpu.memory_space<vmem_shared>>
      tpu.enqueue_indirect_dma source(%arg9 : memref<128x64xf32, #tpu.memory_space<vmem>>) target(%dma_start3A_183 : memref<10240x64xf32, #tpu.memory_space<vmem_shared>>) offsets(%dma_start3A_180 : memref<128xi32, #tpu.memory_space<vmem>>) semaphore(%arg19 : memref<!tpu.dma_semaphore, #tpu.memory_space<semaphore_mem>>) {add = true}
      %mul3A_184 = arith.constant 4 : i32
      %mul3A_185 = arith.muli %scan3A_150, %mul3A_184 : i32
      %add3A_186 = arith.constant 2 : i32
      %add3A_187 = arith.addi %mul3A_185, %add3A_186 : i32
      %dma_wait3A_188 = arith.constant 0 : i32
      %dma_wait3A_189 = tpu.memref_slice %arg6[%add3A_187, %dma_wait3A_188] : memref<80x128xi32, #tpu.memory_space<vmem>> -> memref<1x128xi32, #tpu.memory_space<vmem>>
      %dma_wait3A_190 = tpu.memref_squeeze %dma_wait3A_189 : memref<1x128xi32, #tpu.memory_space<vmem>> -> memref<128xi32, #tpu.memory_space<vmem>>
      %dma_wait3A_191 = arith.constant 0 : i32
      %dma_wait3A_192 = arith.constant 0 : i32
      %dma_wait3A_193 = tpu.memref_slice %arg2[%dma_wait3A_191, %dma_wait3A_192] : memref<10000x64xf32, #tpu.memory_space<hbm>> -> memref<10000x64xf32, #tpu.memory_space<hbm>>
      tpu.wait_indirect_dma semaphore(%arg16 : memref<!tpu.dma_semaphore, #tpu.memory_space<semaphore_mem>>) src(%dma_wait3A_193 : memref<10000x64xf32, #tpu.memory_space<hbm>>) dst(%arg10 : memref<128x64xf32, #tpu.memory_space<vmem>>)
      %dma_start3A_194 = arith.constant 0 : i32
      %dma_start3A_195 = tpu.memref_slice %arg7[%add3A_187, %dma_start3A_194] : memref<80x128xi32, #tpu.memory_space<vmem>> -> memref<1x128xi32, #tpu.memory_space<vmem>>
      %dma_start3A_196 = tpu.memref_squeeze %dma_start3A_195 : memref<1x128xi32, #tpu.memory_space<vmem>> -> memref<128xi32, #tpu.memory_space<vmem>>
      %dma_start3A_197 = arith.constant 0 : i32
      %dma_start3A_198 = arith.constant 0 : i32
      %dma_start3A_199 = tpu.memref_slice %arg13[%dma_start3A_197, %dma_start3A_198] : memref<10240x64xf32, #tpu.memory_space<vmem_shared>> -> memref<10240x64xf32, #tpu.memory_space<vmem_shared>>
      tpu.enqueue_indirect_dma source(%arg10 : memref<128x64xf32, #tpu.memory_space<vmem>>) target(%dma_start3A_199 : memref<10240x64xf32, #tpu.memory_space<vmem_shared>>) offsets(%dma_start3A_196 : memref<128xi32, #tpu.memory_space<vmem>>) semaphore(%arg20 : memref<!tpu.dma_semaphore, #tpu.memory_space<semaphore_mem>>) {add = true}
      %mul3A_200 = arith.constant 4 : i32
      %mul3A_201 = arith.muli %scan3A_150, %mul3A_200 : i32
      %add3A_202 = arith.constant 3 : i32
      %add3A_203 = arith.addi %mul3A_201, %add3A_202 : i32
      %dma_wait3A_204 = arith.constant 0 : i32
      %dma_wait3A_205 = tpu.memref_slice %arg6[%add3A_203, %dma_wait3A_204] : memref<80x128xi32, #tpu.memory_space<vmem>> -> memref<1x128xi32, #tpu.memory_space<vmem>>
      %dma_wait3A_206 = tpu.memref_squeeze %dma_wait3A_205 : memref<1x128xi32, #tpu.memory_space<vmem>> -> memref<128xi32, #tpu.memory_space<vmem>>
      %dma_wait3A_207 = arith.constant 0 : i32
      %dma_wait3A_208 = arith.constant 0 : i32
      %dma_wait3A_209 = tpu.memref_slice %arg2[%dma_wait3A_207, %dma_wait3A_208] : memref<10000x64xf32, #tpu.memory_space<hbm>> -> memref<10000x64xf32, #tpu.memory_space<hbm>>
      tpu.wait_indirect_dma semaphore(%arg17 : memref<!tpu.dma_semaphore, #tpu.memory_space<semaphore_mem>>) src(%dma_wait3A_209 : memref<10000x64xf32, #tpu.memory_space<hbm>>) dst(%arg11 : memref<128x64xf32, #tpu.memory_space<vmem>>)
      %dma_start3A_210 = arith.constant 0 : i32
      %dma_start3A_211 = tpu.memref_slice %arg7[%add3A_203, %dma_start3A_210] : memref<80x128xi32, #tpu.memory_space<vmem>> -> memref<1x128xi32, #tpu.memory_space<vmem>>
      %dma_start3A_212 = tpu.memref_squeeze %dma_start3A_211 : memref<1x128xi32, #tpu.memory_space<vmem>> -> memref<128xi32, #tpu.memory_space<vmem>>
      %dma_start3A_213 = arith.constant 0 : i32
      %dma_start3A_214 = arith.constant 0 : i32
      %dma_start3A_215 = tpu.memref_slice %arg13[%dma_start3A_213, %dma_start3A_214] : memref<10240x64xf32, #tpu.memory_space<vmem_shared>> -> memref<10240x64xf32, #tpu.memory_space<vmem_shared>>
      tpu.enqueue_indirect_dma source(%arg11 : memref<128x64xf32, #tpu.memory_space<vmem>>) target(%dma_start3A_215 : memref<10240x64xf32, #tpu.memory_space<vmem_shared>>) offsets(%dma_start3A_212 : memref<128xi32, #tpu.memory_space<vmem>>) semaphore(%arg21 : memref<!tpu.dma_semaphore, #tpu.memory_space<semaphore_mem>>) {add = true}
      %mul3A_216 = arith.constant 4 : i32
      %mul3A_217 = arith.muli %scan3A_150, %mul3A_216 : i32
      %add3A_218 = arith.constant 0 : i32
      %add3A_219 = arith.addi %mul3A_217, %add3A_218 : i32
      %dma_wait3A_220 = arith.constant 0 : i32
      %dma_wait3A_221 = tpu.memref_slice %arg7[%add3A_219, %dma_wait3A_220] : memref<80x128xi32, #tpu.memory_space<vmem>> -> memref<1x128xi32, #tpu.memory_space<vmem>>
      %dma_wait3A_222 = tpu.memref_squeeze %dma_wait3A_221 : memref<1x128xi32, #tpu.memory_space<vmem>> -> memref<128xi32, #tpu.memory_space<vmem>>
      %dma_wait3A_223 = arith.constant 0 : i32
      %dma_wait3A_224 = arith.constant 0 : i32
      %dma_wait3A_225 = tpu.memref_slice %arg13[%dma_wait3A_223, %dma_wait3A_224] : memref<10240x64xf32, #tpu.memory_space<vmem_shared>> -> memref<10240x64xf32, #tpu.memory_space<vmem_shared>>
      tpu.wait_indirect_dma semaphore(%arg18 : memref<!tpu.dma_semaphore, #tpu.memory_space<semaphore_mem>>) src(%arg8 : memref<128x64xf32, #tpu.memory_space<vmem>>) dst(%dma_wait3A_225 : memref<10240x64xf32, #tpu.memory_space<vmem_shared>>)
      %add3A_226 = arith.constant 4 : i32
      %add3A_227 = arith.addi %add3A_219, %add3A_226 : i32
      %dma_start3A_228 = arith.constant 0 : i32
      %dma_start3A_229 = tpu.memref_slice %arg6[%add3A_227, %dma_start3A_228] : memref<80x128xi32, #tpu.memory_space<vmem>> -> memref<1x128xi32, #tpu.memory_space<vmem>>
      %dma_start3A_230 = tpu.memref_squeeze %dma_start3A_229 : memref<1x128xi32, #tpu.memory_space<vmem>> -> memref<128xi32, #tpu.memory_space<vmem>>
      %dma_start3A_231 = arith.constant 0 : i32
      %dma_start3A_232 = arith.constant 0 : i32
      %dma_start3A_233 = tpu.memref_slice %arg2[%dma_start3A_231, %dma_start3A_232] : memref<10000x64xf32, #tpu.memory_space<hbm>> -> memref<10000x64xf32, #tpu.memory_space<hbm>>
      tpu.enqueue_indirect_dma source(%dma_start3A_233 : memref<10000x64xf32, #tpu.memory_space<hbm>>) target(%arg8 : memref<128x64xf32, #tpu.memory_space<vmem>>) offsets(%dma_start3A_230 : memref<128xi32, #tpu.memory_space<vmem>>) semaphore(%arg14 : memref<!tpu.dma_semaphore, #tpu.memory_space<semaphore_mem>>)
      %mul3A_234 = arith.constant 4 : i32
      %mul3A_235 = arith.muli %scan3A_150, %mul3A_234 : i32
      %add3A_236 = arith.constant 1 : i32
      %add3A_237 = arith.addi %mul3A_235, %add3A_236 : i32
      %dma_wait3A_238 = arith.constant 0 : i32
      %dma_wait3A_239 = tpu.memref_slice %arg7[%add3A_237, %dma_wait3A_238] : memref<80x128xi32, #tpu.memory_space<vmem>> -> memref<1x128xi32, #tpu.memory_space<vmem>>
      %dma_wait3A_240 = tpu.memref_squeeze %dma_wait3A_239 : memref<1x128xi32, #tpu.memory_space<vmem>> -> memref<128xi32, #tpu.memory_space<vmem>>
      %dma_wait3A_241 = arith.constant 0 : i32
      %dma_wait3A_242 = arith.constant 0 : i32
      %dma_wait3A_243 = tpu.memref_slice %arg13[%dma_wait3A_241, %dma_wait3A_242] : memref<10240x64xf32, #tpu.memory_space<vmem_shared>> -> memref<10240x64xf32, #tpu.memory_space<vmem_shared>>
      tpu.wait_indirect_dma semaphore(%arg19 : memref<!tpu.dma_semaphore, #tpu.memory_space<semaphore_mem>>) src(%arg9 : memref<128x64xf32, #tpu.memory_space<vmem>>) dst(%dma_wait3A_243 : memref<10240x64xf32, #tpu.memory_space<vmem_shared>>)
      %add3A_244 = arith.constant 4 : i32
      %add3A_245 = arith.addi %add3A_237, %add3A_244 : i32
      %dma_start3A_246 = arith.constant 0 : i32
      %dma_start3A_247 = tpu.memref_slice %arg6[%add3A_245, %dma_start3A_246] : memref<80x128xi32, #tpu.memory_space<vmem>> -> memref<1x128xi32, #tpu.memory_space<vmem>>
      %dma_start3A_248 = tpu.memref_squeeze %dma_start3A_247 : memref<1x128xi32, #tpu.memory_space<vmem>> -> memref<128xi32, #tpu.memory_space<vmem>>
      %dma_start3A_249 = arith.constant 0 : i32
      %dma_start3A_250 = arith.constant 0 : i32
      %dma_start3A_251 = tpu.memref_slice %arg2[%dma_start3A_249, %dma_start3A_250] : memref<10000x64xf32, #tpu.memory_space<hbm>> -> memref<10000x64xf32, #tpu.memory_space<hbm>>
      tpu.enqueue_indirect_dma source(%dma_start3A_251 : memref<10000x64xf32, #tpu.memory_space<hbm>>) target(%arg9 : memref<128x64xf32, #tpu.memory_space<vmem>>) offsets(%dma_start3A_248 : memref<128xi32, #tpu.memory_space<vmem>>) semaphore(%arg15 : memref<!tpu.dma_semaphore, #tpu.memory_space<semaphore_mem>>)
      %mul3A_252 = arith.constant 4 : i32
      %mul3A_253 = arith.muli %scan3A_150, %mul3A_252 : i32
      %add3A_254 = arith.constant 2 : i32
      %add3A_255 = arith.addi %mul3A_253, %add3A_254 : i32
      %dma_wait3A_256 = arith.constant 0 : i32
      %dma_wait3A_257 = tpu.memref_slice %arg7[%add3A_255, %dma_wait3A_256] : memref<80x128xi32, #tpu.memory_space<vmem>> -> memref<1x128xi32, #tpu.memory_space<vmem>>
      %dma_wait3A_258 = tpu.memref_squeeze %dma_wait3A_257 : memref<1x128xi32, #tpu.memory_space<vmem>> -> memref<128xi32, #tpu.memory_space<vmem>>
      %dma_wait3A_259 = arith.constant 0 : i32
      %dma_wait3A_260 = arith.constant 0 : i32
      %dma_wait3A_261 = tpu.memref_slice %arg13[%dma_wait3A_259, %dma_wait3A_260] : memref<10240x64xf32, #tpu.memory_space<vmem_shared>> -> memref<10240x64xf32, #tpu.memory_space<vmem_shared>>
      tpu.wait_indirect_dma semaphore(%arg20 : memref<!tpu.dma_semaphore, #tpu.memory_space<semaphore_mem>>) src(%arg10 : memref<128x64xf32, #tpu.memory_space<vmem>>) dst(%dma_wait3A_261 : memref<10240x64xf32, #tpu.memory_space<vmem_shared>>)
      %add3A_262 = arith.constant 4 : i32
      %add3A_263 = arith.addi %add3A_255, %add3A_262 : i32
      %dma_start3A_264 = arith.constant 0 : i32
      %dma_start3A_265 = tpu.memref_slice %arg6[%add3A_263, %dma_start3A_264] : memref<80x128xi32, #tpu.memory_space<vmem>> -> memref<1x128xi32, #tpu.memory_space<vmem>>
      %dma_start3A_266 = tpu.memref_squeeze %dma_start3A_265 : memref<1x128xi32, #tpu.memory_space<vmem>> -> memref<128xi32, #tpu.memory_space<vmem>>
      %dma_start3A_267 = arith.constant 0 : i32
      %dma_start3A_268 = arith.constant 0 : i32
      %dma_start3A_269 = tpu.memref_slice %arg2[%dma_start3A_267, %dma_start3A_268] : memref<10000x64xf32, #tpu.memory_space<hbm>> -> memref<10000x64xf32, #tpu.memory_space<hbm>>
      tpu.enqueue_indirect_dma source(%dma_start3A_269 : memref<10000x64xf32, #tpu.memory_space<hbm>>) target(%arg10 : memref<128x64xf32, #tpu.memory_space<vmem>>) offsets(%dma_start3A_266 : memref<128xi32, #tpu.memory_space<vmem>>) semaphore(%arg16 : memref<!tpu.dma_semaphore, #tpu.memory_space<semaphore_mem>>)
      %mul3A_270 = arith.constant 4 : i32
      %mul3A_271 = arith.muli %scan3A_150, %mul3A_270 : i32
      %add3A_272 = arith.constant 3 : i32
      %add3A_273 = arith.addi %mul3A_271, %add3A_272 : i32
      %dma_wait3A_274 = arith.constant 0 : i32
      %dma_wait3A_275 = tpu.memref_slice %arg7[%add3A_273, %dma_wait3A_274] : memref<80x128xi32, #tpu.memory_space<vmem>> -> memref<1x128xi32, #tpu.memory_space<vmem>>
      %dma_wait3A_276 = tpu.memref_squeeze %dma_wait3A_275 : memref<1x128xi32, #tpu.memory_space<vmem>> -> memref<128xi32, #tpu.memory_space<vmem>>
      %dma_wait3A_277 = arith.constant 0 : i32
      %dma_wait3A_278 = arith.constant 0 : i32
      %dma_wait3A_279 = tpu.memref_slice %arg13[%dma_wait3A_277, %dma_wait3A_278] : memref<10240x64xf32, #tpu.memory_space<vmem_shared>> -> memref<10240x64xf32, #tpu.memory_space<vmem_shared>>
      tpu.wait_indirect_dma semaphore(%arg21 : memref<!tpu.dma_semaphore, #tpu.memory_space<semaphore_mem>>) src(%arg11 : memref<128x64xf32, #tpu.memory_space<vmem>>) dst(%dma_wait3A_279 : memref<10240x64xf32, #tpu.memory_space<vmem_shared>>)
      %add3A_280 = arith.constant 4 : i32
      %add3A_281 = arith.addi %add3A_273, %add3A_280 : i32
      %dma_start3A_282 = arith.constant 0 : i32
      %dma_start3A_283 = tpu.memref_slice %arg6[%add3A_281, %dma_start3A_282] : memref<80x128xi32, #tpu.memory_space<vmem>> -> memref<1x128xi32, #tpu.memory_space<vmem>>
      %dma_start3A_284 = tpu.memref_squeeze %dma_start3A_283 : memref<1x128xi32, #tpu.memory_space<vmem>> -> memref<128xi32, #tpu.memory_space<vmem>>
      %dma_start3A_285 = arith.constant 0 : i32
      %dma_start3A_286 = arith.constant 0 : i32
      %dma_start3A_287 = tpu.memref_slice %arg2[%dma_start3A_285, %dma_start3A_286] : memref<10000x64xf32, #tpu.memory_space<hbm>> -> memref<10000x64xf32, #tpu.memory_space<hbm>>
      tpu.enqueue_indirect_dma source(%dma_start3A_287 : memref<10000x64xf32, #tpu.memory_space<hbm>>) target(%arg11 : memref<128x64xf32, #tpu.memory_space<vmem>>) offsets(%dma_start3A_284 : memref<128xi32, #tpu.memory_space<vmem>>) semaphore(%arg17 : memref<!tpu.dma_semaphore, #tpu.memory_space<semaphore_mem>>)
      %scan3A_288 = arith.constant 0 : i32
      scf.yield %scan3A_288 : i32
    }
    %scan3A_61 = arith.constant 19 : i32
    %dma_wait3A = arith.constant 76 : i32
    %dma_wait3A_62 = arith.constant 0 : i32
    %dma_wait3A_63 = tpu.memref_slice %arg6[%dma_wait3A, %dma_wait3A_62] : memref<80x128xi32, #tpu.memory_space<vmem>> -> memref<1x128xi32, #tpu.memory_space<vmem>>
    %dma_wait3A_64 = tpu.memref_squeeze %dma_wait3A_63 : memref<1x128xi32, #tpu.memory_space<vmem>> -> memref<128xi32, #tpu.memory_space<vmem>>
    %dma_wait3A_65 = arith.constant 0 : i32
    %dma_wait3A_66 = arith.constant 0 : i32
    %dma_wait3A_67 = tpu.memref_slice %arg2[%dma_wait3A_65, %dma_wait3A_66] : memref<10000x64xf32, #tpu.memory_space<hbm>> -> memref<10000x64xf32, #tpu.memory_space<hbm>>
    tpu.wait_indirect_dma semaphore(%arg14 : memref<!tpu.dma_semaphore, #tpu.memory_space<semaphore_mem>>) src(%dma_wait3A_67 : memref<10000x64xf32, #tpu.memory_space<hbm>>) dst(%arg8 : memref<128x64xf32, #tpu.memory_space<vmem>>)
    %dma_start3A_68 = arith.constant 76 : i32
    %dma_start3A_69 = arith.constant 0 : i32
    %dma_start3A_70 = tpu.memref_slice %arg7[%dma_start3A_68, %dma_start3A_69] : memref<80x128xi32, #tpu.memory_space<vmem>> -> memref<1x128xi32, #tpu.memory_space<vmem>>
    %dma_start3A_71 = tpu.memref_squeeze %dma_start3A_70 : memref<1x128xi32, #tpu.memory_space<vmem>> -> memref<128xi32, #tpu.memory_space<vmem>>
    %dma_start3A_72 = arith.constant 0 : i32
    %dma_start3A_73 = arith.constant 0 : i32
    %dma_start3A_74 = tpu.memref_slice %arg13[%dma_start3A_72, %dma_start3A_73] : memref<10240x64xf32, #tpu.memory_space<vmem_shared>> -> memref<10240x64xf32, #tpu.memory_space<vmem_shared>>
    tpu.enqueue_indirect_dma source(%arg8 : memref<128x64xf32, #tpu.memory_space<vmem>>) target(%dma_start3A_74 : memref<10240x64xf32, #tpu.memory_space<vmem_shared>>) offsets(%dma_start3A_71 : memref<128xi32, #tpu.memory_space<vmem>>) semaphore(%arg18 : memref<!tpu.dma_semaphore, #tpu.memory_space<semaphore_mem>>) {add = true}
    %dma_wait3A_75 = arith.constant 77 : i32
    %dma_wait3A_76 = arith.constant 0 : i32
    %dma_wait3A_77 = tpu.memref_slice %arg6[%dma_wait3A_75, %dma_wait3A_76] : memref<80x128xi32, #tpu.memory_space<vmem>> -> memref<1x128xi32, #tpu.memory_space<vmem>>
    %dma_wait3A_78 = tpu.memref_squeeze %dma_wait3A_77 : memref<1x128xi32, #tpu.memory_space<vmem>> -> memref<128xi32, #tpu.memory_space<vmem>>
    %dma_wait3A_79 = arith.constant 0 : i32
    %dma_wait3A_80 = arith.constant 0 : i32
    %dma_wait3A_81 = tpu.memref_slice %arg2[%dma_wait3A_79, %dma_wait3A_80] : memref<10000x64xf32, #tpu.memory_space<hbm>> -> memref<10000x64xf32, #tpu.memory_space<hbm>>
    tpu.wait_indirect_dma semaphore(%arg15 : memref<!tpu.dma_semaphore, #tpu.memory_space<semaphore_mem>>) src(%dma_wait3A_81 : memref<10000x64xf32, #tpu.memory_space<hbm>>) dst(%arg9 : memref<128x64xf32, #tpu.memory_space<vmem>>)
    %dma_start3A_82 = arith.constant 77 : i32
    %dma_start3A_83 = arith.constant 0 : i32
    %dma_start3A_84 = tpu.memref_slice %arg7[%dma_start3A_82, %dma_start3A_83] : memref<80x128xi32, #tpu.memory_space<vmem>> -> memref<1x128xi32, #tpu.memory_space<vmem>>
    %dma_start3A_85 = tpu.memref_squeeze %dma_start3A_84 : memref<1x128xi32, #tpu.memory_space<vmem>> -> memref<128xi32, #tpu.memory_space<vmem>>
    %dma_start3A_86 = arith.constant 0 : i32
    %dma_start3A_87 = arith.constant 0 : i32
    %dma_start3A_88 = tpu.memref_slice %arg13[%dma_start3A_86, %dma_start3A_87] : memref<10240x64xf32, #tpu.memory_space<vmem_shared>> -> memref<10240x64xf32, #tpu.memory_space<vmem_shared>>
    tpu.enqueue_indirect_dma source(%arg9 : memref<128x64xf32, #tpu.memory_space<vmem>>) target(%dma_start3A_88 : memref<10240x64xf32, #tpu.memory_space<vmem_shared>>) offsets(%dma_start3A_85 : memref<128xi32, #tpu.memory_space<vmem>>) semaphore(%arg19 : memref<!tpu.dma_semaphore, #tpu.memory_space<semaphore_mem>>) {add = true}
    %dma_wait3A_89 = arith.constant 78 : i32
    %dma_wait3A_90 = arith.constant 0 : i32
    %dma_wait3A_91 = tpu.memref_slice %arg6[%dma_wait3A_89, %dma_wait3A_90] : memref<80x128xi32, #tpu.memory_space<vmem>> -> memref<1x128xi32, #tpu.memory_space<vmem>>
    %dma_wait3A_92 = tpu.memref_squeeze %dma_wait3A_91 : memref<1x128xi32, #tpu.memory_space<vmem>> -> memref<128xi32, #tpu.memory_space<vmem>>
    %dma_wait3A_93 = arith.constant 0 : i32
    %dma_wait3A_94 = arith.constant 0 : i32
    %dma_wait3A_95 = tpu.memref_slice %arg2[%dma_wait3A_93, %dma_wait3A_94] : memref<10000x64xf32, #tpu.memory_space<hbm>> -> memref<10000x64xf32, #tpu.memory_space<hbm>>
    tpu.wait_indirect_dma semaphore(%arg16 : memref<!tpu.dma_semaphore, #tpu.memory_space<semaphore_mem>>) src(%dma_wait3A_95 : memref<10000x64xf32, #tpu.memory_space<hbm>>) dst(%arg10 : memref<128x64xf32, #tpu.memory_space<vmem>>)
    %dma_start3A_96 = arith.constant 78 : i32
    %dma_start3A_97 = arith.constant 0 : i32
    %dma_start3A_98 = tpu.memref_slice %arg7[%dma_start3A_96, %dma_start3A_97] : memref<80x128xi32, #tpu.memory_space<vmem>> -> memref<1x128xi32, #tpu.memory_space<vmem>>
    %dma_start3A_99 = tpu.memref_squeeze %dma_start3A_98 : memref<1x128xi32, #tpu.memory_space<vmem>> -> memref<128xi32, #tpu.memory_space<vmem>>
    %dma_start3A_100 = arith.constant 0 : i32
    %dma_start3A_101 = arith.constant 0 : i32
    %dma_start3A_102 = tpu.memref_slice %arg13[%dma_start3A_100, %dma_start3A_101] : memref<10240x64xf32, #tpu.memory_space<vmem_shared>> -> memref<10240x64xf32, #tpu.memory_space<vmem_shared>>
    tpu.enqueue_indirect_dma source(%arg10 : memref<128x64xf32, #tpu.memory_space<vmem>>) target(%dma_start3A_102 : memref<10240x64xf32, #tpu.memory_space<vmem_shared>>) offsets(%dma_start3A_99 : memref<128xi32, #tpu.memory_space<vmem>>) semaphore(%arg20 : memref<!tpu.dma_semaphore, #tpu.memory_space<semaphore_mem>>) {add = true}
    %dma_wait3A_103 = arith.constant 79 : i32
    %dma_wait3A_104 = arith.constant 0 : i32
    %dma_wait3A_105 = tpu.memref_slice %arg6[%dma_wait3A_103, %dma_wait3A_104] : memref<80x128xi32, #tpu.memory_space<vmem>> -> memref<1x128xi32, #tpu.memory_space<vmem>>
    %dma_wait3A_106 = tpu.memref_squeeze %dma_wait3A_105 : memref<1x128xi32, #tpu.memory_space<vmem>> -> memref<128xi32, #tpu.memory_space<vmem>>
    %dma_wait3A_107 = arith.constant 0 : i32
    %dma_wait3A_108 = arith.constant 0 : i32
    %dma_wait3A_109 = tpu.memref_slice %arg2[%dma_wait3A_107, %dma_wait3A_108] : memref<10000x64xf32, #tpu.memory_space<hbm>> -> memref<10000x64xf32, #tpu.memory_space<hbm>>
    tpu.wait_indirect_dma semaphore(%arg17 : memref<!tpu.dma_semaphore, #tpu.memory_space<semaphore_mem>>) src(%dma_wait3A_109 : memref<10000x64xf32, #tpu.memory_space<hbm>>) dst(%arg11 : memref<128x64xf32, #tpu.memory_space<vmem>>)
    %dma_start3A_110 = arith.constant 79 : i32
    %dma_start3A_111 = arith.constant 0 : i32
    %dma_start3A_112 = tpu.memref_slice %arg7[%dma_start3A_110, %dma_start3A_111] : memref<80x128xi32, #tpu.memory_space<vmem>> -> memref<1x128xi32, #tpu.memory_space<vmem>>
    %dma_start3A_113 = tpu.memref_squeeze %dma_start3A_112 : memref<1x128xi32, #tpu.memory_space<vmem>> -> memref<128xi32, #tpu.memory_space<vmem>>
    %dma_start3A_114 = arith.constant 0 : i32
    %dma_start3A_115 = arith.constant 0 : i32
    %dma_start3A_116 = tpu.memref_slice %arg13[%dma_start3A_114, %dma_start3A_115] : memref<10240x64xf32, #tpu.memory_space<vmem_shared>> -> memref<10240x64xf32, #tpu.memory_space<vmem_shared>>
    tpu.enqueue_indirect_dma source(%arg11 : memref<128x64xf32, #tpu.memory_space<vmem>>) target(%dma_start3A_116 : memref<10240x64xf32, #tpu.memory_space<vmem_shared>>) offsets(%dma_start3A_113 : memref<128xi32, #tpu.memory_space<vmem>>) semaphore(%arg21 : memref<!tpu.dma_semaphore, #tpu.memory_space<semaphore_mem>>) {add = true}
    %dma_wait3A_117 = arith.constant 76 : i32
    %dma_wait3A_118 = arith.constant 0 : i32
    %dma_wait3A_119 = tpu.memref_slice %arg7[%dma_wait3A_117, %dma_wait3A_118] : memref<80x128xi32, #tpu.memory_space<vmem>> -> memref<1x128xi32, #tpu.memory_space<vmem>>
    %dma_wait3A_120 = tpu.memref_squeeze %dma_wait3A_119 : memref<1x128xi32, #tpu.memory_space<vmem>> -> memref<128xi32, #tpu.memory_space<vmem>>
    %dma_wait3A_121 = arith.constant 0 : i32
    %dma_wait3A_122 = arith.constant 0 : i32
    %dma_wait3A_123 = tpu.memref_slice %arg13[%dma_wait3A_121, %dma_wait3A_122] : memref<10240x64xf32, #tpu.memory_space<vmem_shared>> -> memref<10240x64xf32, #tpu.memory_space<vmem_shared>>
    tpu.wait_indirect_dma semaphore(%arg18 : memref<!tpu.dma_semaphore, #tpu.memory_space<semaphore_mem>>) src(%arg8 : memref<128x64xf32, #tpu.memory_space<vmem>>) dst(%dma_wait3A_123 : memref<10240x64xf32, #tpu.memory_space<vmem_shared>>)
    %dma_wait3A_124 = arith.constant 77 : i32
    %dma_wait3A_125 = arith.constant 0 : i32
    %dma_wait3A_126 = tpu.memref_slice %arg7[%dma_wait3A_124, %dma_wait3A_125] : memref<80x128xi32, #tpu.memory_space<vmem>> -> memref<1x128xi32, #tpu.memory_space<vmem>>
    %dma_wait3A_127 = tpu.memref_squeeze %dma_wait3A_126 : memref<1x128xi32, #tpu.memory_space<vmem>> -> memref<128xi32, #tpu.memory_space<vmem>>
    %dma_wait3A_128 = arith.constant 0 : i32
    %dma_wait3A_129 = arith.constant 0 : i32
    %dma_wait3A_130 = tpu.memref_slice %arg13[%dma_wait3A_128, %dma_wait3A_129] : memref<10240x64xf32, #tpu.memory_space<vmem_shared>> -> memref<10240x64xf32, #tpu.memory_space<vmem_shared>>
    tpu.wait_indirect_dma semaphore(%arg19 : memref<!tpu.dma_semaphore, #tpu.memory_space<semaphore_mem>>) src(%arg9 : memref<128x64xf32, #tpu.memory_space<vmem>>) dst(%dma_wait3A_130 : memref<10240x64xf32, #tpu.memory_space<vmem_shared>>)
    %dma_wait3A_131 = arith.constant 78 : i32
    %dma_wait3A_132 = arith.constant 0 : i32
    %dma_wait3A_133 = tpu.memref_slice %arg7[%dma_wait3A_131, %dma_wait3A_132] : memref<80x128xi32, #tpu.memory_space<vmem>> -> memref<1x128xi32, #tpu.memory_space<vmem>>
    %dma_wait3A_134 = tpu.memref_squeeze %dma_wait3A_133 : memref<1x128xi32, #tpu.memory_space<vmem>> -> memref<128xi32, #tpu.memory_space<vmem>>
    %dma_wait3A_135 = arith.constant 0 : i32
    %dma_wait3A_136 = arith.constant 0 : i32
    %dma_wait3A_137 = tpu.memref_slice %arg13[%dma_wait3A_135, %dma_wait3A_136] : memref<10240x64xf32, #tpu.memory_space<vmem_shared>> -> memref<10240x64xf32, #tpu.memory_space<vmem_shared>>
    tpu.wait_indirect_dma semaphore(%arg20 : memref<!tpu.dma_semaphore, #tpu.memory_space<semaphore_mem>>) src(%arg10 : memref<128x64xf32, #tpu.memory_space<vmem>>) dst(%dma_wait3A_137 : memref<10240x64xf32, #tpu.memory_space<vmem_shared>>)
    %dma_wait3A_138 = arith.constant 79 : i32
    %dma_wait3A_139 = arith.constant 0 : i32
    %dma_wait3A_140 = tpu.memref_slice %arg7[%dma_wait3A_138, %dma_wait3A_139] : memref<80x128xi32, #tpu.memory_space<vmem>> -> memref<1x128xi32, #tpu.memory_space<vmem>>
    %dma_wait3A_141 = tpu.memref_squeeze %dma_wait3A_140 : memref<1x128xi32, #tpu.memory_space<vmem>> -> memref<128xi32, #tpu.memory_space<vmem>>
    %dma_wait3A_142 = arith.constant 0 : i32
    %dma_wait3A_143 = arith.constant 0 : i32
    %dma_wait3A_144 = tpu.memref_slice %arg13[%dma_wait3A_142, %dma_wait3A_143] : memref<10240x64xf32, #tpu.memory_space<vmem_shared>> -> memref<10240x64xf32, #tpu.memory_space<vmem_shared>>
    tpu.wait_indirect_dma semaphore(%arg21 : memref<!tpu.dma_semaphore, #tpu.memory_space<semaphore_mem>>) src(%arg11 : memref<128x64xf32, #tpu.memory_space<vmem>>) dst(%dma_wait3A_144 : memref<10240x64xf32, #tpu.memory_space<vmem_shared>>)
    %barrier3A_145 = arith.constant 0 : index
    tpu.barrier barrier_id(%barrier3A_145)
    %mul3A_146 = arith.constant 640 : i32
    %mul3A_147 = arith.muli %arg1, %mul3A_146 : i32
    %mul3A_148 = arith.constant 640 : i32
    %mul3A_149 = arith.muli %arg1, %mul3A_148 : i32
    "tpu.region"() ({
      %run_scoped3A = tpu.sem_alloc : memref<!tpu.dma_semaphore, #tpu.memory_space<semaphore_mem>>
      %dma_start3A_150 = arith.constant 0 : i32
      %dma_start3A_151 = tpu.memref_slice %arg5[%arg0, %mul3A_149, %dma_start3A_150] : memref<2x10240x64xf32, #tpu.memory_space<hbm>> -> memref<1x640x64xf32, #tpu.memory_space<hbm>>
      %dma_start3A_152 = tpu.memref_squeeze %dma_start3A_151 : memref<1x640x64xf32, #tpu.memory_space<hbm>> -> memref<640x64xf32, #tpu.memory_space<hbm>>
      %dma_start3A_153 = arith.constant 0 : i32
      %dma_start3A_154 = tpu.memref_slice %arg13[%mul3A_147, %dma_start3A_153] : memref<10240x64xf32, #tpu.memory_space<vmem_shared>> -> memref<640x64xf32, #tpu.memory_space<vmem_shared>>
      tpu.enqueue_dma source(%dma_start3A_154 : memref<640x64xf32, #tpu.memory_space<vmem_shared>>) target(%dma_start3A_152 : memref<640x64xf32, #tpu.memory_space<hbm>>) target_semaphore(%run_scoped3A : memref<!tpu.dma_semaphore, #tpu.memory_space<semaphore_mem>>)
      %dma_wait3A_155 = arith.constant 0 : i32
      %dma_wait3A_156 = tpu.memref_slice %arg5[%arg0, %mul3A_149, %dma_wait3A_155] : memref<2x10240x64xf32, #tpu.memory_space<hbm>> -> memref<1x640x64xf32, #tpu.memory_space<hbm>>
      %dma_wait3A_157 = tpu.memref_squeeze %dma_wait3A_156 : memref<1x640x64xf32, #tpu.memory_space<hbm>> -> memref<640x64xf32, #tpu.memory_space<hbm>>
      %dma_wait3A_158 = arith.constant 0 : i32
      %dma_wait3A_159 = tpu.memref_slice %arg13[%mul3A_147, %dma_wait3A_158] : memref<10240x64xf32, #tpu.memory_space<vmem_shared>> -> memref<640x64xf32, #tpu.memory_space<vmem_shared>>
      tpu.wait_dma2 semaphore(%run_scoped3A : memref<!tpu.dma_semaphore, #tpu.memory_space<semaphore_mem>>) src(%dma_wait3A_159 : memref<640x64xf32, #tpu.memory_space<vmem_shared>>) dst(%dma_wait3A_157 : memref<640x64xf32, #tpu.memory_space<hbm>>)
      tpu.yield
    }) : () -> ()
    return
  }
}

#map = affine_map<(d0, d1) -> (0, 0)>
#map1 = affine_map<(d0, d1) -> (0, 0, 0)>
module attributes {stable_mosaic.version = 14 : i64} {
  func.func @agg_kernel(%arg0: i32, %arg1: i32, %arg2: memref<10000x64xf32, #tpu.memory_space<hbm>>, %arg3: memref<32x80x128xi32, #tpu.memory_space<hbm>>, %arg4: memref<32x80x128xi32, #tpu.memory_space<hbm>>, %arg5: memref<2x10240x64xf32, #tpu.memory_space<hbm>>, %arg6: memref<80x128xi32, #tpu.memory_space<vmem>>, %arg7: memref<80x128xi32, #tpu.memory_space<vmem>>, %arg8: memref<128x64xf32, #tpu.memory_space<vmem>>, %arg9: memref<128x64xf32, #tpu.memory_space<vmem>>, %arg10: memref<128x64xf32, #tpu.memory_space<vmem>>, %arg11: memref<128x64xf32, #tpu.memory_space<vmem>>, %arg12: memref<128x64xf32, #tpu.memory_space<vmem>>, %arg13: memref<10240x64xf32, #tpu.memory_space<vmem_shared>>, %arg14: memref<!tpu.dma_semaphore, #tpu.memory_space<semaphore_mem>>, %arg15: memref<!tpu.dma_semaphore, #tpu.memory_space<semaphore_mem>>, %arg16: memref<!tpu.dma_semaphore, #tpu.memory_space<semaphore_mem>>, %arg17: memref<!tpu.dma_semaphore, #tpu.memory_space<semaphore_mem>>, %arg18: memref<!tpu.dma_semaphore, #tpu.memory_space<semaphore_mem>>, %arg19: memref<!tpu.dma_semaphore, #tpu.memory_space<semaphore_mem>>, %arg20: memref<!tpu.dma_semaphore, #tpu.memory_space<semaphore_mem>>, %arg21: memref<!tpu.dma_semaphore, #tpu.memory_space<semaphore_mem>>) attributes {dimension_semantics = [#tpu.dimension_semantics<core_parallel>, #tpu.dimension_semantics<subcore_parallel>], iteration_bounds = array<i64: 2, 16>, scalar_prefetch = 0 : i64, scratch_operands = 16 : i64, tpu.core_type = #tpu.core_type<sc_vector_subcore>, window_params = [{transform_indices = #map}, {transform_indices = #map1}, {transform_indices = #map1}, {transform_indices = #map1}]} {
    %mul3A = arith.constant 16 : i32
    %mul3A_0 = arith.muli %arg0, %mul3A : i32
    %add3A = arith.addi %mul3A_0, %arg1 : i32
    %broadcast_in_dim3A = arith.constant 0.000000e+00 : f32
    %broadcast_in_dim3A_1 = vector.broadcast %broadcast_in_dim3A : f32 to vector<16xf32>
    %scan3A = arith.constant 0 : i32
    %scan3A_2 = arith.constant 0 : i32
    %scan3A_3 = arith.constant 128 : i32
    %scan3A_4 = arith.addi %scan3A_2, %scan3A_3 : i32
    %scan3A_5 = arith.constant 1 : i32
    %scan3A_6 = scf.for %scan3A_150 = %scan3A_2 to %scan3A_4 step %scan3A_5 iter_args(%scan3A_151 = %scan3A) -> (i32)  : i32 {
      %swap3A = arith.index_cast %scan3A_150 : i32 to index
      %swap3A_152 = arith.constant 0 : index
      %swap3A_153 = tpu.vector_load %arg12[%swap3A, %swap3A_152] {strides = array<i32>} : memref<128x64xf32, #tpu.memory_space<vmem>>, vector<1x16xf32>,
      %swap3A_154 = vector.shape_cast %swap3A_153 : vector<1x16xf32> to vector<16xf32>
      %swap3A_155 = vector.shape_cast %broadcast_in_dim3A_1 : vector<16xf32> to vector<1x16xf32>
      tpu.vector_store %arg12[%swap3A, %swap3A_152], %swap3A_155 {strides = array<i32>} : memref<128x64xf32, #tpu.memory_space<vmem>>, vector<1x16xf32>,
      %swap3A_156 = arith.index_cast %scan3A_150 : i32 to index
      %swap3A_157 = arith.constant 16 : index
      %swap3A_158 = tpu.vector_load %arg12[%swap3A_156, %swap3A_157] {strides = array<i32>} : memref<128x64xf32, #tpu.memory_space<vmem>>, vector<1x16xf32>,
      %swap3A_159 = vector.shape_cast %swap3A_158 : vector<1x16xf32> to vector<16xf32>
      %swap3A_160 = vector.shape_cast %broadcast_in_dim3A_1 : vector<16xf32> to vector<1x16xf32>
      tpu.vector_store %arg12[%swap3A_156, %swap3A_157], %swap3A_160 {strides = array<i32>} : memref<128x64xf32, #tpu.memory_space<vmem>>, vector<1x16xf32>,
      %swap3A_161 = arith.index_cast %scan3A_150 : i32 to index
      %swap3A_162 = arith.constant 32 : index
      %swap3A_163 = tpu.vector_load %arg12[%swap3A_161, %swap3A_162] {strides = array<i32>} : memref<128x64xf32, #tpu.memory_space<vmem>>, vector<1x16xf32>,
      %swap3A_164 = vector.shape_cast %swap3A_163 : vector<1x16xf32> to vector<16xf32>
      %swap3A_165 = vector.shape_cast %broadcast_in_dim3A_1 : vector<16xf32> to vector<1x16xf32>
      tpu.vector_store %arg12[%swap3A_161, %swap3A_162], %swap3A_165 {strides = array<i32>} : memref<128x64xf32, #tpu.memory_space<vmem>>, vector<1x16xf32>,
      %swap3A_166 = arith.index_cast %scan3A_150 : i32 to index
      %swap3A_167 = arith.constant 48 : index
      %swap3A_168 = tpu.vector_load %arg12[%swap3A_166, %swap3A_167] {strides = array<i32>} : memref<128x64xf32, #tpu.memory_space<vmem>>, vector<1x16xf32>,
      %swap3A_169 = vector.shape_cast %swap3A_168 : vector<1x16xf32> to vector<16xf32>
      %swap3A_170 = vector.shape_cast %broadcast_in_dim3A_1 : vector<16xf32> to vector<1x16xf32>
      tpu.vector_store %arg12[%swap3A_166, %swap3A_167], %swap3A_170 {strides = array<i32>} : memref<128x64xf32, #tpu.memory_space<vmem>>, vector<1x16xf32>,
      %scan3A_171 = arith.constant 0 : i32
      scf.yield %scan3A_171 : i32
    }
    %scan3A_7 = arith.constant 128 : i32
    %mul3A_8 = arith.constant 640 : i32
    %mul3A_9 = arith.muli %arg1, %mul3A_8 : i32
    %add3A_10 = arith.constant 0 : i32
    %add3A_11 = arith.addi %mul3A_9, %add3A_10 : i32
    "tpu.region"() ({
      %run_scoped3A = tpu.sem_alloc : memref<!tpu.dma_semaphore, #tpu.memory_space<semaphore_mem>>
      %dma_start3A_150 = arith.constant 0 : i32
      %dma_start3A_151 = tpu.memref_slice %arg13[%add3A_11, %dma_start3A_150] : memref<10240x64xf32, #tpu.memory_space<vmem_shared>> -> memref<128x64xf32, #tpu.memory_space<vmem_shared>>
      %dma_start3A_152 = arith.constant 0 : i32
      %dma_start3A_153 = tpu.memref_slice %arg13[%add3A_11, %dma_start3A_152] : memref<10240x64xf32, #tpu.memory_space<vmem_shared>> -> memref<128x64xf32, #tpu.memory_space<vmem_shared>>
      tpu.enqueue_dma source(%arg12 : memref<128x64xf32, #tpu.memory_space<vmem>>) target(%dma_start3A_153 : memref<128x64xf32, #tpu.memory_space<vmem_shared>>) target_semaphore(%run_scoped3A : memref<!tpu.dma_semaphore, #tpu.memory_space<semaphore_mem>>)
      %dma_wait3A_154 = arith.constant 0 : i32
      %dma_wait3A_155 = tpu.memref_slice %arg13[%add3A_11, %dma_wait3A_154] : memref<10240x64xf32, #tpu.memory_space<vmem_shared>> -> memref<128x64xf32, #tpu.memory_space<vmem_shared>>
      %dma_wait3A_156 = arith.constant 0 : i32
      %dma_wait3A_157 = tpu.memref_slice %arg13[%add3A_11, %dma_wait3A_156] : memref<10240x64xf32, #tpu.memory_space<vmem_shared>> -> memref<128x64xf32, #tpu.memory_space<vmem_shared>>
      tpu.wait_dma2 semaphore(%run_scoped3A : memref<!tpu.dma_semaphore, #tpu.memory_space<semaphore_mem>>) src(%arg12 : memref<128x64xf32, #tpu.memory_space<vmem>>) dst(%dma_wait3A_157 : memref<128x64xf32, #tpu.memory_space<vmem_shared>>)
      tpu.yield
    }) : () -> ()
    %mul3A_12 = arith.constant 640 : i32
    %mul3A_13 = arith.muli %arg1, %mul3A_12 : i32
    %add3A_14 = arith.constant 128 : i32
    %add3A_15 = arith.addi %mul3A_13, %add3A_14 : i32
    "tpu.region"() ({
      %run_scoped3A = tpu.sem_alloc : memref<!tpu.dma_semaphore, #tpu.memory_space<semaphore_mem>>
      %dma_start3A_150 = arith.constant 0 : i32
      %dma_start3A_151 = tpu.memref_slice %arg13[%add3A_15, %dma_start3A_150] : memref<10240x64xf32, #tpu.memory_space<vmem_shared>> -> memref<128x64xf32, #tpu.memory_space<vmem_shared>>
      %dma_start3A_152 = arith.constant 0 : i32
      %dma_start3A_153 = tpu.memref_slice %arg13[%add3A_15, %dma_start3A_152] : memref<10240x64xf32, #tpu.memory_space<vmem_shared>> -> memref<128x64xf32, #tpu.memory_space<vmem_shared>>
      tpu.enqueue_dma source(%arg12 : memref<128x64xf32, #tpu.memory_space<vmem>>) target(%dma_start3A_153 : memref<128x64xf32, #tpu.memory_space<vmem_shared>>) target_semaphore(%run_scoped3A : memref<!tpu.dma_semaphore, #tpu.memory_space<semaphore_mem>>)
      %dma_wait3A_154 = arith.constant 0 : i32
      %dma_wait3A_155 = tpu.memref_slice %arg13[%add3A_15, %dma_wait3A_154] : memref<10240x64xf32, #tpu.memory_space<vmem_shared>> -> memref<128x64xf32, #tpu.memory_space<vmem_shared>>
      %dma_wait3A_156 = arith.constant 0 : i32
      %dma_wait3A_157 = tpu.memref_slice %arg13[%add3A_15, %dma_wait3A_156] : memref<10240x64xf32, #tpu.memory_space<vmem_shared>> -> memref<128x64xf32, #tpu.memory_space<vmem_shared>>
      tpu.wait_dma2 semaphore(%run_scoped3A : memref<!tpu.dma_semaphore, #tpu.memory_space<semaphore_mem>>) src(%arg12 : memref<128x64xf32, #tpu.memory_space<vmem>>) dst(%dma_wait3A_157 : memref<128x64xf32, #tpu.memory_space<vmem_shared>>)
      tpu.yield
    }) : () -> ()
    %mul3A_16 = arith.constant 640 : i32
    %mul3A_17 = arith.muli %arg1, %mul3A_16 : i32
    %add3A_18 = arith.constant 256 : i32
    %add3A_19 = arith.addi %mul3A_17, %add3A_18 : i32
    "tpu.region"() ({
      %run_scoped3A = tpu.sem_alloc : memref<!tpu.dma_semaphore, #tpu.memory_space<semaphore_mem>>
      %dma_start3A_150 = arith.constant 0 : i32
      %dma_start3A_151 = tpu.memref_slice %arg13[%add3A_19, %dma_start3A_150] : memref<10240x64xf32, #tpu.memory_space<vmem_shared>> -> memref<128x64xf32, #tpu.memory_space<vmem_shared>>
      %dma_start3A_152 = arith.constant 0 : i32
      %dma_start3A_153 = tpu.memref_slice %arg13[%add3A_19, %dma_start3A_152] : memref<10240x64xf32, #tpu.memory_space<vmem_shared>> -> memref<128x64xf32, #tpu.memory_space<vmem_shared>>
      tpu.enqueue_dma source(%arg12 : memref<128x64xf32, #tpu.memory_space<vmem>>) target(%dma_start3A_153 : memref<128x64xf32, #tpu.memory_space<vmem_shared>>) target_semaphore(%run_scoped3A : memref<!tpu.dma_semaphore, #tpu.memory_space<semaphore_mem>>)
      %dma_wait3A_154 = arith.constant 0 : i32
      %dma_wait3A_155 = tpu.memref_slice %arg13[%add3A_19, %dma_wait3A_154] : memref<10240x64xf32, #tpu.memory_space<vmem_shared>> -> memref<128x64xf32, #tpu.memory_space<vmem_shared>>
      %dma_wait3A_156 = arith.constant 0 : i32
      %dma_wait3A_157 = tpu.memref_slice %arg13[%add3A_19, %dma_wait3A_156] : memref<10240x64xf32, #tpu.memory_space<vmem_shared>> -> memref<128x64xf32, #tpu.memory_space<vmem_shared>>
      tpu.wait_dma2 semaphore(%run_scoped3A : memref<!tpu.dma_semaphore, #tpu.memory_space<semaphore_mem>>) src(%arg12 : memref<128x64xf32, #tpu.memory_space<vmem>>) dst(%dma_wait3A_157 : memref<128x64xf32, #tpu.memory_space<vmem_shared>>)
      tpu.yield
    }) : () -> ()
    %mul3A_20 = arith.constant 640 : i32
    %mul3A_21 = arith.muli %arg1, %mul3A_20 : i32
    %add3A_22 = arith.constant 384 : i32
    %add3A_23 = arith.addi %mul3A_21, %add3A_22 : i32
    "tpu.region"() ({
      %run_scoped3A = tpu.sem_alloc : memref<!tpu.dma_semaphore, #tpu.memory_space<semaphore_mem>>
      %dma_start3A_150 = arith.constant 0 : i32
      %dma_start3A_151 = tpu.memref_slice %arg13[%add3A_23, %dma_start3A_150] : memref<10240x64xf32, #tpu.memory_space<vmem_shared>> -> memref<128x64xf32, #tpu.memory_space<vmem_shared>>
      %dma_start3A_152 = arith.constant 0 : i32
      %dma_start3A_153 = tpu.memref_slice %arg13[%add3A_23, %dma_start3A_152] : memref<10240x64xf32, #tpu.memory_space<vmem_shared>> -> memref<128x64xf32, #tpu.memory_space<vmem_shared>>
      tpu.enqueue_dma source(%arg12 : memref<128x64xf32, #tpu.memory_space<vmem>>) target(%dma_start3A_153 : memref<128x64xf32, #tpu.memory_space<vmem_shared>>) target_semaphore(%run_scoped3A : memref<!tpu.dma_semaphore, #tpu.memory_space<semaphore_mem>>)
      %dma_wait3A_154 = arith.constant 0 : i32
      %dma_wait3A_155 = tpu.memref_slice %arg13[%add3A_23, %dma_wait3A_154] : memref<10240x64xf32, #tpu.memory_space<vmem_shared>> -> memref<128x64xf32, #tpu.memory_space<vmem_shared>>
      %dma_wait3A_156 = arith.constant 0 : i32
      %dma_wait3A_157 = tpu.memref_slice %arg13[%add3A_23, %dma_wait3A_156] : memref<10240x64xf32, #tpu.memory_space<vmem_shared>> -> memref<128x64xf32, #tpu.memory_space<vmem_shared>>
      tpu.wait_dma2 semaphore(%run_scoped3A : memref<!tpu.dma_semaphore, #tpu.memory_space<semaphore_mem>>) src(%arg12 : memref<128x64xf32, #tpu.memory_space<vmem>>) dst(%dma_wait3A_157 : memref<128x64xf32, #tpu.memory_space<vmem_shared>>)
      tpu.yield
    }) : () -> ()
    %mul3A_24 = arith.constant 640 : i32
    %mul3A_25 = arith.muli %arg1, %mul3A_24 : i32
    %add3A_26 = arith.constant 512 : i32
    %add3A_27 = arith.addi %mul3A_25, %add3A_26 : i32
    "tpu.region"() ({
      %run_scoped3A = tpu.sem_alloc : memref<!tpu.dma_semaphore, #tpu.memory_space<semaphore_mem>>
      %dma_start3A_150 = arith.constant 0 : i32
      %dma_start3A_151 = tpu.memref_slice %arg13[%add3A_27, %dma_start3A_150] : memref<10240x64xf32, #tpu.memory_space<vmem_shared>> -> memref<128x64xf32, #tpu.memory_space<vmem_shared>>
      %dma_start3A_152 = arith.constant 0 : i32
      %dma_start3A_153 = tpu.memref_slice %arg13[%add3A_27, %dma_start3A_152] : memref<10240x64xf32, #tpu.memory_space<vmem_shared>> -> memref<128x64xf32, #tpu.memory_space<vmem_shared>>
      tpu.enqueue_dma source(%arg12 : memref<128x64xf32, #tpu.memory_space<vmem>>) target(%dma_start3A_153 : memref<128x64xf32, #tpu.memory_space<vmem_shared>>) target_semaphore(%run_scoped3A : memref<!tpu.dma_semaphore, #tpu.memory_space<semaphore_mem>>)
      %dma_wait3A_154 = arith.constant 0 : i32
      %dma_wait3A_155 = tpu.memref_slice %arg13[%add3A_27, %dma_wait3A_154] : memref<10240x64xf32, #tpu.memory_space<vmem_shared>> -> memref<128x64xf32, #tpu.memory_space<vmem_shared>>
      %dma_wait3A_156 = arith.constant 0 : i32
      %dma_wait3A_157 = tpu.memref_slice %arg13[%add3A_27, %dma_wait3A_156] : memref<10240x64xf32, #tpu.memory_space<vmem_shared>> -> memref<128x64xf32, #tpu.memory_space<vmem_shared>>
      tpu.wait_dma2 semaphore(%run_scoped3A : memref<!tpu.dma_semaphore, #tpu.memory_space<semaphore_mem>>) src(%arg12 : memref<128x64xf32, #tpu.memory_space<vmem>>) dst(%dma_wait3A_157 : memref<128x64xf32, #tpu.memory_space<vmem_shared>>)
      tpu.yield
    }) : () -> ()
    %barrier3A = arith.constant 0 : index
    tpu.barrier barrier_id(%barrier3A)
    "tpu.region"() ({
      %run_scoped3A = tpu.sem_alloc : memref<!tpu.dma_semaphore, #tpu.memory_space<semaphore_mem>>
      %dma_start3A_150 = arith.constant 0 : i32
      %dma_start3A_151 = arith.constant 0 : i32
      %dma_start3A_152 = tpu.memref_slice %arg3[%add3A, %dma_start3A_150, %dma_start3A_151] : memref<32x80x128xi32, #tpu.memory_space<hbm>> -> memref<1x80x128xi32, #tpu.memory_space<hbm>>
      %dma_start3A_153 = tpu.memref_squeeze %dma_start3A_152 : memref<1x80x128xi32, #tpu.memory_space<hbm>> -> memref<80x128xi32, #tpu.memory_space<hbm>>
      %dma_start3A_154 = arith.constant 0 : i32
      %dma_start3A_155 = arith.constant 0 : i32
      %dma_start3A_156 = tpu.memref_slice %arg3[%add3A, %dma_start3A_154, %dma_start3A_155] : memref<32x80x128xi32, #tpu.memory_space<hbm>> -> memref<1x80x128xi32, #tpu.memory_space<hbm>>
      %dma_start3A_157 = tpu.memref_squeeze %dma_start3A_156 : memref<1x80x128xi32, #tpu.memory_space<hbm>> -> memref<80x128xi32, #tpu.memory_space<hbm>>
      tpu.enqueue_dma source(%dma_start3A_157 : memref<80x128xi32, #tpu.memory_space<hbm>>) target(%arg6 : memref<80x128xi32, #tpu.memory_space<vmem>>) target_semaphore(%run_scoped3A : memref<!tpu.dma_semaphore, #tpu.memory_space<semaphore_mem>>)
      %dma_wait3A_158 = arith.constant 0 : i32
      %dma_wait3A_159 = arith.constant 0 : i32
      %dma_wait3A_160 = tpu.memref_slice %arg3[%add3A, %dma_wait3A_158, %dma_wait3A_159] : memref<32x80x128xi32, #tpu.memory_space<hbm>> -> memref<1x80x128xi32, #tpu.memory_space<hbm>>
      %dma_wait3A_161 = tpu.memref_squeeze %dma_wait3A_160 : memref<1x80x128xi32, #tpu.memory_space<hbm>> -> memref<80x128xi32, #tpu.memory_space<hbm>>
      %dma_wait3A_162 = arith.constant 0 : i32
      %dma_wait3A_163 = arith.constant 0 : i32
      %dma_wait3A_164 = tpu.memref_slice %arg3[%add3A, %dma_wait3A_162, %dma_wait3A_163] : memref<32x80x128xi32, #tpu.memory_space<hbm>> -> memref<1x80x128xi32, #tpu.memory_space<hbm>>
      %dma_wait3A_165 = tpu.memref_squeeze %dma_wait3A_164 : memref<1x80x128xi32, #tpu.memory_space<hbm>> -> memref<80x128xi32, #tpu.memory_space<hbm>>
      tpu.wait_dma2 semaphore(%run_scoped3A : memref<!tpu.dma_semaphore, #tpu.memory_space<semaphore_mem>>) src(%dma_wait3A_165 : memref<80x128xi32, #tpu.memory_space<hbm>>) dst(%arg6 : memref<80x128xi32, #tpu.memory_space<vmem>>)
      tpu.yield
    }) : () -> ()
    "tpu.region"() ({
      %run_scoped3A = tpu.sem_alloc : memref<!tpu.dma_semaphore, #tpu.memory_space<semaphore_mem>>
      %dma_start3A_150 = arith.constant 0 : i32
      %dma_start3A_151 = arith.constant 0 : i32
      %dma_start3A_152 = tpu.memref_slice %arg4[%add3A, %dma_start3A_150, %dma_start3A_151] : memref<32x80x128xi32, #tpu.memory_space<hbm>> -> memref<1x80x128xi32, #tpu.memory_space<hbm>>
      %dma_start3A_153 = tpu.memref_squeeze %dma_start3A_152 : memref<1x80x128xi32, #tpu.memory_space<hbm>> -> memref<80x128xi32, #tpu.memory_space<hbm>>
      %dma_start3A_154 = arith.constant 0 : i32
      %dma_start3A_155 = arith.constant 0 : i32
      %dma_start3A_156 = tpu.memref_slice %arg4[%add3A, %dma_start3A_154, %dma_start3A_155] : memref<32x80x128xi32, #tpu.memory_space<hbm>> -> memref<1x80x128xi32, #tpu.memory_space<hbm>>
      %dma_start3A_157 = tpu.memref_squeeze %dma_start3A_156 : memref<1x80x128xi32, #tpu.memory_space<hbm>> -> memref<80x128xi32, #tpu.memory_space<hbm>>
      tpu.enqueue_dma source(%dma_start3A_157 : memref<80x128xi32, #tpu.memory_space<hbm>>) target(%arg7 : memref<80x128xi32, #tpu.memory_space<vmem>>) target_semaphore(%run_scoped3A : memref<!tpu.dma_semaphore, #tpu.memory_space<semaphore_mem>>)
      %dma_wait3A_158 = arith.constant 0 : i32
      %dma_wait3A_159 = arith.constant 0 : i32
      %dma_wait3A_160 = tpu.memref_slice %arg4[%add3A, %dma_wait3A_158, %dma_wait3A_159] : memref<32x80x128xi32, #tpu.memory_space<hbm>> -> memref<1x80x128xi32, #tpu.memory_space<hbm>>
      %dma_wait3A_161 = tpu.memref_squeeze %dma_wait3A_160 : memref<1x80x128xi32, #tpu.memory_space<hbm>> -> memref<80x128xi32, #tpu.memory_space<hbm>>
      %dma_wait3A_162 = arith.constant 0 : i32
      %dma_wait3A_163 = arith.constant 0 : i32
      %dma_wait3A_164 = tpu.memref_slice %arg4[%add3A, %dma_wait3A_162, %dma_wait3A_163] : memref<32x80x128xi32, #tpu.memory_space<hbm>> -> memref<1x80x128xi32, #tpu.memory_space<hbm>>
      %dma_wait3A_165 = tpu.memref_squeeze %dma_wait3A_164 : memref<1x80x128xi32, #tpu.memory_space<hbm>> -> memref<80x128xi32, #tpu.memory_space<hbm>>
      tpu.wait_dma2 semaphore(%run_scoped3A : memref<!tpu.dma_semaphore, #tpu.memory_space<semaphore_mem>>) src(%dma_wait3A_165 : memref<80x128xi32, #tpu.memory_space<hbm>>) dst(%arg7 : memref<80x128xi32, #tpu.memory_space<vmem>>)
      tpu.yield
    }) : () -> ()
    %dma_start3A = arith.constant 0 : i32
    %dma_start3A_28 = arith.constant 0 : i32
    %dma_start3A_29 = tpu.memref_slice %arg6[%dma_start3A, %dma_start3A_28] : memref<80x128xi32, #tpu.memory_space<vmem>> -> memref<1x128xi32, #tpu.memory_space<vmem>>
    %dma_start3A_30 = tpu.memref_squeeze %dma_start3A_29 : memref<1x128xi32, #tpu.memory_space<vmem>> -> memref<128xi32, #tpu.memory_space<vmem>>
    %dma_start3A_31 = arith.constant 0 : i32
    %dma_start3A_32 = arith.constant 0 : i32
    %dma_start3A_33 = tpu.memref_slice %arg2[%dma_start3A_31, %dma_start3A_32] : memref<10000x64xf32, #tpu.memory_space<hbm>> -> memref<10000x64xf32, #tpu.memory_space<hbm>>
    tpu.enqueue_indirect_dma source(%dma_start3A_33 : memref<10000x64xf32, #tpu.memory_space<hbm>>) target(%arg8 : memref<128x64xf32, #tpu.memory_space<vmem>>) offsets(%dma_start3A_30 : memref<128xi32, #tpu.memory_space<vmem>>) semaphore(%arg14 : memref<!tpu.dma_semaphore, #tpu.memory_space<semaphore_mem>>)
    %dma_start3A_34 = arith.constant 1 : i32
    %dma_start3A_35 = arith.constant 0 : i32
    %dma_start3A_36 = tpu.memref_slice %arg6[%dma_start3A_34, %dma_start3A_35] : memref<80x128xi32, #tpu.memory_space<vmem>> -> memref<1x128xi32, #tpu.memory_space<vmem>>
    %dma_start3A_37 = tpu.memref_squeeze %dma_start3A_36 : memref<1x128xi32, #tpu.memory_space<vmem>> -> memref<128xi32, #tpu.memory_space<vmem>>
    %dma_start3A_38 = arith.constant 0 : i32
    %dma_start3A_39 = arith.constant 0 : i32
    %dma_start3A_40 = tpu.memref_slice %arg2[%dma_start3A_38, %dma_start3A_39] : memref<10000x64xf32, #tpu.memory_space<hbm>> -> memref<10000x64xf32, #tpu.memory_space<hbm>>
    tpu.enqueue_indirect_dma source(%dma_start3A_40 : memref<10000x64xf32, #tpu.memory_space<hbm>>) target(%arg9 : memref<128x64xf32, #tpu.memory_space<vmem>>) offsets(%dma_start3A_37 : memref<128xi32, #tpu.memory_space<vmem>>) semaphore(%arg15 : memref<!tpu.dma_semaphore, #tpu.memory_space<semaphore_mem>>)
    %dma_start3A_41 = arith.constant 2 : i32
    %dma_start3A_42 = arith.constant 0 : i32
    %dma_start3A_43 = tpu.memref_slice %arg6[%dma_start3A_41, %dma_start3A_42] : memref<80x128xi32, #tpu.memory_space<vmem>> -> memref<1x128xi32, #tpu.memory_space<vmem>>
    %dma_start3A_44 = tpu.memref_squeeze %dma_start3A_43 : memref<1x128xi32, #tpu.memory_space<vmem>> -> memref<128xi32, #tpu.memory_space<vmem>>
    %dma_start3A_45 = arith.constant 0 : i32
    %dma_start3A_46 = arith.constant 0 : i32
    %dma_start3A_47 = tpu.memref_slice %arg2[%dma_start3A_45, %dma_start3A_46] : memref<10000x64xf32, #tpu.memory_space<hbm>> -> memref<10000x64xf32, #tpu.memory_space<hbm>>
    tpu.enqueue_indirect_dma source(%dma_start3A_47 : memref<10000x64xf32, #tpu.memory_space<hbm>>) target(%arg10 : memref<128x64xf32, #tpu.memory_space<vmem>>) offsets(%dma_start3A_44 : memref<128xi32, #tpu.memory_space<vmem>>) semaphore(%arg16 : memref<!tpu.dma_semaphore, #tpu.memory_space<semaphore_mem>>)
    %dma_start3A_48 = arith.constant 3 : i32
    %dma_start3A_49 = arith.constant 0 : i32
    %dma_start3A_50 = tpu.memref_slice %arg6[%dma_start3A_48, %dma_start3A_49] : memref<80x128xi32, #tpu.memory_space<vmem>> -> memref<1x128xi32, #tpu.memory_space<vmem>>
    %dma_start3A_51 = tpu.memref_squeeze %dma_start3A_50 : memref<1x128xi32, #tpu.memory_space<vmem>> -> memref<128xi32, #tpu.memory_space<vmem>>
    %dma_start3A_52 = arith.constant 0 : i32
    %dma_start3A_53 = arith.constant 0 : i32
    %dma_start3A_54 = tpu.memref_slice %arg2[%dma_start3A_52, %dma_start3A_53] : memref<10000x64xf32, #tpu.memory_space<hbm>> -> memref<10000x64xf32, #tpu.memory_space<hbm>>
    tpu.enqueue_indirect_dma source(%dma_start3A_54 : memref<10000x64xf32, #tpu.memory_space<hbm>>) target(%arg11 : memref<128x64xf32, #tpu.memory_space<vmem>>) offsets(%dma_start3A_51 : memref<128xi32, #tpu.memory_space<vmem>>) semaphore(%arg17 : memref<!tpu.dma_semaphore, #tpu.memory_space<semaphore_mem>>)
    %scan3A_55 = arith.constant 0 : i32
    %scan3A_56 = arith.constant 0 : i32
    %scan3A_57 = arith.constant 19 : i32
    %scan3A_58 = arith.addi %scan3A_56, %scan3A_57 : i32
    %scan3A_59 = arith.constant 1 : i32
    %scan3A_60 = scf.for %scan3A_150 = %scan3A_56 to %scan3A_58 step %scan3A_59 iter_args(%scan3A_151 = %scan3A_55) -> (i32)  : i32 {
      %mul3A_152 = arith.constant 4 : i32
      %mul3A_153 = arith.muli %scan3A_150, %mul3A_152 : i32
      %add3A_154 = arith.constant 0 : i32
      %add3A_155 = arith.addi %mul3A_153, %add3A_154 : i32
      %dma_wait3A_156 = arith.constant 0 : i32
      %dma_wait3A_157 = tpu.memref_slice %arg6[%add3A_155, %dma_wait3A_156] : memref<80x128xi32, #tpu.memory_space<vmem>> -> memref<1x128xi32, #tpu.memory_space<vmem>>
      %dma_wait3A_158 = tpu.memref_squeeze %dma_wait3A_157 : memref<1x128xi32, #tpu.memory_space<vmem>> -> memref<128xi32, #tpu.memory_space<vmem>>
      %dma_wait3A_159 = arith.constant 0 : i32
      %dma_wait3A_160 = arith.constant 0 : i32
      %dma_wait3A_161 = tpu.memref_slice %arg2[%dma_wait3A_159, %dma_wait3A_160] : memref<10000x64xf32, #tpu.memory_space<hbm>> -> memref<10000x64xf32, #tpu.memory_space<hbm>>
      tpu.wait_indirect_dma semaphore(%arg14 : memref<!tpu.dma_semaphore, #tpu.memory_space<semaphore_mem>>) src(%dma_wait3A_161 : memref<10000x64xf32, #tpu.memory_space<hbm>>) dst(%arg8 : memref<128x64xf32, #tpu.memory_space<vmem>>)
      %dma_start3A_162 = arith.constant 0 : i32
      %dma_start3A_163 = tpu.memref_slice %arg7[%add3A_155, %dma_start3A_162] : memref<80x128xi32, #tpu.memory_space<vmem>> -> memref<1x128xi32, #tpu.memory_space<vmem>>
      %dma_start3A_164 = tpu.memref_squeeze %dma_start3A_163 : memref<1x128xi32, #tpu.memory_space<vmem>> -> memref<128xi32, #tpu.memory_space<vmem>>
      %dma_start3A_165 = arith.constant 0 : i32
      %dma_start3A_166 = arith.constant 0 : i32
      %dma_start3A_167 = tpu.memref_slice %arg13[%dma_start3A_165, %dma_start3A_166] : memref<10240x64xf32, #tpu.memory_space<vmem_shared>> -> memref<10240x64xf32, #tpu.memory_space<vmem_shared>>
      tpu.enqueue_indirect_dma source(%arg8 : memref<128x64xf32, #tpu.memory_space<vmem>>) target(%dma_start3A_167 : memref<10240x64xf32, #tpu.memory_space<vmem_shared>>) offsets(%dma_start3A_164 : memref<128xi32, #tpu.memory_space<vmem>>) semaphore(%arg18 : memref<!tpu.dma_semaphore, #tpu.memory_space<semaphore_mem>>) {add = true}
      %mul3A_168 = arith.constant 4 : i32
      %mul3A_169 = arith.muli %scan3A_150, %mul3A_168 : i32
      %add3A_170 = arith.constant 1 : i32
      %add3A_171 = arith.addi %mul3A_169, %add3A_170 : i32
      %dma_wait3A_172 = arith.constant 0 : i32
      %dma_wait3A_173 = tpu.memref_slice %arg6[%add3A_171, %dma_wait3A_172] : memref<80x128xi32, #tpu.memory_space<vmem>> -> memref<1x128xi32, #tpu.memory_space<vmem>>
      %dma_wait3A_174 = tpu.memref_squeeze %dma_wait3A_173 : memref<1x128xi32, #tpu.memory_space<vmem>> -> memref<128xi32, #tpu.memory_space<vmem>>
      %dma_wait3A_175 = arith.constant 0 : i32
      %dma_wait3A_176 = arith.constant 0 : i32
      %dma_wait3A_177 = tpu.memref_slice %arg2[%dma_wait3A_175, %dma_wait3A_176] : memref<10000x64xf32, #tpu.memory_space<hbm>> -> memref<10000x64xf32, #tpu.memory_space<hbm>>
      tpu.wait_indirect_dma semaphore(%arg15 : memref<!tpu.dma_semaphore, #tpu.memory_space<semaphore_mem>>) src(%dma_wait3A_177 : memref<10000x64xf32, #tpu.memory_space<hbm>>) dst(%arg9 : memref<128x64xf32, #tpu.memory_space<vmem>>)
      %dma_start3A_178 = arith.constant 0 : i32
      %dma_start3A_179 = tpu.memref_slice %arg7[%add3A_171, %dma_start3A_178] : memref<80x128xi32, #tpu.memory_space<vmem>> -> memref<1x128xi32, #tpu.memory_space<vmem>>
      %dma_start3A_180 = tpu.memref_squeeze %dma_start3A_179 : memref<1x128xi32, #tpu.memory_space<vmem>> -> memref<128xi32, #tpu.memory_space<vmem>>
      %dma_start3A_181 = arith.constant 0 : i32
      %dma_start3A_182 = arith.constant 0 : i32
      %dma_start3A_183 = tpu.memref_slice %arg13[%dma_start3A_181, %dma_start3A_182] : memref<10240x64xf32, #tpu.memory_space<vmem_shared>> -> memref<10240x64xf32, #tpu.memory_space<vmem_shared>>
      tpu.enqueue_indirect_dma source(%arg9 : memref<128x64xf32, #tpu.memory_space<vmem>>) target(%dma_start3A_183 : memref<10240x64xf32, #tpu.memory_space<vmem_shared>>) offsets(%dma_start3A_180 : memref<128xi32, #tpu.memory_space<vmem>>) semaphore(%arg19 : memref<!tpu.dma_semaphore, #tpu.memory_space<semaphore_mem>>) {add = true}
      %mul3A_184 = arith.constant 4 : i32
      %mul3A_185 = arith.muli %scan3A_150, %mul3A_184 : i32
      %add3A_186 = arith.constant 2 : i32
      %add3A_187 = arith.addi %mul3A_185, %add3A_186 : i32
      %dma_wait3A_188 = arith.constant 0 : i32
      %dma_wait3A_189 = tpu.memref_slice %arg6[%add3A_187, %dma_wait3A_188] : memref<80x128xi32, #tpu.memory_space<vmem>> -> memref<1x128xi32, #tpu.memory_space<vmem>>
      %dma_wait3A_190 = tpu.memref_squeeze %dma_wait3A_189 : memref<1x128xi32, #tpu.memory_space<vmem>> -> memref<128xi32, #tpu.memory_space<vmem>>
      %dma_wait3A_191 = arith.constant 0 : i32
      %dma_wait3A_192 = arith.constant 0 : i32
      %dma_wait3A_193 = tpu.memref_slice %arg2[%dma_wait3A_191, %dma_wait3A_192] : memref<10000x64xf32, #tpu.memory_space<hbm>> -> memref<10000x64xf32, #tpu.memory_space<hbm>>
      tpu.wait_indirect_dma semaphore(%arg16 : memref<!tpu.dma_semaphore, #tpu.memory_space<semaphore_mem>>) src(%dma_wait3A_193 : memref<10000x64xf32, #tpu.memory_space<hbm>>) dst(%arg10 : memref<128x64xf32, #tpu.memory_space<vmem>>)
      %dma_start3A_194 = arith.constant 0 : i32
      %dma_start3A_195 = tpu.memref_slice %arg7[%add3A_187, %dma_start3A_194] : memref<80x128xi32, #tpu.memory_space<vmem>> -> memref<1x128xi32, #tpu.memory_space<vmem>>
      %dma_start3A_196 = tpu.memref_squeeze %dma_start3A_195 : memref<1x128xi32, #tpu.memory_space<vmem>> -> memref<128xi32, #tpu.memory_space<vmem>>
      %dma_start3A_197 = arith.constant 0 : i32
      %dma_start3A_198 = arith.constant 0 : i32
      %dma_start3A_199 = tpu.memref_slice %arg13[%dma_start3A_197, %dma_start3A_198] : memref<10240x64xf32, #tpu.memory_space<vmem_shared>> -> memref<10240x64xf32, #tpu.memory_space<vmem_shared>>
      tpu.enqueue_indirect_dma source(%arg10 : memref<128x64xf32, #tpu.memory_space<vmem>>) target(%dma_start3A_199 : memref<10240x64xf32, #tpu.memory_space<vmem_shared>>) offsets(%dma_start3A_196 : memref<128xi32, #tpu.memory_space<vmem>>) semaphore(%arg20 : memref<!tpu.dma_semaphore, #tpu.memory_space<semaphore_mem>>) {add = true}
      %mul3A_200 = arith.constant 4 : i32
      %mul3A_201 = arith.muli %scan3A_150, %mul3A_200 : i32
      %add3A_202 = arith.constant 3 : i32
      %add3A_203 = arith.addi %mul3A_201, %add3A_202 : i32
      %dma_wait3A_204 = arith.constant 0 : i32
      %dma_wait3A_205 = tpu.memref_slice %arg6[%add3A_203, %dma_wait3A_204] : memref<80x128xi32, #tpu.memory_space<vmem>> -> memref<1x128xi32, #tpu.memory_space<vmem>>
      %dma_wait3A_206 = tpu.memref_squeeze %dma_wait3A_205 : memref<1x128xi32, #tpu.memory_space<vmem>> -> memref<128xi32, #tpu.memory_space<vmem>>
      %dma_wait3A_207 = arith.constant 0 : i32
      %dma_wait3A_208 = arith.constant 0 : i32
      %dma_wait3A_209 = tpu.memref_slice %arg2[%dma_wait3A_207, %dma_wait3A_208] : memref<10000x64xf32, #tpu.memory_space<hbm>> -> memref<10000x64xf32, #tpu.memory_space<hbm>>
      tpu.wait_indirect_dma semaphore(%arg17 : memref<!tpu.dma_semaphore, #tpu.memory_space<semaphore_mem>>) src(%dma_wait3A_209 : memref<10000x64xf32, #tpu.memory_space<hbm>>) dst(%arg11 : memref<128x64xf32, #tpu.memory_space<vmem>>)
      %dma_start3A_210 = arith.constant 0 : i32
      %dma_start3A_211 = tpu.memref_slice %arg7[%add3A_203, %dma_start3A_210] : memref<80x128xi32, #tpu.memory_space<vmem>> -> memref<1x128xi32, #tpu.memory_space<vmem>>
      %dma_start3A_212 = tpu.memref_squeeze %dma_start3A_211 : memref<1x128xi32, #tpu.memory_space<vmem>> -> memref<128xi32, #tpu.memory_space<vmem>>
      %dma_start3A_213 = arith.constant 0 : i32
      %dma_start3A_214 = arith.constant 0 : i32
      %dma_start3A_215 = tpu.memref_slice %arg13[%dma_start3A_213, %dma_start3A_214] : memref<10240x64xf32, #tpu.memory_space<vmem_shared>> -> memref<10240x64xf32, #tpu.memory_space<vmem_shared>>
      tpu.enqueue_indirect_dma source(%arg11 : memref<128x64xf32, #tpu.memory_space<vmem>>) target(%dma_start3A_215 : memref<10240x64xf32, #tpu.memory_space<vmem_shared>>) offsets(%dma_start3A_212 : memref<128xi32, #tpu.memory_space<vmem>>) semaphore(%arg21 : memref<!tpu.dma_semaphore, #tpu.memory_space<semaphore_mem>>) {add = true}
      %mul3A_216 = arith.constant 4 : i32
      %mul3A_217 = arith.muli %scan3A_150, %mul3A_216 : i32
      %add3A_218 = arith.constant 0 : i32
      %add3A_219 = arith.addi %mul3A_217, %add3A_218 : i32
      %dma_wait3A_220 = arith.constant 0 : i32
      %dma_wait3A_221 = tpu.memref_slice %arg7[%add3A_219, %dma_wait3A_220] : memref<80x128xi32, #tpu.memory_space<vmem>> -> memref<1x128xi32, #tpu.memory_space<vmem>>
      %dma_wait3A_222 = tpu.memref_squeeze %dma_wait3A_221 : memref<1x128xi32, #tpu.memory_space<vmem>> -> memref<128xi32, #tpu.memory_space<vmem>>
      %dma_wait3A_223 = arith.constant 0 : i32
      %dma_wait3A_224 = arith.constant 0 : i32
      %dma_wait3A_225 = tpu.memref_slice %arg13[%dma_wait3A_223, %dma_wait3A_224] : memref<10240x64xf32, #tpu.memory_space<vmem_shared>> -> memref<10240x64xf32, #tpu.memory_space<vmem_shared>>
      tpu.wait_indirect_dma semaphore(%arg18 : memref<!tpu.dma_semaphore, #tpu.memory_space<semaphore_mem>>) src(%arg8 : memref<128x64xf32, #tpu.memory_space<vmem>>) dst(%dma_wait3A_225 : memref<10240x64xf32, #tpu.memory_space<vmem_shared>>)
      %add3A_226 = arith.constant 4 : i32
      %add3A_227 = arith.addi %add3A_219, %add3A_226 : i32
      %dma_start3A_228 = arith.constant 0 : i32
      %dma_start3A_229 = tpu.memref_slice %arg6[%add3A_227, %dma_start3A_228] : memref<80x128xi32, #tpu.memory_space<vmem>> -> memref<1x128xi32, #tpu.memory_space<vmem>>
      %dma_start3A_230 = tpu.memref_squeeze %dma_start3A_229 : memref<1x128xi32, #tpu.memory_space<vmem>> -> memref<128xi32, #tpu.memory_space<vmem>>
      %dma_start3A_231 = arith.constant 0 : i32
      %dma_start3A_232 = arith.constant 0 : i32
      %dma_start3A_233 = tpu.memref_slice %arg2[%dma_start3A_231, %dma_start3A_232] : memref<10000x64xf32, #tpu.memory_space<hbm>> -> memref<10000x64xf32, #tpu.memory_space<hbm>>
      tpu.enqueue_indirect_dma source(%dma_start3A_233 : memref<10000x64xf32, #tpu.memory_space<hbm>>) target(%arg8 : memref<128x64xf32, #tpu.memory_space<vmem>>) offsets(%dma_start3A_230 : memref<128xi32, #tpu.memory_space<vmem>>) semaphore(%arg14 : memref<!tpu.dma_semaphore, #tpu.memory_space<semaphore_mem>>)
      %mul3A_234 = arith.constant 4 : i32
      %mul3A_235 = arith.muli %scan3A_150, %mul3A_234 : i32
      %add3A_236 = arith.constant 1 : i32
      %add3A_237 = arith.addi %mul3A_235, %add3A_236 : i32
      %dma_wait3A_238 = arith.constant 0 : i32
      %dma_wait3A_239 = tpu.memref_slice %arg7[%add3A_237, %dma_wait3A_238] : memref<80x128xi32, #tpu.memory_space<vmem>> -> memref<1x128xi32, #tpu.memory_space<vmem>>
      %dma_wait3A_240 = tpu.memref_squeeze %dma_wait3A_239 : memref<1x128xi32, #tpu.memory_space<vmem>> -> memref<128xi32, #tpu.memory_space<vmem>>
      %dma_wait3A_241 = arith.constant 0 : i32
      %dma_wait3A_242 = arith.constant 0 : i32
      %dma_wait3A_243 = tpu.memref_slice %arg13[%dma_wait3A_241, %dma_wait3A_242] : memref<10240x64xf32, #tpu.memory_space<vmem_shared>> -> memref<10240x64xf32, #tpu.memory_space<vmem_shared>>
      tpu.wait_indirect_dma semaphore(%arg19 : memref<!tpu.dma_semaphore, #tpu.memory_space<semaphore_mem>>) src(%arg9 : memref<128x64xf32, #tpu.memory_space<vmem>>) dst(%dma_wait3A_243 : memref<10240x64xf32, #tpu.memory_space<vmem_shared>>)
      %add3A_244 = arith.constant 4 : i32
      %add3A_245 = arith.addi %add3A_237, %add3A_244 : i32
      %dma_start3A_246 = arith.constant 0 : i32
      %dma_start3A_247 = tpu.memref_slice %arg6[%add3A_245, %dma_start3A_246] : memref<80x128xi32, #tpu.memory_space<vmem>> -> memref<1x128xi32, #tpu.memory_space<vmem>>
      %dma_start3A_248 = tpu.memref_squeeze %dma_start3A_247 : memref<1x128xi32, #tpu.memory_space<vmem>> -> memref<128xi32, #tpu.memory_space<vmem>>
      %dma_start3A_249 = arith.constant 0 : i32
      %dma_start3A_250 = arith.constant 0 : i32
      %dma_start3A_251 = tpu.memref_slice %arg2[%dma_start3A_249, %dma_start3A_250] : memref<10000x64xf32, #tpu.memory_space<hbm>> -> memref<10000x64xf32, #tpu.memory_space<hbm>>
      tpu.enqueue_indirect_dma source(%dma_start3A_251 : memref<10000x64xf32, #tpu.memory_space<hbm>>) target(%arg9 : memref<128x64xf32, #tpu.memory_space<vmem>>) offsets(%dma_start3A_248 : memref<128xi32, #tpu.memory_space<vmem>>) semaphore(%arg15 : memref<!tpu.dma_semaphore, #tpu.memory_space<semaphore_mem>>)
      %mul3A_252 = arith.constant 4 : i32
      %mul3A_253 = arith.muli %scan3A_150, %mul3A_252 : i32
      %add3A_254 = arith.constant 2 : i32
      %add3A_255 = arith.addi %mul3A_253, %add3A_254 : i32
      %dma_wait3A_256 = arith.constant 0 : i32
      %dma_wait3A_257 = tpu.memref_slice %arg7[%add3A_255, %dma_wait3A_256] : memref<80x128xi32, #tpu.memory_space<vmem>> -> memref<1x128xi32, #tpu.memory_space<vmem>>
      %dma_wait3A_258 = tpu.memref_squeeze %dma_wait3A_257 : memref<1x128xi32, #tpu.memory_space<vmem>> -> memref<128xi32, #tpu.memory_space<vmem>>
      %dma_wait3A_259 = arith.constant 0 : i32
      %dma_wait3A_260 = arith.constant 0 : i32
      %dma_wait3A_261 = tpu.memref_slice %arg13[%dma_wait3A_259, %dma_wait3A_260] : memref<10240x64xf32, #tpu.memory_space<vmem_shared>> -> memref<10240x64xf32, #tpu.memory_space<vmem_shared>>
      tpu.wait_indirect_dma semaphore(%arg20 : memref<!tpu.dma_semaphore, #tpu.memory_space<semaphore_mem>>) src(%arg10 : memref<128x64xf32, #tpu.memory_space<vmem>>) dst(%dma_wait3A_261 : memref<10240x64xf32, #tpu.memory_space<vmem_shared>>)
      %add3A_262 = arith.constant 4 : i32
      %add3A_263 = arith.addi %add3A_255, %add3A_262 : i32
      %dma_start3A_264 = arith.constant 0 : i32
      %dma_start3A_265 = tpu.memref_slice %arg6[%add3A_263, %dma_start3A_264] : memref<80x128xi32, #tpu.memory_space<vmem>> -> memref<1x128xi32, #tpu.memory_space<vmem>>
      %dma_start3A_266 = tpu.memref_squeeze %dma_start3A_265 : memref<1x128xi32, #tpu.memory_space<vmem>> -> memref<128xi32, #tpu.memory_space<vmem>>
      %dma_start3A_267 = arith.constant 0 : i32
      %dma_start3A_268 = arith.constant 0 : i32
      %dma_start3A_269 = tpu.memref_slice %arg2[%dma_start3A_267, %dma_start3A_268] : memref<10000x64xf32, #tpu.memory_space<hbm>> -> memref<10000x64xf32, #tpu.memory_space<hbm>>
      tpu.enqueue_indirect_dma source(%dma_start3A_269 : memref<10000x64xf32, #tpu.memory_space<hbm>>) target(%arg10 : memref<128x64xf32, #tpu.memory_space<vmem>>) offsets(%dma_start3A_266 : memref<128xi32, #tpu.memory_space<vmem>>) semaphore(%arg16 : memref<!tpu.dma_semaphore, #tpu.memory_space<semaphore_mem>>)
      %mul3A_270 = arith.constant 4 : i32
      %mul3A_271 = arith.muli %scan3A_150, %mul3A_270 : i32
      %add3A_272 = arith.constant 3 : i32
      %add3A_273 = arith.addi %mul3A_271, %add3A_272 : i32
      %dma_wait3A_274 = arith.constant 0 : i32
      %dma_wait3A_275 = tpu.memref_slice %arg7[%add3A_273, %dma_wait3A_274] : memref<80x128xi32, #tpu.memory_space<vmem>> -> memref<1x128xi32, #tpu.memory_space<vmem>>
      %dma_wait3A_276 = tpu.memref_squeeze %dma_wait3A_275 : memref<1x128xi32, #tpu.memory_space<vmem>> -> memref<128xi32, #tpu.memory_space<vmem>>
      %dma_wait3A_277 = arith.constant 0 : i32
      %dma_wait3A_278 = arith.constant 0 : i32
      %dma_wait3A_279 = tpu.memref_slice %arg13[%dma_wait3A_277, %dma_wait3A_278] : memref<10240x64xf32, #tpu.memory_space<vmem_shared>> -> memref<10240x64xf32, #tpu.memory_space<vmem_shared>>
      tpu.wait_indirect_dma semaphore(%arg21 : memref<!tpu.dma_semaphore, #tpu.memory_space<semaphore_mem>>) src(%arg11 : memref<128x64xf32, #tpu.memory_space<vmem>>) dst(%dma_wait3A_279 : memref<10240x64xf32, #tpu.memory_space<vmem_shared>>)
      %add3A_280 = arith.constant 4 : i32
      %add3A_281 = arith.addi %add3A_273, %add3A_280 : i32
      %dma_start3A_282 = arith.constant 0 : i32
      %dma_start3A_283 = tpu.memref_slice %arg6[%add3A_281, %dma_start3A_282] : memref<80x128xi32, #tpu.memory_space<vmem>> -> memref<1x128xi32, #tpu.memory_space<vmem>>
      %dma_start3A_284 = tpu.memref_squeeze %dma_start3A_283 : memref<1x128xi32, #tpu.memory_space<vmem>> -> memref<128xi32, #tpu.memory_space<vmem>>
      %dma_start3A_285 = arith.constant 0 : i32
      %dma_start3A_286 = arith.constant 0 : i32
      %dma_start3A_287 = tpu.memref_slice %arg2[%dma_start3A_285, %dma_start3A_286] : memref<10000x64xf32, #tpu.memory_space<hbm>> -> memref<10000x64xf32, #tpu.memory_space<hbm>>
      tpu.enqueue_indirect_dma source(%dma_start3A_287 : memref<10000x64xf32, #tpu.memory_space<hbm>>) target(%arg11 : memref<128x64xf32, #tpu.memory_space<vmem>>) offsets(%dma_start3A_284 : memref<128xi32, #tpu.memory_space<vmem>>) semaphore(%arg17 : memref<!tpu.dma_semaphore, #tpu.memory_space<semaphore_mem>>)
      %scan3A_288 = arith.constant 0 : i32
      scf.yield %scan3A_288 : i32
    }
    %scan3A_61 = arith.constant 19 : i32
    %dma_wait3A = arith.constant 76 : i32
    %dma_wait3A_62 = arith.constant 0 : i32
    %dma_wait3A_63 = tpu.memref_slice %arg6[%dma_wait3A, %dma_wait3A_62] : memref<80x128xi32, #tpu.memory_space<vmem>> -> memref<1x128xi32, #tpu.memory_space<vmem>>
    %dma_wait3A_64 = tpu.memref_squeeze %dma_wait3A_63 : memref<1x128xi32, #tpu.memory_space<vmem>> -> memref<128xi32, #tpu.memory_space<vmem>>
    %dma_wait3A_65 = arith.constant 0 : i32
    %dma_wait3A_66 = arith.constant 0 : i32
    %dma_wait3A_67 = tpu.memref_slice %arg2[%dma_wait3A_65, %dma_wait3A_66] : memref<10000x64xf32, #tpu.memory_space<hbm>> -> memref<10000x64xf32, #tpu.memory_space<hbm>>
    tpu.wait_indirect_dma semaphore(%arg14 : memref<!tpu.dma_semaphore, #tpu.memory_space<semaphore_mem>>) src(%dma_wait3A_67 : memref<10000x64xf32, #tpu.memory_space<hbm>>) dst(%arg8 : memref<128x64xf32, #tpu.memory_space<vmem>>)
    %dma_start3A_68 = arith.constant 76 : i32
    %dma_start3A_69 = arith.constant 0 : i32
    %dma_start3A_70 = tpu.memref_slice %arg7[%dma_start3A_68, %dma_start3A_69] : memref<80x128xi32, #tpu.memory_space<vmem>> -> memref<1x128xi32, #tpu.memory_space<vmem>>
    %dma_start3A_71 = tpu.memref_squeeze %dma_start3A_70 : memref<1x128xi32, #tpu.memory_space<vmem>> -> memref<128xi32, #tpu.memory_space<vmem>>
    %dma_start3A_72 = arith.constant 0 : i32
    %dma_start3A_73 = arith.constant 0 : i32
    %dma_start3A_74 = tpu.memref_slice %arg13[%dma_start3A_72, %dma_start3A_73] : memref<10240x64xf32, #tpu.memory_space<vmem_shared>> -> memref<10240x64xf32, #tpu.memory_space<vmem_shared>>
    tpu.enqueue_indirect_dma source(%arg8 : memref<128x64xf32, #tpu.memory_space<vmem>>) target(%dma_start3A_74 : memref<10240x64xf32, #tpu.memory_space<vmem_shared>>) offsets(%dma_start3A_71 : memref<128xi32, #tpu.memory_space<vmem>>) semaphore(%arg18 : memref<!tpu.dma_semaphore, #tpu.memory_space<semaphore_mem>>) {add = true}
    %dma_wait3A_75 = arith.constant 77 : i32
    %dma_wait3A_76 = arith.constant 0 : i32
    %dma_wait3A_77 = tpu.memref_slice %arg6[%dma_wait3A_75, %dma_wait3A_76] : memref<80x128xi32, #tpu.memory_space<vmem>> -> memref<1x128xi32, #tpu.memory_space<vmem>>
    %dma_wait3A_78 = tpu.memref_squeeze %dma_wait3A_77 : memref<1x128xi32, #tpu.memory_space<vmem>> -> memref<128xi32, #tpu.memory_space<vmem>>
    %dma_wait3A_79 = arith.constant 0 : i32
    %dma_wait3A_80 = arith.constant 0 : i32
    %dma_wait3A_81 = tpu.memref_slice %arg2[%dma_wait3A_79, %dma_wait3A_80] : memref<10000x64xf32, #tpu.memory_space<hbm>> -> memref<10000x64xf32, #tpu.memory_space<hbm>>
    tpu.wait_indirect_dma semaphore(%arg15 : memref<!tpu.dma_semaphore, #tpu.memory_space<semaphore_mem>>) src(%dma_wait3A_81 : memref<10000x64xf32, #tpu.memory_space<hbm>>) dst(%arg9 : memref<128x64xf32, #tpu.memory_space<vmem>>)
    %dma_start3A_82 = arith.constant 77 : i32
    %dma_start3A_83 = arith.constant 0 : i32
    %dma_start3A_84 = tpu.memref_slice %arg7[%dma_start3A_82, %dma_start3A_83] : memref<80x128xi32, #tpu.memory_space<vmem>> -> memref<1x128xi32, #tpu.memory_space<vmem>>
    %dma_start3A_85 = tpu.memref_squeeze %dma_start3A_84 : memref<1x128xi32, #tpu.memory_space<vmem>> -> memref<128xi32, #tpu.memory_space<vmem>>
    %dma_start3A_86 = arith.constant 0 : i32
    %dma_start3A_87 = arith.constant 0 : i32
    %dma_start3A_88 = tpu.memref_slice %arg13[%dma_start3A_86, %dma_start3A_87] : memref<10240x64xf32, #tpu.memory_space<vmem_shared>> -> memref<10240x64xf32, #tpu.memory_space<vmem_shared>>
    tpu.enqueue_indirect_dma source(%arg9 : memref<128x64xf32, #tpu.memory_space<vmem>>) target(%dma_start3A_88 : memref<10240x64xf32, #tpu.memory_space<vmem_shared>>) offsets(%dma_start3A_85 : memref<128xi32, #tpu.memory_space<vmem>>) semaphore(%arg19 : memref<!tpu.dma_semaphore, #tpu.memory_space<semaphore_mem>>) {add = true}
    %dma_wait3A_89 = arith.constant 78 : i32
    %dma_wait3A_90 = arith.constant 0 : i32
    %dma_wait3A_91 = tpu.memref_slice %arg6[%dma_wait3A_89, %dma_wait3A_90] : memref<80x128xi32, #tpu.memory_space<vmem>> -> memref<1x128xi32, #tpu.memory_space<vmem>>
    %dma_wait3A_92 = tpu.memref_squeeze %dma_wait3A_91 : memref<1x128xi32, #tpu.memory_space<vmem>> -> memref<128xi32, #tpu.memory_space<vmem>>
    %dma_wait3A_93 = arith.constant 0 : i32
    %dma_wait3A_94 = arith.constant 0 : i32
    %dma_wait3A_95 = tpu.memref_slice %arg2[%dma_wait3A_93, %dma_wait3A_94] : memref<10000x64xf32, #tpu.memory_space<hbm>> -> memref<10000x64xf32, #tpu.memory_space<hbm>>
    tpu.wait_indirect_dma semaphore(%arg16 : memref<!tpu.dma_semaphore, #tpu.memory_space<semaphore_mem>>) src(%dma_wait3A_95 : memref<10000x64xf32, #tpu.memory_space<hbm>>) dst(%arg10 : memref<128x64xf32, #tpu.memory_space<vmem>>)
    %dma_start3A_96 = arith.constant 78 : i32
    %dma_start3A_97 = arith.constant 0 : i32
    %dma_start3A_98 = tpu.memref_slice %arg7[%dma_start3A_96, %dma_start3A_97] : memref<80x128xi32, #tpu.memory_space<vmem>> -> memref<1x128xi32, #tpu.memory_space<vmem>>
    %dma_start3A_99 = tpu.memref_squeeze %dma_start3A_98 : memref<1x128xi32, #tpu.memory_space<vmem>> -> memref<128xi32, #tpu.memory_space<vmem>>
    %dma_start3A_100 = arith.constant 0 : i32
    %dma_start3A_101 = arith.constant 0 : i32
    %dma_start3A_102 = tpu.memref_slice %arg13[%dma_start3A_100, %dma_start3A_101] : memref<10240x64xf32, #tpu.memory_space<vmem_shared>> -> memref<10240x64xf32, #tpu.memory_space<vmem_shared>>
    tpu.enqueue_indirect_dma source(%arg10 : memref<128x64xf32, #tpu.memory_space<vmem>>) target(%dma_start3A_102 : memref<10240x64xf32, #tpu.memory_space<vmem_shared>>) offsets(%dma_start3A_99 : memref<128xi32, #tpu.memory_space<vmem>>) semaphore(%arg20 : memref<!tpu.dma_semaphore, #tpu.memory_space<semaphore_mem>>) {add = true}
    %dma_wait3A_103 = arith.constant 79 : i32
    %dma_wait3A_104 = arith.constant 0 : i32
    %dma_wait3A_105 = tpu.memref_slice %arg6[%dma_wait3A_103, %dma_wait3A_104] : memref<80x128xi32, #tpu.memory_space<vmem>> -> memref<1x128xi32, #tpu.memory_space<vmem>>
    %dma_wait3A_106 = tpu.memref_squeeze %dma_wait3A_105 : memref<1x128xi32, #tpu.memory_space<vmem>> -> memref<128xi32, #tpu.memory_space<vmem>>
    %dma_wait3A_107 = arith.constant 0 : i32
    %dma_wait3A_108 = arith.constant 0 : i32
    %dma_wait3A_109 = tpu.memref_slice %arg2[%dma_wait3A_107, %dma_wait3A_108] : memref<10000x64xf32, #tpu.memory_space<hbm>> -> memref<10000x64xf32, #tpu.memory_space<hbm>>
    tpu.wait_indirect_dma semaphore(%arg17 : memref<!tpu.dma_semaphore, #tpu.memory_space<semaphore_mem>>) src(%dma_wait3A_109 : memref<10000x64xf32, #tpu.memory_space<hbm>>) dst(%arg11 : memref<128x64xf32, #tpu.memory_space<vmem>>)
    %dma_start3A_110 = arith.constant 79 : i32
    %dma_start3A_111 = arith.constant 0 : i32
    %dma_start3A_112 = tpu.memref_slice %arg7[%dma_start3A_110, %dma_start3A_111] : memref<80x128xi32, #tpu.memory_space<vmem>> -> memref<1x128xi32, #tpu.memory_space<vmem>>
    %dma_start3A_113 = tpu.memref_squeeze %dma_start3A_112 : memref<1x128xi32, #tpu.memory_space<vmem>> -> memref<128xi32, #tpu.memory_space<vmem>>
    %dma_start3A_114 = arith.constant 0 : i32
    %dma_start3A_115 = arith.constant 0 : i32
    %dma_start3A_116 = tpu.memref_slice %arg13[%dma_start3A_114, %dma_start3A_115] : memref<10240x64xf32, #tpu.memory_space<vmem_shared>> -> memref<10240x64xf32, #tpu.memory_space<vmem_shared>>
    tpu.enqueue_indirect_dma source(%arg11 : memref<128x64xf32, #tpu.memory_space<vmem>>) target(%dma_start3A_116 : memref<10240x64xf32, #tpu.memory_space<vmem_shared>>) offsets(%dma_start3A_113 : memref<128xi32, #tpu.memory_space<vmem>>) semaphore(%arg21 : memref<!tpu.dma_semaphore, #tpu.memory_space<semaphore_mem>>) {add = true}
    %dma_wait3A_117 = arith.constant 76 : i32
    %dma_wait3A_118 = arith.constant 0 : i32
    %dma_wait3A_119 = tpu.memref_slice %arg7[%dma_wait3A_117, %dma_wait3A_118] : memref<80x128xi32, #tpu.memory_space<vmem>> -> memref<1x128xi32, #tpu.memory_space<vmem>>
    %dma_wait3A_120 = tpu.memref_squeeze %dma_wait3A_119 : memref<1x128xi32, #tpu.memory_space<vmem>> -> memref<128xi32, #tpu.memory_space<vmem>>
    %dma_wait3A_121 = arith.constant 0 : i32
    %dma_wait3A_122 = arith.constant 0 : i32
    %dma_wait3A_123 = tpu.memref_slice %arg13[%dma_wait3A_121, %dma_wait3A_122] : memref<10240x64xf32, #tpu.memory_space<vmem_shared>> -> memref<10240x64xf32, #tpu.memory_space<vmem_shared>>
    tpu.wait_indirect_dma semaphore(%arg18 : memref<!tpu.dma_semaphore, #tpu.memory_space<semaphore_mem>>) src(%arg8 : memref<128x64xf32, #tpu.memory_space<vmem>>) dst(%dma_wait3A_123 : memref<10240x64xf32, #tpu.memory_space<vmem_shared>>)
    %dma_wait3A_124 = arith.constant 77 : i32
    %dma_wait3A_125 = arith.constant 0 : i32
    %dma_wait3A_126 = tpu.memref_slice %arg7[%dma_wait3A_124, %dma_wait3A_125] : memref<80x128xi32, #tpu.memory_space<vmem>> -> memref<1x128xi32, #tpu.memory_space<vmem>>
    %dma_wait3A_127 = tpu.memref_squeeze %dma_wait3A_126 : memref<1x128xi32, #tpu.memory_space<vmem>> -> memref<128xi32, #tpu.memory_space<vmem>>
    %dma_wait3A_128 = arith.constant 0 : i32
    %dma_wait3A_129 = arith.constant 0 : i32
    %dma_wait3A_130 = tpu.memref_slice %arg13[%dma_wait3A_128, %dma_wait3A_129] : memref<10240x64xf32, #tpu.memory_space<vmem_shared>> -> memref<10240x64xf32, #tpu.memory_space<vmem_shared>>
    tpu.wait_indirect_dma semaphore(%arg19 : memref<!tpu.dma_semaphore, #tpu.memory_space<semaphore_mem>>) src(%arg9 : memref<128x64xf32, #tpu.memory_space<vmem>>) dst(%dma_wait3A_130 : memref<10240x64xf32, #tpu.memory_space<vmem_shared>>)
    %dma_wait3A_131 = arith.constant 78 : i32
    %dma_wait3A_132 = arith.constant 0 : i32
    %dma_wait3A_133 = tpu.memref_slice %arg7[%dma_wait3A_131, %dma_wait3A_132] : memref<80x128xi32, #tpu.memory_space<vmem>> -> memref<1x128xi32, #tpu.memory_space<vmem>>
    %dma_wait3A_134 = tpu.memref_squeeze %dma_wait3A_133 : memref<1x128xi32, #tpu.memory_space<vmem>> -> memref<128xi32, #tpu.memory_space<vmem>>
    %dma_wait3A_135 = arith.constant 0 : i32
    %dma_wait3A_136 = arith.constant 0 : i32
    %dma_wait3A_137 = tpu.memref_slice %arg13[%dma_wait3A_135, %dma_wait3A_136] : memref<10240x64xf32, #tpu.memory_space<vmem_shared>> -> memref<10240x64xf32, #tpu.memory_space<vmem_shared>>
    tpu.wait_indirect_dma semaphore(%arg20 : memref<!tpu.dma_semaphore, #tpu.memory_space<semaphore_mem>>) src(%arg10 : memref<128x64xf32, #tpu.memory_space<vmem>>) dst(%dma_wait3A_137 : memref<10240x64xf32, #tpu.memory_space<vmem_shared>>)
    %dma_wait3A_138 = arith.constant 79 : i32
    %dma_wait3A_139 = arith.constant 0 : i32
    %dma_wait3A_140 = tpu.memref_slice %arg7[%dma_wait3A_138, %dma_wait3A_139] : memref<80x128xi32, #tpu.memory_space<vmem>> -> memref<1x128xi32, #tpu.memory_space<vmem>>
    %dma_wait3A_141 = tpu.memref_squeeze %dma_wait3A_140 : memref<1x128xi32, #tpu.memory_space<vmem>> -> memref<128xi32, #tpu.memory_space<vmem>>
    %dma_wait3A_142 = arith.constant 0 : i32
    %dma_wait3A_143 = arith.constant 0 : i32
    %dma_wait3A_144 = tpu.memref_slice %arg13[%dma_wait3A_142, %dma_wait3A_143] : memref<10240x64xf32, #tpu.memory_space<vmem_shared>> -> memref<10240x64xf32, #tpu.memory_space<vmem_shared>>
    tpu.wait_indirect_dma semaphore(%arg21 : memref<!tpu.dma_semaphore, #tpu.memory_space<semaphore_mem>>) src(%arg11 : memref<128x64xf32, #tpu.memory_space<vmem>>) dst(%dma_wait3A_144 : memref<10240x64xf32, #tpu.memory_space<vmem_shared>>)
    %barrier3A_145 = arith.constant 0 : index
    tpu.barrier barrier_id(%barrier3A_145)
    %mul3A_146 = arith.constant 640 : i32
    %mul3A_147 = arith.muli %arg1, %mul3A_146 : i32
    %mul3A_148 = arith.constant 640 : i32
    %mul3A_149 = arith.muli %arg1, %mul3A_148 : i32
    "tpu.region"() ({
      %run_scoped3A = tpu.sem_alloc : memref<!tpu.dma_semaphore, #tpu.memory_space<semaphore_mem>>
      %dma_start3A_150 = arith.constant 0 : i32
      %dma_start3A_151 = tpu.memref_slice %arg5[%arg0, %mul3A_149, %dma_start3A_150] : memref<2x10240x64xf32, #tpu.memory_space<hbm>> -> memref<1x640x64xf32, #tpu.memory_space<hbm>>
      %dma_start3A_152 = tpu.memref_squeeze %dma_start3A_151 : memref<1x640x64xf32, #tpu.memory_space<hbm>> -> memref<640x64xf32, #tpu.memory_space<hbm>>
      %dma_start3A_153 = arith.constant 0 : i32
      %dma_start3A_154 = tpu.memref_slice %arg13[%mul3A_147, %dma_start3A_153] : memref<10240x64xf32, #tpu.memory_space<vmem_shared>> -> memref<640x64xf32, #tpu.memory_space<vmem_shared>>
      tpu.enqueue_dma source(%dma_start3A_154 : memref<640x64xf32, #tpu.memory_space<vmem_shared>>) target(%dma_start3A_152 : memref<640x64xf32, #tpu.memory_space<hbm>>) target_semaphore(%run_scoped3A : memref<!tpu.dma_semaphore, #tpu.memory_space<semaphore_mem>>)
      %dma_wait3A_155 = arith.constant 0 : i32
      %dma_wait3A_156 = tpu.memref_slice %arg5[%arg0, %mul3A_149, %dma_wait3A_155] : memref<2x10240x64xf32, #tpu.memory_space<hbm>> -> memref<1x640x64xf32, #tpu.memory_space<hbm>>
      %dma_wait3A_157 = tpu.memref_squeeze %dma_wait3A_156 : memref<1x640x64xf32, #tpu.memory_space<hbm>> -> memref<640x64xf32, #tpu.memory_space<hbm>>
      %dma_wait3A_158 = arith.constant 0 : i32
      %dma_wait3A_159 = tpu.memref_slice %arg13[%mul3A_147, %dma_wait3A_158] : memref<10240x64xf32, #tpu.memory_space<vmem_shared>> -> memref<640x64xf32, #tpu.memory_space<vmem_shared>>
      tpu.wait_dma2 semaphore(%run_scoped3A : memref<!tpu.dma_semaphore, #tpu.memory_space<semaphore_mem>>) src(%dma_wait3A_159 : memref<640x64xf32, #tpu.memory_space<vmem_shared>>) dst(%dma_wait3A_157 : memref<640x64xf32, #tpu.memory_space<hbm>>)
      tpu.yield
    }) : () -> ()
    return
  }
}

module attributes {stable_mosaic.version = 14 : i64} {
  func.func @body(%arg0: i32, %arg1: memref<512x128xf32, #tpu.memory_space<vmem>>, %arg2: memref<2x512x64xf32, #tpu.memory_space<vmem>>, %arg3: memref<2x512x64xf32, #tpu.memory_space<vmem>>, %arg4: memref<128x64xf32, #tpu.memory_space<vmem>>, %arg5: memref<1x64xf32, #tpu.memory_space<vmem>>, %arg6: memref<64x64xf32, #tpu.memory_space<vmem>>, %arg7: memref<1x64xf32, #tpu.memory_space<vmem>>, %arg8: memref<512x64xf32, #tpu.memory_space<vmem>>) attributes {dimension_semantics = [#tpu.dimension_semantics<arbitrary>], iteration_bounds = array<i64: 20>, scalar_prefetch = 0 : i64, scratch_operands = 0 : i64, tpu.core_type = #tpu.core_type<tc>, window_params = [{transform_indices = @transform_0, window_bounds = array<i64: 512, 128>}, {transform_indices = @transform_1, window_bounds = array<i64: 2, 512, 64>}, {transform_indices = @transform_2, window_bounds = array<i64: 2, 512, 64>}, {pipeline_mode = #tpu.pipeline_mode<synchronous>, transform_indices = @transform_3, window_bounds = array<i64: 128, 64>}, {pipeline_mode = #tpu.pipeline_mode<synchronous>, transform_indices = @transform_4, window_bounds = array<i64: 1, 64>}, {pipeline_mode = #tpu.pipeline_mode<synchronous>, transform_indices = @transform_5, window_bounds = array<i64: 64, 64>}, {pipeline_mode = #tpu.pipeline_mode<synchronous>, transform_indices = @transform_6, window_bounds = array<i64: 1, 64>}, {transform_indices = @transform_7, window_bounds = array<i64: 512, 64>}]} {
    %get3A = arith.constant 0 : index
    %get3A_0 = arith.constant 0 : index
    %get3A_1 = arith.constant 0 : index
    %get3A_2 = vector.load %arg2[%get3A, %get3A_0, %get3A_1] : memref<2x512x64xf32, #tpu.memory_space<vmem>>, vector<1x512x64xf32>
    %get3A_3 = vector.shape_cast %get3A_2 : vector<1x512x64xf32> to vector<512x64xf32>
    %get3A_4 = arith.constant 1 : index
    %get3A_5 = arith.constant 0 : index
    %get3A_6 = arith.constant 0 : index
    %get3A_7 = vector.load %arg2[%get3A_4, %get3A_5, %get3A_6] : memref<2x512x64xf32, #tpu.memory_space<vmem>>, vector<1x512x64xf32>
    %get3A_8 = vector.shape_cast %get3A_7 : vector<1x512x64xf32> to vector<512x64xf32>
    %add3A = arith.addf %get3A_3, %get3A_8 : vector<512x64xf32>
    %get3A_9 = arith.constant 0 : index
    %get3A_10 = arith.constant 0 : index
    %get3A_11 = arith.constant 0 : index
    %get3A_12 = vector.load %arg3[%get3A_9, %get3A_10, %get3A_11] : memref<2x512x64xf32, #tpu.memory_space<vmem>>, vector<1x512x64xf32>
    %get3A_13 = vector.shape_cast %get3A_12 : vector<1x512x64xf32> to vector<512x64xf32>
    %get3A_14 = arith.constant 1 : index
    %get3A_15 = arith.constant 0 : index
    %get3A_16 = arith.constant 0 : index
    %get3A_17 = vector.load %arg3[%get3A_14, %get3A_15, %get3A_16] : memref<2x512x64xf32, #tpu.memory_space<vmem>>, vector<1x512x64xf32>
    %get3A_18 = vector.shape_cast %get3A_17 : vector<1x512x64xf32> to vector<512x64xf32>
    %add3A_19 = arith.addf %get3A_13, %get3A_18 : vector<512x64xf32>
    %concatenate3A = tpu.concatenate %add3A, %add3A_19 in 1 : vector<512x64xf32>, vector<512x64xf32> -> vector<512x128xf32>
    %get3A_20 = arith.constant 0 : index
    %get3A_21 = arith.constant 0 : index
    %get3A_22 = vector.load %arg1[%get3A_20, %get3A_21] : memref<512x128xf32, #tpu.memory_space<vmem>>, vector<512x128xf32>
    %add3A_23 = arith.addf %get3A_22, %concatenate3A : vector<512x128xf32>
    %get3A_24 = arith.constant 0 : index
    %get3A_25 = arith.constant 0 : index
    %get3A_26 = vector.load %arg4[%get3A_24, %get3A_25] : memref<128x64xf32, #tpu.memory_space<vmem>>, vector<128x64xf32>
    %dot_general3A = arith.constant dense<0.000000e+00> : vector<512x64xf32>
    %dot_general3A_27 = tpu.matmul %add3A_23, %get3A_26, %dot_general3A {dimension_numbers = #tpu.dot_dimension_numbers<[1], [0], [0], [1], [0, 0, 1, 1], [], []>, precision = #tpu.contract_precision<fp32>, transpose_lhs_hint = false} : vector<512x128xf32>, vector<128x64xf32>, vector<512x64xf32> -> vector<512x64xf32>
    %get3A_28 = arith.constant 0 : index
    %get3A_29 = arith.constant 0 : index
    %get3A_30 = vector.load %arg5[%get3A_28, %get3A_29] : memref<1x64xf32, #tpu.memory_space<vmem>>, vector<1x64xf32>
    %add3A_31 = vector.broadcast %get3A_30 : vector<1x64xf32> to vector<512x64xf32>
    %add3A_32 = arith.addf %dot_general3A_27, %add3A_31 : vector<512x64xf32>
    %max3A = arith.constant 0.000000e+00 : f32
    %max3A_33 = vector.broadcast %max3A : f32 to vector<512x64xf32>
    %max3A_34 = arith.maximumf %add3A_32, %max3A_33 : vector<512x64xf32>
    %get3A_35 = arith.constant 0 : index
    %get3A_36 = arith.constant 0 : index
    %get3A_37 = vector.load %arg6[%get3A_35, %get3A_36] : memref<64x64xf32, #tpu.memory_space<vmem>>, vector<64x64xf32>
    %dot_general3A_38 = arith.constant dense<0.000000e+00> : vector<512x64xf32>
    %dot_general3A_39 = tpu.matmul %max3A_34, %get3A_37, %dot_general3A_38 {dimension_numbers = #tpu.dot_dimension_numbers<[1], [0], [0], [1], [0, 0, 1, 1], [], []>, precision = #tpu.contract_precision<fp32>, transpose_lhs_hint = false} : vector<512x64xf32>, vector<64x64xf32>, vector<512x64xf32> -> vector<512x64xf32>
    %get3A_40 = arith.constant 0 : index
    %get3A_41 = arith.constant 0 : index
    %get3A_42 = vector.load %arg7[%get3A_40, %get3A_41] : memref<1x64xf32, #tpu.memory_space<vmem>>, vector<1x64xf32>
    %add3A_43 = vector.broadcast %get3A_42 : vector<1x64xf32> to vector<512x64xf32>
    %add3A_44 = arith.addf %dot_general3A_39, %add3A_43 : vector<512x64xf32>
    %max3A_45 = arith.constant 0.000000e+00 : f32
    %max3A_46 = vector.broadcast %max3A_45 : f32 to vector<512x64xf32>
    %max3A_47 = arith.maximumf %add3A_44, %max3A_46 : vector<512x64xf32>
    %swap3A = arith.constant 0 : index
    %swap3A_48 = arith.constant 0 : index
    %swap3A_49 = vector.load %arg8[%swap3A, %swap3A_48] : memref<512x64xf32, #tpu.memory_space<vmem>>, vector<512x64xf32>
    tpu.vector_store %arg8[%swap3A, %swap3A_48], %max3A_47 {strides = array<i32>} : memref<512x64xf32, #tpu.memory_space<vmem>>, vector<512x64xf32>,
    return
  }
  func.func @transform_0(%arg0: i32) -> (i32, i32) {
    %c0_i32 = arith.constant 0 : i32
    %c0_i32_0 = arith.constant 0 : i32
    return %arg0, %c0_i32 : i32, i32
  }
  func.func @transform_1(%arg0: i32) -> (i32, i32, i32) {
    %c0_i32 = arith.constant 0 : i32
    %c0_i32_0 = arith.constant 0 : i32
    %c0_i32_1 = arith.constant 0 : i32
    return %c0_i32, %arg0, %c0_i32_0 : i32, i32, i32
  }
  func.func @transform_2(%arg0: i32) -> (i32, i32, i32) {
    %c0_i32 = arith.constant 0 : i32
    %c0_i32_0 = arith.constant 0 : i32
    %c0_i32_1 = arith.constant 0 : i32
    return %c0_i32, %arg0, %c0_i32_0 : i32, i32, i32
  }
  func.func @transform_3(%arg0: i32) -> (i32, i32) {
    %c0_i32 = arith.constant 0 : i32
    %c0_i32_0 = arith.constant 0 : i32
    %c0_i32_1 = arith.constant 0 : i32
    return %c0_i32, %c0_i32_0 : i32, i32
  }
  func.func @transform_4(%arg0: i32) -> (i32, i32) {
    %c0_i32 = arith.constant 0 : i32
    %c0_i32_0 = arith.constant 0 : i32
    %c0_i32_1 = arith.constant 0 : i32
    return %c0_i32, %c0_i32_0 : i32, i32
  }
  func.func @transform_5(%arg0: i32) -> (i32, i32) {
    %c0_i32 = arith.constant 0 : i32
    %c0_i32_0 = arith.constant 0 : i32
    %c0_i32_1 = arith.constant 0 : i32
    return %c0_i32, %c0_i32_0 : i32, i32
  }
  func.func @transform_6(%arg0: i32) -> (i32, i32) {
    %c0_i32 = arith.constant 0 : i32
    %c0_i32_0 = arith.constant 0 : i32
    %c0_i32_1 = arith.constant 0 : i32
    return %c0_i32, %c0_i32_0 : i32, i32
  }
  func.func @transform_7(%arg0: i32) -> (i32, i32) {
    %c0_i32 = arith.constant 0 : i32
    %c0_i32_0 = arith.constant 0 : i32
    return %arg0, %c0_i32 : i32, i32
  }
}

module attributes {stable_mosaic.version = 14 : i64} {
  func.func @body(%arg0: i32, %arg1: memref<512x64xf32, #tpu.memory_space<vmem>>, %arg2: memref<2x512x64xf32, #tpu.memory_space<vmem>>, %arg3: memref<64x64xf32, #tpu.memory_space<vmem>>, %arg4: memref<1x64xf32, #tpu.memory_space<vmem>>, %arg5: memref<64x64xf32, #tpu.memory_space<vmem>>, %arg6: memref<1x64xf32, #tpu.memory_space<vmem>>, %arg7: memref<512x64xf32, #tpu.memory_space<vmem>>) attributes {dimension_semantics = [#tpu.dimension_semantics<arbitrary>], iteration_bounds = array<i64: 20>, scalar_prefetch = 0 : i64, scratch_operands = 0 : i64, tpu.core_type = #tpu.core_type<tc>, window_params = [{transform_indices = @transform_0, window_bounds = array<i64: 512, 64>}, {transform_indices = @transform_1, window_bounds = array<i64: 2, 512, 64>}, {pipeline_mode = #tpu.pipeline_mode<synchronous>, transform_indices = @transform_2, window_bounds = array<i64: 64, 64>}, {pipeline_mode = #tpu.pipeline_mode<synchronous>, transform_indices = @transform_3, window_bounds = array<i64: 1, 64>}, {pipeline_mode = #tpu.pipeline_mode<synchronous>, transform_indices = @transform_4, window_bounds = array<i64: 64, 64>}, {pipeline_mode = #tpu.pipeline_mode<synchronous>, transform_indices = @transform_5, window_bounds = array<i64: 1, 64>}, {transform_indices = @transform_6, window_bounds = array<i64: 512, 64>}]} {
    %get3A = arith.constant 0 : index
    %get3A_0 = arith.constant 0 : index
    %get3A_1 = arith.constant 0 : index
    %get3A_2 = vector.load %arg2[%get3A, %get3A_0, %get3A_1] : memref<2x512x64xf32, #tpu.memory_space<vmem>>, vector<1x512x64xf32>
    %get3A_3 = vector.shape_cast %get3A_2 : vector<1x512x64xf32> to vector<512x64xf32>
    %get3A_4 = arith.constant 1 : index
    %get3A_5 = arith.constant 0 : index
    %get3A_6 = arith.constant 0 : index
    %get3A_7 = vector.load %arg2[%get3A_4, %get3A_5, %get3A_6] : memref<2x512x64xf32, #tpu.memory_space<vmem>>, vector<1x512x64xf32>
    %get3A_8 = vector.shape_cast %get3A_7 : vector<1x512x64xf32> to vector<512x64xf32>
    %add3A = arith.addf %get3A_3, %get3A_8 : vector<512x64xf32>
    %get3A_9 = arith.constant 0 : index
    %get3A_10 = arith.constant 0 : index
    %get3A_11 = vector.load %arg1[%get3A_9, %get3A_10] : memref<512x64xf32, #tpu.memory_space<vmem>>, vector<512x64xf32>
    %add3A_12 = arith.addf %get3A_11, %add3A : vector<512x64xf32>
    %get3A_13 = arith.constant 0 : index
    %get3A_14 = arith.constant 0 : index
    %get3A_15 = vector.load %arg3[%get3A_13, %get3A_14] : memref<64x64xf32, #tpu.memory_space<vmem>>, vector<64x64xf32>
    %dot_general3A = arith.constant dense<0.000000e+00> : vector<512x64xf32>
    %dot_general3A_16 = tpu.matmul %add3A_12, %get3A_15, %dot_general3A {dimension_numbers = #tpu.dot_dimension_numbers<[1], [0], [0], [1], [0, 0, 1, 1], [], []>, precision = #tpu.contract_precision<fp32>, transpose_lhs_hint = false} : vector<512x64xf32>, vector<64x64xf32>, vector<512x64xf32> -> vector<512x64xf32>
    %get3A_17 = arith.constant 0 : index
    %get3A_18 = arith.constant 0 : index
    %get3A_19 = vector.load %arg4[%get3A_17, %get3A_18] : memref<1x64xf32, #tpu.memory_space<vmem>>, vector<1x64xf32>
    %add3A_20 = vector.broadcast %get3A_19 : vector<1x64xf32> to vector<512x64xf32>
    %add3A_21 = arith.addf %dot_general3A_16, %add3A_20 : vector<512x64xf32>
    %max3A = arith.constant 0.000000e+00 : f32
    %max3A_22 = vector.broadcast %max3A : f32 to vector<512x64xf32>
    %max3A_23 = arith.maximumf %add3A_21, %max3A_22 : vector<512x64xf32>
    %get3A_24 = arith.constant 0 : index
    %get3A_25 = arith.constant 0 : index
    %get3A_26 = vector.load %arg5[%get3A_24, %get3A_25] : memref<64x64xf32, #tpu.memory_space<vmem>>, vector<64x64xf32>
    %dot_general3A_27 = arith.constant dense<0.000000e+00> : vector<512x64xf32>
    %dot_general3A_28 = tpu.matmul %max3A_23, %get3A_26, %dot_general3A_27 {dimension_numbers = #tpu.dot_dimension_numbers<[1], [0], [0], [1], [0, 0, 1, 1], [], []>, precision = #tpu.contract_precision<fp32>, transpose_lhs_hint = false} : vector<512x64xf32>, vector<64x64xf32>, vector<512x64xf32> -> vector<512x64xf32>
    %get3A_29 = arith.constant 0 : index
    %get3A_30 = arith.constant 0 : index
    %get3A_31 = vector.load %arg6[%get3A_29, %get3A_30] : memref<1x64xf32, #tpu.memory_space<vmem>>, vector<1x64xf32>
    %add3A_32 = vector.broadcast %get3A_31 : vector<1x64xf32> to vector<512x64xf32>
    %add3A_33 = arith.addf %dot_general3A_28, %add3A_32 : vector<512x64xf32>
    %max3A_34 = arith.constant 0.000000e+00 : f32
    %max3A_35 = vector.broadcast %max3A_34 : f32 to vector<512x64xf32>
    %max3A_36 = arith.maximumf %add3A_33, %max3A_35 : vector<512x64xf32>
    %swap3A = arith.constant 0 : index
    %swap3A_37 = arith.constant 0 : index
    %swap3A_38 = vector.load %arg7[%swap3A, %swap3A_37] : memref<512x64xf32, #tpu.memory_space<vmem>>, vector<512x64xf32>
    tpu.vector_store %arg7[%swap3A, %swap3A_37], %max3A_36 {strides = array<i32>} : memref<512x64xf32, #tpu.memory_space<vmem>>, vector<512x64xf32>,
    return
  }
  func.func @transform_0(%arg0: i32) -> (i32, i32) {
    %c0_i32 = arith.constant 0 : i32
    %c0_i32_0 = arith.constant 0 : i32
    return %arg0, %c0_i32 : i32, i32
  }
  func.func @transform_1(%arg0: i32) -> (i32, i32, i32) {
    %c0_i32 = arith.constant 0 : i32
    %c0_i32_0 = arith.constant 0 : i32
    %c0_i32_1 = arith.constant 0 : i32
    return %c0_i32, %arg0, %c0_i32_0 : i32, i32, i32
  }
  func.func @transform_2(%arg0: i32) -> (i32, i32) {
    %c0_i32 = arith.constant 0 : i32
    %c0_i32_0 = arith.constant 0 : i32
    %c0_i32_1 = arith.constant 0 : i32
    return %c0_i32, %c0_i32_0 : i32, i32
  }
  func.func @transform_3(%arg0: i32) -> (i32, i32) {
    %c0_i32 = arith.constant 0 : i32
    %c0_i32_0 = arith.constant 0 : i32
    %c0_i32_1 = arith.constant 0 : i32
    return %c0_i32, %c0_i32_0 : i32, i32
  }
  func.func @transform_4(%arg0: i32) -> (i32, i32) {
    %c0_i32 = arith.constant 0 : i32
    %c0_i32_0 = arith.constant 0 : i32
    %c0_i32_1 = arith.constant 0 : i32
    return %c0_i32, %c0_i32_0 : i32, i32
  }
  func.func @transform_5(%arg0: i32) -> (i32, i32) {
    %c0_i32 = arith.constant 0 : i32
    %c0_i32_0 = arith.constant 0 : i32
    %c0_i32_1 = arith.constant 0 : i32
    return %c0_i32, %c0_i32_0 : i32, i32
  }
  func.func @transform_6(%arg0: i32) -> (i32, i32) {
    %c0_i32 = arith.constant 0 : i32
    %c0_i32_0 = arith.constant 0 : i32
    return %arg0, %c0_i32 : i32, i32
  }
}

</mosaic_0001>

<sc_bundles>
// kernel: kernel.13.cloned.1.call-start
scs
__scs_entry_jumppad:
0x0: {  	(pc) =	sbr.rel $0x88, $3  }
0x1: {  	(tag) =	ssettag $0x0;
	lr =	simm.s32 $0x1  }
0x2: {  	[smem:$0x3F8B] =	sst lr;
	_ =	strace $0xD0000000  }
0x3: {  	_ = 	snop  }
0x4: {  	_ = 	snop  }
0x5: {  	_ = 	snop  }
0x6: {  	_ = 	snop  }
0x7: {  	_ = 	snop  }
__scs_overlays_trampoline_lowered:
0x8: {  	[smem:$0x3F9A] =	sst s0  }
0x9: {  	[smem:$0x3F9B] =	sst s1  }
0xa: {  	[smem:$0x3F9C] =	sst s2  }
0xb: {  	[smem:$0x3F9D] =	sst s3  }
0xc: {  	[smem:$0x3F9E] =	sst s4  }
0xd: {  	[smem:$0x3F9F] =	sst s5  }
0xe: {  	[smem:$0x3FA0] =	sst s6  }
0xf: {  	[smem:$0x3FA1] =	sst s7  }
0x10: {  	[smem:$0x3FA2] =	sst s8  }
0x11: {  	[smem:$0x3FA3] =	sst s9;
	s0 =	simm.s32 @!p0 $0x0  }
0x12: {  	s1 =	sld [smem:$0x3F89];
	s0 =	simm.s32 @p0 $0x1  }
0x13: {  	[smem:$0x3FA4] =	sst s0;
	s0 =	simm.s32 @!p1 $0x0  }
0x14: {  	s2 =	sld [smem:$0x3F88];
	s0 =	simm.s32 @p1 $0x1  }
0x15: {  	[smem:$0x3FA5] =	sst s0;
	s0 =	simm.s32 @!p2 $0x0  }
0x16: {  	s3 =	sld [smem:$0x3FDB];
	s0 =	simm.s32 @p2 $0x1  }
0x17: {  	s4 =	simm.s32 $0x1BF5;
	[smem:$0x3FA7] =	sst s0  }
0x18: {  	s0 =	sld [smem:$0x3F8A];
	_ =	swait.ge [sflag:s4], $0x0  }
0x19: {  	s7 =	sld [smem:$0x3F8B]  }
0x1a: {  	s8 =	sadd.s32 $0xFFFFE003, lr  }
0x1b: {  	s9 =	sadd.s32 $0xFFFFFEF7, lr;
	s5 =	simm.s32 $0xFFFFFFFF;
	p2 =	slt.u32 s8, $0xFFFFF086  }
0x1c: {  	p1 =	slt.u32 s9, $0xF7A;
	s5 =	simm.s32 @!p2 $0x0  }
0x1d: {  	s5 =	simm.s32 @p1 $0x1;
	p0 =	seq.s32 s7, s2  }
0x1e: {  	s7 =	smul.u32 @!p0 $0xF7A, s2;
	p2 =	seq.s32 @!p0 s5, $0x0  }
0x1f: {  	s9 =	smul.u32 $0xF7A, s1;
	s8 =	simm.s32 @!p0 $0x1BF5;
	p2 =	por !p2, p0  }
0x20: {  	[sflag:s8] =	ssyncset.s32 @!p0 $0xFFFFF086;
	s6 =	sadd.s32 @!p0 s3, s7;
	s7 =	simm.s32 @!p0 $0x108  }
0x21: {  	s3 =	sadd.s32 s3, s9;
	s6 =	sadd.s32 @!p0 $0x88, s6;
	s7 =	simm.s32 @p2 $0x1082  }
0x22: {  	[simem:s7], [sflag:s8] =	dma.local @!p0 [hbm:s6], $0xF7A  }
0x23: {  	s9 =	sor.u32 $0xD0000000, s2;
	s6 =	simm.s32 $0x108;
	_ =	swait.ge @!p0 [sflag:s8], $0x0  }
0x24: {  	s3 =	sadd.s32 $0x88, s3;
	s6 =	simm.s32 @!p1 $0x1082;
	[sflag:s4] =	ssyncset.s32 $0xFFFFF086  }
0x25: {  	[simem:s6], [sflag:s4] =	dma.local [hbm:s3], $0xF7A  }
0x26: {  	[smem:$0x3F8B] =	sst s1;
	(tag) =	ssettag s2;
	_ =	strace s9  }
0x27: {  	s1 =	sld [smem:$0x3F9B]  }
0x28: {  	s2 =	sld [smem:$0x3F9C]  }
0x29: {  	s4 =	sld [smem:$0x3F9E]  }
0x2a: {  	p0 =	seq.s32 s5, $0x0;
	s5 =	sld [smem:$0x3F9F]  }
0x2b: {  	s6 =	sld [smem:$0x3FA0]  }
0x2c: {  	s7 =	sld [smem:$0x3FA1]  }
0x2d: {  	s3 =	simm.s32 $0x108;
	s8 =	sld [smem:$0x3FA2]  }
0x2e: {  	s3 =	simm.s32 @!p0 $0x1082;
	s9 =	sld [smem:$0x3FA3]  }
0x2f: {  	lr =	sadd.s32 s0, s3;
	s0 =	sld [smem:$0x3F9A]  }
0x30: {  	s3 =	sld [smem:$0x3F9D]  }
0x31: {  	[smem:$0x3FA6] =	sst s10  }
0x32: {  	s10 =	sld [smem:$0x3FA4];
	_ =	sdelay $0x3  }
0x33: {  	p0 =	seq.s32 s10, $0x1;
	s10 =	sld [smem:$0x3FA6];
	_ =	sdelay $0x3  }
0x34: {  	[smem:$0x3FA6] =	sst s10  }
0x35: {  	s10 =	sld [smem:$0x3FA5];
	_ =	sdelay $0x3  }
0x36: {  	p1 =	seq.s32 s10, $0x1;
	s10 =	sld [smem:$0x3FA6];
	_ =	sdelay $0x3  }
0x37: {  	[smem:$0x3FA6] =	sst s10  }
0x38: {  	s10 =	sld [smem:$0x3FA7]  }
0x39: {  	_ = 	snop;
	(pc) =	sbr.ind lr, $3  }
0x3a: {  	_ = 	snop  }
0x3b: {  	_ = 	snop  }
0x3c: {  	p2 =	seq.s32 s10, $0x1;
	s10 =	sld [smem:$0x3FA6]  }
0x3d: {  	_ =	shalt  }
0x3e: {  	_ =	shalt  }
0x3f: {  	_ =	shalt  }
0x40: {  	_ =	shalt  }
0x41: {  	_ =	shalt  }
0x42: {  	_ =	shalt  }
0x43: {  	_ =	shalt  }
0x44: {  	_ =	shalt  }
0x45: {  	_ =	shalt  }
0x46: {  	_ =	shalt  }
0x47: {  	_ =	shalt  }
0x48: {  	_ =	shalt  }
0x49: {  	_ =	shalt  }
0x4a: {  	_ =	shalt  }
0x4b: {  	_ =	shalt  }
0x4c: {  	_ =	shalt  }
0x4d: {  	_ =	shalt  }
0x4e: {  	_ =	shalt  }
0x4f: {  	_ =	shalt  }
0x50: {  	_ =	shalt  }
0x51: {  	_ =	shalt  }
0x52: {  	_ =	shalt  }
0x53: {  	_ =	shalt  }
0x54: {  	_ =	shalt  }
0x55: {  	_ =	shalt  }
0x56: {  	_ =	shalt  }
0x57: {  	_ =	shalt  }
0x58: {  	_ =	shalt  }
0x59: {  	_ =	shalt  }
0x5a: {  	_ =	shalt  }
0x5b: {  	_ =	shalt  }
0x5c: {  	_ =	shalt  }
0x5d: {  	_ =	shalt  }
0x5e: {  	_ =	shalt  }
0x5f: {  	_ =	shalt  }
0x60: {  	_ =	shalt  }
0x61: {  	_ =	shalt  }
0x62: {  	_ =	shalt  }
0x63: {  	_ =	shalt  }
0x64: {  	_ =	shalt  }
0x65: {  	_ =	shalt  }
0x66: {  	_ =	shalt  }
0x67: {  	_ =	shalt  }
0x68: {  	_ =	shalt  }
0x69: {  	_ =	shalt  }
0x6a: {  	_ =	shalt  }
0x6b: {  	_ =	shalt  }
0x6c: {  	_ =	shalt  }
0x6d: {  	_ =	shalt  }
0x6e: {  	_ =	shalt  }
0x6f: {  	_ =	shalt  }
0x70: {  	_ =	shalt  }
0x71: {  	_ =	shalt  }
0x72: {  	_ =	shalt  }
0x73: {  	_ =	shalt  }
0x74: {  	_ =	shalt  }
0x75: {  	_ =	shalt  }
0x76: {  	_ =	shalt  }
0x77: {  	_ =	shalt  }
0x78: {  	_ =	shalt  }
0x79: {  	_ =	shalt  }
0x7a: {  	_ =	shalt  }
0x7b: {  	_ =	shalt  }
0x7c: {  	_ =	shalt  }
0x7d: {  	_ =	shalt  }
0x7e: {  	_ =	shalt  }
0x7f: {  	_ =	shalt  }
0x80: {  	_ =	shalt  }
0x81: {  	_ =	shalt  }
0x82: {  	_ =	shalt  }
0x83: {  	_ =	shalt  }
0x84: {  	_ =	shalt  }
0x85: {  	_ =	shalt  }
0x86: {  	_ =	shalt  }
0x87: {  	_ =	shalt  }
.Lfunc_end0:
.L_simem_size_0:
called_computation_lowered:
.L_overlay_start_0:
0x88: {  	s2 =	sld [smem:$0x3FD9]  }
0x89: {  	s3 =	sld [smem:$0x3FFE];
	_ =	sdelay $0x1  }
0x8a: {  	s1 =	srdreg.scid  }
0x8b: {  	s0 =	sand.u32 $0x1, s1  }
0x8c: {  	s17 =	sshll.u32 s0, $0xA;
	s2 =	sadd.s32 s3, s2  }
0x8d: {  	s2 =	sadd.s32 s2, s17  }
0x8e: {  	[smem:$0x3FB2] =	sst s2  }
0x8f: {  	_ = 	snop  }
0x90: {  	s18 =	sld [smem:$0x3FD0];
	(tm) =	ssettm $0x1  }
0x91: {  	s19 =	sld [smem:$0x3FFB];
	_ =	sdelay $0x3  }
0x92: {  	_ =	strace s19  }
0x93: {  	s2 =	sld [smem:$0x3FFC];
	_ =	sdelay $0x3  }
0x94: {  	_ =	strace s2  }
0x95: {  	s2 =	sld [smem:$0x3FFD];
	_ =	sdelay $0x3  }
0x96: {  	_ =	strace s2  }
0x97: {  	_ =	strace $0x8FFFFFFF  }
0x98: {  	s20 =	sld [smem:$0x3FDB];
	_ =	sdelay $0x1  }
0x99: {  	s4 =	simm.s32 $_scs_section_size  }
0x9a: {  	s5 =	simm.s32 $_size__tile_overlayer_lowered;
	s6 =	simm.s32 $_tile_overlayer_lowered  }
0x9b: {  	s7 =	simm.s32 $0x1BFF;
	s21 =	sshll.u32 s6, $0x1;
	s4 =	sadd.s32 s4, s20  }
0x9c: {  	s22 =	simm.s32 $0x0;
	s5 =	sshll.u32 s5, $0x1;
	s6 =	sadd.s32 s21, s4  }
0x9d: {  	[timem:s22], [sflag:s7] =	dma.local [hbm:s6], s5  }
0x9e: {  	_ =	swait.ge [sflag:s7], s5  }
0x9f: {  	s5 =	ssub.s32 $0x0, s5;
	[sflag:s7] =	ssyncset.done $0x0  }
0xa0: {  	[sflag:s7] =	ssyncadd.s32 s5;
	_ =	sdelay $0x1  }
0xa1: {  	s23 =	simm.s32 $0x1B8B  }
0xa2: {  	_ =	swait.ge [sflag:s23], $0x1  }
0xa3: {  	[sflag:s23] =	ssyncset.done $0x0  }
0xa4: {  	[sflag:s23] =	ssyncadd.s32 $0xFFFFFFFF  }
0xa5: {  	s5 =	sld [smem:$0x0]  }
0xa6: {  	s6 =	sand.u32 $0xFFFFFFFE, s1  }
0xa7: {  	p0 =	sne.s32 s1, s6  }
0xa8: {  	s6 =	sshll.u32 @p0 s6, $0xE  }
0xa9: {  	s6 =	sadd.s32 @p0 $0x11B8D, s6;
	s7 =	sshll.u32 @p0 s5, $0x11  }
0xaa: {  	s6 =	sor.u32 @p0 s7, s6  }
0xab: {  	[sflag:s6] =	ssyncadd.remote.s32 @p0 $0x1;
	_ =	sdelay $0x1  }
0xac: {  	s6 =	simm.s32 @p0 $0x1B8D  }
0xad: {  	_ =	swait.eq @p0 [sflag:s6], $0x1  }
0xae: {  	[sflag:s6] =	ssyncadd.s32 @p0 $0xFFFFFFFF  }
0xaf: {  	s7 =	sshll.u32 @!p0 s1, $0xE  }
0xb0: {  	s7 =	sor.u32 @!p0 $0x4000, s7;
	s6 =	simm.s32 @!p0 $0x1B8D  }
0xb1: {  	s5 =	sshll.u32 @!p0 s5, $0x11;
	s7 =	sadd.s32 @!p0 $0x11B8D, s7;
	_ =	swait.eq @!p0 [sflag:s6], $0x1  }
0xb2: {  	s5 =	sor.u32 @!p0 s5, s7;
	[sflag:s6] =	ssyncadd.s32 @!p0 $0xFFFFFFFF  }
0xb3: {  	s25 =	simm.s32 $0x1B8E;
	s24 =	sld [smem:$0x3FFE];
	[sflag:s5] =	ssyncadd.remote.s32 @!p0 $0x1  }
0xb4: {  	s26 =	simm.s32 $execute0_lowered;
	[smem:$0x3FD2] =	sst s25  }
0xb5: {  	s6 =	sshll.u32 s26, $0x1;
	_ =	strace $0x80000049;
	[dreg:$0x1] =	wrdreg $0xFFFFFFFF  }
0xb6: {  	s28 =	simm.s32 $_size_execute0_lowered;
	s4 =	sadd.s32 s4, s6;
	[dreg:$0x0] =	wrdreg $0x0  }
0xb7: {  	s6 =	sshll.u32 s28, $0x1;
	[dreg:$0x2] =	wrdreg s4  }
0xb8: {  	[dreg:$0x3] =	wrdreg s6  }
0xb9: {  	[dreg:$0x4] =	wrdreg $0xC0  }
0xba: {  	_ =	task [dreg:s22], $0x5FFFF  }
0xbb: {  	[dreg:$0x1] =	wrdreg $0xFFFFFFFF  }
0xbc: {  	[dreg:$0x0] =	wrdreg $0x60  }
0xbd: {  	[dreg:$0x2] =	wrdreg s18  }
0xbe: {  	[dreg:$0x3] =	wrdreg s24  }
0xbf: {  	[dreg:$0x4] =	wrdreg $0xF0000  }
0xc0: {  	[dreg:$0x5] =	wrdreg $0x9  }
0xc1: {  	_ =	task.clear_ibuf [dreg:s22], $0x6FFFF;
	_ =	strace $0x90000049  }
0xc2: {  	s29 =	simm.s32 $0x9;
	_ =	strace $0x8000004B  }
0xc3: {  	_ =	swait.ge [sflag:s29], $0x1  }
0xc4: {  	[sflag:s29] =	ssyncadd.s32 $0xFFFFFFFF  }
0xc5: {  	_ =	strace $0x9000004B  }
0xc6: {  	_ =	sfence  }
0xc7: {  	s30 =	sld [smem:$0x0];
	_ =	sdelay $0x2  }
0xc8: {  	s31 =	sshll.u32 s1, $0xD;
	s1 =	sshrl.u32 s1, $0x2  }
0xc9: {  	s4 =	sand.u32 $0x4000, s31;
	s1 =	sadd.s32 s1, s30  }
0xca: {  	s0 =	sor.u32 s4, s0;
	s1 =	sshll.u32 s1, $0x11  }
0xcb: {  	s0 =	sor.u32 s1, s0  }
0xcc: {  	s0 =	sadd.s32 $0x8F2B, s0  }
0xcd: {  	[sflag:s0] =	ssyncadd.remote.s32 $0x1  }
0xce: {  	_ =	sfence.sel $0xFFFF  }
0xcf: {  	[dreg:$0x0] =	wrdreg $0xFFFFFFFF;
	(pc) =	sbr.abs _section_cstart, $3  }
0xd0: {  	[dreg:$0x1] =	wrdreg $0xFFFFFFFF  }
0xd1: {  	_ =	task.clear_ibuf [dreg:s22], $0x2FFFF;
	_ =	strace $0x9FFFFFFF  }
0xd2: {  	(tm) =	ssettm $0x7FFFFFFF  }
0xd3: {  	_ =	shalt  }
tec
execute0_lowered:
.L_overlay_start_1:
0x0: {  	(tag) =	ssettag $0x1  }
0x1: {  	s2 =	rddreg [dreg:$0x0]  }
0x2: {  	s0 =	rddreg [dreg:$0x1]  }
0x3: {  	s1 =	srdreg.scid;
	s3 =	rddreg [dreg:$0x2]  }
0x4: {  	s8 =	stileid.u32;
	s4 =	simm.s32 $0x0;
	s14 =	simm.s32 $0xD000  }
0x5: {  	s15 =	simm.s32 $0x9;
	s17 =	simm.s32 $0x80;
	s18 =	simm.s32 $0x5000  }
0x6: {  	s19 =	simm.s32 $0x7000;
	s21 =	simm.s32 $0x9000;
	s23 =	simm.s32 $0xB000  }
0x7: {  	s28 =	simm.s32 $0x4;
	s29 =	simm.s32 $0x5;
	s30 =	simm.s32 $0x6  }
0x8: {  	s31 =	simm.s32 $0x7;
	s22 =	simm.s32 $0x4F80;
	s1 =	sand.u32 $0x1, s1  }
0x9: {  	s6 =	smul.u32 $0xA000, s8;
	[smem:$0x7FF] =	sst s4;
	s5 =	sshll.u32 s1, $0x4  }
0xa: {  	s7 =	smul.u32 $0xA0000, s1;
	_ =	strace $0x8000004A;
	s1 =	ssub.s32 $0x2, s1  }
0xb: {  	s5 =	sor.u32 s8, s5;
	s8 =	smul.u32 $0x28000, s8;
	s25 =	sshrl.u32 s1, $0x1  }
0xc: {  	s5 =	smul.u32 $0x500, s5;
	s7 =	sadd.s32 s6, s7;
	s1 =	ssub.s32 s1, s25  }
0xd: {  	s25 =	simm.s32 $0x2;
	s24 =	sshrl.u32 s7, $0x3;
	s26 =	sshrl.u32 s8, $0x2  }
0xe: {  	s13 =	smax.u32 s1, $0x1;
	s11 =	sadd.s32 s5, s0;
	s0 =	sadd.s32 s24, s0  }
0xf: {  	s5 =	sadd.s32 s6, s3;
	s9 =	sadd.s32 s26, s3;
	s24 =	simm.s32 $0x1  }
0x10: {  	s26 =	simm.s32 $0x3;
	s6 =	sadd.s32 $0x2000, s9;
	s7 =	sadd.s32 $0x4000, s9  }
0x11: {  	s8 =	sadd.s32 $0x6000, s9;
	s9 =	sadd.s32 $0x8000, s9;
	s10 =	sadd.s32 $0x17800, s11  }
0x12: {  	v0 =	vimm.f32 $0.0e+00;
	s11 =	sadd.s32 $0x21800, s11;
	s12 =	sadd.s32 $0x53800, s0;
	s0 =	simm.s32 $0x8  }
.LBB2_1:
0x13: {  	s16 =	simm.s32 $0x100;
	s1 =	simm.s32 $0x0  }
.LBB2_2:
0x14: {  	p0 =	sne.s32 s16, $0x7F00;
	[tilespmem:s1+$0xD030] =	vst v0;
	s20 =	smov.u32 s16;
	s16 =	sadd.s32 $0x100, s16  }
.Ltmp0:
0x15: {  	[tilespmem:s1+$0xD020] =	vst v0;
	(pc) =	sbr.rel @p0 .LBB2_2-.Ltmp0, $3  }
0x16: {  	[tilespmem:s1+$0xD000] =	vst v0  }
0x17: {  	[tilespmem:s1+$0xD010] =	vst v0;
	_ =	sdelay $0x1  }
0x18: {  	s1 =	sshra.s32 s20, $0x2  }
0x19: {  	[tilespmem:s1+$0xD030] =	vst v0  }
0x1a: {  	[tilespmem:s1+$0xD020] =	vst v0  }
0x1b: {  	[tilespmem:s1+$0xD000] =	vst v0  }
0x1c: {  	[tilespmem:s1+$0xD010] =	vst v0  }
0x1d: {  	[spmem:s5] =	stream.linear.scatter [tilespmem:s14], [sflag:$0x9], $0x2000, $0x38;
	[tilespmem:$0x19000] =	vst v63  }
0x1e: {  	_ =	swait.ge [sflag:s15], $0x2000  }
0x1f: {  	[sflag:s15] =	ssyncset.done $0x0  }
0x20: {  	[sflag:s15] =	ssyncadd.s32 $0xFFFFE000  }
0x21: {  	[spmem:s6] =	stream.linear.scatter [tilespmem:s14], [sflag:$0x9], $0x2000, $0x38;
	[tilespmem:$0x19000] =	vst v63  }
0x22: {  	_ =	swait.ge [sflag:s15], $0x2000  }
0x23: {  	[sflag:s15] =	ssyncset.done $0x0  }
0x24: {  	[sflag:s15] =	ssyncadd.s32 $0xFFFFE000  }
0x25: {  	[spmem:s7] =	stream.linear.scatter [tilespmem:s14], [sflag:$0x9], $0x2000, $0x38;
	[tilespmem:$0x19000] =	vst v63  }
0x26: {  	_ =	swait.ge [sflag:s15], $0x2000  }
0x27: {  	[sflag:s15] =	ssyncset.done $0x0  }
0x28: {  	[sflag:s15] =	ssyncadd.s32 $0xFFFFE000  }
0x29: {  	[spmem:s8] =	stream.linear.scatter [tilespmem:s14], [sflag:$0x9], $0x2000, $0x38;
	[tilespmem:$0x19000] =	vst v63  }
0x2a: {  	_ =	swait.ge [sflag:s15], $0x2000  }
0x2b: {  	[sflag:s15] =	ssyncset.done $0x0  }
0x2c: {  	[sflag:s15] =	ssyncadd.s32 $0xFFFFE000  }
0x2d: {  	[spmem:s9] =	stream.linear.scatter [tilespmem:s14], [sflag:$0x9], $0x2000, $0x38;
	[tilespmem:$0x19000] =	vst v63  }
0x2e: {  	_ =	swait.ge [sflag:s15], $0x2000  }
0x2f: {  	[sflag:s15] =	ssyncset.done $0x0  }
0x30: {  	[sflag:s15] =	ssyncadd.s32 $0xFFFFE000  }
0x31: {  	s20 =	simm.s32 $0x0;
	[bflag:$0x0] =	sbarrier.arrive $0xFFFF  }
0x32: {  	[tilespmem:s20], [sflag:$0x9] =	stream.linear.gather [hbm4b:s10+s20], $0x2800, $0x38;
	[tilespmem:$0x19000] =	vst v63  }
0x33: {  	_ =	swait.ge [sflag:s15], $0x2800  }
0x34: {  	[sflag:s15] =	ssyncset.done $0x0  }
0x35: {  	s16 =	simm.s32 $0x2800;
	[sflag:s15] =	ssyncadd.s32 $0xFFFFD800  }
0x36: {  	[tilespmem:s16], [sflag:$0x9] =	stream.linear.gather [hbm4b:s11+s20], $0x2800, $0x38;
	[tilespmem:$0x19000] =	vst v63  }
0x37: {  	_ =	swait.ge [sflag:s15], $0x2800  }
0x38: {  	[sflag:s15] =	ssyncset.done $0x0  }
0x39: {  	[sflag:s15] =	ssyncadd.s32 $0xFFFFD800  }
0x3a: {  	[tilespmem:s18], [sflag:$0x1] =	stream.indirect.gather [hbm4b:s2+s17], $0x40, s20, s17, $0xb8;
	[tilespmem:$0x19000] =	vst v63  }
0x3b: {  	_ = 	snop  }
0x3c: {  	[tilespmem:s19], [sflag:$0x2] =	stream.indirect.gather [hbm4b:s2+s17], $0x40, s17, s17, $0xb8;
	[tilespmem:$0x19000] =	vst v63  }
0x3d: {  	s20 =	simm.s32 $0x100  }
0x3e: {  	[tilespmem:s21], [sflag:$0x3] =	stream.indirect.gather [hbm4b:s2+s17], $0x40, s20, s17, $0xb8;
	[tilespmem:$0x19000] =	vst v63  }
0x3f: {  	s16 =	simm.s32 $0x180  }
0x40: {  	[tilespmem:s23], [sflag:$0x4] =	stream.indirect.gather [hbm4b:s2+s17], $0x40, s16, s17, $0xb8;
	[tilespmem:$0x19000] =	vst v63  }
0x41: {  	_ =	swait.ge [sflag:s24], $0x2000  }
0x42: {  	[sflag:s24] =	ssyncset.done $0x0  }
0x43: {  	s20 =	simm.s32 $0x2800;
	[sflag:s24] =	ssyncadd.s32 $0xFFFFE000  }
0x44: {  	[spmem:s3] =	stream.indirect.scatter.add.f32 [tilespmem:s18], [sflag:$0x5], $0x40, s20, s17, $0xb8;
	[tilespmem:$0x19000] =	vst v63  }
0x45: {  	_ =	swait.ge [sflag:s25], $0x2000  }
0x46: {  	[sflag:s25] =	ssyncset.done $0x0  }
0x47: {  	s16 =	simm.s32 $0x2880;
	[sflag:s25] =	ssyncadd.s32 $0xFFFFE000  }
0x48: {  	[spmem:s3] =	stream.indirect.scatter.add.f32 [tilespmem:s19], [sflag:$0x6], $0x40, s16, s17, $0xb8;
	[tilespmem:$0x19000] =	vst v63  }
0x49: {  	_ =	swait.ge [sflag:s26], $0x2000  }
0x4a: {  	[sflag:s26] =	ssyncset.done $0x0  }
0x4b: {  	s20 =	simm.s32 $0x2900;
	[sflag:s26] =	ssyncadd.s32 $0xFFFFE000  }
0x4c: {  	[spmem:s3] =	stream.indirect.scatter.add.f32 [tilespmem:s21], [sflag:$0x7], $0x40, s20, s17, $0xb8;
	[tilespmem:$0x19000] =	vst v63  }
0x4d: {  	_ =	swait.ge [sflag:s28], $0x2000  }
0x4e: {  	[sflag:s28] =	ssyncset.done $0x0  }
0x4f: {  	s16 =	simm.s32 $0x2980;
	[sflag:s28] =	ssyncadd.s32 $0xFFFFE000  }
0x50: {  	[spmem:s3] =	stream.indirect.scatter.add.f32 [tilespmem:s23], [sflag:$0x8], $0x40, s16, s17, $0xb8;
	[tilespmem:$0x19000] =	vst v63  }
0x51: {  	_ =	swait.ge [sflag:s29], $0x2000  }
0x52: {  	[sflag:s29] =	ssyncset.done $0x0  }
0x53: {  	s20 =	simm.s32 $0x200;
	[sflag:s29] =	ssyncadd.s32 $0xFFFFE000  }
0x54: {  	[tilespmem:s18], [sflag:$0x1] =	stream.indirect.gather [hbm4b:s2+s17], $0x40, s20, s17, $0xb8;
	[tilespmem:$0x19000] =	vst v63  }
0x55: {  	_ =	swait.ge [sflag:s30], $0x2000  }
0x56: {  	[sflag:s30] =	ssyncset.done $0x0  }
0x57: {  	s16 =	simm.s32 $0x280;
	[sflag:s30] =	ssyncadd.s32 $0xFFFFE000  }
0x58: {  	[tilespmem:s19], [sflag:$0x2] =	stream.indirect.gather [hbm4b:s2+s17], $0x40, s16, s17, $0xb8;
	[tilespmem:$0x19000] =	vst v63  }
0x59: {  	_ =	swait.ge [sflag:s31], $0x2000  }
0x5a: {  	[sflag:s31] =	ssyncset.done $0x0  }
0x5b: {  	s20 =	simm.s32 $0x300;
	[sflag:s31] =	ssyncadd.s32 $0xFFFFE000  }
0x5c: {  	[tilespmem:s21], [sflag:$0x3] =	stream.indirect.gather [hbm4b:s2+s17], $0x40, s20, s17, $0xb8;
	[tilespmem:$0x19000] =	vst v63  }
0x5d: {  	_ =	swait.ge [sflag:s0], $0x2000  }
0x5e: {  	[sflag:s0] =	ssyncset.done $0x0  }
0x5f: {  	s1 =	simm.s32 $0x800;
	s16 =	simm.s32 $0x380;
	[sflag:s0] =	ssyncadd.s32 $0xFFFFE000  }
.LBB2_4:
0x60: {  	[tilespmem:s23], [sflag:$0x4] =	stream.indirect.gather [hbm4b:s2+s17], $0x40, s16, s17, $0xb8;
	[tilespmem:$0x19000] =	vst v63  }
0x61: {  	s16 =	smov.u32 s1  }
0x62: {  	p0 =	sne.s32 s1, $0x9000;
	s1 =	sadd.s32 $0x800, s1;
	_ =	swait.ge [sflag:s24], $0x2000  }
0x63: {  	s16 =	sshra.s32 s16, $0x2;
	[sflag:s24] =	ssyncset.done $0x0  }
0x64: {  	s20 =	sadd.s32 $0x2800, s16;
	[sflag:s24] =	ssyncadd.s32 $0xFFFFE000  }
0x65: {  	[spmem:s3] =	stream.indirect.scatter.add.f32 [tilespmem:s18], [sflag:$0x5], $0x40, s20, s17, $0xb8;
	[tilespmem:$0x19000] =	vst v63  }
0x66: {  	_ =	swait.ge [sflag:s25], $0x2000  }
0x67: {  	[sflag:s25] =	ssyncset.done $0x0  }
0x68: {  	s20 =	sadd.s32 $0x2880, s16;
	[sflag:s25] =	ssyncadd.s32 $0xFFFFE000  }
0x69: {  	[spmem:s3] =	stream.indirect.scatter.add.f32 [tilespmem:s19], [sflag:$0x6], $0x40, s20, s17, $0xb8;
	[tilespmem:$0x19000] =	vst v63  }
0x6a: {  	_ =	swait.ge [sflag:s26], $0x2000  }
0x6b: {  	[sflag:s26] =	ssyncset.done $0x0  }
0x6c: {  	s20 =	sadd.s32 $0x2900, s16;
	[sflag:s26] =	ssyncadd.s32 $0xFFFFE000  }
0x6d: {  	[spmem:s3] =	stream.indirect.scatter.add.f32 [tilespmem:s21], [sflag:$0x7], $0x40, s20, s17, $0xb8;
	[tilespmem:$0x19000] =	vst v63  }
0x6e: {  	_ =	swait.ge [sflag:s28], $0x2000  }
0x6f: {  	[sflag:s28] =	ssyncset.done $0x0  }
0x70: {  	s20 =	sadd.s32 $0x2980, s16;
	[sflag:s28] =	ssyncadd.s32 $0xFFFFE000  }
0x71: {  	[spmem:s3] =	stream.indirect.scatter.add.f32 [tilespmem:s23], [sflag:$0x8], $0x40, s20, s17, $0xb8;
	[tilespmem:$0x19000] =	vst v63  }
0x72: {  	_ =	swait.ge [sflag:s29], $0x2000  }
0x73: {  	[sflag:s29] =	ssyncset.done $0x0  }
0x74: {  	s20 =	sadd.s32 $0x200, s16;
	[sflag:s29] =	ssyncadd.s32 $0xFFFFE000  }
0x75: {  	[tilespmem:s18], [sflag:$0x1] =	stream.indirect.gather [hbm4b:s2+s17], $0x40, s20, s17, $0xb8;
	[tilespmem:$0x19000] =	vst v63  }
0x76: {  	_ =	swait.ge [sflag:s30], $0x2000  }
0x77: {  	[sflag:s30] =	ssyncset.done $0x0  }
0x78: {  	s20 =	sadd.s32 $0x280, s16;
	[sflag:s30] =	ssyncadd.s32 $0xFFFFE000  }
0x79: {  	[tilespmem:s19], [sflag:$0x2] =	stream.indirect.gather [hbm4b:s2+s17], $0x40, s20, s17, $0xb8;
	[tilespmem:$0x19000] =	vst v63  }
0x7a: {  	_ =	swait.ge [sflag:s31], $0x2000  }
0x7b: {  	[sflag:s31] =	ssyncset.done $0x0  }
.Ltmp1:
0x7c: {  	s20 =	sadd.s32 $0x300, s16;
	[sflag:s31] =	ssyncadd.s32 $0xFFFFE000;
	(pc) =	sbr.rel @p0 .LBB2_4-.Ltmp1, $4  }
0x7d: {  	[tilespmem:s21], [sflag:$0x3] =	stream.indirect.gather [hbm4b:s2+s17], $0x40, s20, s17, $0xb8;
	[tilespmem:$0x19000] =	vst v63  }
0x7e: {  	_ =	swait.ge [sflag:s0], $0x2000  }
0x7f: {  	[sflag:s0] =	ssyncset.done $0x0  }
0x80: {  	s16 =	sadd.s32 $0x380, s16;
	[sflag:s0] =	ssyncadd.s32 $0xFFFFE000  }
0x81: {  	[tilespmem:s23], [sflag:$0x4] =	stream.indirect.gather [hbm4b:s2+s17], $0x40, s16, s17, $0xb8;
	[tilespmem:$0x19000] =	vst v63  }
0x82: {  	_ =	swait.ge [sflag:s24], $0x2000  }
0x83: {  	[sflag:s24] =	ssyncset.done $0x0  }
0x84: {  	s1 =	simm.s32 $0x4E00;
	[sflag:s24] =	ssyncadd.s32 $0xFFFFE000  }
0x85: {  	[spmem:s3] =	stream.indirect.scatter.add.f32 [tilespmem:s18], [sflag:$0x5], $0x40, s1, s17, $0xb8;
	[tilespmem:$0x19000] =	vst v63  }
0x86: {  	_ =	swait.ge [sflag:s25], $0x2000  }
0x87: {  	[sflag:s25] =	ssyncset.done $0x0  }
0x88: {  	s16 =	simm.s32 $0x4E80;
	[sflag:s25] =	ssyncadd.s32 $0xFFFFE000  }
0x89: {  	[spmem:s3] =	stream.indirect.scatter.add.f32 [tilespmem:s19], [sflag:$0x6], $0x40, s16, s17, $0xb8;
	[tilespmem:$0x19000] =	vst v63  }
0x8a: {  	_ =	swait.ge [sflag:s26], $0x2000  }
0x8b: {  	[sflag:s26] =	ssyncset.done $0x0  }
0x8c: {  	s20 =	simm.s32 $0x4F00;
	[sflag:s26] =	ssyncadd.s32 $0xFFFFE000  }
0x8d: {  	[spmem:s3] =	stream.indirect.scatter.add.f32 [tilespmem:s21], [sflag:$0x7], $0x40, s20, s17, $0xb8;
	[tilespmem:$0x19000] =	vst v63  }
0x8e: {  	_ =	swait.ge [sflag:s28], $0x2000  }
0x8f: {  	[sflag:s28] =	ssyncset.done $0x0  }
0x90: {  	[sflag:s28] =	ssyncadd.s32 $0xFFFFE000  }
0x91: {  	[spmem:s3] =	stream.indirect.scatter.add.f32 [tilespmem:s23], [sflag:$0x8], $0x40, s22, s17, $0xb8;
	[tilespmem:$0x19000] =	vst v63  }
0x92: {  	_ =	swait.ge [sflag:s29], $0x2000  }
0x93: {  	[sflag:s29] =	ssyncset.done $0x0  }
0x94: {  	[sflag:s29] =	ssyncadd.s32 $0xFFFFE000  }
0x95: {  	_ =	swait.ge [sflag:s30], $0x2000  }
0x96: {  	[sflag:s30] =	ssyncset.done $0x0  }
0x97: {  	[sflag:s30] =	ssyncadd.s32 $0xFFFFE000  }
0x98: {  	_ =	swait.ge [sflag:s31], $0x2000  }
0x99: {  	[sflag:s31] =	ssyncset.done $0x0  }
0x9a: {  	[sflag:s31] =	ssyncadd.s32 $0xFFFFE000  }
0x9b: {  	s16 =	stileid.u32;
	_ =	swait.ge [sflag:s0], $0x2000  }
0x9c: {  	s4 =	sadd.s32 $0x1, s4;
	s1 =	sshll.u32 s16, $0x6;
	[sflag:s0] =	ssyncset.done $0x0  }
0x9d: {  	p0 =	sne.s32 s4, s13;
	s1 =	sor.u32 $0x1C09, s1;
	[sflag:s0] =	ssyncadd.s32 $0xFFFFE000  }
.Ltmp2:
0x9e: {  	s20 =	sshrl.u32 s5, $0x3;
	[bflag:$0x0] =	sbarrier.arrive $0xFFFF;
	(pc) =	sbr.rel @p0 .LBB2_1-.Ltmp2, $4  }
0x9f: {  	[hbm:s12], [sflag:s1] =	dma.local [spmem:s20], $0x1400  }
0xa0: {  	_ =	swait.ge [sflag:s15], $0x1400  }
0xa1: {  	[sflag:s15] =	ssyncset.done $0x0  }
0xa2: {  	[sflag:s15] =	ssyncadd.s32 $0xFFFFEC00  }
0xa3: {  	_ =	sfence.sel $0x180000  }
0xa4: {  	[bflag:$0x0] =	sbarrier.arrive $0xFFFF  }
0xa5: {  	_ =	strace $0x9000004A  }
0xa6: {  	s0 =	stileid.u32;
	[bflag:$0x2] =	sbarrier.arrive $0xFFFF  }
0xa7: {  	p0 =	sne.s32 s0, $0x0;
	s0 =	rddreg [dreg:$0x3]  }
0xa8: {  	s0 =	sadd.s32 @!p0 $0x100000, s0  }
0xa9: {  	[sflag:s0] =	ssyncadd.tile.s32 @!p0 $0x1;
	_ =	shalt  }
.Lfunc_end2:
_tile_overlayer_lowered:
.L_overlay_start_2:
0xaa: {  	(tag) =	ssettag $0x2  }
0xab: {  	s0 =	rddreg [dreg:$0x0];
	s2 =	stileid.u32  }
0xac: {  	s1 =	rddreg [dreg:$0x1];
	p0 =	sne.s32 s2, $0x0  }
0xad: {  	s3 =	rddreg [dreg:$0x2];
	[bflag:$0x3] =	sbarrier.arrive $0xFFFF;
	s2 =	simm.s32 @!p0 $0x1C09  }
0xae: {  	[timem:s3], [sflag:s2] =	dma.local @!p0 [hbm:s0], s1  }
0xaf: {  	s0 =	simm.s32 @!p0 $0x9  }
0xb0: {  	_ =	swait.ge @!p0 [sflag:s0], s1  }
0xb1: {  	s1 =	ssub.s32 @!p0 $0x0, s1;
	[sflag:s0] =	ssyncset.done @!p0 $0x0  }
0xb2: {  	[sflag:s0] =	ssyncadd.s32 @!p0 s1  }
0xb3: {  	[bflag:$0x3] =	sbarrier.arrive $0xFFFF  }
0xb4: {  	_ =	shalt  }

// kernel: kernel.16.cloned.1.call-start
scs
__scs_entry_jumppad:
0x0: {  	(pc) =	sbr.rel $0x88, $3  }
0x1: {  	(tag) =	ssettag $0x0;
	lr =	simm.s32 $0x1  }
0x2: {  	[smem:$0x3F8B] =	sst lr;
	_ =	strace $0xD0000000  }
0x3: {  	_ = 	snop  }
0x4: {  	_ = 	snop  }
0x5: {  	_ = 	snop  }
0x6: {  	_ = 	snop  }
0x7: {  	_ = 	snop  }
__scs_overlays_trampoline_lowered:
0x8: {  	[smem:$0x3F9A] =	sst s0  }
0x9: {  	[smem:$0x3F9B] =	sst s1  }
0xa: {  	[smem:$0x3F9C] =	sst s2  }
0xb: {  	[smem:$0x3F9D] =	sst s3  }
0xc: {  	[smem:$0x3F9E] =	sst s4  }
0xd: {  	[smem:$0x3F9F] =	sst s5  }
0xe: {  	[smem:$0x3FA0] =	sst s6  }
0xf: {  	[smem:$0x3FA1] =	sst s7  }
0x10: {  	[smem:$0x3FA2] =	sst s8  }
0x11: {  	[smem:$0x3FA3] =	sst s9;
	s0 =	simm.s32 @!p0 $0x0  }
0x12: {  	s1 =	sld [smem:$0x3F89];
	s0 =	simm.s32 @p0 $0x1  }
0x13: {  	[smem:$0x3FA4] =	sst s0;
	s0 =	simm.s32 @!p1 $0x0  }
0x14: {  	s2 =	sld [smem:$0x3F88];
	s0 =	simm.s32 @p1 $0x1  }
0x15: {  	[smem:$0x3FA5] =	sst s0;
	s0 =	simm.s32 @!p2 $0x0  }
0x16: {  	s3 =	sld [smem:$0x3FDB];
	s0 =	simm.s32 @p2 $0x1  }
0x17: {  	s4 =	simm.s32 $0x1BF5;
	[smem:$0x3FA7] =	sst s0  }
0x18: {  	s0 =	sld [smem:$0x3F8A];
	_ =	swait.ge [sflag:s4], $0x0  }
0x19: {  	s7 =	sld [smem:$0x3F8B]  }
0x1a: {  	s8 =	sadd.s32 $0xFFFFE003, lr  }
0x1b: {  	s9 =	sadd.s32 $0xFFFFFEF7, lr;
	s5 =	simm.s32 $0xFFFFFFFF;
	p2 =	slt.u32 s8, $0xFFFFF086  }
0x1c: {  	p1 =	slt.u32 s9, $0xF7A;
	s5 =	simm.s32 @!p2 $0x0  }
0x1d: {  	s5 =	simm.s32 @p1 $0x1;
	p0 =	seq.s32 s7, s2  }
0x1e: {  	s7 =	smul.u32 @!p0 $0xF7A, s2;
	p2 =	seq.s32 @!p0 s5, $0x0  }
0x1f: {  	s9 =	smul.u32 $0xF7A, s1;
	s8 =	simm.s32 @!p0 $0x1BF5;
	p2 =	por !p2, p0  }
0x20: {  	[sflag:s8] =	ssyncset.s32 @!p0 $0xFFFFF086;
	s6 =	sadd.s32 @!p0 s3, s7;
	s7 =	simm.s32 @!p0 $0x108  }
0x21: {  	s3 =	sadd.s32 s3, s9;
	s6 =	sadd.s32 @!p0 $0x88, s6;
	s7 =	simm.s32 @p2 $0x1082  }
0x22: {  	[simem:s7], [sflag:s8] =	dma.local @!p0 [hbm:s6], $0xF7A  }
0x23: {  	s9 =	sor.u32 $0xD0000000, s2;
	s6 =	simm.s32 $0x108;
	_ =	swait.ge @!p0 [sflag:s8], $0x0  }
0x24: {  	s3 =	sadd.s32 $0x88, s3;
	s6 =	simm.s32 @!p1 $0x1082;
	[sflag:s4] =	ssyncset.s32 $0xFFFFF086  }
0x25: {  	[simem:s6], [sflag:s4] =	dma.local [hbm:s3], $0xF7A  }
0x26: {  	[smem:$0x3F8B] =	sst s1;
	(tag) =	ssettag s2;
	_ =	strace s9  }
0x27: {  	s1 =	sld [smem:$0x3F9B]  }
0x28: {  	s2 =	sld [smem:$0x3F9C]  }
0x29: {  	s4 =	sld [smem:$0x3F9E]  }
0x2a: {  	p0 =	seq.s32 s5, $0x0;
	s5 =	sld [smem:$0x3F9F]  }
0x2b: {  	s6 =	sld [smem:$0x3FA0]  }
0x2c: {  	s7 =	sld [smem:$0x3FA1]  }
0x2d: {  	s3 =	simm.s32 $0x108;
	s8 =	sld [smem:$0x3FA2]  }
0x2e: {  	s3 =	simm.s32 @!p0 $0x1082;
	s9 =	sld [smem:$0x3FA3]  }
0x2f: {  	lr =	sadd.s32 s0, s3;
	s0 =	sld [smem:$0x3F9A]  }
0x30: {  	s3 =	sld [smem:$0x3F9D]  }
0x31: {  	[smem:$0x3FA6] =	sst s10  }
0x32: {  	s10 =	sld [smem:$0x3FA4];
	_ =	sdelay $0x3  }
0x33: {  	p0 =	seq.s32 s10, $0x1;
	s10 =	sld [smem:$0x3FA6];
	_ =	sdelay $0x3  }
0x34: {  	[smem:$0x3FA6] =	sst s10  }
0x35: {  	s10 =	sld [smem:$0x3FA5];
	_ =	sdelay $0x3  }
0x36: {  	p1 =	seq.s32 s10, $0x1;
	s10 =	sld [smem:$0x3FA6];
	_ =	sdelay $0x3  }
0x37: {  	[smem:$0x3FA6] =	sst s10  }
0x38: {  	s10 =	sld [smem:$0x3FA7]  }
0x39: {  	_ = 	snop;
	(pc) =	sbr.ind lr, $3  }
0x3a: {  	_ = 	snop  }
0x3b: {  	_ = 	snop  }
0x3c: {  	p2 =	seq.s32 s10, $0x1;
	s10 =	sld [smem:$0x3FA6]  }
0x3d: {  	_ =	shalt  }
0x3e: {  	_ =	shalt  }
0x3f: {  	_ =	shalt  }
0x40: {  	_ =	shalt  }
0x41: {  	_ =	shalt  }
0x42: {  	_ =	shalt  }
0x43: {  	_ =	shalt  }
0x44: {  	_ =	shalt  }
0x45: {  	_ =	shalt  }
0x46: {  	_ =	shalt  }
0x47: {  	_ =	shalt  }
0x48: {  	_ =	shalt  }
0x49: {  	_ =	shalt  }
0x4a: {  	_ =	shalt  }
0x4b: {  	_ =	shalt  }
0x4c: {  	_ =	shalt  }
0x4d: {  	_ =	shalt  }
0x4e: {  	_ =	shalt  }
0x4f: {  	_ =	shalt  }
0x50: {  	_ =	shalt  }
0x51: {  	_ =	shalt  }
0x52: {  	_ =	shalt  }
0x53: {  	_ =	shalt  }
0x54: {  	_ =	shalt  }
0x55: {  	_ =	shalt  }
0x56: {  	_ =	shalt  }
0x57: {  	_ =	shalt  }
0x58: {  	_ =	shalt  }
0x59: {  	_ =	shalt  }
0x5a: {  	_ =	shalt  }
0x5b: {  	_ =	shalt  }
0x5c: {  	_ =	shalt  }
0x5d: {  	_ =	shalt  }
0x5e: {  	_ =	shalt  }
0x5f: {  	_ =	shalt  }
0x60: {  	_ =	shalt  }
0x61: {  	_ =	shalt  }
0x62: {  	_ =	shalt  }
0x63: {  	_ =	shalt  }
0x64: {  	_ =	shalt  }
0x65: {  	_ =	shalt  }
0x66: {  	_ =	shalt  }
0x67: {  	_ =	shalt  }
0x68: {  	_ =	shalt  }
0x69: {  	_ =	shalt  }
0x6a: {  	_ =	shalt  }
0x6b: {  	_ =	shalt  }
0x6c: {  	_ =	shalt  }
0x6d: {  	_ =	shalt  }
0x6e: {  	_ =	shalt  }
0x6f: {  	_ =	shalt  }
0x70: {  	_ =	shalt  }
0x71: {  	_ =	shalt  }
0x72: {  	_ =	shalt  }
0x73: {  	_ =	shalt  }
0x74: {  	_ =	shalt  }
0x75: {  	_ =	shalt  }
0x76: {  	_ =	shalt  }
0x77: {  	_ =	shalt  }
0x78: {  	_ =	shalt  }
0x79: {  	_ =	shalt  }
0x7a: {  	_ =	shalt  }
0x7b: {  	_ =	shalt  }
0x7c: {  	_ =	shalt  }
0x7d: {  	_ =	shalt  }
0x7e: {  	_ =	shalt  }
0x7f: {  	_ =	shalt  }
0x80: {  	_ =	shalt  }
0x81: {  	_ =	shalt  }
0x82: {  	_ =	shalt  }
0x83: {  	_ =	shalt  }
0x84: {  	_ =	shalt  }
0x85: {  	_ =	shalt  }
0x86: {  	_ =	shalt  }
0x87: {  	_ =	shalt  }
.Lfunc_end0:
.L_simem_size_0:
called_computation.1_lowered:
.L_overlay_start_0:
0x88: {  	s2 =	sld [smem:$0x3FD9]  }
0x89: {  	s3 =	sld [smem:$0x3FFE];
	_ =	sdelay $0x1  }
0x8a: {  	s1 =	srdreg.scid  }
0x8b: {  	s0 =	sand.u32 $0x1, s1  }
0x8c: {  	s16 =	sshll.u32 s0, $0xA;
	s2 =	sadd.s32 s3, s2  }
0x8d: {  	s2 =	sadd.s32 s2, s16  }
0x8e: {  	[smem:$0x3FB2] =	sst s2  }
0x8f: {  	_ = 	snop  }
0x90: {  	(tm) =	ssettm $0x1  }
0x91: {  	s17 =	sld [smem:$0x3FFB];
	_ =	sdelay $0x3  }
0x92: {  	_ =	strace s17  }
0x93: {  	s2 =	sld [smem:$0x3FFC];
	_ =	sdelay $0x3  }
0x94: {  	_ =	strace s2  }
0x95: {  	s2 =	sld [smem:$0x3FFD];
	_ =	sdelay $0x3  }
0x96: {  	_ =	strace s2  }
0x97: {  	_ =	strace $0x8FFFFFFF  }
0x98: {  	s18 =	sld [smem:$0x3FDB];
	_ =	sdelay $0x1  }
0x99: {  	s19 =	simm.s32 $_scs_section_size  }
0x9a: {  	s4 =	simm.s32 $_size__tile_overlayer_lowered;
	s5 =	simm.s32 $_tile_overlayer_lowered  }
0x9b: {  	s22 =	simm.s32 $0x1BFF;
	s21 =	sshll.u32 s5, $0x1;
	s2 =	sadd.s32 s19, s18  }
0x9c: {  	s6 =	simm.s32 $0x0;
	s20 =	sshll.u32 s4, $0x1;
	s4 =	sadd.s32 s21, s2  }
0x9d: {  	[timem:s6], [sflag:s22] =	dma.local [hbm:s4], s20  }
0x9e: {  	_ =	swait.ge [sflag:s22], s20  }
0x9f: {  	s3 =	ssub.s32 $0x0, s20;
	[sflag:s22] =	ssyncset.done $0x0  }
0xa0: {  	[sflag:s22] =	ssyncadd.s32 s3;
	_ =	sdelay $0x1  }
0xa1: {  	s23 =	simm.s32 $0x1B8B  }
0xa2: {  	_ =	swait.ge [sflag:s23], $0x1  }
0xa3: {  	[sflag:s23] =	ssyncset.done $0x0  }
0xa4: {  	s25 =	simm.s32 $0x1B8E;
	s24 =	sld [smem:$0x3FFE];
	[sflag:s23] =	ssyncadd.s32 $0xFFFFFFFF  }
0xa5: {  	s26 =	simm.s32 $execute0_lowered;
	[smem:$0x3FD2] =	sst s25  }
0xa6: {  	s4 =	sshll.u32 s26, $0x1;
	_ =	strace $0x80000046;
	[dreg:$0x1] =	wrdreg $0xFFFFFFFF  }
0xa7: {  	s28 =	simm.s32 $_size_execute0_lowered;
	s2 =	sadd.s32 s2, s4;
	[dreg:$0x0] =	wrdreg $0x0  }
0xa8: {  	s4 =	sshll.u32 s28, $0x1;
	[dreg:$0x2] =	wrdreg s2  }
0xa9: {  	[dreg:$0x3] =	wrdreg s4  }
0xaa: {  	[dreg:$0x4] =	wrdreg $0xC0  }
0xab: {  	_ =	task [dreg:s6], $0x5FFFF  }
0xac: {  	[dreg:$0x1] =	wrdreg $0xFFFFFFFF  }
0xad: {  	[dreg:$0x0] =	wrdreg $0x60  }
0xae: {  	[dreg:$0x2] =	wrdreg s24  }
0xaf: {  	[dreg:$0x3] =	wrdreg $0xF0000  }
0xb0: {  	[dreg:$0x4] =	wrdreg $0xA  }
0xb1: {  	_ =	task.clear_ibuf [dreg:s6], $0x5FFFF;
	_ =	strace $0x90000046  }
0xb2: {  	s29 =	simm.s32 $0xA;
	_ =	strace $0x80000048  }
0xb3: {  	_ =	swait.ge [sflag:s29], $0x1  }
0xb4: {  	[sflag:s29] =	ssyncadd.s32 $0xFFFFFFFF  }
0xb5: {  	_ =	strace $0x90000048  }
0xb6: {  	_ =	sfence  }
0xb7: {  	s30 =	sld [smem:$0x0];
	_ =	sdelay $0x2  }
0xb8: {  	s31 =	sshll.u32 s1, $0xD;
	s1 =	sshrl.u32 s1, $0x2  }
0xb9: {  	s3 =	sand.u32 $0x4000, s31;
	s1 =	sadd.s32 s1, s30  }
0xba: {  	s0 =	sor.u32 s3, s0;
	s1 =	sshll.u32 s1, $0x11  }
0xbb: {  	s0 =	sor.u32 s1, s0  }
0xbc: {  	s0 =	sadd.s32 $0x8F2B, s0  }
0xbd: {  	[sflag:s0] =	ssyncadd.remote.s32 $0x1  }
0xbe: {  	_ =	sfence.sel $0xFFFF  }
0xbf: {  	[dreg:$0x0] =	wrdreg $0xFFFFFFFF;
	(pc) =	sbr.abs _section_cstart, $3  }
0xc0: {  	[dreg:$0x1] =	wrdreg $0xFFFFFFFF  }
0xc1: {  	_ =	task.clear_ibuf [dreg:s6], $0x2FFFF;
	_ =	strace $0x9FFFFFFF  }
0xc2: {  	(tm) =	ssettm $0x7FFFFFFF  }
0xc3: {  	_ =	shalt  }
tec
execute0_lowered:
.L_overlay_start_1:
0x0: {  	(tag) =	ssettag $0x1  }
0x1: {  	s0 =	rddreg [dreg:$0x0]  }
0x2: {  	s2 =	rddreg [dreg:$0x1]  }
0x3: {  	s1 =	srdreg.scid;
	s8 =	stileid.u32  }
0x4: {  	s3 =	simm.s32 $0x0;
	s14 =	simm.s32 $0xD000;
	s15 =	simm.s32 $0x9  }
0x5: {  	s17 =	simm.s32 $0x80;
	s18 =	simm.s32 $0x5000;
	s19 =	simm.s32 $0x7000  }
0x6: {  	s21 =	simm.s32 $0x9000;
	s23 =	simm.s32 $0xB000;
	s24 =	simm.s32 $0x1  }
0x7: {  	s28 =	simm.s32 $0x4;
	s29 =	simm.s32 $0x5;
	s30 =	simm.s32 $0x6  }
0x8: {  	s31 =	simm.s32 $0x7;
	s22 =	simm.s32 $0x4F80;
	s1 =	sand.u32 $0x1, s1  }
0x9: {  	s5 =	smul.u32 $0xA000, s8;
	[smem:$0x7FF] =	sst s3;
	s4 =	sshll.u32 s1, $0x4  }
0xa: {  	s6 =	smul.u32 $0xA0000, s1;
	_ =	strace $0x80000047;
	s1 =	ssub.s32 $0x2, s1  }
0xb: {  	s4 =	sor.u32 s8, s4;
	s8 =	smul.u32 $0x28000, s8;
	s25 =	sshrl.u32 s1, $0x1  }
0xc: {  	s7 =	smul.u32 $0x500, s4;
	s4 =	sadd.s32 $0x3E00, s0;
	s6 =	sadd.s32 s5, s6  }
0xd: {  	s1 =	ssub.s32 s1, s25;
	s5 =	sadd.s32 s5, s2;
	s25 =	simm.s32 $0x2  }
0xe: {  	s6 =	sshrl.u32 s6, $0x3;
	s26 =	sshrl.u32 s8, $0x2;
	s13 =	smax.u32 s1, $0x1  }
0xf: {  	s11 =	sadd.s32 s7, s0;
	s0 =	sadd.s32 s6, s0;
	s9 =	sadd.s32 s26, s2  }
0x10: {  	s26 =	simm.s32 $0x3;
	s6 =	sadd.s32 $0x2000, s9;
	s7 =	sadd.s32 $0x4000, s9  }
0x11: {  	s8 =	sadd.s32 $0x6000, s9;
	s9 =	sadd.s32 $0x8000, s9;
	s10 =	sadd.s32 $0x17800, s11  }
0x12: {  	v0 =	vimm.f32 $0.0e+00;
	s11 =	sadd.s32 $0x21800, s11;
	s12 =	sadd.s32 $0x2B800, s0;
	s0 =	simm.s32 $0x8  }
.LBB2_1:
0x13: {  	s16 =	simm.s32 $0x100;
	s1 =	simm.s32 $0x0  }
.LBB2_2:
0x14: {  	p0 =	sne.s32 s16, $0x7F00;
	[tilespmem:s1+$0xD030] =	vst v0;
	s20 =	smov.u32 s16;
	s16 =	sadd.s32 $0x100, s16  }
.Ltmp0:
0x15: {  	[tilespmem:s1+$0xD020] =	vst v0;
	(pc) =	sbr.rel @p0 .LBB2_2-.Ltmp0, $3  }
0x16: {  	[tilespmem:s1+$0xD000] =	vst v0  }
0x17: {  	[tilespmem:s1+$0xD010] =	vst v0;
	_ =	sdelay $0x1  }
0x18: {  	s1 =	sshra.s32 s20, $0x2  }
0x19: {  	[tilespmem:s1+$0xD030] =	vst v0  }
0x1a: {  	[tilespmem:s1+$0xD020] =	vst v0  }
0x1b: {  	[tilespmem:s1+$0xD000] =	vst v0  }
0x1c: {  	[tilespmem:s1+$0xD010] =	vst v0  }
0x1d: {  	[spmem:s5] =	stream.linear.scatter [tilespmem:s14], [sflag:$0x9], $0x2000, $0x38;
	[tilespmem:$0x19000] =	vst v63  }
0x1e: {  	_ =	swait.ge [sflag:s15], $0x2000  }
0x1f: {  	[sflag:s15] =	ssyncset.done $0x0  }
0x20: {  	[sflag:s15] =	ssyncadd.s32 $0xFFFFE000  }
0x21: {  	[spmem:s6] =	stream.linear.scatter [tilespmem:s14], [sflag:$0x9], $0x2000, $0x38;
	[tilespmem:$0x19000] =	vst v63  }
0x22: {  	_ =	swait.ge [sflag:s15], $0x2000  }
0x23: {  	[sflag:s15] =	ssyncset.done $0x0  }
0x24: {  	[sflag:s15] =	ssyncadd.s32 $0xFFFFE000  }
0x25: {  	[spmem:s7] =	stream.linear.scatter [tilespmem:s14], [sflag:$0x9], $0x2000, $0x38;
	[tilespmem:$0x19000] =	vst v63  }
0x26: {  	_ =	swait.ge [sflag:s15], $0x2000  }
0x27: {  	[sflag:s15] =	ssyncset.done $0x0  }
0x28: {  	[sflag:s15] =	ssyncadd.s32 $0xFFFFE000  }
0x29: {  	[spmem:s8] =	stream.linear.scatter [tilespmem:s14], [sflag:$0x9], $0x2000, $0x38;
	[tilespmem:$0x19000] =	vst v63  }
0x2a: {  	_ =	swait.ge [sflag:s15], $0x2000  }
0x2b: {  	[sflag:s15] =	ssyncset.done $0x0  }
0x2c: {  	[sflag:s15] =	ssyncadd.s32 $0xFFFFE000  }
0x2d: {  	[spmem:s9] =	stream.linear.scatter [tilespmem:s14], [sflag:$0x9], $0x2000, $0x38;
	[tilespmem:$0x19000] =	vst v63  }
0x2e: {  	_ =	swait.ge [sflag:s15], $0x2000  }
0x2f: {  	[sflag:s15] =	ssyncset.done $0x0  }
0x30: {  	[sflag:s15] =	ssyncadd.s32 $0xFFFFE000  }
0x31: {  	s20 =	simm.s32 $0x0;
	[bflag:$0x0] =	sbarrier.arrive $0xFFFF  }
0x32: {  	[tilespmem:s20], [sflag:$0x9] =	stream.linear.gather [hbm4b:s10+s20], $0x2800, $0x38;
	[tilespmem:$0x19000] =	vst v63  }
0x33: {  	_ =	swait.ge [sflag:s15], $0x2800  }
0x34: {  	[sflag:s15] =	ssyncset.done $0x0  }
0x35: {  	s16 =	simm.s32 $0x2800;
	[sflag:s15] =	ssyncadd.s32 $0xFFFFD800  }
0x36: {  	[tilespmem:s16], [sflag:$0x9] =	stream.linear.gather [hbm4b:s11+s20], $0x2800, $0x38;
	[tilespmem:$0x19000] =	vst v63  }
0x37: {  	_ =	swait.ge [sflag:s15], $0x2800  }
0x38: {  	[sflag:s15] =	ssyncset.done $0x0  }
0x39: {  	[sflag:s15] =	ssyncadd.s32 $0xFFFFD800  }
0x3a: {  	[tilespmem:s18], [sflag:$0x1] =	stream.indirect.gather [hbm4b:s4+s17], $0x40, s20, s17, $0xb8;
	[tilespmem:$0x19000] =	vst v63  }
0x3b: {  	_ = 	snop  }
0x3c: {  	[tilespmem:s19], [sflag:$0x2] =	stream.indirect.gather [hbm4b:s4+s17], $0x40, s17, s17, $0xb8;
	[tilespmem:$0x19000] =	vst v63  }
0x3d: {  	s20 =	simm.s32 $0x100  }
0x3e: {  	[tilespmem:s21], [sflag:$0x3] =	stream.indirect.gather [hbm4b:s4+s17], $0x40, s20, s17, $0xb8;
	[tilespmem:$0x19000] =	vst v63  }
0x3f: {  	s16 =	simm.s32 $0x180  }
0x40: {  	[tilespmem:s23], [sflag:$0x4] =	stream.indirect.gather [hbm4b:s4+s17], $0x40, s16, s17, $0xb8;
	[tilespmem:$0x19000] =	vst v63  }
0x41: {  	_ =	swait.ge [sflag:s24], $0x2000  }
0x42: {  	[sflag:s24] =	ssyncset.done $0x0  }
0x43: {  	s20 =	simm.s32 $0x2800;
	[sflag:s24] =	ssyncadd.s32 $0xFFFFE000  }
0x44: {  	[spmem:s2] =	stream.indirect.scatter.add.f32 [tilespmem:s18], [sflag:$0x5], $0x40, s20, s17, $0xb8;
	[tilespmem:$0x19000] =	vst v63  }
0x45: {  	_ =	swait.ge [sflag:s25], $0x2000  }
0x46: {  	[sflag:s25] =	ssyncset.done $0x0  }
0x47: {  	s16 =	simm.s32 $0x2880;
	[sflag:s25] =	ssyncadd.s32 $0xFFFFE000  }
0x48: {  	[spmem:s2] =	stream.indirect.scatter.add.f32 [tilespmem:s19], [sflag:$0x6], $0x40, s16, s17, $0xb8;
	[tilespmem:$0x19000] =	vst v63  }
0x49: {  	_ =	swait.ge [sflag:s26], $0x2000  }
0x4a: {  	[sflag:s26] =	ssyncset.done $0x0  }
0x4b: {  	s20 =	simm.s32 $0x2900;
	[sflag:s26] =	ssyncadd.s32 $0xFFFFE000  }
0x4c: {  	[spmem:s2] =	stream.indirect.scatter.add.f32 [tilespmem:s21], [sflag:$0x7], $0x40, s20, s17, $0xb8;
	[tilespmem:$0x19000] =	vst v63  }
0x4d: {  	_ =	swait.ge [sflag:s28], $0x2000  }
0x4e: {  	[sflag:s28] =	ssyncset.done $0x0  }
0x4f: {  	s16 =	simm.s32 $0x2980;
	[sflag:s28] =	ssyncadd.s32 $0xFFFFE000  }
0x50: {  	[spmem:s2] =	stream.indirect.scatter.add.f32 [tilespmem:s23], [sflag:$0x8], $0x40, s16, s17, $0xb8;
	[tilespmem:$0x19000] =	vst v63  }
0x51: {  	_ =	swait.ge [sflag:s29], $0x2000  }
0x52: {  	[sflag:s29] =	ssyncset.done $0x0  }
0x53: {  	s20 =	simm.s32 $0x200;
	[sflag:s29] =	ssyncadd.s32 $0xFFFFE000  }
0x54: {  	[tilespmem:s18], [sflag:$0x1] =	stream.indirect.gather [hbm4b:s4+s17], $0x40, s20, s17, $0xb8;
	[tilespmem:$0x19000] =	vst v63  }
0x55: {  	_ =	swait.ge [sflag:s30], $0x2000  }
0x56: {  	[sflag:s30] =	ssyncset.done $0x0  }
0x57: {  	s16 =	simm.s32 $0x280;
	[sflag:s30] =	ssyncadd.s32 $0xFFFFE000  }
0x58: {  	[tilespmem:s19], [sflag:$0x2] =	stream.indirect.gather [hbm4b:s4+s17], $0x40, s16, s17, $0xb8;
	[tilespmem:$0x19000] =	vst v63  }
0x59: {  	_ =	swait.ge [sflag:s31], $0x2000  }
0x5a: {  	[sflag:s31] =	ssyncset.done $0x0  }
0x5b: {  	s20 =	simm.s32 $0x300;
	[sflag:s31] =	ssyncadd.s32 $0xFFFFE000  }
0x5c: {  	[tilespmem:s21], [sflag:$0x3] =	stream.indirect.gather [hbm4b:s4+s17], $0x40, s20, s17, $0xb8;
	[tilespmem:$0x19000] =	vst v63  }
0x5d: {  	_ =	swait.ge [sflag:s0], $0x2000  }
0x5e: {  	[sflag:s0] =	ssyncset.done $0x0  }
0x5f: {  	s1 =	simm.s32 $0x800;
	s16 =	simm.s32 $0x380;
	[sflag:s0] =	ssyncadd.s32 $0xFFFFE000  }
.LBB2_4:
0x60: {  	[tilespmem:s23], [sflag:$0x4] =	stream.indirect.gather [hbm4b:s4+s17], $0x40, s16, s17, $0xb8;
	[tilespmem:$0x19000] =	vst v63  }
0x61: {  	s16 =	smov.u32 s1  }
0x62: {  	p0 =	sne.s32 s1, $0x9000;
	s1 =	sadd.s32 $0x800, s1;
	_ =	swait.ge [sflag:s24], $0x2000  }
0x63: {  	s16 =	sshra.s32 s16, $0x2;
	[sflag:s24] =	ssyncset.done $0x0  }
0x64: {  	s20 =	sadd.s32 $0x2800, s16;
	[sflag:s24] =	ssyncadd.s32 $0xFFFFE000  }
0x65: {  	[spmem:s2] =	stream.indirect.scatter.add.f32 [tilespmem:s18], [sflag:$0x5], $0x40, s20, s17, $0xb8;
	[tilespmem:$0x19000] =	vst v63  }
0x66: {  	_ =	swait.ge [sflag:s25], $0x2000  }
0x67: {  	[sflag:s25] =	ssyncset.done $0x0  }
0x68: {  	s20 =	sadd.s32 $0x2880, s16;
	[sflag:s25] =	ssyncadd.s32 $0xFFFFE000  }
0x69: {  	[spmem:s2] =	stream.indirect.scatter.add.f32 [tilespmem:s19], [sflag:$0x6], $0x40, s20, s17, $0xb8;
	[tilespmem:$0x19000] =	vst v63  }
0x6a: {  	_ =	swait.ge [sflag:s26], $0x2000  }
0x6b: {  	[sflag:s26] =	ssyncset.done $0x0  }
0x6c: {  	s20 =	sadd.s32 $0x2900, s16;
	[sflag:s26] =	ssyncadd.s32 $0xFFFFE000  }
0x6d: {  	[spmem:s2] =	stream.indirect.scatter.add.f32 [tilespmem:s21], [sflag:$0x7], $0x40, s20, s17, $0xb8;
	[tilespmem:$0x19000] =	vst v63  }
0x6e: {  	_ =	swait.ge [sflag:s28], $0x2000  }
0x6f: {  	[sflag:s28] =	ssyncset.done $0x0  }
0x70: {  	s20 =	sadd.s32 $0x2980, s16;
	[sflag:s28] =	ssyncadd.s32 $0xFFFFE000  }
0x71: {  	[spmem:s2] =	stream.indirect.scatter.add.f32 [tilespmem:s23], [sflag:$0x8], $0x40, s20, s17, $0xb8;
	[tilespmem:$0x19000] =	vst v63  }
0x72: {  	_ =	swait.ge [sflag:s29], $0x2000  }
0x73: {  	[sflag:s29] =	ssyncset.done $0x0  }
0x74: {  	s20 =	sadd.s32 $0x200, s16;
	[sflag:s29] =	ssyncadd.s32 $0xFFFFE000  }
0x75: {  	[tilespmem:s18], [sflag:$0x1] =	stream.indirect.gather [hbm4b:s4+s17], $0x40, s20, s17, $0xb8;
	[tilespmem:$0x19000] =	vst v63  }
0x76: {  	_ =	swait.ge [sflag:s30], $0x2000  }
0x77: {  	[sflag:s30] =	ssyncset.done $0x0  }
0x78: {  	s20 =	sadd.s32 $0x280, s16;
	[sflag:s30] =	ssyncadd.s32 $0xFFFFE000  }
0x79: {  	[tilespmem:s19], [sflag:$0x2] =	stream.indirect.gather [hbm4b:s4+s17], $0x40, s20, s17, $0xb8;
	[tilespmem:$0x19000] =	vst v63  }
0x7a: {  	_ =	swait.ge [sflag:s31], $0x2000  }
0x7b: {  	[sflag:s31] =	ssyncset.done $0x0  }
.Ltmp1:
0x7c: {  	s20 =	sadd.s32 $0x300, s16;
	[sflag:s31] =	ssyncadd.s32 $0xFFFFE000;
	(pc) =	sbr.rel @p0 .LBB2_4-.Ltmp1, $4  }
0x7d: {  	[tilespmem:s21], [sflag:$0x3] =	stream.indirect.gather [hbm4b:s4+s17], $0x40, s20, s17, $0xb8;
	[tilespmem:$0x19000] =	vst v63  }
0x7e: {  	_ =	swait.ge [sflag:s0], $0x2000  }
0x7f: {  	[sflag:s0] =	ssyncset.done $0x0  }
0x80: {  	s16 =	sadd.s32 $0x380, s16;
	[sflag:s0] =	ssyncadd.s32 $0xFFFFE000  }
0x81: {  	[tilespmem:s23], [sflag:$0x4] =	stream.indirect.gather [hbm4b:s4+s17], $0x40, s16, s17, $0xb8;
	[tilespmem:$0x19000] =	vst v63  }
0x82: {  	_ =	swait.ge [sflag:s24], $0x2000  }
0x83: {  	[sflag:s24] =	ssyncset.done $0x0  }
0x84: {  	s1 =	simm.s32 $0x4E00;
	[sflag:s24] =	ssyncadd.s32 $0xFFFFE000  }
0x85: {  	[spmem:s2] =	stream.indirect.scatter.add.f32 [tilespmem:s18], [sflag:$0x5], $0x40, s1, s17, $0xb8;
	[tilespmem:$0x19000] =	vst v63  }
0x86: {  	_ =	swait.ge [sflag:s25], $0x2000  }
0x87: {  	[sflag:s25] =	ssyncset.done $0x0  }
0x88: {  	s16 =	simm.s32 $0x4E80;
	[sflag:s25] =	ssyncadd.s32 $0xFFFFE000  }
0x89: {  	[spmem:s2] =	stream.indirect.scatter.add.f32 [tilespmem:s19], [sflag:$0x6], $0x40, s16, s17, $0xb8;
	[tilespmem:$0x19000] =	vst v63  }
0x8a: {  	_ =	swait.ge [sflag:s26], $0x2000  }
0x8b: {  	[sflag:s26] =	ssyncset.done $0x0  }
0x8c: {  	s20 =	simm.s32 $0x4F00;
	[sflag:s26] =	ssyncadd.s32 $0xFFFFE000  }
0x8d: {  	[spmem:s2] =	stream.indirect.scatter.add.f32 [tilespmem:s21], [sflag:$0x7], $0x40, s20, s17, $0xb8;
	[tilespmem:$0x19000] =	vst v63  }
0x8e: {  	_ =	swait.ge [sflag:s28], $0x2000  }
0x8f: {  	[sflag:s28] =	ssyncset.done $0x0  }
0x90: {  	[sflag:s28] =	ssyncadd.s32 $0xFFFFE000  }
0x91: {  	[spmem:s2] =	stream.indirect.scatter.add.f32 [tilespmem:s23], [sflag:$0x8], $0x40, s22, s17, $0xb8;
	[tilespmem:$0x19000] =	vst v63  }
0x92: {  	_ =	swait.ge [sflag:s29], $0x2000  }
0x93: {  	[sflag:s29] =	ssyncset.done $0x0  }
0x94: {  	[sflag:s29] =	ssyncadd.s32 $0xFFFFE000  }
0x95: {  	_ =	swait.ge [sflag:s30], $0x2000  }
0x96: {  	[sflag:s30] =	ssyncset.done $0x0  }
0x97: {  	[sflag:s30] =	ssyncadd.s32 $0xFFFFE000  }
0x98: {  	_ =	swait.ge [sflag:s31], $0x2000  }
0x99: {  	[sflag:s31] =	ssyncset.done $0x0  }
0x9a: {  	[sflag:s31] =	ssyncadd.s32 $0xFFFFE000  }
0x9b: {  	s16 =	stileid.u32;
	_ =	swait.ge [sflag:s0], $0x2000  }
0x9c: {  	s3 =	sadd.s32 $0x1, s3;
	s1 =	sshll.u32 s16, $0x6;
	[sflag:s0] =	ssyncset.done $0x0  }
0x9d: {  	p0 =	sne.s32 s3, s13;
	s1 =	sor.u32 $0x1C09, s1;
	[sflag:s0] =	ssyncadd.s32 $0xFFFFE000  }
.Ltmp2:
0x9e: {  	s20 =	sshrl.u32 s5, $0x3;
	[bflag:$0x0] =	sbarrier.arrive $0xFFFF;
	(pc) =	sbr.rel @p0 .LBB2_1-.Ltmp2, $4  }
0x9f: {  	[hbm:s12], [sflag:s1] =	dma.local [spmem:s20], $0x1400  }
0xa0: {  	_ =	swait.ge [sflag:s15], $0x1400  }
0xa1: {  	[sflag:s15] =	ssyncset.done $0x0  }
0xa2: {  	[sflag:s15] =	ssyncadd.s32 $0xFFFFEC00  }
0xa3: {  	_ =	sfence.sel $0x180000  }
0xa4: {  	[bflag:$0x0] =	sbarrier.arrive $0xFFFF  }
0xa5: {  	_ =	strace $0x90000047  }
0xa6: {  	s0 =	stileid.u32;
	[bflag:$0x2] =	sbarrier.arrive $0xFFFF  }
0xa7: {  	p0 =	sne.s32 s0, $0x0;
	s0 =	rddreg [dreg:$0x2]  }
0xa8: {  	s0 =	sadd.s32 @!p0 $0x100000, s0  }
0xa9: {  	[sflag:s0] =	ssyncadd.tile.s32 @!p0 $0x1;
	_ =	shalt  }
.Lfunc_end2:
_tile_overlayer_lowered:
.L_overlay_start_2:
0xaa: {  	(tag) =	ssettag $0x2  }
0xab: {  	s0 =	rddreg [dreg:$0x0];
	s2 =	stileid.u32  }
0xac: {  	s1 =	rddreg [dreg:$0x1];
	p0 =	sne.s32 s2, $0x0  }
0xad: {  	s3 =	rddreg [dreg:$0x2];
	[bflag:$0x3] =	sbarrier.arrive $0xFFFF;
	s2 =	simm.s32 @!p0 $0x1C09  }
0xae: {  	[timem:s3], [sflag:s2] =	dma.local @!p0 [hbm:s0], s1  }
0xaf: {  	s0 =	simm.s32 @!p0 $0x9  }
0xb0: {  	_ =	swait.ge @!p0 [sflag:s0], s1  }
0xb1: {  	s1 =	ssub.s32 @!p0 $0x0, s1;
	[sflag:s0] =	ssyncset.done @!p0 $0x0  }
0xb2: {  	[sflag:s0] =	ssyncadd.s32 @!p0 s1  }
0xb3: {  	[bflag:$0x3] =	sbarrier.arrive $0xFFFF  }
0xb4: {  	_ =	shalt  }

// kernel: kernel.19.cloned.1.call-start
scs
__scs_entry_jumppad:
0x0: {  	(pc) =	sbr.rel $0x88, $3  }
0x1: {  	(tag) =	ssettag $0x0;
	lr =	simm.s32 $0x1  }
0x2: {  	[smem:$0x3F8B] =	sst lr;
	_ =	strace $0xD0000000  }
0x3: {  	_ = 	snop  }
0x4: {  	_ = 	snop  }
0x5: {  	_ = 	snop  }
0x6: {  	_ = 	snop  }
0x7: {  	_ = 	snop  }
__scs_overlays_trampoline_lowered:
0x8: {  	[smem:$0x3F9A] =	sst s0  }
0x9: {  	[smem:$0x3F9B] =	sst s1  }
0xa: {  	[smem:$0x3F9C] =	sst s2  }
0xb: {  	[smem:$0x3F9D] =	sst s3  }
0xc: {  	[smem:$0x3F9E] =	sst s4  }
0xd: {  	[smem:$0x3F9F] =	sst s5  }
0xe: {  	[smem:$0x3FA0] =	sst s6  }
0xf: {  	[smem:$0x3FA1] =	sst s7  }
0x10: {  	[smem:$0x3FA2] =	sst s8  }
0x11: {  	[smem:$0x3FA3] =	sst s9;
	s0 =	simm.s32 @!p0 $0x0  }
0x12: {  	s1 =	sld [smem:$0x3F89];
	s0 =	simm.s32 @p0 $0x1  }
0x13: {  	[smem:$0x3FA4] =	sst s0;
	s0 =	simm.s32 @!p1 $0x0  }
0x14: {  	s2 =	sld [smem:$0x3F88];
	s0 =	simm.s32 @p1 $0x1  }
0x15: {  	[smem:$0x3FA5] =	sst s0;
	s0 =	simm.s32 @!p2 $0x0  }
0x16: {  	s3 =	sld [smem:$0x3FDB];
	s0 =	simm.s32 @p2 $0x1  }
0x17: {  	s4 =	simm.s32 $0x1BF5;
	[smem:$0x3FA7] =	sst s0  }
0x18: {  	s0 =	sld [smem:$0x3F8A];
	_ =	swait.ge [sflag:s4], $0x0  }
0x19: {  	s7 =	sld [smem:$0x3F8B]  }
0x1a: {  	s8 =	sadd.s32 $0xFFFFE003, lr  }
0x1b: {  	s9 =	sadd.s32 $0xFFFFFEF7, lr;
	s5 =	simm.s32 $0xFFFFFFFF;
	p2 =	slt.u32 s8, $0xFFFFF086  }
0x1c: {  	p1 =	slt.u32 s9, $0xF7A;
	s5 =	simm.s32 @!p2 $0x0  }
0x1d: {  	s5 =	simm.s32 @p1 $0x1;
	p0 =	seq.s32 s7, s2  }
0x1e: {  	s7 =	smul.u32 @!p0 $0xF7A, s2;
	p2 =	seq.s32 @!p0 s5, $0x0  }
0x1f: {  	s9 =	smul.u32 $0xF7A, s1;
	s8 =	simm.s32 @!p0 $0x1BF5;
	p2 =	por !p2, p0  }
0x20: {  	[sflag:s8] =	ssyncset.s32 @!p0 $0xFFFFF086;
	s6 =	sadd.s32 @!p0 s3, s7;
	s7 =	simm.s32 @!p0 $0x108  }
0x21: {  	s3 =	sadd.s32 s3, s9;
	s6 =	sadd.s32 @!p0 $0x88, s6;
	s7 =	simm.s32 @p2 $0x1082  }
0x22: {  	[simem:s7], [sflag:s8] =	dma.local @!p0 [hbm:s6], $0xF7A  }
0x23: {  	s9 =	sor.u32 $0xD0000000, s2;
	s6 =	simm.s32 $0x108;
	_ =	swait.ge @!p0 [sflag:s8], $0x0  }
0x24: {  	s3 =	sadd.s32 $0x88, s3;
	s6 =	simm.s32 @!p1 $0x1082;
	[sflag:s4] =	ssyncset.s32 $0xFFFFF086  }
0x25: {  	[simem:s6], [sflag:s4] =	dma.local [hbm:s3], $0xF7A  }
0x26: {  	[smem:$0x3F8B] =	sst s1;
	(tag) =	ssettag s2;
	_ =	strace s9  }
0x27: {  	s1 =	sld [smem:$0x3F9B]  }
0x28: {  	s2 =	sld [smem:$0x3F9C]  }
0x29: {  	s4 =	sld [smem:$0x3F9E]  }
0x2a: {  	p0 =	seq.s32 s5, $0x0;
	s5 =	sld [smem:$0x3F9F]  }
0x2b: {  	s6 =	sld [smem:$0x3FA0]  }
0x2c: {  	s7 =	sld [smem:$0x3FA1]  }
0x2d: {  	s3 =	simm.s32 $0x108;
	s8 =	sld [smem:$0x3FA2]  }
0x2e: {  	s3 =	simm.s32 @!p0 $0x1082;
	s9 =	sld [smem:$0x3FA3]  }
0x2f: {  	lr =	sadd.s32 s0, s3;
	s0 =	sld [smem:$0x3F9A]  }
0x30: {  	s3 =	sld [smem:$0x3F9D]  }
0x31: {  	[smem:$0x3FA6] =	sst s10  }
0x32: {  	s10 =	sld [smem:$0x3FA4];
	_ =	sdelay $0x3  }
0x33: {  	p0 =	seq.s32 s10, $0x1;
	s10 =	sld [smem:$0x3FA6];
	_ =	sdelay $0x3  }
0x34: {  	[smem:$0x3FA6] =	sst s10  }
0x35: {  	s10 =	sld [smem:$0x3FA5];
	_ =	sdelay $0x3  }
0x36: {  	p1 =	seq.s32 s10, $0x1;
	s10 =	sld [smem:$0x3FA6];
	_ =	sdelay $0x3  }
0x37: {  	[smem:$0x3FA6] =	sst s10  }
0x38: {  	s10 =	sld [smem:$0x3FA7]  }
0x39: {  	_ = 	snop;
	(pc) =	sbr.ind lr, $3  }
0x3a: {  	_ = 	snop  }
0x3b: {  	_ = 	snop  }
0x3c: {  	p2 =	seq.s32 s10, $0x1;
	s10 =	sld [smem:$0x3FA6]  }
0x3d: {  	_ =	shalt  }
0x3e: {  	_ =	shalt  }
0x3f: {  	_ =	shalt  }
0x40: {  	_ =	shalt  }
0x41: {  	_ =	shalt  }
0x42: {  	_ =	shalt  }
0x43: {  	_ =	shalt  }
0x44: {  	_ =	shalt  }
0x45: {  	_ =	shalt  }
0x46: {  	_ =	shalt  }
0x47: {  	_ =	shalt  }
0x48: {  	_ =	shalt  }
0x49: {  	_ =	shalt  }
0x4a: {  	_ =	shalt  }
0x4b: {  	_ =	shalt  }
0x4c: {  	_ =	shalt  }
0x4d: {  	_ =	shalt  }
0x4e: {  	_ =	shalt  }
0x4f: {  	_ =	shalt  }
0x50: {  	_ =	shalt  }
0x51: {  	_ =	shalt  }
0x52: {  	_ =	shalt  }
0x53: {  	_ =	shalt  }
0x54: {  	_ =	shalt  }
0x55: {  	_ =	shalt  }
0x56: {  	_ =	shalt  }
0x57: {  	_ =	shalt  }
0x58: {  	_ =	shalt  }
0x59: {  	_ =	shalt  }
0x5a: {  	_ =	shalt  }
0x5b: {  	_ =	shalt  }
0x5c: {  	_ =	shalt  }
0x5d: {  	_ =	shalt  }
0x5e: {  	_ =	shalt  }
0x5f: {  	_ =	shalt  }
0x60: {  	_ =	shalt  }
0x61: {  	_ =	shalt  }
0x62: {  	_ =	shalt  }
0x63: {  	_ =	shalt  }
0x64: {  	_ =	shalt  }
0x65: {  	_ =	shalt  }
0x66: {  	_ =	shalt  }
0x67: {  	_ =	shalt  }
0x68: {  	_ =	shalt  }
0x69: {  	_ =	shalt  }
0x6a: {  	_ =	shalt  }
0x6b: {  	_ =	shalt  }
0x6c: {  	_ =	shalt  }
0x6d: {  	_ =	shalt  }
0x6e: {  	_ =	shalt  }
0x6f: {  	_ =	shalt  }
0x70: {  	_ =	shalt  }
0x71: {  	_ =	shalt  }
0x72: {  	_ =	shalt  }
0x73: {  	_ =	shalt  }
0x74: {  	_ =	shalt  }
0x75: {  	_ =	shalt  }
0x76: {  	_ =	shalt  }
0x77: {  	_ =	shalt  }
0x78: {  	_ =	shalt  }
0x79: {  	_ =	shalt  }
0x7a: {  	_ =	shalt  }
0x7b: {  	_ =	shalt  }
0x7c: {  	_ =	shalt  }
0x7d: {  	_ =	shalt  }
0x7e: {  	_ =	shalt  }
0x7f: {  	_ =	shalt  }
0x80: {  	_ =	shalt  }
0x81: {  	_ =	shalt  }
0x82: {  	_ =	shalt  }
0x83: {  	_ =	shalt  }
0x84: {  	_ =	shalt  }
0x85: {  	_ =	shalt  }
0x86: {  	_ =	shalt  }
0x87: {  	_ =	shalt  }
.Lfunc_end0:
.L_simem_size_0:
called_computation.2_lowered:
.L_overlay_start_0:
0x88: {  	s2 =	sld [smem:$0x3FD9]  }
0x89: {  	s3 =	sld [smem:$0x3FFE];
	_ =	sdelay $0x1  }
0x8a: {  	s1 =	srdreg.scid  }
0x8b: {  	s0 =	sand.u32 $0x1, s1  }
0x8c: {  	s17 =	sshll.u32 s0, $0xA;
	s2 =	sadd.s32 s3, s2  }
0x8d: {  	s2 =	sadd.s32 s2, s17  }
0x8e: {  	[smem:$0x3FB2] =	sst s2  }
0x8f: {  	_ = 	snop  }
0x90: {  	s2 =	sld [smem:$0x3FD0];
	(tm) =	ssettm $0x1  }
0x91: {  	s18 =	sld [smem:$0x3FFB];
	_ =	sdelay $0x3  }
0x92: {  	_ =	strace s18  }
0x93: {  	s3 =	sld [smem:$0x3FFC];
	_ =	sdelay $0x3  }
0x94: {  	_ =	strace s3  }
0x95: {  	s3 =	sld [smem:$0x3FFD];
	_ =	sdelay $0x3  }
0x96: {  	_ =	strace s3  }
0x97: {  	_ =	strace $0x8FFFFFFF  }
0x98: {  	s19 =	sld [smem:$0x3FDB];
	_ =	sdelay $0x1  }
0x99: {  	s4 =	simm.s32 $_scs_section_size  }
0x9a: {  	s5 =	simm.s32 $_size__tile_overlayer_lowered;
	s6 =	simm.s32 $_tile_overlayer_lowered  }
0x9b: {  	s22 =	simm.s32 $0x1BFF;
	s21 =	sshll.u32 s6, $0x1;
	s3 =	sadd.s32 s4, s19  }
0x9c: {  	s7 =	simm.s32 $0x0;
	s20 =	sshll.u32 s5, $0x1;
	s5 =	sadd.s32 s21, s3  }
0x9d: {  	[timem:s7], [sflag:s22] =	dma.local [hbm:s5], s20  }
0x9e: {  	_ =	swait.ge [sflag:s22], s20  }
0x9f: {  	s4 =	ssub.s32 $0x0, s20;
	[sflag:s22] =	ssyncset.done $0x0  }
0xa0: {  	[sflag:s22] =	ssyncadd.s32 s4;
	_ =	sdelay $0x1  }
0xa1: {  	s23 =	simm.s32 $0x1B8B  }
0xa2: {  	_ =	swait.ge [sflag:s23], $0x1  }
0xa3: {  	[sflag:s23] =	ssyncset.done $0x0  }
0xa4: {  	s25 =	simm.s32 $0x1B8E;
	s24 =	sld [smem:$0x3FFE];
	[sflag:s23] =	ssyncadd.s32 $0xFFFFFFFF  }
0xa5: {  	s26 =	simm.s32 $execute0_lowered;
	[smem:$0x3FD2] =	sst s25  }
0xa6: {  	s5 =	sshll.u32 s26, $0x1;
	_ =	strace $0x8000004C;
	[dreg:$0x1] =	wrdreg $0xFFFFFFFF  }
0xa7: {  	s28 =	simm.s32 $_size_execute0_lowered;
	s3 =	sadd.s32 s3, s5;
	[dreg:$0x0] =	wrdreg $0x0  }
0xa8: {  	s5 =	sshll.u32 s28, $0x1;
	[dreg:$0x2] =	wrdreg s3  }
0xa9: {  	[dreg:$0x3] =	wrdreg s5  }
0xaa: {  	[dreg:$0x4] =	wrdreg $0xC0  }
0xab: {  	_ =	task [dreg:s7], $0x5FFFF  }
0xac: {  	[dreg:$0x1] =	wrdreg $0xFFFFFFFF  }
0xad: {  	[dreg:$0x0] =	wrdreg $0x60  }
0xae: {  	[dreg:$0x2] =	wrdreg s2  }
0xaf: {  	[dreg:$0x3] =	wrdreg s24  }
0xb0: {  	[dreg:$0x4] =	wrdreg $0xF0000  }
0xb1: {  	[dreg:$0x5] =	wrdreg $0x9  }
0xb2: {  	_ =	task.clear_ibuf [dreg:s7], $0x6FFFF;
	_ =	strace $0x9000004C  }
0xb3: {  	s29 =	simm.s32 $0x9;
	_ =	strace $0x8000004E  }
0xb4: {  	_ =	swait.ge [sflag:s29], $0x1  }
0xb5: {  	[sflag:s29] =	ssyncadd.s32 $0xFFFFFFFF  }
0xb6: {  	_ =	strace $0x9000004E  }
0xb7: {  	_ =	sfence  }
0xb8: {  	s30 =	sld [smem:$0x0];
	_ =	sdelay $0x2  }
0xb9: {  	s31 =	sshll.u32 s1, $0xD;
	s1 =	sshrl.u32 s1, $0x2  }
0xba: {  	s3 =	sand.u32 $0x4000, s31;
	s1 =	sadd.s32 s1, s30  }
0xbb: {  	s0 =	sor.u32 s3, s0;
	s1 =	sshll.u32 s1, $0x11  }
0xbc: {  	s0 =	sor.u32 s1, s0  }
0xbd: {  	s0 =	sadd.s32 $0x8F2B, s0  }
0xbe: {  	[sflag:s0] =	ssyncadd.remote.s32 $0x1  }
0xbf: {  	_ =	sfence.sel $0xFFFF  }
0xc0: {  	[dreg:$0x0] =	wrdreg $0xFFFFFFFF;
	(pc) =	sbr.abs _section_cstart, $3  }
0xc1: {  	[dreg:$0x1] =	wrdreg $0xFFFFFFFF  }
0xc2: {  	_ =	task.clear_ibuf [dreg:s7], $0x2FFFF;
	_ =	strace $0x9FFFFFFF  }
0xc3: {  	(tm) =	ssettm $0x7FFFFFFF  }
tec
execute0_lowered:
.L_overlay_start_1:
0x0: {  	(tag) =	ssettag $0x1  }
0x1: {  	s2 =	rddreg [dreg:$0x0]  }
0x2: {  	s0 =	rddreg [dreg:$0x1]  }
0x3: {  	s1 =	srdreg.scid;
	s3 =	rddreg [dreg:$0x2]  }
0x4: {  	s8 =	stileid.u32;
	s4 =	simm.s32 $0x0;
	s14 =	simm.s32 $0xD000  }
0x5: {  	s15 =	simm.s32 $0x9;
	s17 =	simm.s32 $0x80;
	s18 =	simm.s32 $0x5000  }
0x6: {  	s19 =	simm.s32 $0x7000;
	s21 =	simm.s32 $0x9000;
	s23 =	simm.s32 $0xB000  }
0x7: {  	s28 =	simm.s32 $0x4;
	s29 =	simm.s32 $0x5;
	s30 =	simm.s32 $0x6  }
0x8: {  	s31 =	simm.s32 $0x7;
	s22 =	simm.s32 $0x4F80;
	s1 =	sand.u32 $0x1, s1  }
0x9: {  	s6 =	smul.u32 $0xA000, s8;
	[smem:$0x7FF] =	sst s4;
	s5 =	sshll.u32 s1, $0x4  }
0xa: {  	s7 =	smul.u32 $0xA0000, s1;
	_ =	strace $0x8000004D;
	s1 =	ssub.s32 $0x2, s1  }
0xb: {  	s5 =	sor.u32 s8, s5;
	s8 =	smul.u32 $0x28000, s8;
	s25 =	sshrl.u32 s1, $0x1  }
0xc: {  	s5 =	smul.u32 $0x500, s5;
	s7 =	sadd.s32 s6, s7;
	s1 =	ssub.s32 s1, s25  }
0xd: {  	s25 =	simm.s32 $0x2;
	s24 =	sshrl.u32 s7, $0x3;
	s26 =	sshrl.u32 s8, $0x2  }
0xe: {  	s13 =	smax.u32 s1, $0x1;
	s11 =	sadd.s32 s5, s0;
	s0 =	sadd.s32 s24, s0  }
0xf: {  	s5 =	sadd.s32 s6, s3;
	s9 =	sadd.s32 s26, s3;
	s24 =	simm.s32 $0x1  }
0x10: {  	s26 =	simm.s32 $0x3;
	s6 =	sadd.s32 $0x2000, s9;
	s7 =	sadd.s32 $0x4000, s9  }
0x11: {  	s8 =	sadd.s32 $0x6000, s9;
	s9 =	sadd.s32 $0x8000, s9;
	s10 =	sadd.s32 $0x17800, s11  }
0x12: {  	v0 =	vimm.f32 $0.0e+00;
	s11 =	sadd.s32 $0x21800, s11;
	s12 =	sadd.s32 $0x2B800, s0;
	s0 =	simm.s32 $0x8  }
.LBB2_1:
0x13: {  	s16 =	simm.s32 $0x100;
	s1 =	simm.s32 $0x0  }
.LBB2_2:
0x14: {  	p0 =	sne.s32 s16, $0x7F00;
	[tilespmem:s1+$0xD030] =	vst v0;
	s20 =	smov.u32 s16;
	s16 =	sadd.s32 $0x100, s16  }
.Ltmp0:
0x15: {  	[tilespmem:s1+$0xD020] =	vst v0;
	(pc) =	sbr.rel @p0 .LBB2_2-.Ltmp0, $3  }
0x16: {  	[tilespmem:s1+$0xD000] =	vst v0  }
0x17: {  	[tilespmem:s1+$0xD010] =	vst v0;
	_ =	sdelay $0x1  }
0x18: {  	s1 =	sshra.s32 s20, $0x2  }
0x19: {  	[tilespmem:s1+$0xD030] =	vst v0  }
0x1a: {  	[tilespmem:s1+$0xD020] =	vst v0  }
0x1b: {  	[tilespmem:s1+$0xD000] =	vst v0  }
0x1c: {  	[tilespmem:s1+$0xD010] =	vst v0  }
0x1d: {  	[spmem:s5] =	stream.linear.scatter [tilespmem:s14], [sflag:$0x9], $0x2000, $0x38;
	[tilespmem:$0x19000] =	vst v63  }
0x1e: {  	_ =	swait.ge [sflag:s15], $0x2000  }
0x1f: {  	[sflag:s15] =	ssyncset.done $0x0  }
0x20: {  	[sflag:s15] =	ssyncadd.s32 $0xFFFFE000  }
0x21: {  	[spmem:s6] =	stream.linear.scatter [tilespmem:s14], [sflag:$0x9], $0x2000, $0x38;
	[tilespmem:$0x19000] =	vst v63  }
0x22: {  	_ =	swait.ge [sflag:s15], $0x2000  }
0x23: {  	[sflag:s15] =	ssyncset.done $0x0  }
0x24: {  	[sflag:s15] =	ssyncadd.s32 $0xFFFFE000  }
0x25: {  	[spmem:s7] =	stream.linear.scatter [tilespmem:s14], [sflag:$0x9], $0x2000, $0x38;
	[tilespmem:$0x19000] =	vst v63  }
0x26: {  	_ =	swait.ge [sflag:s15], $0x2000  }
0x27: {  	[sflag:s15] =	ssyncset.done $0x0  }
0x28: {  	[sflag:s15] =	ssyncadd.s32 $0xFFFFE000  }
0x29: {  	[spmem:s8] =	stream.linear.scatter [tilespmem:s14], [sflag:$0x9], $0x2000, $0x38;
	[tilespmem:$0x19000] =	vst v63  }
0x2a: {  	_ =	swait.ge [sflag:s15], $0x2000  }
0x2b: {  	[sflag:s15] =	ssyncset.done $0x0  }
0x2c: {  	[sflag:s15] =	ssyncadd.s32 $0xFFFFE000  }
0x2d: {  	[spmem:s9] =	stream.linear.scatter [tilespmem:s14], [sflag:$0x9], $0x2000, $0x38;
	[tilespmem:$0x19000] =	vst v63  }
0x2e: {  	_ =	swait.ge [sflag:s15], $0x2000  }
0x2f: {  	[sflag:s15] =	ssyncset.done $0x0  }
0x30: {  	[sflag:s15] =	ssyncadd.s32 $0xFFFFE000  }
0x31: {  	s20 =	simm.s32 $0x0;
	[bflag:$0x0] =	sbarrier.arrive $0xFFFF  }
0x32: {  	[tilespmem:s20], [sflag:$0x9] =	stream.linear.gather [hbm4b:s10+s20], $0x2800, $0x38;
	[tilespmem:$0x19000] =	vst v63  }
0x33: {  	_ =	swait.ge [sflag:s15], $0x2800  }
0x34: {  	[sflag:s15] =	ssyncset.done $0x0  }
0x35: {  	s16 =	simm.s32 $0x2800;
	[sflag:s15] =	ssyncadd.s32 $0xFFFFD800  }
0x36: {  	[tilespmem:s16], [sflag:$0x9] =	stream.linear.gather [hbm4b:s11+s20], $0x2800, $0x38;
	[tilespmem:$0x19000] =	vst v63  }
0x37: {  	_ =	swait.ge [sflag:s15], $0x2800  }
0x38: {  	[sflag:s15] =	ssyncset.done $0x0  }
0x39: {  	[sflag:s15] =	ssyncadd.s32 $0xFFFFD800  }
0x3a: {  	[tilespmem:s18], [sflag:$0x1] =	stream.indirect.gather [hbm4b:s2+s17], $0x40, s20, s17, $0xb8;
	[tilespmem:$0x19000] =	vst v63  }
0x3b: {  	_ = 	snop  }
0x3c: {  	[tilespmem:s19], [sflag:$0x2] =	stream.indirect.gather [hbm4b:s2+s17], $0x40, s17, s17, $0xb8;
	[tilespmem:$0x19000] =	vst v63  }
0x3d: {  	s20 =	simm.s32 $0x100  }
0x3e: {  	[tilespmem:s21], [sflag:$0x3] =	stream.indirect.gather [hbm4b:s2+s17], $0x40, s20, s17, $0xb8;
	[tilespmem:$0x19000] =	vst v63  }
0x3f: {  	s16 =	simm.s32 $0x180  }
0x40: {  	[tilespmem:s23], [sflag:$0x4] =	stream.indirect.gather [hbm4b:s2+s17], $0x40, s16, s17, $0xb8;
	[tilespmem:$0x19000] =	vst v63  }
0x41: {  	_ =	swait.ge [sflag:s24], $0x2000  }
0x42: {  	[sflag:s24] =	ssyncset.done $0x0  }
0x43: {  	s20 =	simm.s32 $0x2800;
	[sflag:s24] =	ssyncadd.s32 $0xFFFFE000  }
0x44: {  	[spmem:s3] =	stream.indirect.scatter.add.f32 [tilespmem:s18], [sflag:$0x5], $0x40, s20, s17, $0xb8;
	[tilespmem:$0x19000] =	vst v63  }
0x45: {  	_ =	swait.ge [sflag:s25], $0x2000  }
0x46: {  	[sflag:s25] =	ssyncset.done $0x0  }
0x47: {  	s16 =	simm.s32 $0x2880;
	[sflag:s25] =	ssyncadd.s32 $0xFFFFE000  }
0x48: {  	[spmem:s3] =	stream.indirect.scatter.add.f32 [tilespmem:s19], [sflag:$0x6], $0x40, s16, s17, $0xb8;
	[tilespmem:$0x19000] =	vst v63  }
0x49: {  	_ =	swait.ge [sflag:s26], $0x2000  }
0x4a: {  	[sflag:s26] =	ssyncset.done $0x0  }
0x4b: {  	s20 =	simm.s32 $0x2900;
	[sflag:s26] =	ssyncadd.s32 $0xFFFFE000  }
0x4c: {  	[spmem:s3] =	stream.indirect.scatter.add.f32 [tilespmem:s21], [sflag:$0x7], $0x40, s20, s17, $0xb8;
	[tilespmem:$0x19000] =	vst v63  }
0x4d: {  	_ =	swait.ge [sflag:s28], $0x2000  }
0x4e: {  	[sflag:s28] =	ssyncset.done $0x0  }
0x4f: {  	s16 =	simm.s32 $0x2980;
	[sflag:s28] =	ssyncadd.s32 $0xFFFFE000  }
0x50: {  	[spmem:s3] =	stream.indirect.scatter.add.f32 [tilespmem:s23], [sflag:$0x8], $0x40, s16, s17, $0xb8;
	[tilespmem:$0x19000] =	vst v63  }
0x51: {  	_ =	swait.ge [sflag:s29], $0x2000  }
0x52: {  	[sflag:s29] =	ssyncset.done $0x0  }
0x53: {  	s20 =	simm.s32 $0x200;
	[sflag:s29] =	ssyncadd.s32 $0xFFFFE000  }
0x54: {  	[tilespmem:s18], [sflag:$0x1] =	stream.indirect.gather [hbm4b:s2+s17], $0x40, s20, s17, $0xb8;
	[tilespmem:$0x19000] =	vst v63  }
0x55: {  	_ =	swait.ge [sflag:s30], $0x2000  }
0x56: {  	[sflag:s30] =	ssyncset.done $0x0  }
0x57: {  	s16 =	simm.s32 $0x280;
	[sflag:s30] =	ssyncadd.s32 $0xFFFFE000  }
0x58: {  	[tilespmem:s19], [sflag:$0x2] =	stream.indirect.gather [hbm4b:s2+s17], $0x40, s16, s17, $0xb8;
	[tilespmem:$0x19000] =	vst v63  }
0x59: {  	_ =	swait.ge [sflag:s31], $0x2000  }
0x5a: {  	[sflag:s31] =	ssyncset.done $0x0  }
0x5b: {  	s20 =	simm.s32 $0x300;
	[sflag:s31] =	ssyncadd.s32 $0xFFFFE000  }
0x5c: {  	[tilespmem:s21], [sflag:$0x3] =	stream.indirect.gather [hbm4b:s2+s17], $0x40, s20, s17, $0xb8;
	[tilespmem:$0x19000] =	vst v63  }
0x5d: {  	_ =	swait.ge [sflag:s0], $0x2000  }
0x5e: {  	[sflag:s0] =	ssyncset.done $0x0  }
0x5f: {  	s1 =	simm.s32 $0x800;
	s16 =	simm.s32 $0x380;
	[sflag:s0] =	ssyncadd.s32 $0xFFFFE000  }
.LBB2_4:
0x60: {  	[tilespmem:s23], [sflag:$0x4] =	stream.indirect.gather [hbm4b:s2+s17], $0x40, s16, s17, $0xb8;
	[tilespmem:$0x19000] =	vst v63  }
0x61: {  	s16 =	smov.u32 s1  }
0x62: {  	p0 =	sne.s32 s1, $0x9000;
	s1 =	sadd.s32 $0x800, s1;
	_ =	swait.ge [sflag:s24], $0x2000  }
0x63: {  	s16 =	sshra.s32 s16, $0x2;
	[sflag:s24] =	ssyncset.done $0x0  }
0x64: {  	s20 =	sadd.s32 $0x2800, s16;
	[sflag:s24] =	ssyncadd.s32 $0xFFFFE000  }
0x65: {  	[spmem:s3] =	stream.indirect.scatter.add.f32 [tilespmem:s18], [sflag:$0x5], $0x40, s20, s17, $0xb8;
	[tilespmem:$0x19000] =	vst v63  }
0x66: {  	_ =	swait.ge [sflag:s25], $0x2000  }
0x67: {  	[sflag:s25] =	ssyncset.done $0x0  }
0x68: {  	s20 =	sadd.s32 $0x2880, s16;
	[sflag:s25] =	ssyncadd.s32 $0xFFFFE000  }
0x69: {  	[spmem:s3] =	stream.indirect.scatter.add.f32 [tilespmem:s19], [sflag:$0x6], $0x40, s20, s17, $0xb8;
	[tilespmem:$0x19000] =	vst v63  }
0x6a: {  	_ =	swait.ge [sflag:s26], $0x2000  }
0x6b: {  	[sflag:s26] =	ssyncset.done $0x0  }
0x6c: {  	s20 =	sadd.s32 $0x2900, s16;
	[sflag:s26] =	ssyncadd.s32 $0xFFFFE000  }
0x6d: {  	[spmem:s3] =	stream.indirect.scatter.add.f32 [tilespmem:s21], [sflag:$0x7], $0x40, s20, s17, $0xb8;
	[tilespmem:$0x19000] =	vst v63  }
0x6e: {  	_ =	swait.ge [sflag:s28], $0x2000  }
0x6f: {  	[sflag:s28] =	ssyncset.done $0x0  }
0x70: {  	s20 =	sadd.s32 $0x2980, s16;
	[sflag:s28] =	ssyncadd.s32 $0xFFFFE000  }
0x71: {  	[spmem:s3] =	stream.indirect.scatter.add.f32 [tilespmem:s23], [sflag:$0x8], $0x40, s20, s17, $0xb8;
	[tilespmem:$0x19000] =	vst v63  }
0x72: {  	_ =	swait.ge [sflag:s29], $0x2000  }
0x73: {  	[sflag:s29] =	ssyncset.done $0x0  }
0x74: {  	s20 =	sadd.s32 $0x200, s16;
	[sflag:s29] =	ssyncadd.s32 $0xFFFFE000  }
0x75: {  	[tilespmem:s18], [sflag:$0x1] =	stream.indirect.gather [hbm4b:s2+s17], $0x40, s20, s17, $0xb8;
	[tilespmem:$0x19000] =	vst v63  }
0x76: {  	_ =	swait.ge [sflag:s30], $0x2000  }
0x77: {  	[sflag:s30] =	ssyncset.done $0x0  }
0x78: {  	s20 =	sadd.s32 $0x280, s16;
	[sflag:s30] =	ssyncadd.s32 $0xFFFFE000  }
0x79: {  	[tilespmem:s19], [sflag:$0x2] =	stream.indirect.gather [hbm4b:s2+s17], $0x40, s20, s17, $0xb8;
	[tilespmem:$0x19000] =	vst v63  }
0x7a: {  	_ =	swait.ge [sflag:s31], $0x2000  }
0x7b: {  	[sflag:s31] =	ssyncset.done $0x0  }
.Ltmp1:
0x7c: {  	s20 =	sadd.s32 $0x300, s16;
	[sflag:s31] =	ssyncadd.s32 $0xFFFFE000;
	(pc) =	sbr.rel @p0 .LBB2_4-.Ltmp1, $4  }
0x7d: {  	[tilespmem:s21], [sflag:$0x3] =	stream.indirect.gather [hbm4b:s2+s17], $0x40, s20, s17, $0xb8;
	[tilespmem:$0x19000] =	vst v63  }
0x7e: {  	_ =	swait.ge [sflag:s0], $0x2000  }
0x7f: {  	[sflag:s0] =	ssyncset.done $0x0  }
0x80: {  	s16 =	sadd.s32 $0x380, s16;
	[sflag:s0] =	ssyncadd.s32 $0xFFFFE000  }
0x81: {  	[tilespmem:s23], [sflag:$0x4] =	stream.indirect.gather [hbm4b:s2+s17], $0x40, s16, s17, $0xb8;
	[tilespmem:$0x19000] =	vst v63  }
0x82: {  	_ =	swait.ge [sflag:s24], $0x2000  }
0x83: {  	[sflag:s24] =	ssyncset.done $0x0  }
0x84: {  	s1 =	simm.s32 $0x4E00;
	[sflag:s24] =	ssyncadd.s32 $0xFFFFE000  }
0x85: {  	[spmem:s3] =	stream.indirect.scatter.add.f32 [tilespmem:s18], [sflag:$0x5], $0x40, s1, s17, $0xb8;
	[tilespmem:$0x19000] =	vst v63  }
0x86: {  	_ =	swait.ge [sflag:s25], $0x2000  }
0x87: {  	[sflag:s25] =	ssyncset.done $0x0  }
0x88: {  	s16 =	simm.s32 $0x4E80;
	[sflag:s25] =	ssyncadd.s32 $0xFFFFE000  }
0x89: {  	[spmem:s3] =	stream.indirect.scatter.add.f32 [tilespmem:s19], [sflag:$0x6], $0x40, s16, s17, $0xb8;
	[tilespmem:$0x19000] =	vst v63  }
0x8a: {  	_ =	swait.ge [sflag:s26], $0x2000  }
0x8b: {  	[sflag:s26] =	ssyncset.done $0x0  }
0x8c: {  	s20 =	simm.s32 $0x4F00;
	[sflag:s26] =	ssyncadd.s32 $0xFFFFE000  }
0x8d: {  	[spmem:s3] =	stream.indirect.scatter.add.f32 [tilespmem:s21], [sflag:$0x7], $0x40, s20, s17, $0xb8;
	[tilespmem:$0x19000] =	vst v63  }
0x8e: {  	_ =	swait.ge [sflag:s28], $0x2000  }
0x8f: {  	[sflag:s28] =	ssyncset.done $0x0  }
0x90: {  	[sflag:s28] =	ssyncadd.s32 $0xFFFFE000  }
0x91: {  	[spmem:s3] =	stream.indirect.scatter.add.f32 [tilespmem:s23], [sflag:$0x8], $0x40, s22, s17, $0xb8;
	[tilespmem:$0x19000] =	vst v63  }
0x92: {  	_ =	swait.ge [sflag:s29], $0x2000  }
0x93: {  	[sflag:s29] =	ssyncset.done $0x0  }
0x94: {  	[sflag:s29] =	ssyncadd.s32 $0xFFFFE000  }
0x95: {  	_ =	swait.ge [sflag:s30], $0x2000  }
0x96: {  	[sflag:s30] =	ssyncset.done $0x0  }
0x97: {  	[sflag:s30] =	ssyncadd.s32 $0xFFFFE000  }
0x98: {  	_ =	swait.ge [sflag:s31], $0x2000  }
0x99: {  	[sflag:s31] =	ssyncset.done $0x0  }
0x9a: {  	[sflag:s31] =	ssyncadd.s32 $0xFFFFE000  }
0x9b: {  	s16 =	stileid.u32;
	_ =	swait.ge [sflag:s0], $0x2000  }
0x9c: {  	s4 =	sadd.s32 $0x1, s4;
	s1 =	sshll.u32 s16, $0x6;
	[sflag:s0] =	ssyncset.done $0x0  }
0x9d: {  	p0 =	sne.s32 s4, s13;
	s1 =	sor.u32 $0x1C09, s1;
	[sflag:s0] =	ssyncadd.s32 $0xFFFFE000  }
.Ltmp2:
0x9e: {  	s20 =	sshrl.u32 s5, $0x3;
	[bflag:$0x0] =	sbarrier.arrive $0xFFFF;
	(pc) =	sbr.rel @p0 .LBB2_1-.Ltmp2, $4  }
0x9f: {  	[hbm:s12], [sflag:s1] =	dma.local [spmem:s20], $0x1400  }
0xa0: {  	_ =	swait.ge [sflag:s15], $0x1400  }
0xa1: {  	[sflag:s15] =	ssyncset.done $0x0  }
0xa2: {  	[sflag:s15] =	ssyncadd.s32 $0xFFFFEC00  }
0xa3: {  	_ =	sfence.sel $0x180000  }
0xa4: {  	[bflag:$0x0] =	sbarrier.arrive $0xFFFF  }
0xa5: {  	_ =	strace $0x9000004D  }
0xa6: {  	s0 =	stileid.u32;
	[bflag:$0x2] =	sbarrier.arrive $0xFFFF  }
0xa7: {  	p0 =	sne.s32 s0, $0x0;
	s0 =	rddreg [dreg:$0x3]  }
0xa8: {  	s0 =	sadd.s32 @!p0 $0x100000, s0  }
0xa9: {  	[sflag:s0] =	ssyncadd.tile.s32 @!p0 $0x1;
	_ =	shalt  }
.Lfunc_end2:
_tile_overlayer_lowered:
.L_overlay_start_2:
0xaa: {  	(tag) =	ssettag $0x2  }
0xab: {  	s0 =	rddreg [dreg:$0x0];
	s2 =	stileid.u32  }
0xac: {  	s1 =	rddreg [dreg:$0x1];
	p0 =	sne.s32 s2, $0x0  }
0xad: {  	s3 =	rddreg [dreg:$0x2];
	[bflag:$0x3] =	sbarrier.arrive $0xFFFF;
	s2 =	simm.s32 @!p0 $0x1C09  }
0xae: {  	[timem:s3], [sflag:s2] =	dma.local @!p0 [hbm:s0], s1  }
0xaf: {  	s0 =	simm.s32 @!p0 $0x9  }
0xb0: {  	_ =	swait.ge @!p0 [sflag:s0], s1  }
0xb1: {  	s1 =	ssub.s32 @!p0 $0x0, s1;
	[sflag:s0] =	ssyncset.done @!p0 $0x0  }
0xb2: {  	[sflag:s0] =	ssyncadd.s32 @!p0 s1  }
0xb3: {  	[bflag:$0x3] =	sbarrier.arrive $0xFFFF  }
0xb4: {  	_ =	shalt  }

// kernel: kernel.22.cloned.1.call-start
scs
__scs_entry_jumppad:
0x0: {  	(pc) =	sbr.rel $0x88, $3  }
0x1: {  	(tag) =	ssettag $0x0;
	lr =	simm.s32 $0x1  }
0x2: {  	[smem:$0x3F8B] =	sst lr;
	_ =	strace $0xD0000000  }
0x3: {  	_ = 	snop  }
0x4: {  	_ = 	snop  }
0x5: {  	_ = 	snop  }
0x6: {  	_ = 	snop  }
0x7: {  	_ = 	snop  }
__scs_overlays_trampoline_lowered:
0x8: {  	[smem:$0x3F9A] =	sst s0  }
0x9: {  	[smem:$0x3F9B] =	sst s1  }
0xa: {  	[smem:$0x3F9C] =	sst s2  }
0xb: {  	[smem:$0x3F9D] =	sst s3  }
0xc: {  	[smem:$0x3F9E] =	sst s4  }
0xd: {  	[smem:$0x3F9F] =	sst s5  }
0xe: {  	[smem:$0x3FA0] =	sst s6  }
0xf: {  	[smem:$0x3FA1] =	sst s7  }
0x10: {  	[smem:$0x3FA2] =	sst s8  }
0x11: {  	[smem:$0x3FA3] =	sst s9;
	s0 =	simm.s32 @!p0 $0x0  }
0x12: {  	s1 =	sld [smem:$0x3F89];
	s0 =	simm.s32 @p0 $0x1  }
0x13: {  	[smem:$0x3FA4] =	sst s0;
	s0 =	simm.s32 @!p1 $0x0  }
0x14: {  	s2 =	sld [smem:$0x3F88];
	s0 =	simm.s32 @p1 $0x1  }
0x15: {  	[smem:$0x3FA5] =	sst s0;
	s0 =	simm.s32 @!p2 $0x0  }
0x16: {  	s3 =	sld [smem:$0x3FDB];
	s0 =	simm.s32 @p2 $0x1  }
0x17: {  	s4 =	simm.s32 $0x1BF5;
	[smem:$0x3FA7] =	sst s0  }
0x18: {  	s0 =	sld [smem:$0x3F8A];
	_ =	swait.ge [sflag:s4], $0x0  }
0x19: {  	s7 =	sld [smem:$0x3F8B]  }
0x1a: {  	s8 =	sadd.s32 $0xFFFFE003, lr  }
0x1b: {  	s9 =	sadd.s32 $0xFFFFFEF7, lr;
	s5 =	simm.s32 $0xFFFFFFFF;
	p2 =	slt.u32 s8, $0xFFFFF086  }
0x1c: {  	p1 =	slt.u32 s9, $0xF7A;
	s5 =	simm.s32 @!p2 $0x0  }
0x1d: {  	s5 =	simm.s32 @p1 $0x1;
	p0 =	seq.s32 s7, s2  }
0x1e: {  	s7 =	smul.u32 @!p0 $0xF7A, s2;
	p2 =	seq.s32 @!p0 s5, $0x0  }
0x1f: {  	s9 =	smul.u32 $0xF7A, s1;
	s8 =	simm.s32 @!p0 $0x1BF5;
	p2 =	por !p2, p0  }
0x20: {  	[sflag:s8] =	ssyncset.s32 @!p0 $0xFFFFF086;
	s6 =	sadd.s32 @!p0 s3, s7;
	s7 =	simm.s32 @!p0 $0x108  }
0x21: {  	s3 =	sadd.s32 s3, s9;
	s6 =	sadd.s32 @!p0 $0x88, s6;
	s7 =	simm.s32 @p2 $0x1082  }
0x22: {  	[simem:s7], [sflag:s8] =	dma.local @!p0 [hbm:s6], $0xF7A  }
0x23: {  	s9 =	sor.u32 $0xD0000000, s2;
	s6 =	simm.s32 $0x108;
	_ =	swait.ge @!p0 [sflag:s8], $0x0  }
0x24: {  	s3 =	sadd.s32 $0x88, s3;
	s6 =	simm.s32 @!p1 $0x1082;
	[sflag:s4] =	ssyncset.s32 $0xFFFFF086  }
0x25: {  	[simem:s6], [sflag:s4] =	dma.local [hbm:s3], $0xF7A  }
0x26: {  	[smem:$0x3F8B] =	sst s1;
	(tag) =	ssettag s2;
	_ =	strace s9  }
0x27: {  	s1 =	sld [smem:$0x3F9B]  }
0x28: {  	s2 =	sld [smem:$0x3F9C]  }
0x29: {  	s4 =	sld [smem:$0x3F9E]  }
0x2a: {  	p0 =	seq.s32 s5, $0x0;
	s5 =	sld [smem:$0x3F9F]  }
0x2b: {  	s6 =	sld [smem:$0x3FA0]  }
0x2c: {  	s7 =	sld [smem:$0x3FA1]  }
0x2d: {  	s3 =	simm.s32 $0x108;
	s8 =	sld [smem:$0x3FA2]  }
0x2e: {  	s3 =	simm.s32 @!p0 $0x1082;
	s9 =	sld [smem:$0x3FA3]  }
0x2f: {  	lr =	sadd.s32 s0, s3;
	s0 =	sld [smem:$0x3F9A]  }
0x30: {  	s3 =	sld [smem:$0x3F9D]  }
0x31: {  	[smem:$0x3FA6] =	sst s10  }
0x32: {  	s10 =	sld [smem:$0x3FA4];
	_ =	sdelay $0x3  }
0x33: {  	p0 =	seq.s32 s10, $0x1;
	s10 =	sld [smem:$0x3FA6];
	_ =	sdelay $0x3  }
0x34: {  	[smem:$0x3FA6] =	sst s10  }
0x35: {  	s10 =	sld [smem:$0x3FA5];
	_ =	sdelay $0x3  }
0x36: {  	p1 =	seq.s32 s10, $0x1;
	s10 =	sld [smem:$0x3FA6];
	_ =	sdelay $0x3  }
0x37: {  	[smem:$0x3FA6] =	sst s10  }
0x38: {  	s10 =	sld [smem:$0x3FA7]  }
0x39: {  	_ = 	snop;
	(pc) =	sbr.ind lr, $3  }
0x3a: {  	_ = 	snop  }
0x3b: {  	_ = 	snop  }
0x3c: {  	p2 =	seq.s32 s10, $0x1;
	s10 =	sld [smem:$0x3FA6]  }
0x3d: {  	_ =	shalt  }
0x3e: {  	_ =	shalt  }
0x3f: {  	_ =	shalt  }
0x40: {  	_ =	shalt  }
0x41: {  	_ =	shalt  }
0x42: {  	_ =	shalt  }
0x43: {  	_ =	shalt  }
0x44: {  	_ =	shalt  }
0x45: {  	_ =	shalt  }
0x46: {  	_ =	shalt  }
0x47: {  	_ =	shalt  }
0x48: {  	_ =	shalt  }
0x49: {  	_ =	shalt  }
0x4a: {  	_ =	shalt  }
0x4b: {  	_ =	shalt  }
0x4c: {  	_ =	shalt  }
0x4d: {  	_ =	shalt  }
0x4e: {  	_ =	shalt  }
0x4f: {  	_ =	shalt  }
0x50: {  	_ =	shalt  }
0x51: {  	_ =	shalt  }
0x52: {  	_ =	shalt  }
0x53: {  	_ =	shalt  }
0x54: {  	_ =	shalt  }
0x55: {  	_ =	shalt  }
0x56: {  	_ =	shalt  }
0x57: {  	_ =	shalt  }
0x58: {  	_ =	shalt  }
0x59: {  	_ =	shalt  }
0x5a: {  	_ =	shalt  }
0x5b: {  	_ =	shalt  }
0x5c: {  	_ =	shalt  }
0x5d: {  	_ =	shalt  }
0x5e: {  	_ =	shalt  }
0x5f: {  	_ =	shalt  }
0x60: {  	_ =	shalt  }
0x61: {  	_ =	shalt  }
0x62: {  	_ =	shalt  }
0x63: {  	_ =	shalt  }
0x64: {  	_ =	shalt  }
0x65: {  	_ =	shalt  }
0x66: {  	_ =	shalt  }
0x67: {  	_ =	shalt  }
0x68: {  	_ =	shalt  }
0x69: {  	_ =	shalt  }
0x6a: {  	_ =	shalt  }
0x6b: {  	_ =	shalt  }
0x6c: {  	_ =	shalt  }
0x6d: {  	_ =	shalt  }
0x6e: {  	_ =	shalt  }
0x6f: {  	_ =	shalt  }
0x70: {  	_ =	shalt  }
0x71: {  	_ =	shalt  }
0x72: {  	_ =	shalt  }
0x73: {  	_ =	shalt  }
0x74: {  	_ =	shalt  }
0x75: {  	_ =	shalt  }
0x76: {  	_ =	shalt  }
0x77: {  	_ =	shalt  }
0x78: {  	_ =	shalt  }
0x79: {  	_ =	shalt  }
0x7a: {  	_ =	shalt  }
0x7b: {  	_ =	shalt  }
0x7c: {  	_ =	shalt  }
0x7d: {  	_ =	shalt  }
0x7e: {  	_ =	shalt  }
0x7f: {  	_ =	shalt  }
0x80: {  	_ =	shalt  }
0x81: {  	_ =	shalt  }
0x82: {  	_ =	shalt  }
0x83: {  	_ =	shalt  }
0x84: {  	_ =	shalt  }
0x85: {  	_ =	shalt  }
0x86: {  	_ =	shalt  }
0x87: {  	_ =	shalt  }
.Lfunc_end0:
.L_simem_size_0:
called_computation.3_lowered:
.L_overlay_start_0:
0x88: {  	s2 =	sld [smem:$0x3FD9]  }
0x89: {  	s3 =	sld [smem:$0x3FFE];
	_ =	sdelay $0x1  }
0x8a: {  	s1 =	srdreg.scid  }
0x8b: {  	s0 =	sand.u32 $0x1, s1  }
0x8c: {  	s17 =	sshll.u32 s0, $0xA;
	s2 =	sadd.s32 s3, s2  }
0x8d: {  	s2 =	sadd.s32 s2, s17  }
0x8e: {  	[smem:$0x3FB2] =	sst s2  }
0x8f: {  	_ = 	snop  }
0x90: {  	s2 =	sld [smem:$0x3FD0];
	(tm) =	ssettm $0x1  }
0x91: {  	s18 =	sld [smem:$0x3FFB];
	_ =	sdelay $0x3  }
0x92: {  	_ =	strace s18  }
0x93: {  	s3 =	sld [smem:$0x3FFC];
	_ =	sdelay $0x3  }
0x94: {  	_ =	strace s3  }
0x95: {  	s3 =	sld [smem:$0x3FFD];
	_ =	sdelay $0x3  }
0x96: {  	_ =	strace s3  }
0x97: {  	_ =	strace $0x8FFFFFFF  }
0x98: {  	s19 =	sld [smem:$0x3FDB];
	_ =	sdelay $0x1  }
0x99: {  	s4 =	simm.s32 $_scs_section_size  }
0x9a: {  	s5 =	simm.s32 $_size__tile_overlayer_lowered;
	s6 =	simm.s32 $_tile_overlayer_lowered  }
0x9b: {  	s22 =	simm.s32 $0x1BFF;
	s21 =	sshll.u32 s6, $0x1;
	s3 =	sadd.s32 s4, s19  }
0x9c: {  	s7 =	simm.s32 $0x0;
	s20 =	sshll.u32 s5, $0x1;
	s5 =	sadd.s32 s21, s3  }
0x9d: {  	[timem:s7], [sflag:s22] =	dma.local [hbm:s5], s20  }
0x9e: {  	_ =	swait.ge [sflag:s22], s20  }
0x9f: {  	s4 =	ssub.s32 $0x0, s20;
	[sflag:s22] =	ssyncset.done $0x0  }
0xa0: {  	[sflag:s22] =	ssyncadd.s32 s4;
	_ =	sdelay $0x1  }
0xa1: {  	s23 =	simm.s32 $0x1B8B  }
0xa2: {  	_ =	swait.ge [sflag:s23], $0x1  }
0xa3: {  	[sflag:s23] =	ssyncset.done $0x0  }
0xa4: {  	s25 =	simm.s32 $0x1B8E;
	s24 =	sld [smem:$0x3FFE];
	[sflag:s23] =	ssyncadd.s32 $0xFFFFFFFF  }
0xa5: {  	s26 =	simm.s32 $execute0_lowered;
	[smem:$0x3FD2] =	sst s25  }
0xa6: {  	s5 =	sshll.u32 s26, $0x1;
	_ =	strace $0x8000004F;
	[dreg:$0x1] =	wrdreg $0xFFFFFFFF  }
0xa7: {  	s28 =	simm.s32 $_size_execute0_lowered;
	s3 =	sadd.s32 s3, s5;
	[dreg:$0x0] =	wrdreg $0x0  }
0xa8: {  	s5 =	sshll.u32 s28, $0x1;
	[dreg:$0x2] =	wrdreg s3  }
0xa9: {  	[dreg:$0x3] =	wrdreg s5  }
0xaa: {  	[dreg:$0x4] =	wrdreg $0xC0  }
0xab: {  	_ =	task [dreg:s7], $0x5FFFF  }
0xac: {  	[dreg:$0x1] =	wrdreg $0xFFFFFFFF  }
0xad: {  	[dreg:$0x0] =	wrdreg $0x60  }
0xae: {  	[dreg:$0x2] =	wrdreg s2  }
0xaf: {  	[dreg:$0x3] =	wrdreg s24  }
0xb0: {  	[dreg:$0x4] =	wrdreg $0xF0000  }
0xb1: {  	[dreg:$0x5] =	wrdreg $0x9  }
0xb2: {  	_ =	task.clear_ibuf [dreg:s7], $0x6FFFF;
	_ =	strace $0x9000004F  }
0xb3: {  	s29 =	simm.s32 $0x9;
	_ =	strace $0x80000051  }
0xb4: {  	_ =	swait.ge [sflag:s29], $0x1  }
0xb5: {  	[sflag:s29] =	ssyncadd.s32 $0xFFFFFFFF  }
0xb6: {  	_ =	strace $0x90000051  }
0xb7: {  	_ =	sfence  }
0xb8: {  	s30 =	sld [smem:$0x0];
	_ =	sdelay $0x2  }
0xb9: {  	s31 =	sshll.u32 s1, $0xD;
	s1 =	sshrl.u32 s1, $0x2  }
0xba: {  	s3 =	sand.u32 $0x4000, s31;
	s1 =	sadd.s32 s1, s30  }
0xbb: {  	s0 =	sor.u32 s3, s0;
	s1 =	sshll.u32 s1, $0x11  }
0xbc: {  	s0 =	sor.u32 s1, s0  }
0xbd: {  	s0 =	sadd.s32 $0x8F2B, s0  }
0xbe: {  	[sflag:s0] =	ssyncadd.remote.s32 $0x1  }
0xbf: {  	_ =	sfence.sel $0xFFFF  }
0xc0: {  	[dreg:$0x0] =	wrdreg $0xFFFFFFFF;
	(pc) =	sbr.abs _section_cstart, $3  }
0xc1: {  	[dreg:$0x1] =	wrdreg $0xFFFFFFFF  }
0xc2: {  	_ =	task.clear_ibuf [dreg:s7], $0x2FFFF;
	_ =	strace $0x9FFFFFFF  }
0xc3: {  	(tm) =	ssettm $0x7FFFFFFF  }
tec
execute0_lowered:
.L_overlay_start_1:
0x0: {  	(tag) =	ssettag $0x1  }
0x1: {  	s2 =	rddreg [dreg:$0x0]  }
0x2: {  	s0 =	rddreg [dreg:$0x1]  }
0x3: {  	s1 =	srdreg.scid;
	s3 =	rddreg [dreg:$0x2]  }
0x4: {  	s8 =	stileid.u32;
	s4 =	simm.s32 $0x0;
	s14 =	simm.s32 $0xD000  }
0x5: {  	s15 =	simm.s32 $0x9;
	s17 =	simm.s32 $0x80;
	s18 =	simm.s32 $0x5000  }
0x6: {  	s19 =	simm.s32 $0x7000;
	s21 =	simm.s32 $0x9000;
	s23 =	simm.s32 $0xB000  }
0x7: {  	s28 =	simm.s32 $0x4;
	s29 =	simm.s32 $0x5;
	s30 =	simm.s32 $0x6  }
0x8: {  	s31 =	simm.s32 $0x7;
	s22 =	simm.s32 $0x4F80;
	s1 =	sand.u32 $0x1, s1  }
0x9: {  	s6 =	smul.u32 $0xA000, s8;
	[smem:$0x7FF] =	sst s4;
	s5 =	sshll.u32 s1, $0x4  }
0xa: {  	s7 =	smul.u32 $0xA0000, s1;
	_ =	strace $0x80000050;
	s1 =	ssub.s32 $0x2, s1  }
0xb: {  	s5 =	sor.u32 s8, s5;
	s8 =	smul.u32 $0x28000, s8;
	s25 =	sshrl.u32 s1, $0x1  }
0xc: {  	s5 =	smul.u32 $0x500, s5;
	s7 =	sadd.s32 s6, s7;
	s1 =	ssub.s32 s1, s25  }
0xd: {  	s25 =	simm.s32 $0x2;
	s24 =	sshrl.u32 s7, $0x3;
	s26 =	sshrl.u32 s8, $0x2  }
0xe: {  	s13 =	smax.u32 s1, $0x1;
	s11 =	sadd.s32 s5, s0;
	s0 =	sadd.s32 s24, s0  }
0xf: {  	s5 =	sadd.s32 s6, s3;
	s9 =	sadd.s32 s26, s3;
	s24 =	simm.s32 $0x1  }
0x10: {  	s26 =	simm.s32 $0x3;
	s6 =	sadd.s32 $0x2000, s9;
	s7 =	sadd.s32 $0x4000, s9  }
0x11: {  	s8 =	sadd.s32 $0x6000, s9;
	s9 =	sadd.s32 $0x8000, s9;
	s10 =	sadd.s32 $0x17800, s11  }
0x12: {  	v0 =	vimm.f32 $0.0e+00;
	s11 =	sadd.s32 $0x21800, s11;
	s12 =	sadd.s32 $0x2B800, s0;
	s0 =	simm.s32 $0x8  }
.LBB2_1:
0x13: {  	s16 =	simm.s32 $0x100;
	s1 =	simm.s32 $0x0  }
.LBB2_2:
0x14: {  	p0 =	sne.s32 s16, $0x7F00;
	[tilespmem:s1+$0xD030] =	vst v0;
	s20 =	smov.u32 s16;
	s16 =	sadd.s32 $0x100, s16  }
.Ltmp0:
0x15: {  	[tilespmem:s1+$0xD020] =	vst v0;
	(pc) =	sbr.rel @p0 .LBB2_2-.Ltmp0, $3  }
0x16: {  	[tilespmem:s1+$0xD000] =	vst v0  }
0x17: {  	[tilespmem:s1+$0xD010] =	vst v0;
	_ =	sdelay $0x1  }
0x18: {  	s1 =	sshra.s32 s20, $0x2  }
0x19: {  	[tilespmem:s1+$0xD030] =	vst v0  }
0x1a: {  	[tilespmem:s1+$0xD020] =	vst v0  }
0x1b: {  	[tilespmem:s1+$0xD000] =	vst v0  }
0x1c: {  	[tilespmem:s1+$0xD010] =	vst v0  }
0x1d: {  	[spmem:s5] =	stream.linear.scatter [tilespmem:s14], [sflag:$0x9], $0x2000, $0x38;
	[tilespmem:$0x19000] =	vst v63  }
0x1e: {  	_ =	swait.ge [sflag:s15], $0x2000  }
0x1f: {  	[sflag:s15] =	ssyncset.done $0x0  }
0x20: {  	[sflag:s15] =	ssyncadd.s32 $0xFFFFE000  }
0x21: {  	[spmem:s6] =	stream.linear.scatter [tilespmem:s14], [sflag:$0x9], $0x2000, $0x38;
	[tilespmem:$0x19000] =	vst v63  }
0x22: {  	_ =	swait.ge [sflag:s15], $0x2000  }
0x23: {  	[sflag:s15] =	ssyncset.done $0x0  }
0x24: {  	[sflag:s15] =	ssyncadd.s32 $0xFFFFE000  }
0x25: {  	[spmem:s7] =	stream.linear.scatter [tilespmem:s14], [sflag:$0x9], $0x2000, $0x38;
	[tilespmem:$0x19000] =	vst v63  }
0x26: {  	_ =	swait.ge [sflag:s15], $0x2000  }
0x27: {  	[sflag:s15] =	ssyncset.done $0x0  }
0x28: {  	[sflag:s15] =	ssyncadd.s32 $0xFFFFE000  }
0x29: {  	[spmem:s8] =	stream.linear.scatter [tilespmem:s14], [sflag:$0x9], $0x2000, $0x38;
	[tilespmem:$0x19000] =	vst v63  }
0x2a: {  	_ =	swait.ge [sflag:s15], $0x2000  }
0x2b: {  	[sflag:s15] =	ssyncset.done $0x0  }
0x2c: {  	[sflag:s15] =	ssyncadd.s32 $0xFFFFE000  }
0x2d: {  	[spmem:s9] =	stream.linear.scatter [tilespmem:s14], [sflag:$0x9], $0x2000, $0x38;
	[tilespmem:$0x19000] =	vst v63  }
0x2e: {  	_ =	swait.ge [sflag:s15], $0x2000  }
0x2f: {  	[sflag:s15] =	ssyncset.done $0x0  }
0x30: {  	[sflag:s15] =	ssyncadd.s32 $0xFFFFE000  }
0x31: {  	s20 =	simm.s32 $0x0;
	[bflag:$0x0] =	sbarrier.arrive $0xFFFF  }
0x32: {  	[tilespmem:s20], [sflag:$0x9] =	stream.linear.gather [hbm4b:s10+s20], $0x2800, $0x38;
	[tilespmem:$0x19000] =	vst v63  }
0x33: {  	_ =	swait.ge [sflag:s15], $0x2800  }
0x34: {  	[sflag:s15] =	ssyncset.done $0x0  }
0x35: {  	s16 =	simm.s32 $0x2800;
	[sflag:s15] =	ssyncadd.s32 $0xFFFFD800  }
0x36: {  	[tilespmem:s16], [sflag:$0x9] =	stream.linear.gather [hbm4b:s11+s20], $0x2800, $0x38;
	[tilespmem:$0x19000] =	vst v63  }
0x37: {  	_ =	swait.ge [sflag:s15], $0x2800  }
0x38: {  	[sflag:s15] =	ssyncset.done $0x0  }
0x39: {  	[sflag:s15] =	ssyncadd.s32 $0xFFFFD800  }
0x3a: {  	[tilespmem:s18], [sflag:$0x1] =	stream.indirect.gather [hbm4b:s2+s17], $0x40, s20, s17, $0xb8;
	[tilespmem:$0x19000] =	vst v63  }
0x3b: {  	_ = 	snop  }
0x3c: {  	[tilespmem:s19], [sflag:$0x2] =	stream.indirect.gather [hbm4b:s2+s17], $0x40, s17, s17, $0xb8;
	[tilespmem:$0x19000] =	vst v63  }
0x3d: {  	s20 =	simm.s32 $0x100  }
0x3e: {  	[tilespmem:s21], [sflag:$0x3] =	stream.indirect.gather [hbm4b:s2+s17], $0x40, s20, s17, $0xb8;
	[tilespmem:$0x19000] =	vst v63  }
0x3f: {  	s16 =	simm.s32 $0x180  }
0x40: {  	[tilespmem:s23], [sflag:$0x4] =	stream.indirect.gather [hbm4b:s2+s17], $0x40, s16, s17, $0xb8;
	[tilespmem:$0x19000] =	vst v63  }
0x41: {  	_ =	swait.ge [sflag:s24], $0x2000  }
0x42: {  	[sflag:s24] =	ssyncset.done $0x0  }
0x43: {  	s20 =	simm.s32 $0x2800;
	[sflag:s24] =	ssyncadd.s32 $0xFFFFE000  }
0x44: {  	[spmem:s3] =	stream.indirect.scatter.add.f32 [tilespmem:s18], [sflag:$0x5], $0x40, s20, s17, $0xb8;
	[tilespmem:$0x19000] =	vst v63  }
0x45: {  	_ =	swait.ge [sflag:s25], $0x2000  }
0x46: {  	[sflag:s25] =	ssyncset.done $0x0  }
0x47: {  	s16 =	simm.s32 $0x2880;
	[sflag:s25] =	ssyncadd.s32 $0xFFFFE000  }
0x48: {  	[spmem:s3] =	stream.indirect.scatter.add.f32 [tilespmem:s19], [sflag:$0x6], $0x40, s16, s17, $0xb8;
	[tilespmem:$0x19000] =	vst v63  }
0x49: {  	_ =	swait.ge [sflag:s26], $0x2000  }
0x4a: {  	[sflag:s26] =	ssyncset.done $0x0  }
0x4b: {  	s20 =	simm.s32 $0x2900;
	[sflag:s26] =	ssyncadd.s32 $0xFFFFE000  }
0x4c: {  	[spmem:s3] =	stream.indirect.scatter.add.f32 [tilespmem:s21], [sflag:$0x7], $0x40, s20, s17, $0xb8;
	[tilespmem:$0x19000] =	vst v63  }
0x4d: {  	_ =	swait.ge [sflag:s28], $0x2000  }
0x4e: {  	[sflag:s28] =	ssyncset.done $0x0  }
0x4f: {  	s16 =	simm.s32 $0x2980;
	[sflag:s28] =	ssyncadd.s32 $0xFFFFE000  }
0x50: {  	[spmem:s3] =	stream.indirect.scatter.add.f32 [tilespmem:s23], [sflag:$0x8], $0x40, s16, s17, $0xb8;
	[tilespmem:$0x19000] =	vst v63  }
0x51: {  	_ =	swait.ge [sflag:s29], $0x2000  }
0x52: {  	[sflag:s29] =	ssyncset.done $0x0  }
0x53: {  	s20 =	simm.s32 $0x200;
	[sflag:s29] =	ssyncadd.s32 $0xFFFFE000  }
0x54: {  	[tilespmem:s18], [sflag:$0x1] =	stream.indirect.gather [hbm4b:s2+s17], $0x40, s20, s17, $0xb8;
	[tilespmem:$0x19000] =	vst v63  }
0x55: {  	_ =	swait.ge [sflag:s30], $0x2000  }
0x56: {  	[sflag:s30] =	ssyncset.done $0x0  }
0x57: {  	s16 =	simm.s32 $0x280;
	[sflag:s30] =	ssyncadd.s32 $0xFFFFE000  }
0x58: {  	[tilespmem:s19], [sflag:$0x2] =	stream.indirect.gather [hbm4b:s2+s17], $0x40, s16, s17, $0xb8;
	[tilespmem:$0x19000] =	vst v63  }
0x59: {  	_ =	swait.ge [sflag:s31], $0x2000  }
0x5a: {  	[sflag:s31] =	ssyncset.done $0x0  }
0x5b: {  	s20 =	simm.s32 $0x300;
	[sflag:s31] =	ssyncadd.s32 $0xFFFFE000  }
0x5c: {  	[tilespmem:s21], [sflag:$0x3] =	stream.indirect.gather [hbm4b:s2+s17], $0x40, s20, s17, $0xb8;
	[tilespmem:$0x19000] =	vst v63  }
0x5d: {  	_ =	swait.ge [sflag:s0], $0x2000  }
0x5e: {  	[sflag:s0] =	ssyncset.done $0x0  }
0x5f: {  	s1 =	simm.s32 $0x800;
	s16 =	simm.s32 $0x380;
	[sflag:s0] =	ssyncadd.s32 $0xFFFFE000  }
.LBB2_4:
0x60: {  	[tilespmem:s23], [sflag:$0x4] =	stream.indirect.gather [hbm4b:s2+s17], $0x40, s16, s17, $0xb8;
	[tilespmem:$0x19000] =	vst v63  }
0x61: {  	s16 =	smov.u32 s1  }
0x62: {  	p0 =	sne.s32 s1, $0x9000;
	s1 =	sadd.s32 $0x800, s1;
	_ =	swait.ge [sflag:s24], $0x2000  }
0x63: {  	s16 =	sshra.s32 s16, $0x2;
	[sflag:s24] =	ssyncset.done $0x0  }
0x64: {  	s20 =	sadd.s32 $0x2800, s16;
	[sflag:s24] =	ssyncadd.s32 $0xFFFFE000  }
0x65: {  	[spmem:s3] =	stream.indirect.scatter.add.f32 [tilespmem:s18], [sflag:$0x5], $0x40, s20, s17, $0xb8;
	[tilespmem:$0x19000] =	vst v63  }
0x66: {  	_ =	swait.ge [sflag:s25], $0x2000  }
0x67: {  	[sflag:s25] =	ssyncset.done $0x0  }
0x68: {  	s20 =	sadd.s32 $0x2880, s16;
	[sflag:s25] =	ssyncadd.s32 $0xFFFFE000  }
0x69: {  	[spmem:s3] =	stream.indirect.scatter.add.f32 [tilespmem:s19], [sflag:$0x6], $0x40, s20, s17, $0xb8;
	[tilespmem:$0x19000] =	vst v63  }
0x6a: {  	_ =	swait.ge [sflag:s26], $0x2000  }
0x6b: {  	[sflag:s26] =	ssyncset.done $0x0  }
0x6c: {  	s20 =	sadd.s32 $0x2900, s16;
	[sflag:s26] =	ssyncadd.s32 $0xFFFFE000  }
0x6d: {  	[spmem:s3] =	stream.indirect.scatter.add.f32 [tilespmem:s21], [sflag:$0x7], $0x40, s20, s17, $0xb8;
	[tilespmem:$0x19000] =	vst v63  }
0x6e: {  	_ =	swait.ge [sflag:s28], $0x2000  }
0x6f: {  	[sflag:s28] =	ssyncset.done $0x0  }
0x70: {  	s20 =	sadd.s32 $0x2980, s16;
	[sflag:s28] =	ssyncadd.s32 $0xFFFFE000  }
0x71: {  	[spmem:s3] =	stream.indirect.scatter.add.f32 [tilespmem:s23], [sflag:$0x8], $0x40, s20, s17, $0xb8;
	[tilespmem:$0x19000] =	vst v63  }
0x72: {  	_ =	swait.ge [sflag:s29], $0x2000  }
0x73: {  	[sflag:s29] =	ssyncset.done $0x0  }
0x74: {  	s20 =	sadd.s32 $0x200, s16;
	[sflag:s29] =	ssyncadd.s32 $0xFFFFE000  }
0x75: {  	[tilespmem:s18], [sflag:$0x1] =	stream.indirect.gather [hbm4b:s2+s17], $0x40, s20, s17, $0xb8;
	[tilespmem:$0x19000] =	vst v63  }
0x76: {  	_ =	swait.ge [sflag:s30], $0x2000  }
0x77: {  	[sflag:s30] =	ssyncset.done $0x0  }
0x78: {  	s20 =	sadd.s32 $0x280, s16;
	[sflag:s30] =	ssyncadd.s32 $0xFFFFE000  }
0x79: {  	[tilespmem:s19], [sflag:$0x2] =	stream.indirect.gather [hbm4b:s2+s17], $0x40, s20, s17, $0xb8;
	[tilespmem:$0x19000] =	vst v63  }
0x7a: {  	_ =	swait.ge [sflag:s31], $0x2000  }
0x7b: {  	[sflag:s31] =	ssyncset.done $0x0  }
.Ltmp1:
0x7c: {  	s20 =	sadd.s32 $0x300, s16;
	[sflag:s31] =	ssyncadd.s32 $0xFFFFE000;
	(pc) =	sbr.rel @p0 .LBB2_4-.Ltmp1, $4  }
0x7d: {  	[tilespmem:s21], [sflag:$0x3] =	stream.indirect.gather [hbm4b:s2+s17], $0x40, s20, s17, $0xb8;
	[tilespmem:$0x19000] =	vst v63  }
0x7e: {  	_ =	swait.ge [sflag:s0], $0x2000  }
0x7f: {  	[sflag:s0] =	ssyncset.done $0x0  }
0x80: {  	s16 =	sadd.s32 $0x380, s16;
	[sflag:s0] =	ssyncadd.s32 $0xFFFFE000  }
0x81: {  	[tilespmem:s23], [sflag:$0x4] =	stream.indirect.gather [hbm4b:s2+s17], $0x40, s16, s17, $0xb8;
	[tilespmem:$0x19000] =	vst v63  }
0x82: {  	_ =	swait.ge [sflag:s24], $0x2000  }
0x83: {  	[sflag:s24] =	ssyncset.done $0x0  }
0x84: {  	s1 =	simm.s32 $0x4E00;
	[sflag:s24] =	ssyncadd.s32 $0xFFFFE000  }
0x85: {  	[spmem:s3] =	stream.indirect.scatter.add.f32 [tilespmem:s18], [sflag:$0x5], $0x40, s1, s17, $0xb8;
	[tilespmem:$0x19000] =	vst v63  }
0x86: {  	_ =	swait.ge [sflag:s25], $0x2000  }
0x87: {  	[sflag:s25] =	ssyncset.done $0x0  }
0x88: {  	s16 =	simm.s32 $0x4E80;
	[sflag:s25] =	ssyncadd.s32 $0xFFFFE000  }
0x89: {  	[spmem:s3] =	stream.indirect.scatter.add.f32 [tilespmem:s19], [sflag:$0x6], $0x40, s16, s17, $0xb8;
	[tilespmem:$0x19000] =	vst v63  }
0x8a: {  	_ =	swait.ge [sflag:s26], $0x2000  }
0x8b: {  	[sflag:s26] =	ssyncset.done $0x0  }
0x8c: {  	s20 =	simm.s32 $0x4F00;
	[sflag:s26] =	ssyncadd.s32 $0xFFFFE000  }
0x8d: {  	[spmem:s3] =	stream.indirect.scatter.add.f32 [tilespmem:s21], [sflag:$0x7], $0x40, s20, s17, $0xb8;
	[tilespmem:$0x19000] =	vst v63  }
0x8e: {  	_ =	swait.ge [sflag:s28], $0x2000  }
0x8f: {  	[sflag:s28] =	ssyncset.done $0x0  }
0x90: {  	[sflag:s28] =	ssyncadd.s32 $0xFFFFE000  }
0x91: {  	[spmem:s3] =	stream.indirect.scatter.add.f32 [tilespmem:s23], [sflag:$0x8], $0x40, s22, s17, $0xb8;
	[tilespmem:$0x19000] =	vst v63  }
0x92: {  	_ =	swait.ge [sflag:s29], $0x2000  }
0x93: {  	[sflag:s29] =	ssyncset.done $0x0  }
0x94: {  	[sflag:s29] =	ssyncadd.s32 $0xFFFFE000  }
0x95: {  	_ =	swait.ge [sflag:s30], $0x2000  }
0x96: {  	[sflag:s30] =	ssyncset.done $0x0  }
0x97: {  	[sflag:s30] =	ssyncadd.s32 $0xFFFFE000  }
0x98: {  	_ =	swait.ge [sflag:s31], $0x2000  }
0x99: {  	[sflag:s31] =	ssyncset.done $0x0  }
0x9a: {  	[sflag:s31] =	ssyncadd.s32 $0xFFFFE000  }
0x9b: {  	s16 =	stileid.u32;
	_ =	swait.ge [sflag:s0], $0x2000  }
0x9c: {  	s4 =	sadd.s32 $0x1, s4;
	s1 =	sshll.u32 s16, $0x6;
	[sflag:s0] =	ssyncset.done $0x0  }
0x9d: {  	p0 =	sne.s32 s4, s13;
	s1 =	sor.u32 $0x1C09, s1;
	[sflag:s0] =	ssyncadd.s32 $0xFFFFE000  }
.Ltmp2:
0x9e: {  	s20 =	sshrl.u32 s5, $0x3;
	[bflag:$0x0] =	sbarrier.arrive $0xFFFF;
	(pc) =	sbr.rel @p0 .LBB2_1-.Ltmp2, $4  }
0x9f: {  	[hbm:s12], [sflag:s1] =	dma.local [spmem:s20], $0x1400  }
0xa0: {  	_ =	swait.ge [sflag:s15], $0x1400  }
0xa1: {  	[sflag:s15] =	ssyncset.done $0x0  }
0xa2: {  	[sflag:s15] =	ssyncadd.s32 $0xFFFFEC00  }
0xa3: {  	_ =	sfence.sel $0x180000  }
0xa4: {  	[bflag:$0x0] =	sbarrier.arrive $0xFFFF  }
0xa5: {  	_ =	strace $0x90000050  }
0xa6: {  	s0 =	stileid.u32;
	[bflag:$0x2] =	sbarrier.arrive $0xFFFF  }
0xa7: {  	p0 =	sne.s32 s0, $0x0;
	s0 =	rddreg [dreg:$0x3]  }
0xa8: {  	s0 =	sadd.s32 @!p0 $0x100000, s0  }
0xa9: {  	[sflag:s0] =	ssyncadd.tile.s32 @!p0 $0x1;
	_ =	shalt  }
.Lfunc_end2:
_tile_overlayer_lowered:
.L_overlay_start_2:
0xaa: {  	(tag) =	ssettag $0x2  }
0xab: {  	s0 =	rddreg [dreg:$0x0];
	s2 =	stileid.u32  }
0xac: {  	s1 =	rddreg [dreg:$0x1];
	p0 =	sne.s32 s2, $0x0  }
0xad: {  	s3 =	rddreg [dreg:$0x2];
	[bflag:$0x3] =	sbarrier.arrive $0xFFFF;
	s2 =	simm.s32 @!p0 $0x1C09  }
0xae: {  	[timem:s3], [sflag:s2] =	dma.local @!p0 [hbm:s0], s1  }
0xaf: {  	s0 =	simm.s32 @!p0 $0x9  }
0xb0: {  	_ =	swait.ge @!p0 [sflag:s0], s1  }
0xb1: {  	s1 =	ssub.s32 @!p0 $0x0, s1;
	[sflag:s0] =	ssyncset.done @!p0 $0x0  }
0xb2: {  	[sflag:s0] =	ssyncadd.s32 @!p0 s1  }
0xb3: {  	[bflag:$0x3] =	sbarrier.arrive $0xFFFF  }
0xb4: {  	_ =	shalt  }

// kernel: kernel.25.cloned.1.call-start
scs
__scs_entry_jumppad:
0x0: {  	(pc) =	sbr.rel $0x88, $3  }
0x1: {  	(tag) =	ssettag $0x0;
	lr =	simm.s32 $0x1  }
0x2: {  	[smem:$0x3F8B] =	sst lr;
	_ =	strace $0xD0000000  }
0x3: {  	_ = 	snop  }
0x4: {  	_ = 	snop  }
0x5: {  	_ = 	snop  }
0x6: {  	_ = 	snop  }
0x7: {  	_ = 	snop  }
__scs_overlays_trampoline_lowered:
0x8: {  	[smem:$0x3F9A] =	sst s0  }
0x9: {  	[smem:$0x3F9B] =	sst s1  }
0xa: {  	[smem:$0x3F9C] =	sst s2  }
0xb: {  	[smem:$0x3F9D] =	sst s3  }
0xc: {  	[smem:$0x3F9E] =	sst s4  }
0xd: {  	[smem:$0x3F9F] =	sst s5  }
0xe: {  	[smem:$0x3FA0] =	sst s6  }
0xf: {  	[smem:$0x3FA1] =	sst s7  }
0x10: {  	[smem:$0x3FA2] =	sst s8  }
0x11: {  	[smem:$0x3FA3] =	sst s9;
	s0 =	simm.s32 @!p0 $0x0  }
0x12: {  	s1 =	sld [smem:$0x3F89];
	s0 =	simm.s32 @p0 $0x1  }
0x13: {  	[smem:$0x3FA4] =	sst s0;
	s0 =	simm.s32 @!p1 $0x0  }
0x14: {  	s2 =	sld [smem:$0x3F88];
	s0 =	simm.s32 @p1 $0x1  }
0x15: {  	[smem:$0x3FA5] =	sst s0;
	s0 =	simm.s32 @!p2 $0x0  }
0x16: {  	s3 =	sld [smem:$0x3FDB];
	s0 =	simm.s32 @p2 $0x1  }
0x17: {  	s4 =	simm.s32 $0x1BF5;
	[smem:$0x3FA7] =	sst s0  }
0x18: {  	s0 =	sld [smem:$0x3F8A];
	_ =	swait.ge [sflag:s4], $0x0  }
0x19: {  	s7 =	sld [smem:$0x3F8B]  }
0x1a: {  	s8 =	sadd.s32 $0xFFFFE003, lr  }
0x1b: {  	s9 =	sadd.s32 $0xFFFFFEF7, lr;
	s5 =	simm.s32 $0xFFFFFFFF;
	p2 =	slt.u32 s8, $0xFFFFF086  }
0x1c: {  	p1 =	slt.u32 s9, $0xF7A;
	s5 =	simm.s32 @!p2 $0x0  }
0x1d: {  	s5 =	simm.s32 @p1 $0x1;
	p0 =	seq.s32 s7, s2  }
0x1e: {  	s7 =	smul.u32 @!p0 $0xF7A, s2;
	p2 =	seq.s32 @!p0 s5, $0x0  }
0x1f: {  	s9 =	smul.u32 $0xF7A, s1;
	s8 =	simm.s32 @!p0 $0x1BF5;
	p2 =	por !p2, p0  }
0x20: {  	[sflag:s8] =	ssyncset.s32 @!p0 $0xFFFFF086;
	s6 =	sadd.s32 @!p0 s3, s7;
	s7 =	simm.s32 @!p0 $0x108  }
0x21: {  	s3 =	sadd.s32 s3, s9;
	s6 =	sadd.s32 @!p0 $0x88, s6;
	s7 =	simm.s32 @p2 $0x1082  }
0x22: {  	[simem:s7], [sflag:s8] =	dma.local @!p0 [hbm:s6], $0xF7A  }
0x23: {  	s9 =	sor.u32 $0xD0000000, s2;
	s6 =	simm.s32 $0x108;
	_ =	swait.ge @!p0 [sflag:s8], $0x0  }
0x24: {  	s3 =	sadd.s32 $0x88, s3;
	s6 =	simm.s32 @!p1 $0x1082;
	[sflag:s4] =	ssyncset.s32 $0xFFFFF086  }
0x25: {  	[simem:s6], [sflag:s4] =	dma.local [hbm:s3], $0xF7A  }
0x26: {  	[smem:$0x3F8B] =	sst s1;
	(tag) =	ssettag s2;
	_ =	strace s9  }
0x27: {  	s1 =	sld [smem:$0x3F9B]  }
0x28: {  	s2 =	sld [smem:$0x3F9C]  }
0x29: {  	s4 =	sld [smem:$0x3F9E]  }
0x2a: {  	p0 =	seq.s32 s5, $0x0;
	s5 =	sld [smem:$0x3F9F]  }
0x2b: {  	s6 =	sld [smem:$0x3FA0]  }
0x2c: {  	s7 =	sld [smem:$0x3FA1]  }
0x2d: {  	s3 =	simm.s32 $0x108;
	s8 =	sld [smem:$0x3FA2]  }
0x2e: {  	s3 =	simm.s32 @!p0 $0x1082;
	s9 =	sld [smem:$0x3FA3]  }
0x2f: {  	lr =	sadd.s32 s0, s3;
	s0 =	sld [smem:$0x3F9A]  }
0x30: {  	s3 =	sld [smem:$0x3F9D]  }
0x31: {  	[smem:$0x3FA6] =	sst s10  }
0x32: {  	s10 =	sld [smem:$0x3FA4];
	_ =	sdelay $0x3  }
0x33: {  	p0 =	seq.s32 s10, $0x1;
	s10 =	sld [smem:$0x3FA6];
	_ =	sdelay $0x3  }
0x34: {  	[smem:$0x3FA6] =	sst s10  }
0x35: {  	s10 =	sld [smem:$0x3FA5];
	_ =	sdelay $0x3  }
0x36: {  	p1 =	seq.s32 s10, $0x1;
	s10 =	sld [smem:$0x3FA6];
	_ =	sdelay $0x3  }
0x37: {  	[smem:$0x3FA6] =	sst s10  }
0x38: {  	s10 =	sld [smem:$0x3FA7]  }
0x39: {  	_ = 	snop;
	(pc) =	sbr.ind lr, $3  }
0x3a: {  	_ = 	snop  }
0x3b: {  	_ = 	snop  }
0x3c: {  	p2 =	seq.s32 s10, $0x1;
	s10 =	sld [smem:$0x3FA6]  }
0x3d: {  	_ =	shalt  }
0x3e: {  	_ =	shalt  }
0x3f: {  	_ =	shalt  }
0x40: {  	_ =	shalt  }
0x41: {  	_ =	shalt  }
0x42: {  	_ =	shalt  }
0x43: {  	_ =	shalt  }
0x44: {  	_ =	shalt  }
0x45: {  	_ =	shalt  }
0x46: {  	_ =	shalt  }
0x47: {  	_ =	shalt  }
0x48: {  	_ =	shalt  }
0x49: {  	_ =	shalt  }
0x4a: {  	_ =	shalt  }
0x4b: {  	_ =	shalt  }
0x4c: {  	_ =	shalt  }
0x4d: {  	_ =	shalt  }
0x4e: {  	_ =	shalt  }
0x4f: {  	_ =	shalt  }
0x50: {  	_ =	shalt  }
0x51: {  	_ =	shalt  }
0x52: {  	_ =	shalt  }
0x53: {  	_ =	shalt  }
0x54: {  	_ =	shalt  }
0x55: {  	_ =	shalt  }
0x56: {  	_ =	shalt  }
0x57: {  	_ =	shalt  }
0x58: {  	_ =	shalt  }
0x59: {  	_ =	shalt  }
0x5a: {  	_ =	shalt  }
0x5b: {  	_ =	shalt  }
0x5c: {  	_ =	shalt  }
0x5d: {  	_ =	shalt  }
0x5e: {  	_ =	shalt  }
0x5f: {  	_ =	shalt  }
0x60: {  	_ =	shalt  }
0x61: {  	_ =	shalt  }
0x62: {  	_ =	shalt  }
0x63: {  	_ =	shalt  }
0x64: {  	_ =	shalt  }
0x65: {  	_ =	shalt  }
0x66: {  	_ =	shalt  }
0x67: {  	_ =	shalt  }
0x68: {  	_ =	shalt  }
0x69: {  	_ =	shalt  }
0x6a: {  	_ =	shalt  }
0x6b: {  	_ =	shalt  }
0x6c: {  	_ =	shalt  }
0x6d: {  	_ =	shalt  }
0x6e: {  	_ =	shalt  }
0x6f: {  	_ =	shalt  }
0x70: {  	_ =	shalt  }
0x71: {  	_ =	shalt  }
0x72: {  	_ =	shalt  }
0x73: {  	_ =	shalt  }
0x74: {  	_ =	shalt  }
0x75: {  	_ =	shalt  }
0x76: {  	_ =	shalt  }
0x77: {  	_ =	shalt  }
0x78: {  	_ =	shalt  }
0x79: {  	_ =	shalt  }
0x7a: {  	_ =	shalt  }
0x7b: {  	_ =	shalt  }
0x7c: {  	_ =	shalt  }
0x7d: {  	_ =	shalt  }
0x7e: {  	_ =	shalt  }
0x7f: {  	_ =	shalt  }
0x80: {  	_ =	shalt  }
0x81: {  	_ =	shalt  }
0x82: {  	_ =	shalt  }
0x83: {  	_ =	shalt  }
0x84: {  	_ =	shalt  }
0x85: {  	_ =	shalt  }
0x86: {  	_ =	shalt  }
0x87: {  	_ =	shalt  }
.Lfunc_end0:
.L_simem_size_0:
called_computation.4_lowered:
.L_overlay_start_0:
0x88: {  	s2 =	sld [smem:$0x3FD9]  }
0x89: {  	s3 =	sld [smem:$0x3FFE];
	_ =	sdelay $0x1  }
0x8a: {  	s1 =	srdreg.scid  }
0x8b: {  	s0 =	sand.u32 $0x1, s1  }
0x8c: {  	s17 =	sshll.u32 s0, $0xA;
	s2 =	sadd.s32 s3, s2  }
0x8d: {  	s2 =	sadd.s32 s2, s17  }
0x8e: {  	[smem:$0x3FB2] =	sst s2  }
0x8f: {  	_ = 	snop  }
0x90: {  	s2 =	sld [smem:$0x3FD0];
	(tm) =	ssettm $0x1  }
0x91: {  	s18 =	sld [smem:$0x3FFB];
	_ =	sdelay $0x3  }
0x92: {  	_ =	strace s18  }
0x93: {  	s3 =	sld [smem:$0x3FFC];
	_ =	sdelay $0x3  }
0x94: {  	_ =	strace s3  }
0x95: {  	s3 =	sld [smem:$0x3FFD];
	_ =	sdelay $0x3  }
0x96: {  	_ =	strace s3  }
0x97: {  	_ =	strace $0x8FFFFFFF  }
0x98: {  	s19 =	sld [smem:$0x3FDB];
	_ =	sdelay $0x1  }
0x99: {  	s4 =	simm.s32 $_scs_section_size  }
0x9a: {  	s5 =	simm.s32 $_size__tile_overlayer_lowered;
	s6 =	simm.s32 $_tile_overlayer_lowered  }
0x9b: {  	s22 =	simm.s32 $0x1BFF;
	s21 =	sshll.u32 s6, $0x1;
	s3 =	sadd.s32 s4, s19  }
0x9c: {  	s7 =	simm.s32 $0x0;
	s20 =	sshll.u32 s5, $0x1;
	s5 =	sadd.s32 s21, s3  }
0x9d: {  	[timem:s7], [sflag:s22] =	dma.local [hbm:s5], s20  }
0x9e: {  	_ =	swait.ge [sflag:s22], s20  }
0x9f: {  	s4 =	ssub.s32 $0x0, s20;
	[sflag:s22] =	ssyncset.done $0x0  }
0xa0: {  	[sflag:s22] =	ssyncadd.s32 s4;
	_ =	sdelay $0x1  }
0xa1: {  	s23 =	simm.s32 $0x1B8B  }
0xa2: {  	_ =	swait.ge [sflag:s23], $0x1  }
0xa3: {  	[sflag:s23] =	ssyncset.done $0x0  }
0xa4: {  	s25 =	simm.s32 $0x1B8E;
	s24 =	sld [smem:$0x3FFE];
	[sflag:s23] =	ssyncadd.s32 $0xFFFFFFFF  }
0xa5: {  	s26 =	simm.s32 $execute0_lowered;
	[smem:$0x3FD2] =	sst s25  }
0xa6: {  	s5 =	sshll.u32 s26, $0x1;
	_ =	strace $0x80000052;
	[dreg:$0x1] =	wrdreg $0xFFFFFFFF  }
0xa7: {  	s28 =	simm.s32 $_size_execute0_lowered;
	s3 =	sadd.s32 s3, s5;
	[dreg:$0x0] =	wrdreg $0x0  }
0xa8: {  	s5 =	sshll.u32 s28, $0x1;
	[dreg:$0x2] =	wrdreg s3  }
0xa9: {  	[dreg:$0x3] =	wrdreg s5  }
0xaa: {  	[dreg:$0x4] =	wrdreg $0xC0  }
0xab: {  	_ =	task [dreg:s7], $0x5FFFF  }
0xac: {  	[dreg:$0x1] =	wrdreg $0xFFFFFFFF  }
0xad: {  	[dreg:$0x0] =	wrdreg $0x60  }
0xae: {  	[dreg:$0x2] =	wrdreg s2  }
0xaf: {  	[dreg:$0x3] =	wrdreg s24  }
0xb0: {  	[dreg:$0x4] =	wrdreg $0xF0000  }
0xb1: {  	[dreg:$0x5] =	wrdreg $0x9  }
0xb2: {  	_ =	task.clear_ibuf [dreg:s7], $0x6FFFF;
	_ =	strace $0x90000052  }
0xb3: {  	s29 =	simm.s32 $0x9;
	_ =	strace $0x80000054  }
0xb4: {  	_ =	swait.ge [sflag:s29], $0x1  }
0xb5: {  	[sflag:s29] =	ssyncadd.s32 $0xFFFFFFFF  }
0xb6: {  	_ =	strace $0x90000054  }
0xb7: {  	_ =	sfence  }
0xb8: {  	s30 =	sld [smem:$0x0];
	_ =	sdelay $0x2  }
0xb9: {  	s31 =	sshll.u32 s1, $0xD;
	s1 =	sshrl.u32 s1, $0x2  }
0xba: {  	s3 =	sand.u32 $0x4000, s31;
	s1 =	sadd.s32 s1, s30  }
0xbb: {  	s0 =	sor.u32 s3, s0;
	s1 =	sshll.u32 s1, $0x11  }
0xbc: {  	s0 =	sor.u32 s1, s0  }
0xbd: {  	s0 =	sadd.s32 $0x8F2B, s0  }
0xbe: {  	[sflag:s0] =	ssyncadd.remote.s32 $0x1  }
0xbf: {  	_ =	sfence.sel $0xFFFF  }
0xc0: {  	[dreg:$0x0] =	wrdreg $0xFFFFFFFF;
	(pc) =	sbr.abs _section_cstart, $3  }
0xc1: {  	[dreg:$0x1] =	wrdreg $0xFFFFFFFF  }
0xc2: {  	_ =	task.clear_ibuf [dreg:s7], $0x2FFFF;
	_ =	strace $0x9FFFFFFF  }
0xc3: {  	(tm) =	ssettm $0x7FFFFFFF  }
tec
execute0_lowered:
.L_overlay_start_1:
0x0: {  	(tag) =	ssettag $0x1  }
0x1: {  	s2 =	rddreg [dreg:$0x0]  }
0x2: {  	s0 =	rddreg [dreg:$0x1]  }
0x3: {  	s1 =	srdreg.scid;
	s3 =	rddreg [dreg:$0x2]  }
0x4: {  	s8 =	stileid.u32;
	s4 =	simm.s32 $0x0;
	s14 =	simm.s32 $0xD000  }
0x5: {  	s15 =	simm.s32 $0x9;
	s17 =	simm.s32 $0x80;
	s18 =	simm.s32 $0x5000  }
0x6: {  	s19 =	simm.s32 $0x7000;
	s21 =	simm.s32 $0x9000;
	s23 =	simm.s32 $0xB000  }
0x7: {  	s28 =	simm.s32 $0x4;
	s29 =	simm.s32 $0x5;
	s30 =	simm.s32 $0x6  }
0x8: {  	s31 =	simm.s32 $0x7;
	s22 =	simm.s32 $0x4F80;
	s1 =	sand.u32 $0x1, s1  }
0x9: {  	s6 =	smul.u32 $0xA000, s8;
	[smem:$0x7FF] =	sst s4;
	s5 =	sshll.u32 s1, $0x4  }
0xa: {  	s7 =	smul.u32 $0xA0000, s1;
	_ =	strace $0x80000053;
	s1 =	ssub.s32 $0x2, s1  }
0xb: {  	s5 =	sor.u32 s8, s5;
	s8 =	smul.u32 $0x28000, s8;
	s25 =	sshrl.u32 s1, $0x1  }
0xc: {  	s5 =	smul.u32 $0x500, s5;
	s7 =	sadd.s32 s6, s7;
	s1 =	ssub.s32 s1, s25  }
0xd: {  	s25 =	simm.s32 $0x2;
	s24 =	sshrl.u32 s7, $0x3;
	s26 =	sshrl.u32 s8, $0x2  }
0xe: {  	s13 =	smax.u32 s1, $0x1;
	s11 =	sadd.s32 s5, s0;
	s0 =	sadd.s32 s24, s0  }
0xf: {  	s5 =	sadd.s32 s6, s3;
	s9 =	sadd.s32 s26, s3;
	s24 =	simm.s32 $0x1  }
0x10: {  	s26 =	simm.s32 $0x3;
	s6 =	sadd.s32 $0x2000, s9;
	s7 =	sadd.s32 $0x4000, s9  }
0x11: {  	s8 =	sadd.s32 $0x6000, s9;
	s9 =	sadd.s32 $0x8000, s9;
	s10 =	sadd.s32 $0x17800, s11  }
0x12: {  	v0 =	vimm.f32 $0.0e+00;
	s11 =	sadd.s32 $0x21800, s11;
	s12 =	sadd.s32 $0x2B800, s0;
	s0 =	simm.s32 $0x8  }
.LBB2_1:
0x13: {  	s16 =	simm.s32 $0x100;
	s1 =	simm.s32 $0x0  }
.LBB2_2:
0x14: {  	p0 =	sne.s32 s16, $0x7F00;
	[tilespmem:s1+$0xD030] =	vst v0;
	s20 =	smov.u32 s16;
	s16 =	sadd.s32 $0x100, s16  }
.Ltmp0:
0x15: {  	[tilespmem:s1+$0xD020] =	vst v0;
	(pc) =	sbr.rel @p0 .LBB2_2-.Ltmp0, $3  }
0x16: {  	[tilespmem:s1+$0xD000] =	vst v0  }
0x17: {  	[tilespmem:s1+$0xD010] =	vst v0;
	_ =	sdelay $0x1  }
0x18: {  	s1 =	sshra.s32 s20, $0x2  }
0x19: {  	[tilespmem:s1+$0xD030] =	vst v0  }
0x1a: {  	[tilespmem:s1+$0xD020] =	vst v0  }
0x1b: {  	[tilespmem:s1+$0xD000] =	vst v0  }
0x1c: {  	[tilespmem:s1+$0xD010] =	vst v0  }
0x1d: {  	[spmem:s5] =	stream.linear.scatter [tilespmem:s14], [sflag:$0x9], $0x2000, $0x38;
	[tilespmem:$0x19000] =	vst v63  }
0x1e: {  	_ =	swait.ge [sflag:s15], $0x2000  }
0x1f: {  	[sflag:s15] =	ssyncset.done $0x0  }
0x20: {  	[sflag:s15] =	ssyncadd.s32 $0xFFFFE000  }
0x21: {  	[spmem:s6] =	stream.linear.scatter [tilespmem:s14], [sflag:$0x9], $0x2000, $0x38;
	[tilespmem:$0x19000] =	vst v63  }
0x22: {  	_ =	swait.ge [sflag:s15], $0x2000  }
0x23: {  	[sflag:s15] =	ssyncset.done $0x0  }
0x24: {  	[sflag:s15] =	ssyncadd.s32 $0xFFFFE000  }
0x25: {  	[spmem:s7] =	stream.linear.scatter [tilespmem:s14], [sflag:$0x9], $0x2000, $0x38;
	[tilespmem:$0x19000] =	vst v63  }
0x26: {  	_ =	swait.ge [sflag:s15], $0x2000  }
0x27: {  	[sflag:s15] =	ssyncset.done $0x0  }
0x28: {  	[sflag:s15] =	ssyncadd.s32 $0xFFFFE000  }
0x29: {  	[spmem:s8] =	stream.linear.scatter [tilespmem:s14], [sflag:$0x9], $0x2000, $0x38;
	[tilespmem:$0x19000] =	vst v63  }
0x2a: {  	_ =	swait.ge [sflag:s15], $0x2000  }
0x2b: {  	[sflag:s15] =	ssyncset.done $0x0  }
0x2c: {  	[sflag:s15] =	ssyncadd.s32 $0xFFFFE000  }
0x2d: {  	[spmem:s9] =	stream.linear.scatter [tilespmem:s14], [sflag:$0x9], $0x2000, $0x38;
	[tilespmem:$0x19000] =	vst v63  }
0x2e: {  	_ =	swait.ge [sflag:s15], $0x2000  }
0x2f: {  	[sflag:s15] =	ssyncset.done $0x0  }
0x30: {  	[sflag:s15] =	ssyncadd.s32 $0xFFFFE000  }
0x31: {  	s20 =	simm.s32 $0x0;
	[bflag:$0x0] =	sbarrier.arrive $0xFFFF  }
0x32: {  	[tilespmem:s20], [sflag:$0x9] =	stream.linear.gather [hbm4b:s10+s20], $0x2800, $0x38;
	[tilespmem:$0x19000] =	vst v63  }
0x33: {  	_ =	swait.ge [sflag:s15], $0x2800  }
0x34: {  	[sflag:s15] =	ssyncset.done $0x0  }
0x35: {  	s16 =	simm.s32 $0x2800;
	[sflag:s15] =	ssyncadd.s32 $0xFFFFD800  }
0x36: {  	[tilespmem:s16], [sflag:$0x9] =	stream.linear.gather [hbm4b:s11+s20], $0x2800, $0x38;
	[tilespmem:$0x19000] =	vst v63  }
0x37: {  	_ =	swait.ge [sflag:s15], $0x2800  }
0x38: {  	[sflag:s15] =	ssyncset.done $0x0  }
0x39: {  	[sflag:s15] =	ssyncadd.s32 $0xFFFFD800  }
0x3a: {  	[tilespmem:s18], [sflag:$0x1] =	stream.indirect.gather [hbm4b:s2+s17], $0x40, s20, s17, $0xb8;
	[tilespmem:$0x19000] =	vst v63  }
0x3b: {  	_ = 	snop  }
0x3c: {  	[tilespmem:s19], [sflag:$0x2] =	stream.indirect.gather [hbm4b:s2+s17], $0x40, s17, s17, $0xb8;
	[tilespmem:$0x19000] =	vst v63  }
0x3d: {  	s20 =	simm.s32 $0x100  }
0x3e: {  	[tilespmem:s21], [sflag:$0x3] =	stream.indirect.gather [hbm4b:s2+s17], $0x40, s20, s17, $0xb8;
	[tilespmem:$0x19000] =	vst v63  }
0x3f: {  	s16 =	simm.s32 $0x180  }
0x40: {  	[tilespmem:s23], [sflag:$0x4] =	stream.indirect.gather [hbm4b:s2+s17], $0x40, s16, s17, $0xb8;
	[tilespmem:$0x19000] =	vst v63  }
0x41: {  	_ =	swait.ge [sflag:s24], $0x2000  }
0x42: {  	[sflag:s24] =	ssyncset.done $0x0  }
0x43: {  	s20 =	simm.s32 $0x2800;
	[sflag:s24] =	ssyncadd.s32 $0xFFFFE000  }
0x44: {  	[spmem:s3] =	stream.indirect.scatter.add.f32 [tilespmem:s18], [sflag:$0x5], $0x40, s20, s17, $0xb8;
	[tilespmem:$0x19000] =	vst v63  }
0x45: {  	_ =	swait.ge [sflag:s25], $0x2000  }
0x46: {  	[sflag:s25] =	ssyncset.done $0x0  }
0x47: {  	s16 =	simm.s32 $0x2880;
	[sflag:s25] =	ssyncadd.s32 $0xFFFFE000  }
0x48: {  	[spmem:s3] =	stream.indirect.scatter.add.f32 [tilespmem:s19], [sflag:$0x6], $0x40, s16, s17, $0xb8;
	[tilespmem:$0x19000] =	vst v63  }
0x49: {  	_ =	swait.ge [sflag:s26], $0x2000  }
0x4a: {  	[sflag:s26] =	ssyncset.done $0x0  }
0x4b: {  	s20 =	simm.s32 $0x2900;
	[sflag:s26] =	ssyncadd.s32 $0xFFFFE000  }
0x4c: {  	[spmem:s3] =	stream.indirect.scatter.add.f32 [tilespmem:s21], [sflag:$0x7], $0x40, s20, s17, $0xb8;
	[tilespmem:$0x19000] =	vst v63  }
0x4d: {  	_ =	swait.ge [sflag:s28], $0x2000  }
0x4e: {  	[sflag:s28] =	ssyncset.done $0x0  }
0x4f: {  	s16 =	simm.s32 $0x2980;
	[sflag:s28] =	ssyncadd.s32 $0xFFFFE000  }
0x50: {  	[spmem:s3] =	stream.indirect.scatter.add.f32 [tilespmem:s23], [sflag:$0x8], $0x40, s16, s17, $0xb8;
	[tilespmem:$0x19000] =	vst v63  }
0x51: {  	_ =	swait.ge [sflag:s29], $0x2000  }
0x52: {  	[sflag:s29] =	ssyncset.done $0x0  }
0x53: {  	s20 =	simm.s32 $0x200;
	[sflag:s29] =	ssyncadd.s32 $0xFFFFE000  }
0x54: {  	[tilespmem:s18], [sflag:$0x1] =	stream.indirect.gather [hbm4b:s2+s17], $0x40, s20, s17, $0xb8;
	[tilespmem:$0x19000] =	vst v63  }
0x55: {  	_ =	swait.ge [sflag:s30], $0x2000  }
0x56: {  	[sflag:s30] =	ssyncset.done $0x0  }
0x57: {  	s16 =	simm.s32 $0x280;
	[sflag:s30] =	ssyncadd.s32 $0xFFFFE000  }
0x58: {  	[tilespmem:s19], [sflag:$0x2] =	stream.indirect.gather [hbm4b:s2+s17], $0x40, s16, s17, $0xb8;
	[tilespmem:$0x19000] =	vst v63  }
0x59: {  	_ =	swait.ge [sflag:s31], $0x2000  }
0x5a: {  	[sflag:s31] =	ssyncset.done $0x0  }
0x5b: {  	s20 =	simm.s32 $0x300;
	[sflag:s31] =	ssyncadd.s32 $0xFFFFE000  }
0x5c: {  	[tilespmem:s21], [sflag:$0x3] =	stream.indirect.gather [hbm4b:s2+s17], $0x40, s20, s17, $0xb8;
	[tilespmem:$0x19000] =	vst v63  }
0x5d: {  	_ =	swait.ge [sflag:s0], $0x2000  }
0x5e: {  	[sflag:s0] =	ssyncset.done $0x0  }
0x5f: {  	s1 =	simm.s32 $0x800;
	s16 =	simm.s32 $0x380;
	[sflag:s0] =	ssyncadd.s32 $0xFFFFE000  }
.LBB2_4:
0x60: {  	[tilespmem:s23], [sflag:$0x4] =	stream.indirect.gather [hbm4b:s2+s17], $0x40, s16, s17, $0xb8;
	[tilespmem:$0x19000] =	vst v63  }
0x61: {  	s16 =	smov.u32 s1  }
0x62: {  	p0 =	sne.s32 s1, $0x9000;
	s1 =	sadd.s32 $0x800, s1;
	_ =	swait.ge [sflag:s24], $0x2000  }
0x63: {  	s16 =	sshra.s32 s16, $0x2;
	[sflag:s24] =	ssyncset.done $0x0  }
0x64: {  	s20 =	sadd.s32 $0x2800, s16;
	[sflag:s24] =	ssyncadd.s32 $0xFFFFE000  }
0x65: {  	[spmem:s3] =	stream.indirect.scatter.add.f32 [tilespmem:s18], [sflag:$0x5], $0x40, s20, s17, $0xb8;
	[tilespmem:$0x19000] =	vst v63  }
0x66: {  	_ =	swait.ge [sflag:s25], $0x2000  }
0x67: {  	[sflag:s25] =	ssyncset.done $0x0  }
0x68: {  	s20 =	sadd.s32 $0x2880, s16;
	[sflag:s25] =	ssyncadd.s32 $0xFFFFE000  }
0x69: {  	[spmem:s3] =	stream.indirect.scatter.add.f32 [tilespmem:s19], [sflag:$0x6], $0x40, s20, s17, $0xb8;
	[tilespmem:$0x19000] =	vst v63  }
0x6a: {  	_ =	swait.ge [sflag:s26], $0x2000  }
0x6b: {  	[sflag:s26] =	ssyncset.done $0x0  }
0x6c: {  	s20 =	sadd.s32 $0x2900, s16;
	[sflag:s26] =	ssyncadd.s32 $0xFFFFE000  }
0x6d: {  	[spmem:s3] =	stream.indirect.scatter.add.f32 [tilespmem:s21], [sflag:$0x7], $0x40, s20, s17, $0xb8;
	[tilespmem:$0x19000] =	vst v63  }
0x6e: {  	_ =	swait.ge [sflag:s28], $0x2000  }
0x6f: {  	[sflag:s28] =	ssyncset.done $0x0  }
0x70: {  	s20 =	sadd.s32 $0x2980, s16;
	[sflag:s28] =	ssyncadd.s32 $0xFFFFE000  }
0x71: {  	[spmem:s3] =	stream.indirect.scatter.add.f32 [tilespmem:s23], [sflag:$0x8], $0x40, s20, s17, $0xb8;
	[tilespmem:$0x19000] =	vst v63  }
0x72: {  	_ =	swait.ge [sflag:s29], $0x2000  }
0x73: {  	[sflag:s29] =	ssyncset.done $0x0  }
0x74: {  	s20 =	sadd.s32 $0x200, s16;
	[sflag:s29] =	ssyncadd.s32 $0xFFFFE000  }
0x75: {  	[tilespmem:s18], [sflag:$0x1] =	stream.indirect.gather [hbm4b:s2+s17], $0x40, s20, s17, $0xb8;
	[tilespmem:$0x19000] =	vst v63  }
0x76: {  	_ =	swait.ge [sflag:s30], $0x2000  }
0x77: {  	[sflag:s30] =	ssyncset.done $0x0  }
0x78: {  	s20 =	sadd.s32 $0x280, s16;
	[sflag:s30] =	ssyncadd.s32 $0xFFFFE000  }
0x79: {  	[tilespmem:s19], [sflag:$0x2] =	stream.indirect.gather [hbm4b:s2+s17], $0x40, s20, s17, $0xb8;
	[tilespmem:$0x19000] =	vst v63  }
0x7a: {  	_ =	swait.ge [sflag:s31], $0x2000  }
0x7b: {  	[sflag:s31] =	ssyncset.done $0x0  }
.Ltmp1:
0x7c: {  	s20 =	sadd.s32 $0x300, s16;
	[sflag:s31] =	ssyncadd.s32 $0xFFFFE000;
	(pc) =	sbr.rel @p0 .LBB2_4-.Ltmp1, $4  }
0x7d: {  	[tilespmem:s21], [sflag:$0x3] =	stream.indirect.gather [hbm4b:s2+s17], $0x40, s20, s17, $0xb8;
	[tilespmem:$0x19000] =	vst v63  }
0x7e: {  	_ =	swait.ge [sflag:s0], $0x2000  }
0x7f: {  	[sflag:s0] =	ssyncset.done $0x0  }
0x80: {  	s16 =	sadd.s32 $0x380, s16;
	[sflag:s0] =	ssyncadd.s32 $0xFFFFE000  }
0x81: {  	[tilespmem:s23], [sflag:$0x4] =	stream.indirect.gather [hbm4b:s2+s17], $0x40, s16, s17, $0xb8;
	[tilespmem:$0x19000] =	vst v63  }
0x82: {  	_ =	swait.ge [sflag:s24], $0x2000  }
0x83: {  	[sflag:s24] =	ssyncset.done $0x0  }
0x84: {  	s1 =	simm.s32 $0x4E00;
	[sflag:s24] =	ssyncadd.s32 $0xFFFFE000  }
0x85: {  	[spmem:s3] =	stream.indirect.scatter.add.f32 [tilespmem:s18], [sflag:$0x5], $0x40, s1, s17, $0xb8;
	[tilespmem:$0x19000] =	vst v63  }
0x86: {  	_ =	swait.ge [sflag:s25], $0x2000  }
0x87: {  	[sflag:s25] =	ssyncset.done $0x0  }
0x88: {  	s16 =	simm.s32 $0x4E80;
	[sflag:s25] =	ssyncadd.s32 $0xFFFFE000  }
0x89: {  	[spmem:s3] =	stream.indirect.scatter.add.f32 [tilespmem:s19], [sflag:$0x6], $0x40, s16, s17, $0xb8;
	[tilespmem:$0x19000] =	vst v63  }
0x8a: {  	_ =	swait.ge [sflag:s26], $0x2000  }
0x8b: {  	[sflag:s26] =	ssyncset.done $0x0  }
0x8c: {  	s20 =	simm.s32 $0x4F00;
	[sflag:s26] =	ssyncadd.s32 $0xFFFFE000  }
0x8d: {  	[spmem:s3] =	stream.indirect.scatter.add.f32 [tilespmem:s21], [sflag:$0x7], $0x40, s20, s17, $0xb8;
	[tilespmem:$0x19000] =	vst v63  }
0x8e: {  	_ =	swait.ge [sflag:s28], $0x2000  }
0x8f: {  	[sflag:s28] =	ssyncset.done $0x0  }
0x90: {  	[sflag:s28] =	ssyncadd.s32 $0xFFFFE000  }
0x91: {  	[spmem:s3] =	stream.indirect.scatter.add.f32 [tilespmem:s23], [sflag:$0x8], $0x40, s22, s17, $0xb8;
	[tilespmem:$0x19000] =	vst v63  }
0x92: {  	_ =	swait.ge [sflag:s29], $0x2000  }
0x93: {  	[sflag:s29] =	ssyncset.done $0x0  }
0x94: {  	[sflag:s29] =	ssyncadd.s32 $0xFFFFE000  }
0x95: {  	_ =	swait.ge [sflag:s30], $0x2000  }
0x96: {  	[sflag:s30] =	ssyncset.done $0x0  }
0x97: {  	[sflag:s30] =	ssyncadd.s32 $0xFFFFE000  }
0x98: {  	_ =	swait.ge [sflag:s31], $0x2000  }
0x99: {  	[sflag:s31] =	ssyncset.done $0x0  }
0x9a: {  	[sflag:s31] =	ssyncadd.s32 $0xFFFFE000  }
0x9b: {  	s16 =	stileid.u32;
	_ =	swait.ge [sflag:s0], $0x2000  }
0x9c: {  	s4 =	sadd.s32 $0x1, s4;
	s1 =	sshll.u32 s16, $0x6;
	[sflag:s0] =	ssyncset.done $0x0  }
0x9d: {  	p0 =	sne.s32 s4, s13;
	s1 =	sor.u32 $0x1C09, s1;
	[sflag:s0] =	ssyncadd.s32 $0xFFFFE000  }
.Ltmp2:
0x9e: {  	s20 =	sshrl.u32 s5, $0x3;
	[bflag:$0x0] =	sbarrier.arrive $0xFFFF;
	(pc) =	sbr.rel @p0 .LBB2_1-.Ltmp2, $4  }
0x9f: {  	[hbm:s12], [sflag:s1] =	dma.local [spmem:s20], $0x1400  }
0xa0: {  	_ =	swait.ge [sflag:s15], $0x1400  }
0xa1: {  	[sflag:s15] =	ssyncset.done $0x0  }
0xa2: {  	[sflag:s15] =	ssyncadd.s32 $0xFFFFEC00  }
0xa3: {  	_ =	sfence.sel $0x180000  }
0xa4: {  	[bflag:$0x0] =	sbarrier.arrive $0xFFFF  }
0xa5: {  	_ =	strace $0x90000053  }
0xa6: {  	s0 =	stileid.u32;
	[bflag:$0x2] =	sbarrier.arrive $0xFFFF  }
0xa7: {  	p0 =	sne.s32 s0, $0x0;
	s0 =	rddreg [dreg:$0x3]  }
0xa8: {  	s0 =	sadd.s32 @!p0 $0x100000, s0  }
0xa9: {  	[sflag:s0] =	ssyncadd.tile.s32 @!p0 $0x1;
	_ =	shalt  }
.Lfunc_end2:
_tile_overlayer_lowered:
.L_overlay_start_2:
0xaa: {  	(tag) =	ssettag $0x2  }
0xab: {  	s0 =	rddreg [dreg:$0x0];
	s2 =	stileid.u32  }
0xac: {  	s1 =	rddreg [dreg:$0x1];
	p0 =	sne.s32 s2, $0x0  }
0xad: {  	s3 =	rddreg [dreg:$0x2];
	[bflag:$0x3] =	sbarrier.arrive $0xFFFF;
	s2 =	simm.s32 @!p0 $0x1C09  }
0xae: {  	[timem:s3], [sflag:s2] =	dma.local @!p0 [hbm:s0], s1  }
0xaf: {  	s0 =	simm.s32 @!p0 $0x9  }
0xb0: {  	_ =	swait.ge @!p0 [sflag:s0], s1  }
0xb1: {  	s1 =	ssub.s32 @!p0 $0x0, s1;
	[sflag:s0] =	ssyncset.done @!p0 $0x0  }
0xb2: {  	[sflag:s0] =	ssyncadd.s32 @!p0 s1  }
0xb3: {  	[bflag:$0x3] =	sbarrier.arrive $0xFFFF  }
0xb4: {  	_ =	shalt  }

// kernel: kernel.28.cloned.1.call-start
scs
__scs_entry_jumppad:
0x0: {  	(pc) =	sbr.rel $0x88, $3  }
0x1: {  	(tag) =	ssettag $0x0;
	lr =	simm.s32 $0x1  }
0x2: {  	[smem:$0x3F8B] =	sst lr;
	_ =	strace $0xD0000000  }
0x3: {  	_ = 	snop  }
0x4: {  	_ = 	snop  }
0x5: {  	_ = 	snop  }
0x6: {  	_ = 	snop  }
0x7: {  	_ = 	snop  }
__scs_overlays_trampoline_lowered:
0x8: {  	[smem:$0x3F9A] =	sst s0  }
0x9: {  	[smem:$0x3F9B] =	sst s1  }
0xa: {  	[smem:$0x3F9C] =	sst s2  }
0xb: {  	[smem:$0x3F9D] =	sst s3  }
0xc: {  	[smem:$0x3F9E] =	sst s4  }
0xd: {  	[smem:$0x3F9F] =	sst s5  }
0xe: {  	[smem:$0x3FA0] =	sst s6  }
0xf: {  	[smem:$0x3FA1] =	sst s7  }
0x10: {  	[smem:$0x3FA2] =	sst s8  }
0x11: {  	[smem:$0x3FA3] =	sst s9;
	s0 =	simm.s32 @!p0 $0x0  }
0x12: {  	s1 =	sld [smem:$0x3F89];
	s0 =	simm.s32 @p0 $0x1  }
0x13: {  	[smem:$0x3FA4] =	sst s0;
	s0 =	simm.s32 @!p1 $0x0  }
0x14: {  	s2 =	sld [smem:$0x3F88];
	s0 =	simm.s32 @p1 $0x1  }
0x15: {  	[smem:$0x3FA5] =	sst s0;
	s0 =	simm.s32 @!p2 $0x0  }
0x16: {  	s3 =	sld [smem:$0x3FDB];
	s0 =	simm.s32 @p2 $0x1  }
0x17: {  	s4 =	simm.s32 $0x1BF5;
	[smem:$0x3FA7] =	sst s0  }
0x18: {  	s0 =	sld [smem:$0x3F8A];
	_ =	swait.ge [sflag:s4], $0x0  }
0x19: {  	s7 =	sld [smem:$0x3F8B]  }
0x1a: {  	s8 =	sadd.s32 $0xFFFFE003, lr  }
0x1b: {  	s9 =	sadd.s32 $0xFFFFFEF7, lr;
	s5 =	simm.s32 $0xFFFFFFFF;
	p2 =	slt.u32 s8, $0xFFFFF086  }
0x1c: {  	p1 =	slt.u32 s9, $0xF7A;
	s5 =	simm.s32 @!p2 $0x0  }
0x1d: {  	s5 =	simm.s32 @p1 $0x1;
	p0 =	seq.s32 s7, s2  }
0x1e: {  	s7 =	smul.u32 @!p0 $0xF7A, s2;
	p2 =	seq.s32 @!p0 s5, $0x0  }
0x1f: {  	s9 =	smul.u32 $0xF7A, s1;
	s8 =	simm.s32 @!p0 $0x1BF5;
	p2 =	por !p2, p0  }
0x20: {  	[sflag:s8] =	ssyncset.s32 @!p0 $0xFFFFF086;
	s6 =	sadd.s32 @!p0 s3, s7;
	s7 =	simm.s32 @!p0 $0x108  }
0x21: {  	s3 =	sadd.s32 s3, s9;
	s6 =	sadd.s32 @!p0 $0x88, s6;
	s7 =	simm.s32 @p2 $0x1082  }
0x22: {  	[simem:s7], [sflag:s8] =	dma.local @!p0 [hbm:s6], $0xF7A  }
0x23: {  	s9 =	sor.u32 $0xD0000000, s2;
	s6 =	simm.s32 $0x108;
	_ =	swait.ge @!p0 [sflag:s8], $0x0  }
0x24: {  	s3 =	sadd.s32 $0x88, s3;
	s6 =	simm.s32 @!p1 $0x1082;
	[sflag:s4] =	ssyncset.s32 $0xFFFFF086  }
0x25: {  	[simem:s6], [sflag:s4] =	dma.local [hbm:s3], $0xF7A  }
0x26: {  	[smem:$0x3F8B] =	sst s1;
	(tag) =	ssettag s2;
	_ =	strace s9  }
0x27: {  	s1 =	sld [smem:$0x3F9B]  }
0x28: {  	s2 =	sld [smem:$0x3F9C]  }
0x29: {  	s4 =	sld [smem:$0x3F9E]  }
0x2a: {  	p0 =	seq.s32 s5, $0x0;
	s5 =	sld [smem:$0x3F9F]  }
0x2b: {  	s6 =	sld [smem:$0x3FA0]  }
0x2c: {  	s7 =	sld [smem:$0x3FA1]  }
0x2d: {  	s3 =	simm.s32 $0x108;
	s8 =	sld [smem:$0x3FA2]  }
0x2e: {  	s3 =	simm.s32 @!p0 $0x1082;
	s9 =	sld [smem:$0x3FA3]  }
0x2f: {  	lr =	sadd.s32 s0, s3;
	s0 =	sld [smem:$0x3F9A]  }
0x30: {  	s3 =	sld [smem:$0x3F9D]  }
0x31: {  	[smem:$0x3FA6] =	sst s10  }
0x32: {  	s10 =	sld [smem:$0x3FA4];
	_ =	sdelay $0x3  }
0x33: {  	p0 =	seq.s32 s10, $0x1;
	s10 =	sld [smem:$0x3FA6];
	_ =	sdelay $0x3  }
0x34: {  	[smem:$0x3FA6] =	sst s10  }
0x35: {  	s10 =	sld [smem:$0x3FA5];
	_ =	sdelay $0x3  }
0x36: {  	p1 =	seq.s32 s10, $0x1;
	s10 =	sld [smem:$0x3FA6];
	_ =	sdelay $0x3  }
0x37: {  	[smem:$0x3FA6] =	sst s10  }
0x38: {  	s10 =	sld [smem:$0x3FA7]  }
0x39: {  	_ = 	snop;
	(pc) =	sbr.ind lr, $3  }
0x3a: {  	_ = 	snop  }
0x3b: {  	_ = 	snop  }
0x3c: {  	p2 =	seq.s32 s10, $0x1;
	s10 =	sld [smem:$0x3FA6]  }
0x3d: {  	_ =	shalt  }
0x3e: {  	_ =	shalt  }
0x3f: {  	_ =	shalt  }
0x40: {  	_ =	shalt  }
0x41: {  	_ =	shalt  }
0x42: {  	_ =	shalt  }
0x43: {  	_ =	shalt  }
0x44: {  	_ =	shalt  }
0x45: {  	_ =	shalt  }
0x46: {  	_ =	shalt  }
0x47: {  	_ =	shalt  }
0x48: {  	_ =	shalt  }
0x49: {  	_ =	shalt  }
0x4a: {  	_ =	shalt  }
0x4b: {  	_ =	shalt  }
0x4c: {  	_ =	shalt  }
0x4d: {  	_ =	shalt  }
0x4e: {  	_ =	shalt  }
0x4f: {  	_ =	shalt  }
0x50: {  	_ =	shalt  }
0x51: {  	_ =	shalt  }
0x52: {  	_ =	shalt  }
0x53: {  	_ =	shalt  }
0x54: {  	_ =	shalt  }
0x55: {  	_ =	shalt  }
0x56: {  	_ =	shalt  }
0x57: {  	_ =	shalt  }
0x58: {  	_ =	shalt  }
0x59: {  	_ =	shalt  }
0x5a: {  	_ =	shalt  }
0x5b: {  	_ =	shalt  }
0x5c: {  	_ =	shalt  }
0x5d: {  	_ =	shalt  }
0x5e: {  	_ =	shalt  }
0x5f: {  	_ =	shalt  }
0x60: {  	_ =	shalt  }
0x61: {  	_ =	shalt  }
0x62: {  	_ =	shalt  }
0x63: {  	_ =	shalt  }
0x64: {  	_ =	shalt  }
0x65: {  	_ =	shalt  }
0x66: {  	_ =	shalt  }
0x67: {  	_ =	shalt  }
0x68: {  	_ =	shalt  }
0x69: {  	_ =	shalt  }
0x6a: {  	_ =	shalt  }
0x6b: {  	_ =	shalt  }
0x6c: {  	_ =	shalt  }
0x6d: {  	_ =	shalt  }
0x6e: {  	_ =	shalt  }
0x6f: {  	_ =	shalt  }
0x70: {  	_ =	shalt  }
0x71: {  	_ =	shalt  }
0x72: {  	_ =	shalt  }
0x73: {  	_ =	shalt  }
0x74: {  	_ =	shalt  }
0x75: {  	_ =	shalt  }
0x76: {  	_ =	shalt  }
0x77: {  	_ =	shalt  }
0x78: {  	_ =	shalt  }
0x79: {  	_ =	shalt  }
0x7a: {  	_ =	shalt  }
0x7b: {  	_ =	shalt  }
0x7c: {  	_ =	shalt  }
0x7d: {  	_ =	shalt  }
0x7e: {  	_ =	shalt  }
0x7f: {  	_ =	shalt  }
0x80: {  	_ =	shalt  }
0x81: {  	_ =	shalt  }
0x82: {  	_ =	shalt  }
0x83: {  	_ =	shalt  }
0x84: {  	_ =	shalt  }
0x85: {  	_ =	shalt  }
0x86: {  	_ =	shalt  }
0x87: {  	_ =	shalt  }
.Lfunc_end0:
.L_simem_size_0:
called_computation.5_lowered:
.L_overlay_start_0:
0x88: {  	s2 =	sld [smem:$0x3FD9]  }
0x89: {  	s3 =	sld [smem:$0x3FFE];
	_ =	sdelay $0x1  }
0x8a: {  	s1 =	srdreg.scid  }
0x8b: {  	s0 =	sand.u32 $0x1, s1  }
0x8c: {  	s17 =	sshll.u32 s0, $0xA;
	s2 =	sadd.s32 s3, s2  }
0x8d: {  	s2 =	sadd.s32 s2, s17  }
0x8e: {  	[smem:$0x3FB2] =	sst s2  }
0x8f: {  	_ = 	snop  }
0x90: {  	s2 =	sld [smem:$0x3FD0];
	(tm) =	ssettm $0x1  }
0x91: {  	s18 =	sld [smem:$0x3FFB];
	_ =	sdelay $0x3  }
0x92: {  	_ =	strace s18  }
0x93: {  	s3 =	sld [smem:$0x3FFC];
	_ =	sdelay $0x3  }
0x94: {  	_ =	strace s3  }
0x95: {  	s3 =	sld [smem:$0x3FFD];
	_ =	sdelay $0x3  }
0x96: {  	_ =	strace s3  }
0x97: {  	_ =	strace $0x8FFFFFFF  }
0x98: {  	s19 =	sld [smem:$0x3FDB];
	_ =	sdelay $0x1  }
0x99: {  	s4 =	simm.s32 $_scs_section_size  }
0x9a: {  	s5 =	simm.s32 $_size__tile_overlayer_lowered;
	s6 =	simm.s32 $_tile_overlayer_lowered  }
0x9b: {  	s22 =	simm.s32 $0x1BFF;
	s21 =	sshll.u32 s6, $0x1;
	s3 =	sadd.s32 s4, s19  }
0x9c: {  	s7 =	simm.s32 $0x0;
	s20 =	sshll.u32 s5, $0x1;
	s5 =	sadd.s32 s21, s3  }
0x9d: {  	[timem:s7], [sflag:s22] =	dma.local [hbm:s5], s20  }
0x9e: {  	_ =	swait.ge [sflag:s22], s20  }
0x9f: {  	s4 =	ssub.s32 $0x0, s20;
	[sflag:s22] =	ssyncset.done $0x0  }
0xa0: {  	[sflag:s22] =	ssyncadd.s32 s4;
	_ =	sdelay $0x1  }
0xa1: {  	s23 =	simm.s32 $0x1B8B  }
0xa2: {  	_ =	swait.ge [sflag:s23], $0x1  }
0xa3: {  	[sflag:s23] =	ssyncset.done $0x0  }
0xa4: {  	s25 =	simm.s32 $0x1B8E;
	s24 =	sld [smem:$0x3FFE];
	[sflag:s23] =	ssyncadd.s32 $0xFFFFFFFF  }
0xa5: {  	s26 =	simm.s32 $execute0_lowered;
	[smem:$0x3FD2] =	sst s25  }
0xa6: {  	s5 =	sshll.u32 s26, $0x1;
	_ =	strace $0x80000055;
	[dreg:$0x1] =	wrdreg $0xFFFFFFFF  }
0xa7: {  	s28 =	simm.s32 $_size_execute0_lowered;
	s3 =	sadd.s32 s3, s5;
	[dreg:$0x0] =	wrdreg $0x0  }
0xa8: {  	s5 =	sshll.u32 s28, $0x1;
	[dreg:$0x2] =	wrdreg s3  }
0xa9: {  	[dreg:$0x3] =	wrdreg s5  }
0xaa: {  	[dreg:$0x4] =	wrdreg $0xC0  }
0xab: {  	_ =	task [dreg:s7], $0x5FFFF  }
0xac: {  	[dreg:$0x1] =	wrdreg $0xFFFFFFFF  }
0xad: {  	[dreg:$0x0] =	wrdreg $0x60  }
0xae: {  	[dreg:$0x2] =	wrdreg s2  }
0xaf: {  	[dreg:$0x3] =	wrdreg s24  }
0xb0: {  	[dreg:$0x4] =	wrdreg $0xF0000  }
0xb1: {  	[dreg:$0x5] =	wrdreg $0x9  }
0xb2: {  	_ =	task.clear_ibuf [dreg:s7], $0x6FFFF;
	_ =	strace $0x90000055  }
0xb3: {  	s29 =	simm.s32 $0x9;
	_ =	strace $0x80000057  }
0xb4: {  	_ =	swait.ge [sflag:s29], $0x1  }
0xb5: {  	[sflag:s29] =	ssyncadd.s32 $0xFFFFFFFF  }
0xb6: {  	_ =	strace $0x90000057  }
0xb7: {  	_ =	sfence  }
0xb8: {  	s30 =	sld [smem:$0x0];
	_ =	sdelay $0x2  }
0xb9: {  	s31 =	sshll.u32 s1, $0xD;
	s1 =	sshrl.u32 s1, $0x2  }
0xba: {  	s3 =	sand.u32 $0x4000, s31;
	s1 =	sadd.s32 s1, s30  }
0xbb: {  	s0 =	sor.u32 s3, s0;
	s1 =	sshll.u32 s1, $0x11  }
0xbc: {  	s0 =	sor.u32 s1, s0  }
0xbd: {  	s0 =	sadd.s32 $0x8F2B, s0  }
0xbe: {  	[sflag:s0] =	ssyncadd.remote.s32 $0x1  }
0xbf: {  	_ =	sfence.sel $0xFFFF  }
0xc0: {  	[dreg:$0x0] =	wrdreg $0xFFFFFFFF;
	(pc) =	sbr.abs _section_cstart, $3  }
0xc1: {  	[dreg:$0x1] =	wrdreg $0xFFFFFFFF  }
0xc2: {  	_ =	task.clear_ibuf [dreg:s7], $0x2FFFF;
	_ =	strace $0x9FFFFFFF  }
0xc3: {  	(tm) =	ssettm $0x7FFFFFFF  }
tec
execute0_lowered:
.L_overlay_start_1:
0x0: {  	(tag) =	ssettag $0x1  }
0x1: {  	s2 =	rddreg [dreg:$0x0]  }
0x2: {  	s0 =	rddreg [dreg:$0x1]  }
0x3: {  	s1 =	srdreg.scid;
	s3 =	rddreg [dreg:$0x2]  }
0x4: {  	s8 =	stileid.u32;
	s4 =	simm.s32 $0x0;
	s14 =	simm.s32 $0xD000  }
0x5: {  	s15 =	simm.s32 $0x9;
	s17 =	simm.s32 $0x80;
	s18 =	simm.s32 $0x5000  }
0x6: {  	s19 =	simm.s32 $0x7000;
	s21 =	simm.s32 $0x9000;
	s23 =	simm.s32 $0xB000  }
0x7: {  	s28 =	simm.s32 $0x4;
	s29 =	simm.s32 $0x5;
	s30 =	simm.s32 $0x6  }
0x8: {  	s31 =	simm.s32 $0x7;
	s22 =	simm.s32 $0x4F80;
	s1 =	sand.u32 $0x1, s1  }
0x9: {  	s6 =	smul.u32 $0xA000, s8;
	[smem:$0x7FF] =	sst s4;
	s5 =	sshll.u32 s1, $0x4  }
0xa: {  	s7 =	smul.u32 $0xA0000, s1;
	_ =	strace $0x80000056;
	s1 =	ssub.s32 $0x2, s1  }
0xb: {  	s5 =	sor.u32 s8, s5;
	s8 =	smul.u32 $0x28000, s8;
	s25 =	sshrl.u32 s1, $0x1  }
0xc: {  	s5 =	smul.u32 $0x500, s5;
	s7 =	sadd.s32 s6, s7;
	s1 =	ssub.s32 s1, s25  }
0xd: {  	s25 =	simm.s32 $0x2;
	s24 =	sshrl.u32 s7, $0x3;
	s26 =	sshrl.u32 s8, $0x2  }
0xe: {  	s13 =	smax.u32 s1, $0x1;
	s11 =	sadd.s32 s5, s0;
	s0 =	sadd.s32 s24, s0  }
0xf: {  	s5 =	sadd.s32 s6, s3;
	s9 =	sadd.s32 s26, s3;
	s24 =	simm.s32 $0x1  }
0x10: {  	s26 =	simm.s32 $0x3;
	s6 =	sadd.s32 $0x2000, s9;
	s7 =	sadd.s32 $0x4000, s9  }
0x11: {  	s8 =	sadd.s32 $0x6000, s9;
	s9 =	sadd.s32 $0x8000, s9;
	s10 =	sadd.s32 $0x17800, s11  }
0x12: {  	v0 =	vimm.f32 $0.0e+00;
	s11 =	sadd.s32 $0x21800, s11;
	s12 =	sadd.s32 $0x2B800, s0;
	s0 =	simm.s32 $0x8  }
.LBB2_1:
0x13: {  	s16 =	simm.s32 $0x100;
	s1 =	simm.s32 $0x0  }
.LBB2_2:
0x14: {  	p0 =	sne.s32 s16, $0x7F00;
	[tilespmem:s1+$0xD030] =	vst v0;
	s20 =	smov.u32 s16;
	s16 =	sadd.s32 $0x100, s16  }
.Ltmp0:
0x15: {  	[tilespmem:s1+$0xD020] =	vst v0;
	(pc) =	sbr.rel @p0 .LBB2_2-.Ltmp0, $3  }
0x16: {  	[tilespmem:s1+$0xD000] =	vst v0  }
0x17: {  	[tilespmem:s1+$0xD010] =	vst v0;
	_ =	sdelay $0x1  }
0x18: {  	s1 =	sshra.s32 s20, $0x2  }
0x19: {  	[tilespmem:s1+$0xD030] =	vst v0  }
0x1a: {  	[tilespmem:s1+$0xD020] =	vst v0  }
0x1b: {  	[tilespmem:s1+$0xD000] =	vst v0  }
0x1c: {  	[tilespmem:s1+$0xD010] =	vst v0  }
0x1d: {  	[spmem:s5] =	stream.linear.scatter [tilespmem:s14], [sflag:$0x9], $0x2000, $0x38;
	[tilespmem:$0x19000] =	vst v63  }
0x1e: {  	_ =	swait.ge [sflag:s15], $0x2000  }
0x1f: {  	[sflag:s15] =	ssyncset.done $0x0  }
0x20: {  	[sflag:s15] =	ssyncadd.s32 $0xFFFFE000  }
0x21: {  	[spmem:s6] =	stream.linear.scatter [tilespmem:s14], [sflag:$0x9], $0x2000, $0x38;
	[tilespmem:$0x19000] =	vst v63  }
0x22: {  	_ =	swait.ge [sflag:s15], $0x2000  }
0x23: {  	[sflag:s15] =	ssyncset.done $0x0  }
0x24: {  	[sflag:s15] =	ssyncadd.s32 $0xFFFFE000  }
0x25: {  	[spmem:s7] =	stream.linear.scatter [tilespmem:s14], [sflag:$0x9], $0x2000, $0x38;
	[tilespmem:$0x19000] =	vst v63  }
0x26: {  	_ =	swait.ge [sflag:s15], $0x2000  }
0x27: {  	[sflag:s15] =	ssyncset.done $0x0  }
0x28: {  	[sflag:s15] =	ssyncadd.s32 $0xFFFFE000  }
0x29: {  	[spmem:s8] =	stream.linear.scatter [tilespmem:s14], [sflag:$0x9], $0x2000, $0x38;
	[tilespmem:$0x19000] =	vst v63  }
0x2a: {  	_ =	swait.ge [sflag:s15], $0x2000  }
0x2b: {  	[sflag:s15] =	ssyncset.done $0x0  }
0x2c: {  	[sflag:s15] =	ssyncadd.s32 $0xFFFFE000  }
0x2d: {  	[spmem:s9] =	stream.linear.scatter [tilespmem:s14], [sflag:$0x9], $0x2000, $0x38;
	[tilespmem:$0x19000] =	vst v63  }
0x2e: {  	_ =	swait.ge [sflag:s15], $0x2000  }
0x2f: {  	[sflag:s15] =	ssyncset.done $0x0  }
0x30: {  	[sflag:s15] =	ssyncadd.s32 $0xFFFFE000  }
0x31: {  	s20 =	simm.s32 $0x0;
	[bflag:$0x0] =	sbarrier.arrive $0xFFFF  }
0x32: {  	[tilespmem:s20], [sflag:$0x9] =	stream.linear.gather [hbm4b:s10+s20], $0x2800, $0x38;
	[tilespmem:$0x19000] =	vst v63  }
0x33: {  	_ =	swait.ge [sflag:s15], $0x2800  }
0x34: {  	[sflag:s15] =	ssyncset.done $0x0  }
0x35: {  	s16 =	simm.s32 $0x2800;
	[sflag:s15] =	ssyncadd.s32 $0xFFFFD800  }
0x36: {  	[tilespmem:s16], [sflag:$0x9] =	stream.linear.gather [hbm4b:s11+s20], $0x2800, $0x38;
	[tilespmem:$0x19000] =	vst v63  }
0x37: {  	_ =	swait.ge [sflag:s15], $0x2800  }
0x38: {  	[sflag:s15] =	ssyncset.done $0x0  }
0x39: {  	[sflag:s15] =	ssyncadd.s32 $0xFFFFD800  }
0x3a: {  	[tilespmem:s18], [sflag:$0x1] =	stream.indirect.gather [hbm4b:s2+s17], $0x40, s20, s17, $0xb8;
	[tilespmem:$0x19000] =	vst v63  }
0x3b: {  	_ = 	snop  }
0x3c: {  	[tilespmem:s19], [sflag:$0x2] =	stream.indirect.gather [hbm4b:s2+s17], $0x40, s17, s17, $0xb8;
	[tilespmem:$0x19000] =	vst v63  }
0x3d: {  	s20 =	simm.s32 $0x100  }
0x3e: {  	[tilespmem:s21], [sflag:$0x3] =	stream.indirect.gather [hbm4b:s2+s17], $0x40, s20, s17, $0xb8;
	[tilespmem:$0x19000] =	vst v63  }
0x3f: {  	s16 =	simm.s32 $0x180  }
0x40: {  	[tilespmem:s23], [sflag:$0x4] =	stream.indirect.gather [hbm4b:s2+s17], $0x40, s16, s17, $0xb8;
	[tilespmem:$0x19000] =	vst v63  }
0x41: {  	_ =	swait.ge [sflag:s24], $0x2000  }
0x42: {  	[sflag:s24] =	ssyncset.done $0x0  }
0x43: {  	s20 =	simm.s32 $0x2800;
	[sflag:s24] =	ssyncadd.s32 $0xFFFFE000  }
0x44: {  	[spmem:s3] =	stream.indirect.scatter.add.f32 [tilespmem:s18], [sflag:$0x5], $0x40, s20, s17, $0xb8;
	[tilespmem:$0x19000] =	vst v63  }
0x45: {  	_ =	swait.ge [sflag:s25], $0x2000  }
0x46: {  	[sflag:s25] =	ssyncset.done $0x0  }
0x47: {  	s16 =	simm.s32 $0x2880;
	[sflag:s25] =	ssyncadd.s32 $0xFFFFE000  }
0x48: {  	[spmem:s3] =	stream.indirect.scatter.add.f32 [tilespmem:s19], [sflag:$0x6], $0x40, s16, s17, $0xb8;
	[tilespmem:$0x19000] =	vst v63  }
0x49: {  	_ =	swait.ge [sflag:s26], $0x2000  }
0x4a: {  	[sflag:s26] =	ssyncset.done $0x0  }
0x4b: {  	s20 =	simm.s32 $0x2900;
	[sflag:s26] =	ssyncadd.s32 $0xFFFFE000  }
0x4c: {  	[spmem:s3] =	stream.indirect.scatter.add.f32 [tilespmem:s21], [sflag:$0x7], $0x40, s20, s17, $0xb8;
	[tilespmem:$0x19000] =	vst v63  }
0x4d: {  	_ =	swait.ge [sflag:s28], $0x2000  }
0x4e: {  	[sflag:s28] =	ssyncset.done $0x0  }
0x4f: {  	s16 =	simm.s32 $0x2980;
	[sflag:s28] =	ssyncadd.s32 $0xFFFFE000  }
0x50: {  	[spmem:s3] =	stream.indirect.scatter.add.f32 [tilespmem:s23], [sflag:$0x8], $0x40, s16, s17, $0xb8;
	[tilespmem:$0x19000] =	vst v63  }
0x51: {  	_ =	swait.ge [sflag:s29], $0x2000  }
0x52: {  	[sflag:s29] =	ssyncset.done $0x0  }
0x53: {  	s20 =	simm.s32 $0x200;
	[sflag:s29] =	ssyncadd.s32 $0xFFFFE000  }
0x54: {  	[tilespmem:s18], [sflag:$0x1] =	stream.indirect.gather [hbm4b:s2+s17], $0x40, s20, s17, $0xb8;
	[tilespmem:$0x19000] =	vst v63  }
0x55: {  	_ =	swait.ge [sflag:s30], $0x2000  }
0x56: {  	[sflag:s30] =	ssyncset.done $0x0  }
0x57: {  	s16 =	simm.s32 $0x280;
	[sflag:s30] =	ssyncadd.s32 $0xFFFFE000  }
0x58: {  	[tilespmem:s19], [sflag:$0x2] =	stream.indirect.gather [hbm4b:s2+s17], $0x40, s16, s17, $0xb8;
	[tilespmem:$0x19000] =	vst v63  }
0x59: {  	_ =	swait.ge [sflag:s31], $0x2000  }
0x5a: {  	[sflag:s31] =	ssyncset.done $0x0  }
0x5b: {  	s20 =	simm.s32 $0x300;
	[sflag:s31] =	ssyncadd.s32 $0xFFFFE000  }
0x5c: {  	[tilespmem:s21], [sflag:$0x3] =	stream.indirect.gather [hbm4b:s2+s17], $0x40, s20, s17, $0xb8;
	[tilespmem:$0x19000] =	vst v63  }
0x5d: {  	_ =	swait.ge [sflag:s0], $0x2000  }
0x5e: {  	[sflag:s0] =	ssyncset.done $0x0  }
0x5f: {  	s1 =	simm.s32 $0x800;
	s16 =	simm.s32 $0x380;
	[sflag:s0] =	ssyncadd.s32 $0xFFFFE000  }
.LBB2_4:
0x60: {  	[tilespmem:s23], [sflag:$0x4] =	stream.indirect.gather [hbm4b:s2+s17], $0x40, s16, s17, $0xb8;
	[tilespmem:$0x19000] =	vst v63  }
0x61: {  	s16 =	smov.u32 s1  }
0x62: {  	p0 =	sne.s32 s1, $0x9000;
	s1 =	sadd.s32 $0x800, s1;
	_ =	swait.ge [sflag:s24], $0x2000  }
0x63: {  	s16 =	sshra.s32 s16, $0x2;
	[sflag:s24] =	ssyncset.done $0x0  }
0x64: {  	s20 =	sadd.s32 $0x2800, s16;
	[sflag:s24] =	ssyncadd.s32 $0xFFFFE000  }
0x65: {  	[spmem:s3] =	stream.indirect.scatter.add.f32 [tilespmem:s18], [sflag:$0x5], $0x40, s20, s17, $0xb8;
	[tilespmem:$0x19000] =	vst v63  }
0x66: {  	_ =	swait.ge [sflag:s25], $0x2000  }
0x67: {  	[sflag:s25] =	ssyncset.done $0x0  }
0x68: {  	s20 =	sadd.s32 $0x2880, s16;
	[sflag:s25] =	ssyncadd.s32 $0xFFFFE000  }
0x69: {  	[spmem:s3] =	stream.indirect.scatter.add.f32 [tilespmem:s19], [sflag:$0x6], $0x40, s20, s17, $0xb8;
	[tilespmem:$0x19000] =	vst v63  }
0x6a: {  	_ =	swait.ge [sflag:s26], $0x2000  }
0x6b: {  	[sflag:s26] =	ssyncset.done $0x0  }
0x6c: {  	s20 =	sadd.s32 $0x2900, s16;
	[sflag:s26] =	ssyncadd.s32 $0xFFFFE000  }
0x6d: {  	[spmem:s3] =	stream.indirect.scatter.add.f32 [tilespmem:s21], [sflag:$0x7], $0x40, s20, s17, $0xb8;
	[tilespmem:$0x19000] =	vst v63  }
0x6e: {  	_ =	swait.ge [sflag:s28], $0x2000  }
0x6f: {  	[sflag:s28] =	ssyncset.done $0x0  }
0x70: {  	s20 =	sadd.s32 $0x2980, s16;
	[sflag:s28] =	ssyncadd.s32 $0xFFFFE000  }
0x71: {  	[spmem:s3] =	stream.indirect.scatter.add.f32 [tilespmem:s23], [sflag:$0x8], $0x40, s20, s17, $0xb8;
	[tilespmem:$0x19000] =	vst v63  }
0x72: {  	_ =	swait.ge [sflag:s29], $0x2000  }
0x73: {  	[sflag:s29] =	ssyncset.done $0x0  }
0x74: {  	s20 =	sadd.s32 $0x200, s16;
	[sflag:s29] =	ssyncadd.s32 $0xFFFFE000  }
0x75: {  	[tilespmem:s18], [sflag:$0x1] =	stream.indirect.gather [hbm4b:s2+s17], $0x40, s20, s17, $0xb8;
	[tilespmem:$0x19000] =	vst v63  }
0x76: {  	_ =	swait.ge [sflag:s30], $0x2000  }
0x77: {  	[sflag:s30] =	ssyncset.done $0x0  }
0x78: {  	s20 =	sadd.s32 $0x280, s16;
	[sflag:s30] =	ssyncadd.s32 $0xFFFFE000  }
0x79: {  	[tilespmem:s19], [sflag:$0x2] =	stream.indirect.gather [hbm4b:s2+s17], $0x40, s20, s17, $0xb8;
	[tilespmem:$0x19000] =	vst v63  }
0x7a: {  	_ =	swait.ge [sflag:s31], $0x2000  }
0x7b: {  	[sflag:s31] =	ssyncset.done $0x0  }
.Ltmp1:
0x7c: {  	s20 =	sadd.s32 $0x300, s16;
	[sflag:s31] =	ssyncadd.s32 $0xFFFFE000;
	(pc) =	sbr.rel @p0 .LBB2_4-.Ltmp1, $4  }
0x7d: {  	[tilespmem:s21], [sflag:$0x3] =	stream.indirect.gather [hbm4b:s2+s17], $0x40, s20, s17, $0xb8;
	[tilespmem:$0x19000] =	vst v63  }
0x7e: {  	_ =	swait.ge [sflag:s0], $0x2000  }
0x7f: {  	[sflag:s0] =	ssyncset.done $0x0  }
0x80: {  	s16 =	sadd.s32 $0x380, s16;
	[sflag:s0] =	ssyncadd.s32 $0xFFFFE000  }
0x81: {  	[tilespmem:s23], [sflag:$0x4] =	stream.indirect.gather [hbm4b:s2+s17], $0x40, s16, s17, $0xb8;
	[tilespmem:$0x19000] =	vst v63  }
0x82: {  	_ =	swait.ge [sflag:s24], $0x2000  }
0x83: {  	[sflag:s24] =	ssyncset.done $0x0  }
0x84: {  	s1 =	simm.s32 $0x4E00;
	[sflag:s24] =	ssyncadd.s32 $0xFFFFE000  }
0x85: {  	[spmem:s3] =	stream.indirect.scatter.add.f32 [tilespmem:s18], [sflag:$0x5], $0x40, s1, s17, $0xb8;
	[tilespmem:$0x19000] =	vst v63  }
0x86: {  	_ =	swait.ge [sflag:s25], $0x2000  }
0x87: {  	[sflag:s25] =	ssyncset.done $0x0  }
0x88: {  	s16 =	simm.s32 $0x4E80;
	[sflag:s25] =	ssyncadd.s32 $0xFFFFE000  }
0x89: {  	[spmem:s3] =	stream.indirect.scatter.add.f32 [tilespmem:s19], [sflag:$0x6], $0x40, s16, s17, $0xb8;
	[tilespmem:$0x19000] =	vst v63  }
0x8a: {  	_ =	swait.ge [sflag:s26], $0x2000  }
0x8b: {  	[sflag:s26] =	ssyncset.done $0x0  }
0x8c: {  	s20 =	simm.s32 $0x4F00;
	[sflag:s26] =	ssyncadd.s32 $0xFFFFE000  }
0x8d: {  	[spmem:s3] =	stream.indirect.scatter.add.f32 [tilespmem:s21], [sflag:$0x7], $0x40, s20, s17, $0xb8;
	[tilespmem:$0x19000] =	vst v63  }
0x8e: {  	_ =	swait.ge [sflag:s28], $0x2000  }
0x8f: {  	[sflag:s28] =	ssyncset.done $0x0  }
0x90: {  	[sflag:s28] =	ssyncadd.s32 $0xFFFFE000  }
0x91: {  	[spmem:s3] =	stream.indirect.scatter.add.f32 [tilespmem:s23], [sflag:$0x8], $0x40, s22, s17, $0xb8;
	[tilespmem:$0x19000] =	vst v63  }
0x92: {  	_ =	swait.ge [sflag:s29], $0x2000  }
0x93: {  	[sflag:s29] =	ssyncset.done $0x0  }
0x94: {  	[sflag:s29] =	ssyncadd.s32 $0xFFFFE000  }
0x95: {  	_ =	swait.ge [sflag:s30], $0x2000  }
0x96: {  	[sflag:s30] =	ssyncset.done $0x0  }
0x97: {  	[sflag:s30] =	ssyncadd.s32 $0xFFFFE000  }
0x98: {  	_ =	swait.ge [sflag:s31], $0x2000  }
0x99: {  	[sflag:s31] =	ssyncset.done $0x0  }
0x9a: {  	[sflag:s31] =	ssyncadd.s32 $0xFFFFE000  }
0x9b: {  	s16 =	stileid.u32;
	_ =	swait.ge [sflag:s0], $0x2000  }
0x9c: {  	s4 =	sadd.s32 $0x1, s4;
	s1 =	sshll.u32 s16, $0x6;
	[sflag:s0] =	ssyncset.done $0x0  }
0x9d: {  	p0 =	sne.s32 s4, s13;
	s1 =	sor.u32 $0x1C09, s1;
	[sflag:s0] =	ssyncadd.s32 $0xFFFFE000  }
.Ltmp2:
0x9e: {  	s20 =	sshrl.u32 s5, $0x3;
	[bflag:$0x0] =	sbarrier.arrive $0xFFFF;
	(pc) =	sbr.rel @p0 .LBB2_1-.Ltmp2, $4  }
0x9f: {  	[hbm:s12], [sflag:s1] =	dma.local [spmem:s20], $0x1400  }
0xa0: {  	_ =	swait.ge [sflag:s15], $0x1400  }
0xa1: {  	[sflag:s15] =	ssyncset.done $0x0  }
0xa2: {  	[sflag:s15] =	ssyncadd.s32 $0xFFFFEC00  }
0xa3: {  	_ =	sfence.sel $0x180000  }
0xa4: {  	[bflag:$0x0] =	sbarrier.arrive $0xFFFF  }
0xa5: {  	_ =	strace $0x90000056  }
0xa6: {  	s0 =	stileid.u32;
	[bflag:$0x2] =	sbarrier.arrive $0xFFFF  }
0xa7: {  	p0 =	sne.s32 s0, $0x0;
	s0 =	rddreg [dreg:$0x3]  }
0xa8: {  	s0 =	sadd.s32 @!p0 $0x100000, s0  }
0xa9: {  	[sflag:s0] =	ssyncadd.tile.s32 @!p0 $0x1;
	_ =	shalt  }
.Lfunc_end2:
_tile_overlayer_lowered:
.L_overlay_start_2:
0xaa: {  	(tag) =	ssettag $0x2  }
0xab: {  	s0 =	rddreg [dreg:$0x0];
	s2 =	stileid.u32  }
0xac: {  	s1 =	rddreg [dreg:$0x1];
	p0 =	sne.s32 s2, $0x0  }
0xad: {  	s3 =	rddreg [dreg:$0x2];
	[bflag:$0x3] =	sbarrier.arrive $0xFFFF;
	s2 =	simm.s32 @!p0 $0x1C09  }
0xae: {  	[timem:s3], [sflag:s2] =	dma.local @!p0 [hbm:s0], s1  }
0xaf: {  	s0 =	simm.s32 @!p0 $0x9  }
0xb0: {  	_ =	swait.ge @!p0 [sflag:s0], s1  }
0xb1: {  	s1 =	ssub.s32 @!p0 $0x0, s1;
	[sflag:s0] =	ssyncset.done @!p0 $0x0  }
0xb2: {  	[sflag:s0] =	ssyncadd.s32 @!p0 s1  }
0xb3: {  	[bflag:$0x3] =	sbarrier.arrive $0xFFFF  }
0xb4: {  	_ =	shalt  }

</sc_bundles>
